<compile_context>
chip_gen: v7x
topology: tpu7x:2x2x1
jax: 0.10.2.dev20260603
libtpu: 0.0.44.dev20260713+nightly
codegen_flags: <defaults>
</compile_context>

<pallas_src>
import functools

import jax
import jax.numpy as jnp
from jax import lax
from jax.experimental import pallas as pl
from jax.experimental.pallas import tpu as pltpu
from jax.experimental.pallas import tpu_sc as plsc

VOCAB = 100000
BATCH = 16384
NEG = 20
DIM = 64
EPS = 1e-5
TEMP = 0.2
CTS_LAMDA = 0.5
UU_M = 2048

NC = 2
NS = 16
NW = NC * NS
CHUNK = 512
HEAD_W = UU_M // NW


def _sc_gather(su_t, si_t, tu_t, ti_t, uid, spos, sneg_flat, tpos, tneg_flat):
  bw = BATCH // NW
  mesh = plsc.VectorSubcoreMesh(core_axis_name="c", subcore_axis_name="s")

  @functools.partial(
      pl.kernel, mesh=mesh,
      compiler_params=pltpu.CompilerParams(use_tc_tiling_on_sc=False),
      out_type=[jax.ShapeDtypeStruct((BATCH, DIM), jnp.float32)] * 4
      + [jax.ShapeDtypeStruct((BATCH * NEG, DIM), jnp.float32)] * 2
      + [jax.ShapeDtypeStruct((UU_M, DIM), jnp.float32)] * 2,
      scratch_types=[
          pltpu.VMEM((44 * CHUNK,), jnp.int32),
          pltpu.VMEM((CHUNK, DIM), jnp.float32),
          pltpu.VMEM((CHUNK, DIM), jnp.float32),
          pltpu.VMEM((CHUNK, DIM), jnp.float32),
          pltpu.VMEM((HEAD_W, DIM), jnp.float32),
          pltpu.SemaphoreType.DMA,
          pltpu.SemaphoreType.DMA,
          pltpu.SemaphoreType.DMA,
          pltpu.SemaphoreType.DMA,
          pltpu.SemaphoreType.DMA,
      ],
  )
  def k(su_tr, si_tr, tu_tr, ti_tr, uid_r, spos_r, sneg_r, tpos_r, tneg_r,
        su_o, tu_o, spi_o, tpi_o, sni_o, tni_o, suh_o, tuh_o,
        idx_all, buf_a, buf_b, buf_c, rowsh_v, sem_i, sem_g, sem_w0, sem_w1,
        sem_w2):
    wid = lax.axis_index("s") * NC + lax.axis_index("c")
    base = wid * bw
    idx_srcs = [(uid_r, base, 0), (spos_r, base, CHUNK),
                (tpos_r, base, 2 * CHUNK)]
    idx_srcs += [(sneg_r, j * BATCH + base, (3 + j) * CHUNK)
                 for j in range(NEG)]
    idx_srcs += [(tneg_r, j * BATCH + base, (23 + j) * CHUNK)
                 for j in range(NEG)]
    pend = [pltpu.async_copy(src.at[pl.ds(soff, CHUNK)],
                             idx_all.at[pl.ds(doff, CHUNK)], sem_i)
            for src, soff, doff in idx_srcs]
    for c in pend:
      c.wait()
    hbase = wid * HEAD_W
    hslot = 43 * CHUNK
    pltpu.sync_copy(uid_r.at[pl.ds(hbase, HEAD_W)],
                    idx_all.at[pl.ds(hslot, HEAD_W)])
    for tab, out in ((su_tr, suh_o), (tu_tr, tuh_o)):
      pltpu.async_copy(tab.at[idx_all.at[pl.ds(hslot, HEAD_W)]], rowsh_v,
                       sem_g).wait()
      pltpu.sync_copy(rowsh_v, out.at[pl.ds(hbase, HEAD_W)])
    tasks = [(0, su_tr, su_o, base), (0, tu_tr, tu_o, base),
             (CHUNK, si_tr, spi_o, base), (2 * CHUNK, ti_tr, tpi_o, base)]
    tasks += [((3 + j) * CHUNK, si_tr, sni_o, j * BATCH + base)
              for j in range(NEG)]
    tasks += [((23 + j) * CHUNK, ti_tr, tni_o, j * BATCH + base)
              for j in range(NEG)]
    bufs = (buf_a, buf_b, buf_c)
    wsems = (sem_w0, sem_w1, sem_w2)
    whandles = [None, None, None]
    for t, (ioff, tab, out, ooff) in enumerate(tasks):
      b = t % 3
      if whandles[b] is not None:
        whandles[b].wait()
      pltpu.async_copy(tab.at[idx_all.at[pl.ds(ioff, CHUNK)]], bufs[b],
                       sem_g).wait()
      whandles[b] = pltpu.async_copy(bufs[b], out.at[pl.ds(ooff, CHUNK)],
                                     wsems[b])
    whandles[0].wait()
    whandles[1].wait()
    whandles[2].wait()

  return k(su_t, si_t, tu_t, ti_t, uid, spos, sneg_flat, tpos, tneg_flat)


def _proj(x):
  s = jnp.sum(x * x, axis=-1, keepdims=True)
  n = jnp.sqrt(jnp.maximum(s, EPS))
  return x / (1.0 + n) * 0.9


def _acosh(a):
  return jnp.log(a + jnp.sqrt(a * a - 1.0))


def _sigm_neg(z):
  e = jnp.exp(z)
  return e / (1.0 + e)


def _pdist_sq_terms(sq, nx, ny):
  arg = 1.0 + 2.0 * sq / jnp.maximum((1.0 - nx) * (1.0 - ny), EPS)
  return _acosh(jnp.maximum(arg, 1.0 + EPS))


def _alpha(nsq):
  return 0.9 / (1.0 + jnp.sqrt(jnp.maximum(nsq, EPS)))


R_PK = 256


def _fused_body(su_r, tu_r, spi_r, tpi_r, sni_r, tni_r, ssel_r, suh_r,
                tuh_r, w_r, b_r, out_r, outu_r):
  i = pl.program_id(0)
  lane = lax.broadcasted_iota(jnp.int32, (2, 2 * DIM), 1)
  halfr = lax.broadcasted_iota(jnp.int32, (2, 2 * DIM), 0)
  mskt = jnp.where((lane < DIM) == (halfr == 0), 1.0, 0.0)

  def red2(x):
    return lax.dot_general(mskt, x, (((1,), (1,)), ((), ())),
                           preferred_element_type=jnp.float32)

  def tile20(x):
    return jnp.concatenate([x] * NEG, axis=1)

  def one_side(u2, p2, n3):
    n3f = n3.reshape(NEG * R_PK, 2 * DIM)
    unf = (u2[None, :, :] * n3).reshape(NEG * R_PK, 2 * DIM)
    nu_t = red2(u2 * u2)
    np_t = red2(p2 * p2)
    dup_t = red2(u2 * p2)
    nn_t = red2(n3f * n3f)
    dun_t = red2(unf)
    au = _alpha(nu_t)
    ap = _alpha(np_t)
    an = _alpha(nn_t)
    nx = au * au * nu_t
    nyp = ap * ap * np_t
    sqp = jnp.maximum(nx + nyp - 2.0 * au * ap * dup_t, 0.0)
    d_pos = _pdist_sq_terms(sqp, nx, nyp)
    nxt = tile20(nx)
    aut = tile20(au)
    nyn = an * an * nn_t
    sqn = jnp.maximum(nxt + nyn - 2.0 * aut * an * dun_t, 0.0)
    d_neg = _pdist_sq_terms(sqn, nxt, nyn)
    lp = 2.0 * _sigm_neg(-d_pos) / TEMP
    ln = 2.0 * _sigm_neg(-d_neg) / TEMP
    jsum = lax.dot_general(jnp.exp(ln), ssel_r[...], (((1,), (0,)), ((), ())),
                           preferred_element_type=jnp.float32)
    lse = jnp.log(jnp.exp(lp) + jsum)
    return jnp.sum(lse - lp)

  part = (one_side(su_r[...], spi_r[...], sni_r[...])
          + one_side(tu_r[...], tpi_r[...], tni_r[...]))

  @pl.when(i == 0)
  def _():
    out_r[...] = jnp.zeros((1, 1), jnp.float32)
    outu_r[...] = jnp.zeros((1, 1), jnp.float32)

  out_r[...] += jnp.reshape(part, (1, 1))

  @pl.when(i < UU_M // R_UU)
  def _():
    outu_r[...] += jnp.reshape(_uu_part(i, suh_r, tuh_r, w_r, b_r), (1, 1))


def _losses(su, tu, spi, tpi, sni, tni, ssel, su_head, tu_head, W_s2t, b2):
  grid = (BATCH // 2) // R_PK
  r2 = pl.BlockSpec((R_PK, 2 * DIM), lambda i: (i, 0))
  r3 = pl.BlockSpec((NEG, R_PK, 2 * DIM), lambda i: (0, i, 0))
  acc_pair, acc_uu = pl.pallas_call(
      _fused_body,
      grid=(grid,),
      in_specs=[r2, r2, r2, r2, r3, r3,
                pl.BlockSpec((NEG * R_PK, R_PK), lambda i: (0, 0)),
                pl.BlockSpec((R_UU, DIM), lambda i: (i % (UU_M // R_UU), 0)),
                pl.BlockSpec((UU_M, DIM), lambda i: (0, 0)),
                pl.BlockSpec((DIM, DIM), lambda i: (0, 0)),
                pl.BlockSpec((1, DIM), lambda i: (0, 0))],
      out_specs=[pl.BlockSpec((1, 1), lambda i: (0, 0)),
                 pl.BlockSpec((1, 1), lambda i: (0, 0))],
      out_shape=[jax.ShapeDtypeStruct((1, 1), jnp.float32),
                 jax.ShapeDtypeStruct((1, 1), jnp.float32)],
  )(su, tu, spi, tpi, sni, tni, ssel, su_head, tu_head, W_s2t, b2)
  return acc_pair[0, 0] / BATCH, acc_uu[0, 0] / UU_M


R_UU = 256


def _uu_part(i, su_r, tu_r, w_r, b_r):
  pu = _proj(su_r[...])
  h = jnp.tanh(
      lax.dot_general(pu, w_r[...], (((1,), (0,)), ((), ())),
                      preferred_element_type=jnp.float32) + b_r[...])
  zs = _proj(h)
  zt = _proj(tu_r[...])
  ni = jnp.sum(zs * zs, -1)
  nj = jnp.sum(zt * zt, -1)
  cross = lax.dot_general(zs, zt, (((1,), (1,)), ((), ())),
                          preferred_element_type=jnp.float32)
  sq = jnp.maximum(ni[:, None] + nj[None, :] - 2.0 * cross, 0.0)
  d = _pdist_sq_terms(sq, ni[:, None], nj[None, :])
  logits = 2.0 * _sigm_neg(-(d * d) / TEMP)
  lse = jnp.log(jnp.sum(jnp.exp(logits), -1))
  col = lax.broadcasted_iota(jnp.int32, (R_UU, UU_M), 1)
  row = lax.broadcasted_iota(jnp.int32, (R_UU, UU_M), 0)
  diag = jnp.sum(jnp.where(col == i * R_UU + row, logits, 0.0), -1)
  return jnp.sum(lse - diag)


def kernel(source_u_table, source_i_table, target_u_table, target_i_table,
           W_s2t, b_s2t, user_ids, source_pos_i, source_neg_i, target_pos_i,
           target_neg_i):
  su, tu, spi, tpi, sni_flat, tni_flat, su_head, tu_head = _sc_gather(
      source_u_table, source_i_table, target_u_table, target_i_table,
      user_ids, source_pos_i, source_neg_i.T.reshape(-1), target_pos_i,
      target_neg_i.T.reshape(-1))
  pk = lambda x: x.reshape(x.shape[0] // 2, 2 * DIM)
  sni = sni_flat.reshape(NEG, BATCH // 2, 2 * DIM)
  tni = tni_flat.reshape(NEG, BATCH // 2, 2 * DIM)
  kk = jnp.arange(NEG * R_PK, dtype=jnp.int32) % R_PK
  ssel = (kk[:, None] == jnp.arange(R_PK, dtype=jnp.int32)[None, :]).astype(
      jnp.float32)
  loss_st, loss_uu = _losses(pk(su), pk(tu), pk(spi), pk(tpi), sni, tni,
                             ssel, su_head, tu_head, W_s2t,
                             b_s2t.reshape(1, DIM))
  return loss_st + CTS_LAMDA * loss_uu

# --- scband reference (transcript-rebuilt; emitter-appended) ---
"""Pipeline reference for scband-hyperbolic-graph-hyperbolic-contrastive-24962349924480 (READ-ONLY COPY).

The authoritative reference and input builder live on the scoring server;
editing this copy changes nothing except your own understanding.
"""

import jax, jax.numpy as jnp
import numpy as np

VOCAB = 100000
BATCH = 16384
NEG = 20
DIM = 64
EPS = 1e-5
C_S = 1.0
C_T = 1.0
TEMP = 0.2
CTS_LAMDA = 0.5
UU_M = 2048

def _proj(x):
    norm = jnp.sqrt(jnp.clip(jnp.sum(x * x, axis=-1, keepdims=True), EPS))
    return x / (1.0 + norm) * 0.9

def _poincare_dist(x, y, c):
    sq = jnp.sum((x - y) ** 2, axis=-1)
    dx = 1.0 - c * jnp.sum(x * x, axis=-1)
    dy = 1.0 - c * jnp.sum(y * y, axis=-1)
    arg = 1.0 + 2.0 * c * sq / jnp.clip(dx * dy, EPS)
    return jnp.arccosh(jnp.clip(arg, 1.0 + EPS)) / jnp.sqrt(c)

def _matrix_sqdist(zi, zj, c):
    ni = jnp.sum(zi * zi, axis=1)
    nj = jnp.sum(zj * zj, axis=1)
    sq = jnp.clip(ni[:, None] + nj[None, :] - 2.0 * zi @ zj.T, 0.0)
    dx = 1.0 - c * ni
    dy = 1.0 - c * nj
    arg = 1.0 + 2.0 * c * sq / jnp.clip(dx[:, None] * dy[None, :], EPS)
    d = jnp.arccosh(jnp.clip(arg, 1.0 + EPS)) / jnp.sqrt(c)
    return d * d

def _ce(logits, labels):
    logp = jax.nn.log_softmax(logits, axis=-1)
    return -jnp.mean(jnp.take_along_axis(logp, labels[:, None], axis=1))

def setup_inputs(seed: int = 0):
    key = jax.random.key(seed)
    ks = jax.random.split(key, 11)
    return {
        'source_u_table': jax.random.normal(ks[0], (VOCAB, DIM), dtype=jnp.float32) * 0.1,
        'source_i_table': jax.random.normal(ks[1], (VOCAB, DIM), dtype=jnp.float32) * 0.1,
        'target_u_table': jax.random.normal(ks[2], (VOCAB, DIM), dtype=jnp.float32) * 0.1,
        'target_i_table': jax.random.normal(ks[3], (VOCAB, DIM), dtype=jnp.float32) * 0.1,
        'W_s2t': jax.random.normal(ks[4], (DIM, DIM), dtype=jnp.float32) * 0.05,
        'b_s2t': jnp.zeros((DIM,), dtype=jnp.float32),
        'user_ids': jax.random.randint(ks[5], (BATCH,), 0, VOCAB, dtype=jnp.int32),
        'source_pos_i': jax.random.randint(ks[6], (BATCH,), 0, VOCAB, dtype=jnp.int32),
        'source_neg_i': jax.random.randint(ks[7], (BATCH, NEG), 0, VOCAB, dtype=jnp.int32),
        'target_pos_i': jax.random.randint(ks[8], (BATCH,), 0, VOCAB, dtype=jnp.int32),
        'target_neg_i': jax.random.randint(ks[9], (BATCH, NEG), 0, VOCAB, dtype=jnp.int32),
    }

def reference(source_u_table, source_i_table, target_u_table, target_i_table, W_s2t, b_s2t, user_ids, source_pos_i, source_neg_i, target_pos_i, target_neg_i):
    su = _proj(jnp.take(source_u_table, user_ids, axis=0))
    tu = _proj(jnp.take(target_u_table, user_ids, axis=0))
    spi = _proj(jnp.take(source_i_table, source_pos_i, axis=0))
    sni = _proj(jnp.take(source_i_table, source_neg_i.reshape(-1), axis=0).reshape(BATCH, NEG, DIM))
    tpi = _proj(jnp.take(target_i_table, target_pos_i, axis=0))
    tni = _proj(jnp.take(target_i_table, target_neg_i.reshape(-1), axis=0).reshape(BATCH, NEG, DIM))
    pos_s = 2.0 * jax.nn.sigmoid(-_poincare_dist(su, spi, C_S)) / TEMP
    neg_s = 2.0 * jax.nn.sigmoid(-_poincare_dist(su[:, None, :], sni, C_S)) / TEMP
    logits_s = jnp.concatenate([pos_s[:, None], neg_s], axis=1)
    pos_t = 2.0 * jax.nn.sigmoid(-_poincare_dist(tu, tpi, C_T)) / TEMP
    neg_t = 2.0 * jax.nn.sigmoid(-_poincare_dist(tu[:, None, :], tni, C_T)) / TEMP
    logits_t = jnp.concatenate([pos_t[:, None], neg_t], axis=1)
    zeros = jnp.zeros((BATCH,), dtype=jnp.int32)
    loss_s = _ce(logits_s, zeros)
    loss_t = _ce(logits_t, zeros)
    zs = _proj(jnp.tanh(su[:UU_M] @ W_s2t + b_s2t))
    zt = tu[:UU_M]
    uu_logits = 2.0 * jax.nn.sigmoid(-_matrix_sqdist(zs, zt, C_T) / TEMP)
    loss_uu = _ce(uu_logits, jnp.arange(UU_M, dtype=jnp.int32))
    return loss_s + loss_t + CTS_LAMDA * loss_uu

if __name__ == "__main__":
    import jax
    _d = setup_inputs()
    print(jax.jit(kernel)(*tuple(_d.values())))

</pallas_src>

<mosaic_0001>
#map = affine_map<(d0, d1) -> (0, 0)>
#map1 = affine_map<(d0, d1) -> (0)>
module attributes {stable_mosaic.version = 14 : i64} {
  func.func @k(%arg0: i32, %arg1: i32, %arg2: memref<100000x64xf32, #tpu.memory_space<hbm>>, %arg3: memref<100000x64xf32, #tpu.memory_space<hbm>>, %arg4: memref<100000x64xf32, #tpu.memory_space<hbm>>, %arg5: memref<100000x64xf32, #tpu.memory_space<hbm>>, %arg6: memref<16384xi32, #tpu.memory_space<hbm>>, %arg7: memref<16384xi32, #tpu.memory_space<hbm>>, %arg8: memref<327680xi32, #tpu.memory_space<hbm>>, %arg9: memref<16384xi32, #tpu.memory_space<hbm>>, %arg10: memref<327680xi32, #tpu.memory_space<hbm>>, %arg11: memref<16384x64xf32, #tpu.memory_space<hbm>>, %arg12: memref<16384x64xf32, #tpu.memory_space<hbm>>, %arg13: memref<16384x64xf32, #tpu.memory_space<hbm>>, %arg14: memref<16384x64xf32, #tpu.memory_space<hbm>>, %arg15: memref<327680x64xf32, #tpu.memory_space<hbm>>, %arg16: memref<327680x64xf32, #tpu.memory_space<hbm>>, %arg17: memref<2048x64xf32, #tpu.memory_space<hbm>>, %arg18: memref<2048x64xf32, #tpu.memory_space<hbm>>, %arg19: memref<22528xi32, #tpu.memory_space<vmem>>, %arg20: memref<512x64xf32, #tpu.memory_space<vmem>>, %arg21: memref<512x64xf32, #tpu.memory_space<vmem>>, %arg22: memref<512x64xf32, #tpu.memory_space<vmem>>, %arg23: memref<64x64xf32, #tpu.memory_space<vmem>>, %arg24: memref<!tpu.dma_semaphore, #tpu.memory_space<semaphore_mem>>, %arg25: memref<!tpu.dma_semaphore, #tpu.memory_space<semaphore_mem>>, %arg26: memref<!tpu.dma_semaphore, #tpu.memory_space<semaphore_mem>>, %arg27: memref<!tpu.dma_semaphore, #tpu.memory_space<semaphore_mem>>, %arg28: memref<!tpu.dma_semaphore, #tpu.memory_space<semaphore_mem>>) attributes {dimension_semantics = [#tpu.dimension_semantics<core_parallel>, #tpu.dimension_semantics<subcore_parallel>], iteration_bounds = array<i64: 2, 16>, scalar_prefetch = 0 : i64, scratch_operands = 10 : i64, tpu.core_type = #tpu.core_type<sc_vector_subcore>, window_params = [{transform_indices = #map}, {transform_indices = #map}, {transform_indices = #map}, {transform_indices = #map}, {transform_indices = #map1}, {transform_indices = #map1}, {transform_indices = #map1}, {transform_indices = #map1}, {transform_indices = #map1}, {transform_indices = #map}, {transform_indices = #map}, {transform_indices = #map}, {transform_indices = #map}, {transform_indices = #map}, {transform_indices = #map}, {transform_indices = #map}, {transform_indices = #map}]} {
    %mul3A = arith.constant 2 : i32
    %mul3A_0 = arith.muli %arg1, %mul3A : i32
    %add3A = arith.addi %mul3A_0, %arg0 : i32
    %mul3A_1 = arith.constant 512 : i32
    %mul3A_2 = arith.muli %add3A, %mul3A_1 : i32
    %add3A_3 = arith.constant 0 : i32
    %add3A_4 = arith.addi %add3A_3, %mul3A_2 : i32
    %add3A_5 = arith.constant 16384 : i32
    %add3A_6 = arith.addi %add3A_5, %mul3A_2 : i32
    %add3A_7 = arith.constant 32768 : i32
    %add3A_8 = arith.addi %add3A_7, %mul3A_2 : i32
    %add3A_9 = arith.constant 49152 : i32
    %add3A_10 = arith.addi %add3A_9, %mul3A_2 : i32
    %add3A_11 = arith.constant 65536 : i32
    %add3A_12 = arith.addi %add3A_11, %mul3A_2 : i32
    %add3A_13 = arith.constant 81920 : i32
    %add3A_14 = arith.addi %add3A_13, %mul3A_2 : i32
    %add3A_15 = arith.constant 98304 : i32
    %add3A_16 = arith.addi %add3A_15, %mul3A_2 : i32
    %add3A_17 = arith.constant 114688 : i32
    %add3A_18 = arith.addi %add3A_17, %mul3A_2 : i32
    %add3A_19 = arith.constant 131072 : i32
    %add3A_20 = arith.addi %add3A_19, %mul3A_2 : i32
    %add3A_21 = arith.constant 147456 : i32
    %add3A_22 = arith.addi %add3A_21, %mul3A_2 : i32
    %add3A_23 = arith.constant 163840 : i32
    %add3A_24 = arith.addi %add3A_23, %mul3A_2 : i32
    %add3A_25 = arith.constant 180224 : i32
    %add3A_26 = arith.addi %add3A_25, %mul3A_2 : i32
    %add3A_27 = arith.constant 196608 : i32
    %add3A_28 = arith.addi %add3A_27, %mul3A_2 : i32
    %add3A_29 = arith.constant 212992 : i32
    %add3A_30 = arith.addi %add3A_29, %mul3A_2 : i32
    %add3A_31 = arith.constant 229376 : i32
    %add3A_32 = arith.addi %add3A_31, %mul3A_2 : i32
    %add3A_33 = arith.constant 245760 : i32
    %add3A_34 = arith.addi %add3A_33, %mul3A_2 : i32
    %add3A_35 = arith.constant 262144 : i32
    %add3A_36 = arith.addi %add3A_35, %mul3A_2 : i32
    %add3A_37 = arith.constant 278528 : i32
    %add3A_38 = arith.addi %add3A_37, %mul3A_2 : i32
    %add3A_39 = arith.constant 294912 : i32
    %add3A_40 = arith.addi %add3A_39, %mul3A_2 : i32
    %add3A_41 = arith.constant 311296 : i32
    %add3A_42 = arith.addi %add3A_41, %mul3A_2 : i32
    %add3A_43 = arith.constant 0 : i32
    %add3A_44 = arith.addi %add3A_43, %mul3A_2 : i32
    %add3A_45 = arith.constant 16384 : i32
    %add3A_46 = arith.addi %add3A_45, %mul3A_2 : i32
    %add3A_47 = arith.constant 32768 : i32
    %add3A_48 = arith.addi %add3A_47, %mul3A_2 : i32
    %add3A_49 = arith.constant 49152 : i32
    %add3A_50 = arith.addi %add3A_49, %mul3A_2 : i32
    %add3A_51 = arith.constant 65536 : i32
    %add3A_52 = arith.addi %add3A_51, %mul3A_2 : i32
    %add3A_53 = arith.constant 81920 : i32
    %add3A_54 = arith.addi %add3A_53, %mul3A_2 : i32
    %add3A_55 = arith.constant 98304 : i32
    %add3A_56 = arith.addi %add3A_55, %mul3A_2 : i32
    %add3A_57 = arith.constant 114688 : i32
    %add3A_58 = arith.addi %add3A_57, %mul3A_2 : i32
    %add3A_59 = arith.constant 131072 : i32
    %add3A_60 = arith.addi %add3A_59, %mul3A_2 : i32
    %add3A_61 = arith.constant 147456 : i32
    %add3A_62 = arith.addi %add3A_61, %mul3A_2 : i32
    %add3A_63 = arith.constant 163840 : i32
    %add3A_64 = arith.addi %add3A_63, %mul3A_2 : i32
    %add3A_65 = arith.constant 180224 : i32
    %add3A_66 = arith.addi %add3A_65, %mul3A_2 : i32
    %add3A_67 = arith.constant 196608 : i32
    %add3A_68 = arith.addi %add3A_67, %mul3A_2 : i32
    %add3A_69 = arith.constant 212992 : i32
    %add3A_70 = arith.addi %add3A_69, %mul3A_2 : i32
    %add3A_71 = arith.constant 229376 : i32
    %add3A_72 = arith.addi %add3A_71, %mul3A_2 : i32
    %add3A_73 = arith.constant 245760 : i32
    %add3A_74 = arith.addi %add3A_73, %mul3A_2 : i32
    %add3A_75 = arith.constant 262144 : i32
    %add3A_76 = arith.addi %add3A_75, %mul3A_2 : i32
    %add3A_77 = arith.constant 278528 : i32
    %add3A_78 = arith.addi %add3A_77, %mul3A_2 : i32
    %add3A_79 = arith.constant 294912 : i32
    %add3A_80 = arith.addi %add3A_79, %mul3A_2 : i32
    %add3A_81 = arith.constant 311296 : i32
    %add3A_82 = arith.addi %add3A_81, %mul3A_2 : i32
    %dma_start3A = arith.constant 0 : i32
    %dma_start3A_83 = tpu.memref_slice %arg19[%dma_start3A] : memref<22528xi32, #tpu.memory_space<vmem>> -> memref<512xi32, #tpu.memory_space<vmem>>
    %dma_start3A_84 = tpu.memref_slice %arg6[%mul3A_2] : memref<16384xi32, #tpu.memory_space<hbm>> -> memref<512xi32, #tpu.memory_space<hbm>>
    %dma_start3A_85 = arith.constant 0 : i32
    %dma_start3A_86 = tpu.memref_slice %arg19[%dma_start3A_85] : memref<22528xi32, #tpu.memory_space<vmem>> -> memref<512xi32, #tpu.memory_space<vmem>>
    %dma_start3A_87 = tpu.memref_slice %arg6[%mul3A_2] : memref<16384xi32, #tpu.memory_space<hbm>> -> memref<512xi32, #tpu.memory_space<hbm>>
    tpu.enqueue_dma source(%dma_start3A_87 : memref<512xi32, #tpu.memory_space<hbm>>) target(%dma_start3A_86 : memref<512xi32, #tpu.memory_space<vmem>>) target_semaphore(%arg24 : memref<!tpu.dma_semaphore, #tpu.memory_space<semaphore_mem>>)
    %dma_start3A_88 = arith.constant 512 : i32
    %dma_start3A_89 = tpu.memref_slice %arg19[%dma_start3A_88] : memref<22528xi32, #tpu.memory_space<vmem>> -> memref<512xi32, #tpu.memory_space<vmem>>
    %dma_start3A_90 = tpu.memref_slice %arg7[%mul3A_2] : memref<16384xi32, #tpu.memory_space<hbm>> -> memref<512xi32, #tpu.memory_space<hbm>>
    %dma_start3A_91 = arith.constant 512 : i32
    %dma_start3A_92 = tpu.memref_slice %arg19[%dma_start3A_91] : memref<22528xi32, #tpu.memory_space<vmem>> -> memref<512xi32, #tpu.memory_space<vmem>>
    %dma_start3A_93 = tpu.memref_slice %arg7[%mul3A_2] : memref<16384xi32, #tpu.memory_space<hbm>> -> memref<512xi32, #tpu.memory_space<hbm>>
    tpu.enqueue_dma source(%dma_start3A_93 : memref<512xi32, #tpu.memory_space<hbm>>) target(%dma_start3A_92 : memref<512xi32, #tpu.memory_space<vmem>>) target_semaphore(%arg24 : memref<!tpu.dma_semaphore, #tpu.memory_space<semaphore_mem>>)
    %dma_start3A_94 = arith.constant 1024 : i32
    %dma_start3A_95 = tpu.memref_slice %arg19[%dma_start3A_94] : memref<22528xi32, #tpu.memory_space<vmem>> -> memref<512xi32, #tpu.memory_space<vmem>>
    %dma_start3A_96 = tpu.memref_slice %arg9[%mul3A_2] : memref<16384xi32, #tpu.memory_space<hbm>> -> memref<512xi32, #tpu.memory_space<hbm>>
    %dma_start3A_97 = arith.constant 1024 : i32
    %dma_start3A_98 = tpu.memref_slice %arg19[%dma_start3A_97] : memref<22528xi32, #tpu.memory_space<vmem>> -> memref<512xi32, #tpu.memory_space<vmem>>
    %dma_start3A_99 = tpu.memref_slice %arg9[%mul3A_2] : memref<16384xi32, #tpu.memory_space<hbm>> -> memref<512xi32, #tpu.memory_space<hbm>>
    tpu.enqueue_dma source(%dma_start3A_99 : memref<512xi32, #tpu.memory_space<hbm>>) target(%dma_start3A_98 : memref<512xi32, #tpu.memory_space<vmem>>) target_semaphore(%arg24 : memref<!tpu.dma_semaphore, #tpu.memory_space<semaphore_mem>>)
    %dma_start3A_100 = arith.constant 1536 : i32
    %dma_start3A_101 = tpu.memref_slice %arg19[%dma_start3A_100] : memref<22528xi32, #tpu.memory_space<vmem>> -> memref<512xi32, #tpu.memory_space<vmem>>
    %dma_start3A_102 = tpu.memref_slice %arg8[%add3A_4] : memref<327680xi32, #tpu.memory_space<hbm>> -> memref<512xi32, #tpu.memory_space<hbm>>
    %dma_start3A_103 = arith.constant 1536 : i32
    %dma_start3A_104 = tpu.memref_slice %arg19[%dma_start3A_103] : memref<22528xi32, #tpu.memory_space<vmem>> -> memref<512xi32, #tpu.memory_space<vmem>>
    %dma_start3A_105 = tpu.memref_slice %arg8[%add3A_4] : memref<327680xi32, #tpu.memory_space<hbm>> -> memref<512xi32, #tpu.memory_space<hbm>>
    tpu.enqueue_dma source(%dma_start3A_105 : memref<512xi32, #tpu.memory_space<hbm>>) target(%dma_start3A_104 : memref<512xi32, #tpu.memory_space<vmem>>) target_semaphore(%arg24 : memref<!tpu.dma_semaphore, #tpu.memory_space<semaphore_mem>>)
    %dma_start3A_106 = arith.constant 2048 : i32
    %dma_start3A_107 = tpu.memref_slice %arg19[%dma_start3A_106] : memref<22528xi32, #tpu.memory_space<vmem>> -> memref<512xi32, #tpu.memory_space<vmem>>
    %dma_start3A_108 = tpu.memref_slice %arg8[%add3A_6] : memref<327680xi32, #tpu.memory_space<hbm>> -> memref<512xi32, #tpu.memory_space<hbm>>
    %dma_start3A_109 = arith.constant 2048 : i32
    %dma_start3A_110 = tpu.memref_slice %arg19[%dma_start3A_109] : memref<22528xi32, #tpu.memory_space<vmem>> -> memref<512xi32, #tpu.memory_space<vmem>>
    %dma_start3A_111 = tpu.memref_slice %arg8[%add3A_6] : memref<327680xi32, #tpu.memory_space<hbm>> -> memref<512xi32, #tpu.memory_space<hbm>>
    tpu.enqueue_dma source(%dma_start3A_111 : memref<512xi32, #tpu.memory_space<hbm>>) target(%dma_start3A_110 : memref<512xi32, #tpu.memory_space<vmem>>) target_semaphore(%arg24 : memref<!tpu.dma_semaphore, #tpu.memory_space<semaphore_mem>>)
    %dma_start3A_112 = arith.constant 2560 : i32
    %dma_start3A_113 = tpu.memref_slice %arg19[%dma_start3A_112] : memref<22528xi32, #tpu.memory_space<vmem>> -> memref<512xi32, #tpu.memory_space<vmem>>
    %dma_start3A_114 = tpu.memref_slice %arg8[%add3A_8] : memref<327680xi32, #tpu.memory_space<hbm>> -> memref<512xi32, #tpu.memory_space<hbm>>
    %dma_start3A_115 = arith.constant 2560 : i32
    %dma_start3A_116 = tpu.memref_slice %arg19[%dma_start3A_115] : memref<22528xi32, #tpu.memory_space<vmem>> -> memref<512xi32, #tpu.memory_space<vmem>>
    %dma_start3A_117 = tpu.memref_slice %arg8[%add3A_8] : memref<327680xi32, #tpu.memory_space<hbm>> -> memref<512xi32, #tpu.memory_space<hbm>>
    tpu.enqueue_dma source(%dma_start3A_117 : memref<512xi32, #tpu.memory_space<hbm>>) target(%dma_start3A_116 : memref<512xi32, #tpu.memory_space<vmem>>) target_semaphore(%arg24 : memref<!tpu.dma_semaphore, #tpu.memory_space<semaphore_mem>>)
    %dma_start3A_118 = arith.constant 3072 : i32
    %dma_start3A_119 = tpu.memref_slice %arg19[%dma_start3A_118] : memref<22528xi32, #tpu.memory_space<vmem>> -> memref<512xi32, #tpu.memory_space<vmem>>
    %dma_start3A_120 = tpu.memref_slice %arg8[%add3A_10] : memref<327680xi32, #tpu.memory_space<hbm>> -> memref<512xi32, #tpu.memory_space<hbm>>
    %dma_start3A_121 = arith.constant 3072 : i32
    %dma_start3A_122 = tpu.memref_slice %arg19[%dma_start3A_121] : memref<22528xi32, #tpu.memory_space<vmem>> -> memref<512xi32, #tpu.memory_space<vmem>>
    %dma_start3A_123 = tpu.memref_slice %arg8[%add3A_10] : memref<327680xi32, #tpu.memory_space<hbm>> -> memref<512xi32, #tpu.memory_space<hbm>>
    tpu.enqueue_dma source(%dma_start3A_123 : memref<512xi32, #tpu.memory_space<hbm>>) target(%dma_start3A_122 : memref<512xi32, #tpu.memory_space<vmem>>) target_semaphore(%arg24 : memref<!tpu.dma_semaphore, #tpu.memory_space<semaphore_mem>>)
    %dma_start3A_124 = arith.constant 3584 : i32
    %dma_start3A_125 = tpu.memref_slice %arg19[%dma_start3A_124] : memref<22528xi32, #tpu.memory_space<vmem>> -> memref<512xi32, #tpu.memory_space<vmem>>
    %dma_start3A_126 = tpu.memref_slice %arg8[%add3A_12] : memref<327680xi32, #tpu.memory_space<hbm>> -> memref<512xi32, #tpu.memory_space<hbm>>
    %dma_start3A_127 = arith.constant 3584 : i32
    %dma_start3A_128 = tpu.memref_slice %arg19[%dma_start3A_127] : memref<22528xi32, #tpu.memory_space<vmem>> -> memref<512xi32, #tpu.memory_space<vmem>>
    %dma_start3A_129 = tpu.memref_slice %arg8[%add3A_12] : memref<327680xi32, #tpu.memory_space<hbm>> -> memref<512xi32, #tpu.memory_space<hbm>>
    tpu.enqueue_dma source(%dma_start3A_129 : memref<512xi32, #tpu.memory_space<hbm>>) target(%dma_start3A_128 : memref<512xi32, #tpu.memory_space<vmem>>) target_semaphore(%arg24 : memref<!tpu.dma_semaphore, #tpu.memory_space<semaphore_mem>>)
    %dma_start3A_130 = arith.constant 4096 : i32
    %dma_start3A_131 = tpu.memref_slice %arg19[%dma_start3A_130] : memref<22528xi32, #tpu.memory_space<vmem>> -> memref<512xi32, #tpu.memory_space<vmem>>
    %dma_start3A_132 = tpu.memref_slice %arg8[%add3A_14] : memref<327680xi32, #tpu.memory_space<hbm>> -> memref<512xi32, #tpu.memory_space<hbm>>
    %dma_start3A_133 = arith.constant 4096 : i32
    %dma_start3A_134 = tpu.memref_slice %arg19[%dma_start3A_133] : memref<22528xi32, #tpu.memory_space<vmem>> -> memref<512xi32, #tpu.memory_space<vmem>>
    %dma_start3A_135 = tpu.memref_slice %arg8[%add3A_14] : memref<327680xi32, #tpu.memory_space<hbm>> -> memref<512xi32, #tpu.memory_space<hbm>>
    tpu.enqueue_dma source(%dma_start3A_135 : memref<512xi32, #tpu.memory_space<hbm>>) target(%dma_start3A_134 : memref<512xi32, #tpu.memory_space<vmem>>) target_semaphore(%arg24 : memref<!tpu.dma_semaphore, #tpu.memory_space<semaphore_mem>>)
    %dma_start3A_136 = arith.constant 4608 : i32
    %dma_start3A_137 = tpu.memref_slice %arg19[%dma_start3A_136] : memref<22528xi32, #tpu.memory_space<vmem>> -> memref<512xi32, #tpu.memory_space<vmem>>
    %dma_start3A_138 = tpu.memref_slice %arg8[%add3A_16] : memref<327680xi32, #tpu.memory_space<hbm>> -> memref<512xi32, #tpu.memory_space<hbm>>
    %dma_start3A_139 = arith.constant 4608 : i32
    %dma_start3A_140 = tpu.memref_slice %arg19[%dma_start3A_139] : memref<22528xi32, #tpu.memory_space<vmem>> -> memref<512xi32, #tpu.memory_space<vmem>>
    %dma_start3A_141 = tpu.memref_slice %arg8[%add3A_16] : memref<327680xi32, #tpu.memory_space<hbm>> -> memref<512xi32, #tpu.memory_space<hbm>>
    tpu.enqueue_dma source(%dma_start3A_141 : memref<512xi32, #tpu.memory_space<hbm>>) target(%dma_start3A_140 : memref<512xi32, #tpu.memory_space<vmem>>) target_semaphore(%arg24 : memref<!tpu.dma_semaphore, #tpu.memory_space<semaphore_mem>>)
    %dma_start3A_142 = arith.constant 5120 : i32
    %dma_start3A_143 = tpu.memref_slice %arg19[%dma_start3A_142] : memref<22528xi32, #tpu.memory_space<vmem>> -> memref<512xi32, #tpu.memory_space<vmem>>
    %dma_start3A_144 = tpu.memref_slice %arg8[%add3A_18] : memref<327680xi32, #tpu.memory_space<hbm>> -> memref<512xi32, #tpu.memory_space<hbm>>
    %dma_start3A_145 = arith.constant 5120 : i32
    %dma_start3A_146 = tpu.memref_slice %arg19[%dma_start3A_145] : memref<22528xi32, #tpu.memory_space<vmem>> -> memref<512xi32, #tpu.memory_space<vmem>>
    %dma_start3A_147 = tpu.memref_slice %arg8[%add3A_18] : memref<327680xi32, #tpu.memory_space<hbm>> -> memref<512xi32, #tpu.memory_space<hbm>>
    tpu.enqueue_dma source(%dma_start3A_147 : memref<512xi32, #tpu.memory_space<hbm>>) target(%dma_start3A_146 : memref<512xi32, #tpu.memory_space<vmem>>) target_semaphore(%arg24 : memref<!tpu.dma_semaphore, #tpu.memory_space<semaphore_mem>>)
    %dma_start3A_148 = arith.constant 5632 : i32
    %dma_start3A_149 = tpu.memref_slice %arg19[%dma_start3A_148] : memref<22528xi32, #tpu.memory_space<vmem>> -> memref<512xi32, #tpu.memory_space<vmem>>
    %dma_start3A_150 = tpu.memref_slice %arg8[%add3A_20] : memref<327680xi32, #tpu.memory_space<hbm>> -> memref<512xi32, #tpu.memory_space<hbm>>
    %dma_start3A_151 = arith.constant 5632 : i32
    %dma_start3A_152 = tpu.memref_slice %arg19[%dma_start3A_151] : memref<22528xi32, #tpu.memory_space<vmem>> -> memref<512xi32, #tpu.memory_space<vmem>>
    %dma_start3A_153 = tpu.memref_slice %arg8[%add3A_20] : memref<327680xi32, #tpu.memory_space<hbm>> -> memref<512xi32, #tpu.memory_space<hbm>>
    tpu.enqueue_dma source(%dma_start3A_153 : memref<512xi32, #tpu.memory_space<hbm>>) target(%dma_start3A_152 : memref<512xi32, #tpu.memory_space<vmem>>) target_semaphore(%arg24 : memref<!tpu.dma_semaphore, #tpu.memory_space<semaphore_mem>>)
    %dma_start3A_154 = arith.constant 6144 : i32
    %dma_start3A_155 = tpu.memref_slice %arg19[%dma_start3A_154] : memref<22528xi32, #tpu.memory_space<vmem>> -> memref<512xi32, #tpu.memory_space<vmem>>
    %dma_start3A_156 = tpu.memref_slice %arg8[%add3A_22] : memref<327680xi32, #tpu.memory_space<hbm>> -> memref<512xi32, #tpu.memory_space<hbm>>
    %dma_start3A_157 = arith.constant 6144 : i32
    %dma_start3A_158 = tpu.memref_slice %arg19[%dma_start3A_157] : memref<22528xi32, #tpu.memory_space<vmem>> -> memref<512xi32, #tpu.memory_space<vmem>>
    %dma_start3A_159 = tpu.memref_slice %arg8[%add3A_22] : memref<327680xi32, #tpu.memory_space<hbm>> -> memref<512xi32, #tpu.memory_space<hbm>>
    tpu.enqueue_dma source(%dma_start3A_159 : memref<512xi32, #tpu.memory_space<hbm>>) target(%dma_start3A_158 : memref<512xi32, #tpu.memory_space<vmem>>) target_semaphore(%arg24 : memref<!tpu.dma_semaphore, #tpu.memory_space<semaphore_mem>>)
    %dma_start3A_160 = arith.constant 6656 : i32
    %dma_start3A_161 = tpu.memref_slice %arg19[%dma_start3A_160] : memref<22528xi32, #tpu.memory_space<vmem>> -> memref<512xi32, #tpu.memory_space<vmem>>
    %dma_start3A_162 = tpu.memref_slice %arg8[%add3A_24] : memref<327680xi32, #tpu.memory_space<hbm>> -> memref<512xi32, #tpu.memory_space<hbm>>
    %dma_start3A_163 = arith.constant 6656 : i32
    %dma_start3A_164 = tpu.memref_slice %arg19[%dma_start3A_163] : memref<22528xi32, #tpu.memory_space<vmem>> -> memref<512xi32, #tpu.memory_space<vmem>>
    %dma_start3A_165 = tpu.memref_slice %arg8[%add3A_24] : memref<327680xi32, #tpu.memory_space<hbm>> -> memref<512xi32, #tpu.memory_space<hbm>>
    tpu.enqueue_dma source(%dma_start3A_165 : memref<512xi32, #tpu.memory_space<hbm>>) target(%dma_start3A_164 : memref<512xi32, #tpu.memory_space<vmem>>) target_semaphore(%arg24 : memref<!tpu.dma_semaphore, #tpu.memory_space<semaphore_mem>>)
    %dma_start3A_166 = arith.constant 7168 : i32
    %dma_start3A_167 = tpu.memref_slice %arg19[%dma_start3A_166] : memref<22528xi32, #tpu.memory_space<vmem>> -> memref<512xi32, #tpu.memory_space<vmem>>
    %dma_start3A_168 = tpu.memref_slice %arg8[%add3A_26] : memref<327680xi32, #tpu.memory_space<hbm>> -> memref<512xi32, #tpu.memory_space<hbm>>
    %dma_start3A_169 = arith.constant 7168 : i32
    %dma_start3A_170 = tpu.memref_slice %arg19[%dma_start3A_169] : memref<22528xi32, #tpu.memory_space<vmem>> -> memref<512xi32, #tpu.memory_space<vmem>>
    %dma_start3A_171 = tpu.memref_slice %arg8[%add3A_26] : memref<327680xi32, #tpu.memory_space<hbm>> -> memref<512xi32, #tpu.memory_space<hbm>>
    tpu.enqueue_dma source(%dma_start3A_171 : memref<512xi32, #tpu.memory_space<hbm>>) target(%dma_start3A_170 : memref<512xi32, #tpu.memory_space<vmem>>) target_semaphore(%arg24 : memref<!tpu.dma_semaphore, #tpu.memory_space<semaphore_mem>>)
    %dma_start3A_172 = arith.constant 7680 : i32
    %dma_start3A_173 = tpu.memref_slice %arg19[%dma_start3A_172] : memref<22528xi32, #tpu.memory_space<vmem>> -> memref<512xi32, #tpu.memory_space<vmem>>
    %dma_start3A_174 = tpu.memref_slice %arg8[%add3A_28] : memref<327680xi32, #tpu.memory_space<hbm>> -> memref<512xi32, #tpu.memory_space<hbm>>
    %dma_start3A_175 = arith.constant 7680 : i32
    %dma_start3A_176 = tpu.memref_slice %arg19[%dma_start3A_175] : memref<22528xi32, #tpu.memory_space<vmem>> -> memref<512xi32, #tpu.memory_space<vmem>>
    %dma_start3A_177 = tpu.memref_slice %arg8[%add3A_28] : memref<327680xi32, #tpu.memory_space<hbm>> -> memref<512xi32, #tpu.memory_space<hbm>>
    tpu.enqueue_dma source(%dma_start3A_177 : memref<512xi32, #tpu.memory_space<hbm>>) target(%dma_start3A_176 : memref<512xi32, #tpu.memory_space<vmem>>) target_semaphore(%arg24 : memref<!tpu.dma_semaphore, #tpu.memory_space<semaphore_mem>>)
    %dma_start3A_178 = arith.constant 8192 : i32
    %dma_start3A_179 = tpu.memref_slice %arg19[%dma_start3A_178] : memref<22528xi32, #tpu.memory_space<vmem>> -> memref<512xi32, #tpu.memory_space<vmem>>
    %dma_start3A_180 = tpu.memref_slice %arg8[%add3A_30] : memref<327680xi32, #tpu.memory_space<hbm>> -> memref<512xi32, #tpu.memory_space<hbm>>
    %dma_start3A_181 = arith.constant 8192 : i32
    %dma_start3A_182 = tpu.memref_slice %arg19[%dma_start3A_181] : memref<22528xi32, #tpu.memory_space<vmem>> -> memref<512xi32, #tpu.memory_space<vmem>>
    %dma_start3A_183 = tpu.memref_slice %arg8[%add3A_30] : memref<327680xi32, #tpu.memory_space<hbm>> -> memref<512xi32, #tpu.memory_space<hbm>>
    tpu.enqueue_dma source(%dma_start3A_183 : memref<512xi32, #tpu.memory_space<hbm>>) target(%dma_start3A_182 : memref<512xi32, #tpu.memory_space<vmem>>) target_semaphore(%arg24 : memref<!tpu.dma_semaphore, #tpu.memory_space<semaphore_mem>>)
    %dma_start3A_184 = arith.constant 8704 : i32
    %dma_start3A_185 = tpu.memref_slice %arg19[%dma_start3A_184] : memref<22528xi32, #tpu.memory_space<vmem>> -> memref<512xi32, #tpu.memory_space<vmem>>
    %dma_start3A_186 = tpu.memref_slice %arg8[%add3A_32] : memref<327680xi32, #tpu.memory_space<hbm>> -> memref<512xi32, #tpu.memory_space<hbm>>
    %dma_start3A_187 = arith.constant 8704 : i32
    %dma_start3A_188 = tpu.memref_slice %arg19[%dma_start3A_187] : memref<22528xi32, #tpu.memory_space<vmem>> -> memref<512xi32, #tpu.memory_space<vmem>>
    %dma_start3A_189 = tpu.memref_slice %arg8[%add3A_32] : memref<327680xi32, #tpu.memory_space<hbm>> -> memref<512xi32, #tpu.memory_space<hbm>>
    tpu.enqueue_dma source(%dma_start3A_189 : memref<512xi32, #tpu.memory_space<hbm>>) target(%dma_start3A_188 : memref<512xi32, #tpu.memory_space<vmem>>) target_semaphore(%arg24 : memref<!tpu.dma_semaphore, #tpu.memory_space<semaphore_mem>>)
    %dma_start3A_190 = arith.constant 9216 : i32
    %dma_start3A_191 = tpu.memref_slice %arg19[%dma_start3A_190] : memref<22528xi32, #tpu.memory_space<vmem>> -> memref<512xi32, #tpu.memory_space<vmem>>
    %dma_start3A_192 = tpu.memref_slice %arg8[%add3A_34] : memref<327680xi32, #tpu.memory_space<hbm>> -> memref<512xi32, #tpu.memory_space<hbm>>
    %dma_start3A_193 = arith.constant 9216 : i32
    %dma_start3A_194 = tpu.memref_slice %arg19[%dma_start3A_193] : memref<22528xi32, #tpu.memory_space<vmem>> -> memref<512xi32, #tpu.memory_space<vmem>>
    %dma_start3A_195 = tpu.memref_slice %arg8[%add3A_34] : memref<327680xi32, #tpu.memory_space<hbm>> -> memref<512xi32, #tpu.memory_space<hbm>>
    tpu.enqueue_dma source(%dma_start3A_195 : memref<512xi32, #tpu.memory_space<hbm>>) target(%dma_start3A_194 : memref<512xi32, #tpu.memory_space<vmem>>) target_semaphore(%arg24 : memref<!tpu.dma_semaphore, #tpu.memory_space<semaphore_mem>>)
    %dma_start3A_196 = arith.constant 9728 : i32
    %dma_start3A_197 = tpu.memref_slice %arg19[%dma_start3A_196] : memref<22528xi32, #tpu.memory_space<vmem>> -> memref<512xi32, #tpu.memory_space<vmem>>
    %dma_start3A_198 = tpu.memref_slice %arg8[%add3A_36] : memref<327680xi32, #tpu.memory_space<hbm>> -> memref<512xi32, #tpu.memory_space<hbm>>
    %dma_start3A_199 = arith.constant 9728 : i32
    %dma_start3A_200 = tpu.memref_slice %arg19[%dma_start3A_199] : memref<22528xi32, #tpu.memory_space<vmem>> -> memref<512xi32, #tpu.memory_space<vmem>>
    %dma_start3A_201 = tpu.memref_slice %arg8[%add3A_36] : memref<327680xi32, #tpu.memory_space<hbm>> -> memref<512xi32, #tpu.memory_space<hbm>>
    tpu.enqueue_dma source(%dma_start3A_201 : memref<512xi32, #tpu.memory_space<hbm>>) target(%dma_start3A_200 : memref<512xi32, #tpu.memory_space<vmem>>) target_semaphore(%arg24 : memref<!tpu.dma_semaphore, #tpu.memory_space<semaphore_mem>>)
    %dma_start3A_202 = arith.constant 10240 : i32
    %dma_start3A_203 = tpu.memref_slice %arg19[%dma_start3A_202] : memref<22528xi32, #tpu.memory_space<vmem>> -> memref<512xi32, #tpu.memory_space<vmem>>
    %dma_start3A_204 = tpu.memref_slice %arg8[%add3A_38] : memref<327680xi32, #tpu.memory_space<hbm>> -> memref<512xi32, #tpu.memory_space<hbm>>
    %dma_start3A_205 = arith.constant 10240 : i32
    %dma_start3A_206 = tpu.memref_slice %arg19[%dma_start3A_205] : memref<22528xi32, #tpu.memory_space<vmem>> -> memref<512xi32, #tpu.memory_space<vmem>>
    %dma_start3A_207 = tpu.memref_slice %arg8[%add3A_38] : memref<327680xi32, #tpu.memory_space<hbm>> -> memref<512xi32, #tpu.memory_space<hbm>>
    tpu.enqueue_dma source(%dma_start3A_207 : memref<512xi32, #tpu.memory_space<hbm>>) target(%dma_start3A_206 : memref<512xi32, #tpu.memory_space<vmem>>) target_semaphore(%arg24 : memref<!tpu.dma_semaphore, #tpu.memory_space<semaphore_mem>>)
    %dma_start3A_208 = arith.constant 10752 : i32
    %dma_start3A_209 = tpu.memref_slice %arg19[%dma_start3A_208] : memref<22528xi32, #tpu.memory_space<vmem>> -> memref<512xi32, #tpu.memory_space<vmem>>
    %dma_start3A_210 = tpu.memref_slice %arg8[%add3A_40] : memref<327680xi32, #tpu.memory_space<hbm>> -> memref<512xi32, #tpu.memory_space<hbm>>
    %dma_start3A_211 = arith.constant 10752 : i32
    %dma_start3A_212 = tpu.memref_slice %arg19[%dma_start3A_211] : memref<22528xi32, #tpu.memory_space<vmem>> -> memref<512xi32, #tpu.memory_space<vmem>>
    %dma_start3A_213 = tpu.memref_slice %arg8[%add3A_40] : memref<327680xi32, #tpu.memory_space<hbm>> -> memref<512xi32, #tpu.memory_space<hbm>>
    tpu.enqueue_dma source(%dma_start3A_213 : memref<512xi32, #tpu.memory_space<hbm>>) target(%dma_start3A_212 : memref<512xi32, #tpu.memory_space<vmem>>) target_semaphore(%arg24 : memref<!tpu.dma_semaphore, #tpu.memory_space<semaphore_mem>>)
    %dma_start3A_214 = arith.constant 11264 : i32
    %dma_start3A_215 = tpu.memref_slice %arg19[%dma_start3A_214] : memref<22528xi32, #tpu.memory_space<vmem>> -> memref<512xi32, #tpu.memory_space<vmem>>
    %dma_start3A_216 = tpu.memref_slice %arg8[%add3A_42] : memref<327680xi32, #tpu.memory_space<hbm>> -> memref<512xi32, #tpu.memory_space<hbm>>
    %dma_start3A_217 = arith.constant 11264 : i32
    %dma_start3A_218 = tpu.memref_slice %arg19[%dma_start3A_217] : memref<22528xi32, #tpu.memory_space<vmem>> -> memref<512xi32, #tpu.memory_space<vmem>>
    %dma_start3A_219 = tpu.memref_slice %arg8[%add3A_42] : memref<327680xi32, #tpu.memory_space<hbm>> -> memref<512xi32, #tpu.memory_space<hbm>>
    tpu.enqueue_dma source(%dma_start3A_219 : memref<512xi32, #tpu.memory_space<hbm>>) target(%dma_start3A_218 : memref<512xi32, #tpu.memory_space<vmem>>) target_semaphore(%arg24 : memref<!tpu.dma_semaphore, #tpu.memory_space<semaphore_mem>>)
    %dma_start3A_220 = arith.constant 11776 : i32
    %dma_start3A_221 = tpu.memref_slice %arg19[%dma_start3A_220] : memref<22528xi32, #tpu.memory_space<vmem>> -> memref<512xi32, #tpu.memory_space<vmem>>
    %dma_start3A_222 = tpu.memref_slice %arg10[%add3A_44] : memref<327680xi32, #tpu.memory_space<hbm>> -> memref<512xi32, #tpu.memory_space<hbm>>
    %dma_start3A_223 = arith.constant 11776 : i32
    %dma_start3A_224 = tpu.memref_slice %arg19[%dma_start3A_223] : memref<22528xi32, #tpu.memory_space<vmem>> -> memref<512xi32, #tpu.memory_space<vmem>>
    %dma_start3A_225 = tpu.memref_slice %arg10[%add3A_44] : memref<327680xi32, #tpu.memory_space<hbm>> -> memref<512xi32, #tpu.memory_space<hbm>>
    tpu.enqueue_dma source(%dma_start3A_225 : memref<512xi32, #tpu.memory_space<hbm>>) target(%dma_start3A_224 : memref<512xi32, #tpu.memory_space<vmem>>) target_semaphore(%arg24 : memref<!tpu.dma_semaphore, #tpu.memory_space<semaphore_mem>>)
    %dma_start3A_226 = arith.constant 12288 : i32
    %dma_start3A_227 = tpu.memref_slice %arg19[%dma_start3A_226] : memref<22528xi32, #tpu.memory_space<vmem>> -> memref<512xi32, #tpu.memory_space<vmem>>
    %dma_start3A_228 = tpu.memref_slice %arg10[%add3A_46] : memref<327680xi32, #tpu.memory_space<hbm>> -> memref<512xi32, #tpu.memory_space<hbm>>
    %dma_start3A_229 = arith.constant 12288 : i32
    %dma_start3A_230 = tpu.memref_slice %arg19[%dma_start3A_229] : memref<22528xi32, #tpu.memory_space<vmem>> -> memref<512xi32, #tpu.memory_space<vmem>>
    %dma_start3A_231 = tpu.memref_slice %arg10[%add3A_46] : memref<327680xi32, #tpu.memory_space<hbm>> -> memref<512xi32, #tpu.memory_space<hbm>>
    tpu.enqueue_dma source(%dma_start3A_231 : memref<512xi32, #tpu.memory_space<hbm>>) target(%dma_start3A_230 : memref<512xi32, #tpu.memory_space<vmem>>) target_semaphore(%arg24 : memref<!tpu.dma_semaphore, #tpu.memory_space<semaphore_mem>>)
    %dma_start3A_232 = arith.constant 12800 : i32
    %dma_start3A_233 = tpu.memref_slice %arg19[%dma_start3A_232] : memref<22528xi32, #tpu.memory_space<vmem>> -> memref<512xi32, #tpu.memory_space<vmem>>
    %dma_start3A_234 = tpu.memref_slice %arg10[%add3A_48] : memref<327680xi32, #tpu.memory_space<hbm>> -> memref<512xi32, #tpu.memory_space<hbm>>
    %dma_start3A_235 = arith.constant 12800 : i32
    %dma_start3A_236 = tpu.memref_slice %arg19[%dma_start3A_235] : memref<22528xi32, #tpu.memory_space<vmem>> -> memref<512xi32, #tpu.memory_space<vmem>>
    %dma_start3A_237 = tpu.memref_slice %arg10[%add3A_48] : memref<327680xi32, #tpu.memory_space<hbm>> -> memref<512xi32, #tpu.memory_space<hbm>>
    tpu.enqueue_dma source(%dma_start3A_237 : memref<512xi32, #tpu.memory_space<hbm>>) target(%dma_start3A_236 : memref<512xi32, #tpu.memory_space<vmem>>) target_semaphore(%arg24 : memref<!tpu.dma_semaphore, #tpu.memory_space<semaphore_mem>>)
    %dma_start3A_238 = arith.constant 13312 : i32
    %dma_start3A_239 = tpu.memref_slice %arg19[%dma_start3A_238] : memref<22528xi32, #tpu.memory_space<vmem>> -> memref<512xi32, #tpu.memory_space<vmem>>
    %dma_start3A_240 = tpu.memref_slice %arg10[%add3A_50] : memref<327680xi32, #tpu.memory_space<hbm>> -> memref<512xi32, #tpu.memory_space<hbm>>
    %dma_start3A_241 = arith.constant 13312 : i32
    %dma_start3A_242 = tpu.memref_slice %arg19[%dma_start3A_241] : memref<22528xi32, #tpu.memory_space<vmem>> -> memref<512xi32, #tpu.memory_space<vmem>>
    %dma_start3A_243 = tpu.memref_slice %arg10[%add3A_50] : memref<327680xi32, #tpu.memory_space<hbm>> -> memref<512xi32, #tpu.memory_space<hbm>>
    tpu.enqueue_dma source(%dma_start3A_243 : memref<512xi32, #tpu.memory_space<hbm>>) target(%dma_start3A_242 : memref<512xi32, #tpu.memory_space<vmem>>) target_semaphore(%arg24 : memref<!tpu.dma_semaphore, #tpu.memory_space<semaphore_mem>>)
    %dma_start3A_244 = arith.constant 13824 : i32
    %dma_start3A_245 = tpu.memref_slice %arg19[%dma_start3A_244] : memref<22528xi32, #tpu.memory_space<vmem>> -> memref<512xi32, #tpu.memory_space<vmem>>
    %dma_start3A_246 = tpu.memref_slice %arg10[%add3A_52] : memref<327680xi32, #tpu.memory_space<hbm>> -> memref<512xi32, #tpu.memory_space<hbm>>
    %dma_start3A_247 = arith.constant 13824 : i32
    %dma_start3A_248 = tpu.memref_slice %arg19[%dma_start3A_247] : memref<22528xi32, #tpu.memory_space<vmem>> -> memref<512xi32, #tpu.memory_space<vmem>>
    %dma_start3A_249 = tpu.memref_slice %arg10[%add3A_52] : memref<327680xi32, #tpu.memory_space<hbm>> -> memref<512xi32, #tpu.memory_space<hbm>>
    tpu.enqueue_dma source(%dma_start3A_249 : memref<512xi32, #tpu.memory_space<hbm>>) target(%dma_start3A_248 : memref<512xi32, #tpu.memory_space<vmem>>) target_semaphore(%arg24 : memref<!tpu.dma_semaphore, #tpu.memory_space<semaphore_mem>>)
    %dma_start3A_250 = arith.constant 14336 : i32
    %dma_start3A_251 = tpu.memref_slice %arg19[%dma_start3A_250] : memref<22528xi32, #tpu.memory_space<vmem>> -> memref<512xi32, #tpu.memory_space<vmem>>
    %dma_start3A_252 = tpu.memref_slice %arg10[%add3A_54] : memref<327680xi32, #tpu.memory_space<hbm>> -> memref<512xi32, #tpu.memory_space<hbm>>
    %dma_start3A_253 = arith.constant 14336 : i32
    %dma_start3A_254 = tpu.memref_slice %arg19[%dma_start3A_253] : memref<22528xi32, #tpu.memory_space<vmem>> -> memref<512xi32, #tpu.memory_space<vmem>>
    %dma_start3A_255 = tpu.memref_slice %arg10[%add3A_54] : memref<327680xi32, #tpu.memory_space<hbm>> -> memref<512xi32, #tpu.memory_space<hbm>>
    tpu.enqueue_dma source(%dma_start3A_255 : memref<512xi32, #tpu.memory_space<hbm>>) target(%dma_start3A_254 : memref<512xi32, #tpu.memory_space<vmem>>) target_semaphore(%arg24 : memref<!tpu.dma_semaphore, #tpu.memory_space<semaphore_mem>>)
    %dma_start3A_256 = arith.constant 14848 : i32
    %dma_start3A_257 = tpu.memref_slice %arg19[%dma_start3A_256] : memref<22528xi32, #tpu.memory_space<vmem>> -> memref<512xi32, #tpu.memory_space<vmem>>
    %dma_start3A_258 = tpu.memref_slice %arg10[%add3A_56] : memref<327680xi32, #tpu.memory_space<hbm>> -> memref<512xi32, #tpu.memory_space<hbm>>
    %dma_start3A_259 = arith.constant 14848 : i32
    %dma_start3A_260 = tpu.memref_slice %arg19[%dma_start3A_259] : memref<22528xi32, #tpu.memory_space<vmem>> -> memref<512xi32, #tpu.memory_space<vmem>>
    %dma_start3A_261 = tpu.memref_slice %arg10[%add3A_56] : memref<327680xi32, #tpu.memory_space<hbm>> -> memref<512xi32, #tpu.memory_space<hbm>>
    tpu.enqueue_dma source(%dma_start3A_261 : memref<512xi32, #tpu.memory_space<hbm>>) target(%dma_start3A_260 : memref<512xi32, #tpu.memory_space<vmem>>) target_semaphore(%arg24 : memref<!tpu.dma_semaphore, #tpu.memory_space<semaphore_mem>>)
    %dma_start3A_262 = arith.constant 15360 : i32
    %dma_start3A_263 = tpu.memref_slice %arg19[%dma_start3A_262] : memref<22528xi32, #tpu.memory_space<vmem>> -> memref<512xi32, #tpu.memory_space<vmem>>
    %dma_start3A_264 = tpu.memref_slice %arg10[%add3A_58] : memref<327680xi32, #tpu.memory_space<hbm>> -> memref<512xi32, #tpu.memory_space<hbm>>
    %dma_start3A_265 = arith.constant 15360 : i32
    %dma_start3A_266 = tpu.memref_slice %arg19[%dma_start3A_265] : memref<22528xi32, #tpu.memory_space<vmem>> -> memref<512xi32, #tpu.memory_space<vmem>>
    %dma_start3A_267 = tpu.memref_slice %arg10[%add3A_58] : memref<327680xi32, #tpu.memory_space<hbm>> -> memref<512xi32, #tpu.memory_space<hbm>>
    tpu.enqueue_dma source(%dma_start3A_267 : memref<512xi32, #tpu.memory_space<hbm>>) target(%dma_start3A_266 : memref<512xi32, #tpu.memory_space<vmem>>) target_semaphore(%arg24 : memref<!tpu.dma_semaphore, #tpu.memory_space<semaphore_mem>>)
    %dma_start3A_268 = arith.constant 15872 : i32
    %dma_start3A_269 = tpu.memref_slice %arg19[%dma_start3A_268] : memref<22528xi32, #tpu.memory_space<vmem>> -> memref<512xi32, #tpu.memory_space<vmem>>
    %dma_start3A_270 = tpu.memref_slice %arg10[%add3A_60] : memref<327680xi32, #tpu.memory_space<hbm>> -> memref<512xi32, #tpu.memory_space<hbm>>
    %dma_start3A_271 = arith.constant 15872 : i32
    %dma_start3A_272 = tpu.memref_slice %arg19[%dma_start3A_271] : memref<22528xi32, #tpu.memory_space<vmem>> -> memref<512xi32, #tpu.memory_space<vmem>>
    %dma_start3A_273 = tpu.memref_slice %arg10[%add3A_60] : memref<327680xi32, #tpu.memory_space<hbm>> -> memref<512xi32, #tpu.memory_space<hbm>>
    tpu.enqueue_dma source(%dma_start3A_273 : memref<512xi32, #tpu.memory_space<hbm>>) target(%dma_start3A_272 : memref<512xi32, #tpu.memory_space<vmem>>) target_semaphore(%arg24 : memref<!tpu.dma_semaphore, #tpu.memory_space<semaphore_mem>>)
    %dma_start3A_274 = arith.constant 16384 : i32
    %dma_start3A_275 = tpu.memref_slice %arg19[%dma_start3A_274] : memref<22528xi32, #tpu.memory_space<vmem>> -> memref<512xi32, #tpu.memory_space<vmem>>
    %dma_start3A_276 = tpu.memref_slice %arg10[%add3A_62] : memref<327680xi32, #tpu.memory_space<hbm>> -> memref<512xi32, #tpu.memory_space<hbm>>
    %dma_start3A_277 = arith.constant 16384 : i32
    %dma_start3A_278 = tpu.memref_slice %arg19[%dma_start3A_277] : memref<22528xi32, #tpu.memory_space<vmem>> -> memref<512xi32, #tpu.memory_space<vmem>>
    %dma_start3A_279 = tpu.memref_slice %arg10[%add3A_62] : memref<327680xi32, #tpu.memory_space<hbm>> -> memref<512xi32, #tpu.memory_space<hbm>>
    tpu.enqueue_dma source(%dma_start3A_279 : memref<512xi32, #tpu.memory_space<hbm>>) target(%dma_start3A_278 : memref<512xi32, #tpu.memory_space<vmem>>) target_semaphore(%arg24 : memref<!tpu.dma_semaphore, #tpu.memory_space<semaphore_mem>>)
    %dma_start3A_280 = arith.constant 16896 : i32
    %dma_start3A_281 = tpu.memref_slice %arg19[%dma_start3A_280] : memref<22528xi32, #tpu.memory_space<vmem>> -> memref<512xi32, #tpu.memory_space<vmem>>
    %dma_start3A_282 = tpu.memref_slice %arg10[%add3A_64] : memref<327680xi32, #tpu.memory_space<hbm>> -> memref<512xi32, #tpu.memory_space<hbm>>
    %dma_start3A_283 = arith.constant 16896 : i32
    %dma_start3A_284 = tpu.memref_slice %arg19[%dma_start3A_283] : memref<22528xi32, #tpu.memory_space<vmem>> -> memref<512xi32, #tpu.memory_space<vmem>>
    %dma_start3A_285 = tpu.memref_slice %arg10[%add3A_64] : memref<327680xi32, #tpu.memory_space<hbm>> -> memref<512xi32, #tpu.memory_space<hbm>>
    tpu.enqueue_dma source(%dma_start3A_285 : memref<512xi32, #tpu.memory_space<hbm>>) target(%dma_start3A_284 : memref<512xi32, #tpu.memory_space<vmem>>) target_semaphore(%arg24 : memref<!tpu.dma_semaphore, #tpu.memory_space<semaphore_mem>>)
    %dma_start3A_286 = arith.constant 17408 : i32
    %dma_start3A_287 = tpu.memref_slice %arg19[%dma_start3A_286] : memref<22528xi32, #tpu.memory_space<vmem>> -> memref<512xi32, #tpu.memory_space<vmem>>
    %dma_start3A_288 = tpu.memref_slice %arg10[%add3A_66] : memref<327680xi32, #tpu.memory_space<hbm>> -> memref<512xi32, #tpu.memory_space<hbm>>
    %dma_start3A_289 = arith.constant 17408 : i32
    %dma_start3A_290 = tpu.memref_slice %arg19[%dma_start3A_289] : memref<22528xi32, #tpu.memory_space<vmem>> -> memref<512xi32, #tpu.memory_space<vmem>>
    %dma_start3A_291 = tpu.memref_slice %arg10[%add3A_66] : memref<327680xi32, #tpu.memory_space<hbm>> -> memref<512xi32, #tpu.memory_space<hbm>>
    tpu.enqueue_dma source(%dma_start3A_291 : memref<512xi32, #tpu.memory_space<hbm>>) target(%dma_start3A_290 : memref<512xi32, #tpu.memory_space<vmem>>) target_semaphore(%arg24 : memref<!tpu.dma_semaphore, #tpu.memory_space<semaphore_mem>>)
    %dma_start3A_292 = arith.constant 17920 : i32
    %dma_start3A_293 = tpu.memref_slice %arg19[%dma_start3A_292] : memref<22528xi32, #tpu.memory_space<vmem>> -> memref<512xi32, #tpu.memory_space<vmem>>
    %dma_start3A_294 = tpu.memref_slice %arg10[%add3A_68] : memref<327680xi32, #tpu.memory_space<hbm>> -> memref<512xi32, #tpu.memory_space<hbm>>
    %dma_start3A_295 = arith.constant 17920 : i32
    %dma_start3A_296 = tpu.memref_slice %arg19[%dma_start3A_295] : memref<22528xi32, #tpu.memory_space<vmem>> -> memref<512xi32, #tpu.memory_space<vmem>>
    %dma_start3A_297 = tpu.memref_slice %arg10[%add3A_68] : memref<327680xi32, #tpu.memory_space<hbm>> -> memref<512xi32, #tpu.memory_space<hbm>>
    tpu.enqueue_dma source(%dma_start3A_297 : memref<512xi32, #tpu.memory_space<hbm>>) target(%dma_start3A_296 : memref<512xi32, #tpu.memory_space<vmem>>) target_semaphore(%arg24 : memref<!tpu.dma_semaphore, #tpu.memory_space<semaphore_mem>>)
    %dma_start3A_298 = arith.constant 18432 : i32
    %dma_start3A_299 = tpu.memref_slice %arg19[%dma_start3A_298] : memref<22528xi32, #tpu.memory_space<vmem>> -> memref<512xi32, #tpu.memory_space<vmem>>
    %dma_start3A_300 = tpu.memref_slice %arg10[%add3A_70] : memref<327680xi32, #tpu.memory_space<hbm>> -> memref<512xi32, #tpu.memory_space<hbm>>
    %dma_start3A_301 = arith.constant 18432 : i32
    %dma_start3A_302 = tpu.memref_slice %arg19[%dma_start3A_301] : memref<22528xi32, #tpu.memory_space<vmem>> -> memref<512xi32, #tpu.memory_space<vmem>>
    %dma_start3A_303 = tpu.memref_slice %arg10[%add3A_70] : memref<327680xi32, #tpu.memory_space<hbm>> -> memref<512xi32, #tpu.memory_space<hbm>>
    tpu.enqueue_dma source(%dma_start3A_303 : memref<512xi32, #tpu.memory_space<hbm>>) target(%dma_start3A_302 : memref<512xi32, #tpu.memory_space<vmem>>) target_semaphore(%arg24 : memref<!tpu.dma_semaphore, #tpu.memory_space<semaphore_mem>>)
    %dma_start3A_304 = arith.constant 18944 : i32
    %dma_start3A_305 = tpu.memref_slice %arg19[%dma_start3A_304] : memref<22528xi32, #tpu.memory_space<vmem>> -> memref<512xi32, #tpu.memory_space<vmem>>
    %dma_start3A_306 = tpu.memref_slice %arg10[%add3A_72] : memref<327680xi32, #tpu.memory_space<hbm>> -> memref<512xi32, #tpu.memory_space<hbm>>
    %dma_start3A_307 = arith.constant 18944 : i32
    %dma_start3A_308 = tpu.memref_slice %arg19[%dma_start3A_307] : memref<22528xi32, #tpu.memory_space<vmem>> -> memref<512xi32, #tpu.memory_space<vmem>>
    %dma_start3A_309 = tpu.memref_slice %arg10[%add3A_72] : memref<327680xi32, #tpu.memory_space<hbm>> -> memref<512xi32, #tpu.memory_space<hbm>>
    tpu.enqueue_dma source(%dma_start3A_309 : memref<512xi32, #tpu.memory_space<hbm>>) target(%dma_start3A_308 : memref<512xi32, #tpu.memory_space<vmem>>) target_semaphore(%arg24 : memref<!tpu.dma_semaphore, #tpu.memory_space<semaphore_mem>>)
    %dma_start3A_310 = arith.constant 19456 : i32
    %dma_start3A_311 = tpu.memref_slice %arg19[%dma_start3A_310] : memref<22528xi32, #tpu.memory_space<vmem>> -> memref<512xi32, #tpu.memory_space<vmem>>
    %dma_start3A_312 = tpu.memref_slice %arg10[%add3A_74] : memref<327680xi32, #tpu.memory_space<hbm>> -> memref<512xi32, #tpu.memory_space<hbm>>
    %dma_start3A_313 = arith.constant 19456 : i32
    %dma_start3A_314 = tpu.memref_slice %arg19[%dma_start3A_313] : memref<22528xi32, #tpu.memory_space<vmem>> -> memref<512xi32, #tpu.memory_space<vmem>>
    %dma_start3A_315 = tpu.memref_slice %arg10[%add3A_74] : memref<327680xi32, #tpu.memory_space<hbm>> -> memref<512xi32, #tpu.memory_space<hbm>>
    tpu.enqueue_dma source(%dma_start3A_315 : memref<512xi32, #tpu.memory_space<hbm>>) target(%dma_start3A_314 : memref<512xi32, #tpu.memory_space<vmem>>) target_semaphore(%arg24 : memref<!tpu.dma_semaphore, #tpu.memory_space<semaphore_mem>>)
    %dma_start3A_316 = arith.constant 19968 : i32
    %dma_start3A_317 = tpu.memref_slice %arg19[%dma_start3A_316] : memref<22528xi32, #tpu.memory_space<vmem>> -> memref<512xi32, #tpu.memory_space<vmem>>
    %dma_start3A_318 = tpu.memref_slice %arg10[%add3A_76] : memref<327680xi32, #tpu.memory_space<hbm>> -> memref<512xi32, #tpu.memory_space<hbm>>
    %dma_start3A_319 = arith.constant 19968 : i32
    %dma_start3A_320 = tpu.memref_slice %arg19[%dma_start3A_319] : memref<22528xi32, #tpu.memory_space<vmem>> -> memref<512xi32, #tpu.memory_space<vmem>>
    %dma_start3A_321 = tpu.memref_slice %arg10[%add3A_76] : memref<327680xi32, #tpu.memory_space<hbm>> -> memref<512xi32, #tpu.memory_space<hbm>>
    tpu.enqueue_dma source(%dma_start3A_321 : memref<512xi32, #tpu.memory_space<hbm>>) target(%dma_start3A_320 : memref<512xi32, #tpu.memory_space<vmem>>) target_semaphore(%arg24 : memref<!tpu.dma_semaphore, #tpu.memory_space<semaphore_mem>>)
    %dma_start3A_322 = arith.constant 20480 : i32
    %dma_start3A_323 = tpu.memref_slice %arg19[%dma_start3A_322] : memref<22528xi32, #tpu.memory_space<vmem>> -> memref<512xi32, #tpu.memory_space<vmem>>
    %dma_start3A_324 = tpu.memref_slice %arg10[%add3A_78] : memref<327680xi32, #tpu.memory_space<hbm>> -> memref<512xi32, #tpu.memory_space<hbm>>
    %dma_start3A_325 = arith.constant 20480 : i32
    %dma_start3A_326 = tpu.memref_slice %arg19[%dma_start3A_325] : memref<22528xi32, #tpu.memory_space<vmem>> -> memref<512xi32, #tpu.memory_space<vmem>>
    %dma_start3A_327 = tpu.memref_slice %arg10[%add3A_78] : memref<327680xi32, #tpu.memory_space<hbm>> -> memref<512xi32, #tpu.memory_space<hbm>>
    tpu.enqueue_dma source(%dma_start3A_327 : memref<512xi32, #tpu.memory_space<hbm>>) target(%dma_start3A_326 : memref<512xi32, #tpu.memory_space<vmem>>) target_semaphore(%arg24 : memref<!tpu.dma_semaphore, #tpu.memory_space<semaphore_mem>>)
    %dma_start3A_328 = arith.constant 20992 : i32
    %dma_start3A_329 = tpu.memref_slice %arg19[%dma_start3A_328] : memref<22528xi32, #tpu.memory_space<vmem>> -> memref<512xi32, #tpu.memory_space<vmem>>
    %dma_start3A_330 = tpu.memref_slice %arg10[%add3A_80] : memref<327680xi32, #tpu.memory_space<hbm>> -> memref<512xi32, #tpu.memory_space<hbm>>
    %dma_start3A_331 = arith.constant 20992 : i32
    %dma_start3A_332 = tpu.memref_slice %arg19[%dma_start3A_331] : memref<22528xi32, #tpu.memory_space<vmem>> -> memref<512xi32, #tpu.memory_space<vmem>>
    %dma_start3A_333 = tpu.memref_slice %arg10[%add3A_80] : memref<327680xi32, #tpu.memory_space<hbm>> -> memref<512xi32, #tpu.memory_space<hbm>>
    tpu.enqueue_dma source(%dma_start3A_333 : memref<512xi32, #tpu.memory_space<hbm>>) target(%dma_start3A_332 : memref<512xi32, #tpu.memory_space<vmem>>) target_semaphore(%arg24 : memref<!tpu.dma_semaphore, #tpu.memory_space<semaphore_mem>>)
    %dma_start3A_334 = arith.constant 21504 : i32
    %dma_start3A_335 = tpu.memref_slice %arg19[%dma_start3A_334] : memref<22528xi32, #tpu.memory_space<vmem>> -> memref<512xi32, #tpu.memory_space<vmem>>
    %dma_start3A_336 = tpu.memref_slice %arg10[%add3A_82] : memref<327680xi32, #tpu.memory_space<hbm>> -> memref<512xi32, #tpu.memory_space<hbm>>
    %dma_start3A_337 = arith.constant 21504 : i32
    %dma_start3A_338 = tpu.memref_slice %arg19[%dma_start3A_337] : memref<22528xi32, #tpu.memory_space<vmem>> -> memref<512xi32, #tpu.memory_space<vmem>>
    %dma_start3A_339 = tpu.memref_slice %arg10[%add3A_82] : memref<327680xi32, #tpu.memory_space<hbm>> -> memref<512xi32, #tpu.memory_space<hbm>>
    tpu.enqueue_dma source(%dma_start3A_339 : memref<512xi32, #tpu.memory_space<hbm>>) target(%dma_start3A_338 : memref<512xi32, #tpu.memory_space<vmem>>) target_semaphore(%arg24 : memref<!tpu.dma_semaphore, #tpu.memory_space<semaphore_mem>>)
    %dma_wait3A = arith.constant 0 : i32
    %dma_wait3A_340 = tpu.memref_slice %arg19[%dma_wait3A] : memref<22528xi32, #tpu.memory_space<vmem>> -> memref<512xi32, #tpu.memory_space<vmem>>
    %dma_wait3A_341 = tpu.memref_slice %arg6[%mul3A_2] : memref<16384xi32, #tpu.memory_space<hbm>> -> memref<512xi32, #tpu.memory_space<hbm>>
    %dma_wait3A_342 = arith.constant 0 : i32
    %dma_wait3A_343 = tpu.memref_slice %arg19[%dma_wait3A_342] : memref<22528xi32, #tpu.memory_space<vmem>> -> memref<512xi32, #tpu.memory_space<vmem>>
    %dma_wait3A_344 = tpu.memref_slice %arg6[%mul3A_2] : memref<16384xi32, #tpu.memory_space<hbm>> -> memref<512xi32, #tpu.memory_space<hbm>>
    tpu.wait_dma2 semaphore(%arg24 : memref<!tpu.dma_semaphore, #tpu.memory_space<semaphore_mem>>) src(%dma_wait3A_344 : memref<512xi32, #tpu.memory_space<hbm>>) dst(%dma_wait3A_343 : memref<512xi32, #tpu.memory_space<vmem>>)
    %dma_wait3A_345 = arith.constant 512 : i32
    %dma_wait3A_346 = tpu.memref_slice %arg19[%dma_wait3A_345] : memref<22528xi32, #tpu.memory_space<vmem>> -> memref<512xi32, #tpu.memory_space<vmem>>
    %dma_wait3A_347 = tpu.memref_slice %arg7[%mul3A_2] : memref<16384xi32, #tpu.memory_space<hbm>> -> memref<512xi32, #tpu.memory_space<hbm>>
    %dma_wait3A_348 = arith.constant 512 : i32
    %dma_wait3A_349 = tpu.memref_slice %arg19[%dma_wait3A_348] : memref<22528xi32, #tpu.memory_space<vmem>> -> memref<512xi32, #tpu.memory_space<vmem>>
    %dma_wait3A_350 = tpu.memref_slice %arg7[%mul3A_2] : memref<16384xi32, #tpu.memory_space<hbm>> -> memref<512xi32, #tpu.memory_space<hbm>>
    tpu.wait_dma2 semaphore(%arg24 : memref<!tpu.dma_semaphore, #tpu.memory_space<semaphore_mem>>) src(%dma_wait3A_350 : memref<512xi32, #tpu.memory_space<hbm>>) dst(%dma_wait3A_349 : memref<512xi32, #tpu.memory_space<vmem>>)
    %dma_wait3A_351 = arith.constant 1024 : i32
    %dma_wait3A_352 = tpu.memref_slice %arg19[%dma_wait3A_351] : memref<22528xi32, #tpu.memory_space<vmem>> -> memref<512xi32, #tpu.memory_space<vmem>>
    %dma_wait3A_353 = tpu.memref_slice %arg9[%mul3A_2] : memref<16384xi32, #tpu.memory_space<hbm>> -> memref<512xi32, #tpu.memory_space<hbm>>
    %dma_wait3A_354 = arith.constant 1024 : i32
    %dma_wait3A_355 = tpu.memref_slice %arg19[%dma_wait3A_354] : memref<22528xi32, #tpu.memory_space<vmem>> -> memref<512xi32, #tpu.memory_space<vmem>>
    %dma_wait3A_356 = tpu.memref_slice %arg9[%mul3A_2] : memref<16384xi32, #tpu.memory_space<hbm>> -> memref<512xi32, #tpu.memory_space<hbm>>
    tpu.wait_dma2 semaphore(%arg24 : memref<!tpu.dma_semaphore, #tpu.memory_space<semaphore_mem>>) src(%dma_wait3A_356 : memref<512xi32, #tpu.memory_space<hbm>>) dst(%dma_wait3A_355 : memref<512xi32, #tpu.memory_space<vmem>>)
    %dma_wait3A_357 = arith.constant 1536 : i32
    %dma_wait3A_358 = tpu.memref_slice %arg19[%dma_wait3A_357] : memref<22528xi32, #tpu.memory_space<vmem>> -> memref<512xi32, #tpu.memory_space<vmem>>
    %dma_wait3A_359 = tpu.memref_slice %arg8[%add3A_4] : memref<327680xi32, #tpu.memory_space<hbm>> -> memref<512xi32, #tpu.memory_space<hbm>>
    %dma_wait3A_360 = arith.constant 1536 : i32
    %dma_wait3A_361 = tpu.memref_slice %arg19[%dma_wait3A_360] : memref<22528xi32, #tpu.memory_space<vmem>> -> memref<512xi32, #tpu.memory_space<vmem>>
    %dma_wait3A_362 = tpu.memref_slice %arg8[%add3A_4] : memref<327680xi32, #tpu.memory_space<hbm>> -> memref<512xi32, #tpu.memory_space<hbm>>
    tpu.wait_dma2 semaphore(%arg24 : memref<!tpu.dma_semaphore, #tpu.memory_space<semaphore_mem>>) src(%dma_wait3A_362 : memref<512xi32, #tpu.memory_space<hbm>>) dst(%dma_wait3A_361 : memref<512xi32, #tpu.memory_space<vmem>>)
    %dma_wait3A_363 = arith.constant 2048 : i32
    %dma_wait3A_364 = tpu.memref_slice %arg19[%dma_wait3A_363] : memref<22528xi32, #tpu.memory_space<vmem>> -> memref<512xi32, #tpu.memory_space<vmem>>
    %dma_wait3A_365 = tpu.memref_slice %arg8[%add3A_6] : memref<327680xi32, #tpu.memory_space<hbm>> -> memref<512xi32, #tpu.memory_space<hbm>>
    %dma_wait3A_366 = arith.constant 2048 : i32
    %dma_wait3A_367 = tpu.memref_slice %arg19[%dma_wait3A_366] : memref<22528xi32, #tpu.memory_space<vmem>> -> memref<512xi32, #tpu.memory_space<vmem>>
    %dma_wait3A_368 = tpu.memref_slice %arg8[%add3A_6] : memref<327680xi32, #tpu.memory_space<hbm>> -> memref<512xi32, #tpu.memory_space<hbm>>
    tpu.wait_dma2 semaphore(%arg24 : memref<!tpu.dma_semaphore, #tpu.memory_space<semaphore_mem>>) src(%dma_wait3A_368 : memref<512xi32, #tpu.memory_space<hbm>>) dst(%dma_wait3A_367 : memref<512xi32, #tpu.memory_space<vmem>>)
    %dma_wait3A_369 = arith.constant 2560 : i32
    %dma_wait3A_370 = tpu.memref_slice %arg19[%dma_wait3A_369] : memref<22528xi32, #tpu.memory_space<vmem>> -> memref<512xi32, #tpu.memory_space<vmem>>
    %dma_wait3A_371 = tpu.memref_slice %arg8[%add3A_8] : memref<327680xi32, #tpu.memory_space<hbm>> -> memref<512xi32, #tpu.memory_space<hbm>>
    %dma_wait3A_372 = arith.constant 2560 : i32
    %dma_wait3A_373 = tpu.memref_slice %arg19[%dma_wait3A_372] : memref<22528xi32, #tpu.memory_space<vmem>> -> memref<512xi32, #tpu.memory_space<vmem>>
    %dma_wait3A_374 = tpu.memref_slice %arg8[%add3A_8] : memref<327680xi32, #tpu.memory_space<hbm>> -> memref<512xi32, #tpu.memory_space<hbm>>
    tpu.wait_dma2 semaphore(%arg24 : memref<!tpu.dma_semaphore, #tpu.memory_space<semaphore_mem>>) src(%dma_wait3A_374 : memref<512xi32, #tpu.memory_space<hbm>>) dst(%dma_wait3A_373 : memref<512xi32, #tpu.memory_space<vmem>>)
    %dma_wait3A_375 = arith.constant 3072 : i32
    %dma_wait3A_376 = tpu.memref_slice %arg19[%dma_wait3A_375] : memref<22528xi32, #tpu.memory_space<vmem>> -> memref<512xi32, #tpu.memory_space<vmem>>
    %dma_wait3A_377 = tpu.memref_slice %arg8[%add3A_10] : memref<327680xi32, #tpu.memory_space<hbm>> -> memref<512xi32, #tpu.memory_space<hbm>>
    %dma_wait3A_378 = arith.constant 3072 : i32
    %dma_wait3A_379 = tpu.memref_slice %arg19[%dma_wait3A_378] : memref<22528xi32, #tpu.memory_space<vmem>> -> memref<512xi32, #tpu.memory_space<vmem>>
    %dma_wait3A_380 = tpu.memref_slice %arg8[%add3A_10] : memref<327680xi32, #tpu.memory_space<hbm>> -> memref<512xi32, #tpu.memory_space<hbm>>
    tpu.wait_dma2 semaphore(%arg24 : memref<!tpu.dma_semaphore, #tpu.memory_space<semaphore_mem>>) src(%dma_wait3A_380 : memref<512xi32, #tpu.memory_space<hbm>>) dst(%dma_wait3A_379 : memref<512xi32, #tpu.memory_space<vmem>>)
    %dma_wait3A_381 = arith.constant 3584 : i32
    %dma_wait3A_382 = tpu.memref_slice %arg19[%dma_wait3A_381] : memref<22528xi32, #tpu.memory_space<vmem>> -> memref<512xi32, #tpu.memory_space<vmem>>
    %dma_wait3A_383 = tpu.memref_slice %arg8[%add3A_12] : memref<327680xi32, #tpu.memory_space<hbm>> -> memref<512xi32, #tpu.memory_space<hbm>>
    %dma_wait3A_384 = arith.constant 3584 : i32
    %dma_wait3A_385 = tpu.memref_slice %arg19[%dma_wait3A_384] : memref<22528xi32, #tpu.memory_space<vmem>> -> memref<512xi32, #tpu.memory_space<vmem>>
    %dma_wait3A_386 = tpu.memref_slice %arg8[%add3A_12] : memref<327680xi32, #tpu.memory_space<hbm>> -> memref<512xi32, #tpu.memory_space<hbm>>
    tpu.wait_dma2 semaphore(%arg24 : memref<!tpu.dma_semaphore, #tpu.memory_space<semaphore_mem>>) src(%dma_wait3A_386 : memref<512xi32, #tpu.memory_space<hbm>>) dst(%dma_wait3A_385 : memref<512xi32, #tpu.memory_space<vmem>>)
    %dma_wait3A_387 = arith.constant 4096 : i32
    %dma_wait3A_388 = tpu.memref_slice %arg19[%dma_wait3A_387] : memref<22528xi32, #tpu.memory_space<vmem>> -> memref<512xi32, #tpu.memory_space<vmem>>
    %dma_wait3A_389 = tpu.memref_slice %arg8[%add3A_14] : memref<327680xi32, #tpu.memory_space<hbm>> -> memref<512xi32, #tpu.memory_space<hbm>>
    %dma_wait3A_390 = arith.constant 4096 : i32
    %dma_wait3A_391 = tpu.memref_slice %arg19[%dma_wait3A_390] : memref<22528xi32, #tpu.memory_space<vmem>> -> memref<512xi32, #tpu.memory_space<vmem>>
    %dma_wait3A_392 = tpu.memref_slice %arg8[%add3A_14] : memref<327680xi32, #tpu.memory_space<hbm>> -> memref<512xi32, #tpu.memory_space<hbm>>
    tpu.wait_dma2 semaphore(%arg24 : memref<!tpu.dma_semaphore, #tpu.memory_space<semaphore_mem>>) src(%dma_wait3A_392 : memref<512xi32, #tpu.memory_space<hbm>>) dst(%dma_wait3A_391 : memref<512xi32, #tpu.memory_space<vmem>>)
    %dma_wait3A_393 = arith.constant 4608 : i32
    %dma_wait3A_394 = tpu.memref_slice %arg19[%dma_wait3A_393] : memref<22528xi32, #tpu.memory_space<vmem>> -> memref<512xi32, #tpu.memory_space<vmem>>
    %dma_wait3A_395 = tpu.memref_slice %arg8[%add3A_16] : memref<327680xi32, #tpu.memory_space<hbm>> -> memref<512xi32, #tpu.memory_space<hbm>>
    %dma_wait3A_396 = arith.constant 4608 : i32
    %dma_wait3A_397 = tpu.memref_slice %arg19[%dma_wait3A_396] : memref<22528xi32, #tpu.memory_space<vmem>> -> memref<512xi32, #tpu.memory_space<vmem>>
    %dma_wait3A_398 = tpu.memref_slice %arg8[%add3A_16] : memref<327680xi32, #tpu.memory_space<hbm>> -> memref<512xi32, #tpu.memory_space<hbm>>
    tpu.wait_dma2 semaphore(%arg24 : memref<!tpu.dma_semaphore, #tpu.memory_space<semaphore_mem>>) src(%dma_wait3A_398 : memref<512xi32, #tpu.memory_space<hbm>>) dst(%dma_wait3A_397 : memref<512xi32, #tpu.memory_space<vmem>>)
    %dma_wait3A_399 = arith.constant 5120 : i32
    %dma_wait3A_400 = tpu.memref_slice %arg19[%dma_wait3A_399] : memref<22528xi32, #tpu.memory_space<vmem>> -> memref<512xi32, #tpu.memory_space<vmem>>
    %dma_wait3A_401 = tpu.memref_slice %arg8[%add3A_18] : memref<327680xi32, #tpu.memory_space<hbm>> -> memref<512xi32, #tpu.memory_space<hbm>>
    %dma_wait3A_402 = arith.constant 5120 : i32
    %dma_wait3A_403 = tpu.memref_slice %arg19[%dma_wait3A_402] : memref<22528xi32, #tpu.memory_space<vmem>> -> memref<512xi32, #tpu.memory_space<vmem>>
    %dma_wait3A_404 = tpu.memref_slice %arg8[%add3A_18] : memref<327680xi32, #tpu.memory_space<hbm>> -> memref<512xi32, #tpu.memory_space<hbm>>
    tpu.wait_dma2 semaphore(%arg24 : memref<!tpu.dma_semaphore, #tpu.memory_space<semaphore_mem>>) src(%dma_wait3A_404 : memref<512xi32, #tpu.memory_space<hbm>>) dst(%dma_wait3A_403 : memref<512xi32, #tpu.memory_space<vmem>>)
    %dma_wait3A_405 = arith.constant 5632 : i32
    %dma_wait3A_406 = tpu.memref_slice %arg19[%dma_wait3A_405] : memref<22528xi32, #tpu.memory_space<vmem>> -> memref<512xi32, #tpu.memory_space<vmem>>
    %dma_wait3A_407 = tpu.memref_slice %arg8[%add3A_20] : memref<327680xi32, #tpu.memory_space<hbm>> -> memref<512xi32, #tpu.memory_space<hbm>>
    %dma_wait3A_408 = arith.constant 5632 : i32
    %dma_wait3A_409 = tpu.memref_slice %arg19[%dma_wait3A_408] : memref<22528xi32, #tpu.memory_space<vmem>> -> memref<512xi32, #tpu.memory_space<vmem>>
    %dma_wait3A_410 = tpu.memref_slice %arg8[%add3A_20] : memref<327680xi32, #tpu.memory_space<hbm>> -> memref<512xi32, #tpu.memory_space<hbm>>
    tpu.wait_dma2 semaphore(%arg24 : memref<!tpu.dma_semaphore, #tpu.memory_space<semaphore_mem>>) src(%dma_wait3A_410 : memref<512xi32, #tpu.memory_space<hbm>>) dst(%dma_wait3A_409 : memref<512xi32, #tpu.memory_space<vmem>>)
    %dma_wait3A_411 = arith.constant 6144 : i32
    %dma_wait3A_412 = tpu.memref_slice %arg19[%dma_wait3A_411] : memref<22528xi32, #tpu.memory_space<vmem>> -> memref<512xi32, #tpu.memory_space<vmem>>
    %dma_wait3A_413 = tpu.memref_slice %arg8[%add3A_22] : memref<327680xi32, #tpu.memory_space<hbm>> -> memref<512xi32, #tpu.memory_space<hbm>>
    %dma_wait3A_414 = arith.constant 6144 : i32
    %dma_wait3A_415 = tpu.memref_slice %arg19[%dma_wait3A_414] : memref<22528xi32, #tpu.memory_space<vmem>> -> memref<512xi32, #tpu.memory_space<vmem>>
    %dma_wait3A_416 = tpu.memref_slice %arg8[%add3A_22] : memref<327680xi32, #tpu.memory_space<hbm>> -> memref<512xi32, #tpu.memory_space<hbm>>
    tpu.wait_dma2 semaphore(%arg24 : memref<!tpu.dma_semaphore, #tpu.memory_space<semaphore_mem>>) src(%dma_wait3A_416 : memref<512xi32, #tpu.memory_space<hbm>>) dst(%dma_wait3A_415 : memref<512xi32, #tpu.memory_space<vmem>>)
    %dma_wait3A_417 = arith.constant 6656 : i32
    %dma_wait3A_418 = tpu.memref_slice %arg19[%dma_wait3A_417] : memref<22528xi32, #tpu.memory_space<vmem>> -> memref<512xi32, #tpu.memory_space<vmem>>
    %dma_wait3A_419 = tpu.memref_slice %arg8[%add3A_24] : memref<327680xi32, #tpu.memory_space<hbm>> -> memref<512xi32, #tpu.memory_space<hbm>>
    %dma_wait3A_420 = arith.constant 6656 : i32
    %dma_wait3A_421 = tpu.memref_slice %arg19[%dma_wait3A_420] : memref<22528xi32, #tpu.memory_space<vmem>> -> memref<512xi32, #tpu.memory_space<vmem>>
    %dma_wait3A_422 = tpu.memref_slice %arg8[%add3A_24] : memref<327680xi32, #tpu.memory_space<hbm>> -> memref<512xi32, #tpu.memory_space<hbm>>
    tpu.wait_dma2 semaphore(%arg24 : memref<!tpu.dma_semaphore, #tpu.memory_space<semaphore_mem>>) src(%dma_wait3A_422 : memref<512xi32, #tpu.memory_space<hbm>>) dst(%dma_wait3A_421 : memref<512xi32, #tpu.memory_space<vmem>>)
    %dma_wait3A_423 = arith.constant 7168 : i32
    %dma_wait3A_424 = tpu.memref_slice %arg19[%dma_wait3A_423] : memref<22528xi32, #tpu.memory_space<vmem>> -> memref<512xi32, #tpu.memory_space<vmem>>
    %dma_wait3A_425 = tpu.memref_slice %arg8[%add3A_26] : memref<327680xi32, #tpu.memory_space<hbm>> -> memref<512xi32, #tpu.memory_space<hbm>>
    %dma_wait3A_426 = arith.constant 7168 : i32
    %dma_wait3A_427 = tpu.memref_slice %arg19[%dma_wait3A_426] : memref<22528xi32, #tpu.memory_space<vmem>> -> memref<512xi32, #tpu.memory_space<vmem>>
    %dma_wait3A_428 = tpu.memref_slice %arg8[%add3A_26] : memref<327680xi32, #tpu.memory_space<hbm>> -> memref<512xi32, #tpu.memory_space<hbm>>
    tpu.wait_dma2 semaphore(%arg24 : memref<!tpu.dma_semaphore, #tpu.memory_space<semaphore_mem>>) src(%dma_wait3A_428 : memref<512xi32, #tpu.memory_space<hbm>>) dst(%dma_wait3A_427 : memref<512xi32, #tpu.memory_space<vmem>>)
    %dma_wait3A_429 = arith.constant 7680 : i32
    %dma_wait3A_430 = tpu.memref_slice %arg19[%dma_wait3A_429] : memref<22528xi32, #tpu.memory_space<vmem>> -> memref<512xi32, #tpu.memory_space<vmem>>
    %dma_wait3A_431 = tpu.memref_slice %arg8[%add3A_28] : memref<327680xi32, #tpu.memory_space<hbm>> -> memref<512xi32, #tpu.memory_space<hbm>>
    %dma_wait3A_432 = arith.constant 7680 : i32
    %dma_wait3A_433 = tpu.memref_slice %arg19[%dma_wait3A_432] : memref<22528xi32, #tpu.memory_space<vmem>> -> memref<512xi32, #tpu.memory_space<vmem>>
    %dma_wait3A_434 = tpu.memref_slice %arg8[%add3A_28] : memref<327680xi32, #tpu.memory_space<hbm>> -> memref<512xi32, #tpu.memory_space<hbm>>
    tpu.wait_dma2 semaphore(%arg24 : memref<!tpu.dma_semaphore, #tpu.memory_space<semaphore_mem>>) src(%dma_wait3A_434 : memref<512xi32, #tpu.memory_space<hbm>>) dst(%dma_wait3A_433 : memref<512xi32, #tpu.memory_space<vmem>>)
    %dma_wait3A_435 = arith.constant 8192 : i32
    %dma_wait3A_436 = tpu.memref_slice %arg19[%dma_wait3A_435] : memref<22528xi32, #tpu.memory_space<vmem>> -> memref<512xi32, #tpu.memory_space<vmem>>
    %dma_wait3A_437 = tpu.memref_slice %arg8[%add3A_30] : memref<327680xi32, #tpu.memory_space<hbm>> -> memref<512xi32, #tpu.memory_space<hbm>>
    %dma_wait3A_438 = arith.constant 8192 : i32
    %dma_wait3A_439 = tpu.memref_slice %arg19[%dma_wait3A_438] : memref<22528xi32, #tpu.memory_space<vmem>> -> memref<512xi32, #tpu.memory_space<vmem>>
    %dma_wait3A_440 = tpu.memref_slice %arg8[%add3A_30] : memref<327680xi32, #tpu.memory_space<hbm>> -> memref<512xi32, #tpu.memory_space<hbm>>
    tpu.wait_dma2 semaphore(%arg24 : memref<!tpu.dma_semaphore, #tpu.memory_space<semaphore_mem>>) src(%dma_wait3A_440 : memref<512xi32, #tpu.memory_space<hbm>>) dst(%dma_wait3A_439 : memref<512xi32, #tpu.memory_space<vmem>>)
    %dma_wait3A_441 = arith.constant 8704 : i32
    %dma_wait3A_442 = tpu.memref_slice %arg19[%dma_wait3A_441] : memref<22528xi32, #tpu.memory_space<vmem>> -> memref<512xi32, #tpu.memory_space<vmem>>
    %dma_wait3A_443 = tpu.memref_slice %arg8[%add3A_32] : memref<327680xi32, #tpu.memory_space<hbm>> -> memref<512xi32, #tpu.memory_space<hbm>>
    %dma_wait3A_444 = arith.constant 8704 : i32
    %dma_wait3A_445 = tpu.memref_slice %arg19[%dma_wait3A_444] : memref<22528xi32, #tpu.memory_space<vmem>> -> memref<512xi32, #tpu.memory_space<vmem>>
    %dma_wait3A_446 = tpu.memref_slice %arg8[%add3A_32] : memref<327680xi32, #tpu.memory_space<hbm>> -> memref<512xi32, #tpu.memory_space<hbm>>
    tpu.wait_dma2 semaphore(%arg24 : memref<!tpu.dma_semaphore, #tpu.memory_space<semaphore_mem>>) src(%dma_wait3A_446 : memref<512xi32, #tpu.memory_space<hbm>>) dst(%dma_wait3A_445 : memref<512xi32, #tpu.memory_space<vmem>>)
    %dma_wait3A_447 = arith.constant 9216 : i32
    %dma_wait3A_448 = tpu.memref_slice %arg19[%dma_wait3A_447] : memref<22528xi32, #tpu.memory_space<vmem>> -> memref<512xi32, #tpu.memory_space<vmem>>
    %dma_wait3A_449 = tpu.memref_slice %arg8[%add3A_34] : memref<327680xi32, #tpu.memory_space<hbm>> -> memref<512xi32, #tpu.memory_space<hbm>>
    %dma_wait3A_450 = arith.constant 9216 : i32
    %dma_wait3A_451 = tpu.memref_slice %arg19[%dma_wait3A_450] : memref<22528xi32, #tpu.memory_space<vmem>> -> memref<512xi32, #tpu.memory_space<vmem>>
    %dma_wait3A_452 = tpu.memref_slice %arg8[%add3A_34] : memref<327680xi32, #tpu.memory_space<hbm>> -> memref<512xi32, #tpu.memory_space<hbm>>
    tpu.wait_dma2 semaphore(%arg24 : memref<!tpu.dma_semaphore, #tpu.memory_space<semaphore_mem>>) src(%dma_wait3A_452 : memref<512xi32, #tpu.memory_space<hbm>>) dst(%dma_wait3A_451 : memref<512xi32, #tpu.memory_space<vmem>>)
    %dma_wait3A_453 = arith.constant 9728 : i32
    %dma_wait3A_454 = tpu.memref_slice %arg19[%dma_wait3A_453] : memref<22528xi32, #tpu.memory_space<vmem>> -> memref<512xi32, #tpu.memory_space<vmem>>
    %dma_wait3A_455 = tpu.memref_slice %arg8[%add3A_36] : memref<327680xi32, #tpu.memory_space<hbm>> -> memref<512xi32, #tpu.memory_space<hbm>>
    %dma_wait3A_456 = arith.constant 9728 : i32
    %dma_wait3A_457 = tpu.memref_slice %arg19[%dma_wait3A_456] : memref<22528xi32, #tpu.memory_space<vmem>> -> memref<512xi32, #tpu.memory_space<vmem>>
    %dma_wait3A_458 = tpu.memref_slice %arg8[%add3A_36] : memref<327680xi32, #tpu.memory_space<hbm>> -> memref<512xi32, #tpu.memory_space<hbm>>
    tpu.wait_dma2 semaphore(%arg24 : memref<!tpu.dma_semaphore, #tpu.memory_space<semaphore_mem>>) src(%dma_wait3A_458 : memref<512xi32, #tpu.memory_space<hbm>>) dst(%dma_wait3A_457 : memref<512xi32, #tpu.memory_space<vmem>>)
    %dma_wait3A_459 = arith.constant 10240 : i32
    %dma_wait3A_460 = tpu.memref_slice %arg19[%dma_wait3A_459] : memref<22528xi32, #tpu.memory_space<vmem>> -> memref<512xi32, #tpu.memory_space<vmem>>
    %dma_wait3A_461 = tpu.memref_slice %arg8[%add3A_38] : memref<327680xi32, #tpu.memory_space<hbm>> -> memref<512xi32, #tpu.memory_space<hbm>>
    %dma_wait3A_462 = arith.constant 10240 : i32
    %dma_wait3A_463 = tpu.memref_slice %arg19[%dma_wait3A_462] : memref<22528xi32, #tpu.memory_space<vmem>> -> memref<512xi32, #tpu.memory_space<vmem>>
    %dma_wait3A_464 = tpu.memref_slice %arg8[%add3A_38] : memref<327680xi32, #tpu.memory_space<hbm>> -> memref<512xi32, #tpu.memory_space<hbm>>
    tpu.wait_dma2 semaphore(%arg24 : memref<!tpu.dma_semaphore, #tpu.memory_space<semaphore_mem>>) src(%dma_wait3A_464 : memref<512xi32, #tpu.memory_space<hbm>>) dst(%dma_wait3A_463 : memref<512xi32, #tpu.memory_space<vmem>>)
    %dma_wait3A_465 = arith.constant 10752 : i32
    %dma_wait3A_466 = tpu.memref_slice %arg19[%dma_wait3A_465] : memref<22528xi32, #tpu.memory_space<vmem>> -> memref<512xi32, #tpu.memory_space<vmem>>
    %dma_wait3A_467 = tpu.memref_slice %arg8[%add3A_40] : memref<327680xi32, #tpu.memory_space<hbm>> -> memref<512xi32, #tpu.memory_space<hbm>>
    %dma_wait3A_468 = arith.constant 10752 : i32
    %dma_wait3A_469 = tpu.memref_slice %arg19[%dma_wait3A_468] : memref<22528xi32, #tpu.memory_space<vmem>> -> memref<512xi32, #tpu.memory_space<vmem>>
    %dma_wait3A_470 = tpu.memref_slice %arg8[%add3A_40] : memref<327680xi32, #tpu.memory_space<hbm>> -> memref<512xi32, #tpu.memory_space<hbm>>
    tpu.wait_dma2 semaphore(%arg24 : memref<!tpu.dma_semaphore, #tpu.memory_space<semaphore_mem>>) src(%dma_wait3A_470 : memref<512xi32, #tpu.memory_space<hbm>>) dst(%dma_wait3A_469 : memref<512xi32, #tpu.memory_space<vmem>>)
    %dma_wait3A_471 = arith.constant 11264 : i32
    %dma_wait3A_472 = tpu.memref_slice %arg19[%dma_wait3A_471] : memref<22528xi32, #tpu.memory_space<vmem>> -> memref<512xi32, #tpu.memory_space<vmem>>
    %dma_wait3A_473 = tpu.memref_slice %arg8[%add3A_42] : memref<327680xi32, #tpu.memory_space<hbm>> -> memref<512xi32, #tpu.memory_space<hbm>>
    %dma_wait3A_474 = arith.constant 11264 : i32
    %dma_wait3A_475 = tpu.memref_slice %arg19[%dma_wait3A_474] : memref<22528xi32, #tpu.memory_space<vmem>> -> memref<512xi32, #tpu.memory_space<vmem>>
    %dma_wait3A_476 = tpu.memref_slice %arg8[%add3A_42] : memref<327680xi32, #tpu.memory_space<hbm>> -> memref<512xi32, #tpu.memory_space<hbm>>
    tpu.wait_dma2 semaphore(%arg24 : memref<!tpu.dma_semaphore, #tpu.memory_space<semaphore_mem>>) src(%dma_wait3A_476 : memref<512xi32, #tpu.memory_space<hbm>>) dst(%dma_wait3A_475 : memref<512xi32, #tpu.memory_space<vmem>>)
    %dma_wait3A_477 = arith.constant 11776 : i32
    %dma_wait3A_478 = tpu.memref_slice %arg19[%dma_wait3A_477] : memref<22528xi32, #tpu.memory_space<vmem>> -> memref<512xi32, #tpu.memory_space<vmem>>
    %dma_wait3A_479 = tpu.memref_slice %arg10[%add3A_44] : memref<327680xi32, #tpu.memory_space<hbm>> -> memref<512xi32, #tpu.memory_space<hbm>>
    %dma_wait3A_480 = arith.constant 11776 : i32
    %dma_wait3A_481 = tpu.memref_slice %arg19[%dma_wait3A_480] : memref<22528xi32, #tpu.memory_space<vmem>> -> memref<512xi32, #tpu.memory_space<vmem>>
    %dma_wait3A_482 = tpu.memref_slice %arg10[%add3A_44] : memref<327680xi32, #tpu.memory_space<hbm>> -> memref<512xi32, #tpu.memory_space<hbm>>
    tpu.wait_dma2 semaphore(%arg24 : memref<!tpu.dma_semaphore, #tpu.memory_space<semaphore_mem>>) src(%dma_wait3A_482 : memref<512xi32, #tpu.memory_space<hbm>>) dst(%dma_wait3A_481 : memref<512xi32, #tpu.memory_space<vmem>>)
    %dma_wait3A_483 = arith.constant 12288 : i32
    %dma_wait3A_484 = tpu.memref_slice %arg19[%dma_wait3A_483] : memref<22528xi32, #tpu.memory_space<vmem>> -> memref<512xi32, #tpu.memory_space<vmem>>
    %dma_wait3A_485 = tpu.memref_slice %arg10[%add3A_46] : memref<327680xi32, #tpu.memory_space<hbm>> -> memref<512xi32, #tpu.memory_space<hbm>>
    %dma_wait3A_486 = arith.constant 12288 : i32
    %dma_wait3A_487 = tpu.memref_slice %arg19[%dma_wait3A_486] : memref<22528xi32, #tpu.memory_space<vmem>> -> memref<512xi32, #tpu.memory_space<vmem>>
    %dma_wait3A_488 = tpu.memref_slice %arg10[%add3A_46] : memref<327680xi32, #tpu.memory_space<hbm>> -> memref<512xi32, #tpu.memory_space<hbm>>
    tpu.wait_dma2 semaphore(%arg24 : memref<!tpu.dma_semaphore, #tpu.memory_space<semaphore_mem>>) src(%dma_wait3A_488 : memref<512xi32, #tpu.memory_space<hbm>>) dst(%dma_wait3A_487 : memref<512xi32, #tpu.memory_space<vmem>>)
    %dma_wait3A_489 = arith.constant 12800 : i32
    %dma_wait3A_490 = tpu.memref_slice %arg19[%dma_wait3A_489] : memref<22528xi32, #tpu.memory_space<vmem>> -> memref<512xi32, #tpu.memory_space<vmem>>
    %dma_wait3A_491 = tpu.memref_slice %arg10[%add3A_48] : memref<327680xi32, #tpu.memory_space<hbm>> -> memref<512xi32, #tpu.memory_space<hbm>>
    %dma_wait3A_492 = arith.constant 12800 : i32
    %dma_wait3A_493 = tpu.memref_slice %arg19[%dma_wait3A_492] : memref<22528xi32, #tpu.memory_space<vmem>> -> memref<512xi32, #tpu.memory_space<vmem>>
    %dma_wait3A_494 = tpu.memref_slice %arg10[%add3A_48] : memref<327680xi32, #tpu.memory_space<hbm>> -> memref<512xi32, #tpu.memory_space<hbm>>
    tpu.wait_dma2 semaphore(%arg24 : memref<!tpu.dma_semaphore, #tpu.memory_space<semaphore_mem>>) src(%dma_wait3A_494 : memref<512xi32, #tpu.memory_space<hbm>>) dst(%dma_wait3A_493 : memref<512xi32, #tpu.memory_space<vmem>>)
    %dma_wait3A_495 = arith.constant 13312 : i32
    %dma_wait3A_496 = tpu.memref_slice %arg19[%dma_wait3A_495] : memref<22528xi32, #tpu.memory_space<vmem>> -> memref<512xi32, #tpu.memory_space<vmem>>
    %dma_wait3A_497 = tpu.memref_slice %arg10[%add3A_50] : memref<327680xi32, #tpu.memory_space<hbm>> -> memref<512xi32, #tpu.memory_space<hbm>>
    %dma_wait3A_498 = arith.constant 13312 : i32
    %dma_wait3A_499 = tpu.memref_slice %arg19[%dma_wait3A_498] : memref<22528xi32, #tpu.memory_space<vmem>> -> memref<512xi32, #tpu.memory_space<vmem>>
    %dma_wait3A_500 = tpu.memref_slice %arg10[%add3A_50] : memref<327680xi32, #tpu.memory_space<hbm>> -> memref<512xi32, #tpu.memory_space<hbm>>
    tpu.wait_dma2 semaphore(%arg24 : memref<!tpu.dma_semaphore, #tpu.memory_space<semaphore_mem>>) src(%dma_wait3A_500 : memref<512xi32, #tpu.memory_space<hbm>>) dst(%dma_wait3A_499 : memref<512xi32, #tpu.memory_space<vmem>>)
    %dma_wait3A_501 = arith.constant 13824 : i32
    %dma_wait3A_502 = tpu.memref_slice %arg19[%dma_wait3A_501] : memref<22528xi32, #tpu.memory_space<vmem>> -> memref<512xi32, #tpu.memory_space<vmem>>
    %dma_wait3A_503 = tpu.memref_slice %arg10[%add3A_52] : memref<327680xi32, #tpu.memory_space<hbm>> -> memref<512xi32, #tpu.memory_space<hbm>>
    %dma_wait3A_504 = arith.constant 13824 : i32
    %dma_wait3A_505 = tpu.memref_slice %arg19[%dma_wait3A_504] : memref<22528xi32, #tpu.memory_space<vmem>> -> memref<512xi32, #tpu.memory_space<vmem>>
    %dma_wait3A_506 = tpu.memref_slice %arg10[%add3A_52] : memref<327680xi32, #tpu.memory_space<hbm>> -> memref<512xi32, #tpu.memory_space<hbm>>
    tpu.wait_dma2 semaphore(%arg24 : memref<!tpu.dma_semaphore, #tpu.memory_space<semaphore_mem>>) src(%dma_wait3A_506 : memref<512xi32, #tpu.memory_space<hbm>>) dst(%dma_wait3A_505 : memref<512xi32, #tpu.memory_space<vmem>>)
    %dma_wait3A_507 = arith.constant 14336 : i32
    %dma_wait3A_508 = tpu.memref_slice %arg19[%dma_wait3A_507] : memref<22528xi32, #tpu.memory_space<vmem>> -> memref<512xi32, #tpu.memory_space<vmem>>
    %dma_wait3A_509 = tpu.memref_slice %arg10[%add3A_54] : memref<327680xi32, #tpu.memory_space<hbm>> -> memref<512xi32, #tpu.memory_space<hbm>>
    %dma_wait3A_510 = arith.constant 14336 : i32
    %dma_wait3A_511 = tpu.memref_slice %arg19[%dma_wait3A_510] : memref<22528xi32, #tpu.memory_space<vmem>> -> memref<512xi32, #tpu.memory_space<vmem>>
    %dma_wait3A_512 = tpu.memref_slice %arg10[%add3A_54] : memref<327680xi32, #tpu.memory_space<hbm>> -> memref<512xi32, #tpu.memory_space<hbm>>
    tpu.wait_dma2 semaphore(%arg24 : memref<!tpu.dma_semaphore, #tpu.memory_space<semaphore_mem>>) src(%dma_wait3A_512 : memref<512xi32, #tpu.memory_space<hbm>>) dst(%dma_wait3A_511 : memref<512xi32, #tpu.memory_space<vmem>>)
    %dma_wait3A_513 = arith.constant 14848 : i32
    %dma_wait3A_514 = tpu.memref_slice %arg19[%dma_wait3A_513] : memref<22528xi32, #tpu.memory_space<vmem>> -> memref<512xi32, #tpu.memory_space<vmem>>
    %dma_wait3A_515 = tpu.memref_slice %arg10[%add3A_56] : memref<327680xi32, #tpu.memory_space<hbm>> -> memref<512xi32, #tpu.memory_space<hbm>>
    %dma_wait3A_516 = arith.constant 14848 : i32
    %dma_wait3A_517 = tpu.memref_slice %arg19[%dma_wait3A_516] : memref<22528xi32, #tpu.memory_space<vmem>> -> memref<512xi32, #tpu.memory_space<vmem>>
    %dma_wait3A_518 = tpu.memref_slice %arg10[%add3A_56] : memref<327680xi32, #tpu.memory_space<hbm>> -> memref<512xi32, #tpu.memory_space<hbm>>
    tpu.wait_dma2 semaphore(%arg24 : memref<!tpu.dma_semaphore, #tpu.memory_space<semaphore_mem>>) src(%dma_wait3A_518 : memref<512xi32, #tpu.memory_space<hbm>>) dst(%dma_wait3A_517 : memref<512xi32, #tpu.memory_space<vmem>>)
    %dma_wait3A_519 = arith.constant 15360 : i32
    %dma_wait3A_520 = tpu.memref_slice %arg19[%dma_wait3A_519] : memref<22528xi32, #tpu.memory_space<vmem>> -> memref<512xi32, #tpu.memory_space<vmem>>
    %dma_wait3A_521 = tpu.memref_slice %arg10[%add3A_58] : memref<327680xi32, #tpu.memory_space<hbm>> -> memref<512xi32, #tpu.memory_space<hbm>>
    %dma_wait3A_522 = arith.constant 15360 : i32
    %dma_wait3A_523 = tpu.memref_slice %arg19[%dma_wait3A_522] : memref<22528xi32, #tpu.memory_space<vmem>> -> memref<512xi32, #tpu.memory_space<vmem>>
    %dma_wait3A_524 = tpu.memref_slice %arg10[%add3A_58] : memref<327680xi32, #tpu.memory_space<hbm>> -> memref<512xi32, #tpu.memory_space<hbm>>
    tpu.wait_dma2 semaphore(%arg24 : memref<!tpu.dma_semaphore, #tpu.memory_space<semaphore_mem>>) src(%dma_wait3A_524 : memref<512xi32, #tpu.memory_space<hbm>>) dst(%dma_wait3A_523 : memref<512xi32, #tpu.memory_space<vmem>>)
    %dma_wait3A_525 = arith.constant 15872 : i32
    %dma_wait3A_526 = tpu.memref_slice %arg19[%dma_wait3A_525] : memref<22528xi32, #tpu.memory_space<vmem>> -> memref<512xi32, #tpu.memory_space<vmem>>
    %dma_wait3A_527 = tpu.memref_slice %arg10[%add3A_60] : memref<327680xi32, #tpu.memory_space<hbm>> -> memref<512xi32, #tpu.memory_space<hbm>>
    %dma_wait3A_528 = arith.constant 15872 : i32
    %dma_wait3A_529 = tpu.memref_slice %arg19[%dma_wait3A_528] : memref<22528xi32, #tpu.memory_space<vmem>> -> memref<512xi32, #tpu.memory_space<vmem>>
    %dma_wait3A_530 = tpu.memref_slice %arg10[%add3A_60] : memref<327680xi32, #tpu.memory_space<hbm>> -> memref<512xi32, #tpu.memory_space<hbm>>
    tpu.wait_dma2 semaphore(%arg24 : memref<!tpu.dma_semaphore, #tpu.memory_space<semaphore_mem>>) src(%dma_wait3A_530 : memref<512xi32, #tpu.memory_space<hbm>>) dst(%dma_wait3A_529 : memref<512xi32, #tpu.memory_space<vmem>>)
    %dma_wait3A_531 = arith.constant 16384 : i32
    %dma_wait3A_532 = tpu.memref_slice %arg19[%dma_wait3A_531] : memref<22528xi32, #tpu.memory_space<vmem>> -> memref<512xi32, #tpu.memory_space<vmem>>
    %dma_wait3A_533 = tpu.memref_slice %arg10[%add3A_62] : memref<327680xi32, #tpu.memory_space<hbm>> -> memref<512xi32, #tpu.memory_space<hbm>>
    %dma_wait3A_534 = arith.constant 16384 : i32
    %dma_wait3A_535 = tpu.memref_slice %arg19[%dma_wait3A_534] : memref<22528xi32, #tpu.memory_space<vmem>> -> memref<512xi32, #tpu.memory_space<vmem>>
    %dma_wait3A_536 = tpu.memref_slice %arg10[%add3A_62] : memref<327680xi32, #tpu.memory_space<hbm>> -> memref<512xi32, #tpu.memory_space<hbm>>
    tpu.wait_dma2 semaphore(%arg24 : memref<!tpu.dma_semaphore, #tpu.memory_space<semaphore_mem>>) src(%dma_wait3A_536 : memref<512xi32, #tpu.memory_space<hbm>>) dst(%dma_wait3A_535 : memref<512xi32, #tpu.memory_space<vmem>>)
    %dma_wait3A_537 = arith.constant 16896 : i32
    %dma_wait3A_538 = tpu.memref_slice %arg19[%dma_wait3A_537] : memref<22528xi32, #tpu.memory_space<vmem>> -> memref<512xi32, #tpu.memory_space<vmem>>
    %dma_wait3A_539 = tpu.memref_slice %arg10[%add3A_64] : memref<327680xi32, #tpu.memory_space<hbm>> -> memref<512xi32, #tpu.memory_space<hbm>>
    %dma_wait3A_540 = arith.constant 16896 : i32
    %dma_wait3A_541 = tpu.memref_slice %arg19[%dma_wait3A_540] : memref<22528xi32, #tpu.memory_space<vmem>> -> memref<512xi32, #tpu.memory_space<vmem>>
    %dma_wait3A_542 = tpu.memref_slice %arg10[%add3A_64] : memref<327680xi32, #tpu.memory_space<hbm>> -> memref<512xi32, #tpu.memory_space<hbm>>
    tpu.wait_dma2 semaphore(%arg24 : memref<!tpu.dma_semaphore, #tpu.memory_space<semaphore_mem>>) src(%dma_wait3A_542 : memref<512xi32, #tpu.memory_space<hbm>>) dst(%dma_wait3A_541 : memref<512xi32, #tpu.memory_space<vmem>>)
    %dma_wait3A_543 = arith.constant 17408 : i32
    %dma_wait3A_544 = tpu.memref_slice %arg19[%dma_wait3A_543] : memref<22528xi32, #tpu.memory_space<vmem>> -> memref<512xi32, #tpu.memory_space<vmem>>
    %dma_wait3A_545 = tpu.memref_slice %arg10[%add3A_66] : memref<327680xi32, #tpu.memory_space<hbm>> -> memref<512xi32, #tpu.memory_space<hbm>>
    %dma_wait3A_546 = arith.constant 17408 : i32
    %dma_wait3A_547 = tpu.memref_slice %arg19[%dma_wait3A_546] : memref<22528xi32, #tpu.memory_space<vmem>> -> memref<512xi32, #tpu.memory_space<vmem>>
    %dma_wait3A_548 = tpu.memref_slice %arg10[%add3A_66] : memref<327680xi32, #tpu.memory_space<hbm>> -> memref<512xi32, #tpu.memory_space<hbm>>
    tpu.wait_dma2 semaphore(%arg24 : memref<!tpu.dma_semaphore, #tpu.memory_space<semaphore_mem>>) src(%dma_wait3A_548 : memref<512xi32, #tpu.memory_space<hbm>>) dst(%dma_wait3A_547 : memref<512xi32, #tpu.memory_space<vmem>>)
    %dma_wait3A_549 = arith.constant 17920 : i32
    %dma_wait3A_550 = tpu.memref_slice %arg19[%dma_wait3A_549] : memref<22528xi32, #tpu.memory_space<vmem>> -> memref<512xi32, #tpu.memory_space<vmem>>
    %dma_wait3A_551 = tpu.memref_slice %arg10[%add3A_68] : memref<327680xi32, #tpu.memory_space<hbm>> -> memref<512xi32, #tpu.memory_space<hbm>>
    %dma_wait3A_552 = arith.constant 17920 : i32
    %dma_wait3A_553 = tpu.memref_slice %arg19[%dma_wait3A_552] : memref<22528xi32, #tpu.memory_space<vmem>> -> memref<512xi32, #tpu.memory_space<vmem>>
    %dma_wait3A_554 = tpu.memref_slice %arg10[%add3A_68] : memref<327680xi32, #tpu.memory_space<hbm>> -> memref<512xi32, #tpu.memory_space<hbm>>
    tpu.wait_dma2 semaphore(%arg24 : memref<!tpu.dma_semaphore, #tpu.memory_space<semaphore_mem>>) src(%dma_wait3A_554 : memref<512xi32, #tpu.memory_space<hbm>>) dst(%dma_wait3A_553 : memref<512xi32, #tpu.memory_space<vmem>>)
    %dma_wait3A_555 = arith.constant 18432 : i32
    %dma_wait3A_556 = tpu.memref_slice %arg19[%dma_wait3A_555] : memref<22528xi32, #tpu.memory_space<vmem>> -> memref<512xi32, #tpu.memory_space<vmem>>
    %dma_wait3A_557 = tpu.memref_slice %arg10[%add3A_70] : memref<327680xi32, #tpu.memory_space<hbm>> -> memref<512xi32, #tpu.memory_space<hbm>>
    %dma_wait3A_558 = arith.constant 18432 : i32
    %dma_wait3A_559 = tpu.memref_slice %arg19[%dma_wait3A_558] : memref<22528xi32, #tpu.memory_space<vmem>> -> memref<512xi32, #tpu.memory_space<vmem>>
    %dma_wait3A_560 = tpu.memref_slice %arg10[%add3A_70] : memref<327680xi32, #tpu.memory_space<hbm>> -> memref<512xi32, #tpu.memory_space<hbm>>
    tpu.wait_dma2 semaphore(%arg24 : memref<!tpu.dma_semaphore, #tpu.memory_space<semaphore_mem>>) src(%dma_wait3A_560 : memref<512xi32, #tpu.memory_space<hbm>>) dst(%dma_wait3A_559 : memref<512xi32, #tpu.memory_space<vmem>>)
    %dma_wait3A_561 = arith.constant 18944 : i32
    %dma_wait3A_562 = tpu.memref_slice %arg19[%dma_wait3A_561] : memref<22528xi32, #tpu.memory_space<vmem>> -> memref<512xi32, #tpu.memory_space<vmem>>
    %dma_wait3A_563 = tpu.memref_slice %arg10[%add3A_72] : memref<327680xi32, #tpu.memory_space<hbm>> -> memref<512xi32, #tpu.memory_space<hbm>>
    %dma_wait3A_564 = arith.constant 18944 : i32
    %dma_wait3A_565 = tpu.memref_slice %arg19[%dma_wait3A_564] : memref<22528xi32, #tpu.memory_space<vmem>> -> memref<512xi32, #tpu.memory_space<vmem>>
    %dma_wait3A_566 = tpu.memref_slice %arg10[%add3A_72] : memref<327680xi32, #tpu.memory_space<hbm>> -> memref<512xi32, #tpu.memory_space<hbm>>
    tpu.wait_dma2 semaphore(%arg24 : memref<!tpu.dma_semaphore, #tpu.memory_space<semaphore_mem>>) src(%dma_wait3A_566 : memref<512xi32, #tpu.memory_space<hbm>>) dst(%dma_wait3A_565 : memref<512xi32, #tpu.memory_space<vmem>>)
    %dma_wait3A_567 = arith.constant 19456 : i32
    %dma_wait3A_568 = tpu.memref_slice %arg19[%dma_wait3A_567] : memref<22528xi32, #tpu.memory_space<vmem>> -> memref<512xi32, #tpu.memory_space<vmem>>
    %dma_wait3A_569 = tpu.memref_slice %arg10[%add3A_74] : memref<327680xi32, #tpu.memory_space<hbm>> -> memref<512xi32, #tpu.memory_space<hbm>>
    %dma_wait3A_570 = arith.constant 19456 : i32
    %dma_wait3A_571 = tpu.memref_slice %arg19[%dma_wait3A_570] : memref<22528xi32, #tpu.memory_space<vmem>> -> memref<512xi32, #tpu.memory_space<vmem>>
    %dma_wait3A_572 = tpu.memref_slice %arg10[%add3A_74] : memref<327680xi32, #tpu.memory_space<hbm>> -> memref<512xi32, #tpu.memory_space<hbm>>
    tpu.wait_dma2 semaphore(%arg24 : memref<!tpu.dma_semaphore, #tpu.memory_space<semaphore_mem>>) src(%dma_wait3A_572 : memref<512xi32, #tpu.memory_space<hbm>>) dst(%dma_wait3A_571 : memref<512xi32, #tpu.memory_space<vmem>>)
    %dma_wait3A_573 = arith.constant 19968 : i32
    %dma_wait3A_574 = tpu.memref_slice %arg19[%dma_wait3A_573] : memref<22528xi32, #tpu.memory_space<vmem>> -> memref<512xi32, #tpu.memory_space<vmem>>
    %dma_wait3A_575 = tpu.memref_slice %arg10[%add3A_76] : memref<327680xi32, #tpu.memory_space<hbm>> -> memref<512xi32, #tpu.memory_space<hbm>>
    %dma_wait3A_576 = arith.constant 19968 : i32
    %dma_wait3A_577 = tpu.memref_slice %arg19[%dma_wait3A_576] : memref<22528xi32, #tpu.memory_space<vmem>> -> memref<512xi32, #tpu.memory_space<vmem>>
    %dma_wait3A_578 = tpu.memref_slice %arg10[%add3A_76] : memref<327680xi32, #tpu.memory_space<hbm>> -> memref<512xi32, #tpu.memory_space<hbm>>
    tpu.wait_dma2 semaphore(%arg24 : memref<!tpu.dma_semaphore, #tpu.memory_space<semaphore_mem>>) src(%dma_wait3A_578 : memref<512xi32, #tpu.memory_space<hbm>>) dst(%dma_wait3A_577 : memref<512xi32, #tpu.memory_space<vmem>>)
    %dma_wait3A_579 = arith.constant 20480 : i32
    %dma_wait3A_580 = tpu.memref_slice %arg19[%dma_wait3A_579] : memref<22528xi32, #tpu.memory_space<vmem>> -> memref<512xi32, #tpu.memory_space<vmem>>
    %dma_wait3A_581 = tpu.memref_slice %arg10[%add3A_78] : memref<327680xi32, #tpu.memory_space<hbm>> -> memref<512xi32, #tpu.memory_space<hbm>>
    %dma_wait3A_582 = arith.constant 20480 : i32
    %dma_wait3A_583 = tpu.memref_slice %arg19[%dma_wait3A_582] : memref<22528xi32, #tpu.memory_space<vmem>> -> memref<512xi32, #tpu.memory_space<vmem>>
    %dma_wait3A_584 = tpu.memref_slice %arg10[%add3A_78] : memref<327680xi32, #tpu.memory_space<hbm>> -> memref<512xi32, #tpu.memory_space<hbm>>
    tpu.wait_dma2 semaphore(%arg24 : memref<!tpu.dma_semaphore, #tpu.memory_space<semaphore_mem>>) src(%dma_wait3A_584 : memref<512xi32, #tpu.memory_space<hbm>>) dst(%dma_wait3A_583 : memref<512xi32, #tpu.memory_space<vmem>>)
    %dma_wait3A_585 = arith.constant 20992 : i32
    %dma_wait3A_586 = tpu.memref_slice %arg19[%dma_wait3A_585] : memref<22528xi32, #tpu.memory_space<vmem>> -> memref<512xi32, #tpu.memory_space<vmem>>
    %dma_wait3A_587 = tpu.memref_slice %arg10[%add3A_80] : memref<327680xi32, #tpu.memory_space<hbm>> -> memref<512xi32, #tpu.memory_space<hbm>>
    %dma_wait3A_588 = arith.constant 20992 : i32
    %dma_wait3A_589 = tpu.memref_slice %arg19[%dma_wait3A_588] : memref<22528xi32, #tpu.memory_space<vmem>> -> memref<512xi32, #tpu.memory_space<vmem>>
    %dma_wait3A_590 = tpu.memref_slice %arg10[%add3A_80] : memref<327680xi32, #tpu.memory_space<hbm>> -> memref<512xi32, #tpu.memory_space<hbm>>
    tpu.wait_dma2 semaphore(%arg24 : memref<!tpu.dma_semaphore, #tpu.memory_space<semaphore_mem>>) src(%dma_wait3A_590 : memref<512xi32, #tpu.memory_space<hbm>>) dst(%dma_wait3A_589 : memref<512xi32, #tpu.memory_space<vmem>>)
    %dma_wait3A_591 = arith.constant 21504 : i32
    %dma_wait3A_592 = tpu.memref_slice %arg19[%dma_wait3A_591] : memref<22528xi32, #tpu.memory_space<vmem>> -> memref<512xi32, #tpu.memory_space<vmem>>
    %dma_wait3A_593 = tpu.memref_slice %arg10[%add3A_82] : memref<327680xi32, #tpu.memory_space<hbm>> -> memref<512xi32, #tpu.memory_space<hbm>>
    %dma_wait3A_594 = arith.constant 21504 : i32
    %dma_wait3A_595 = tpu.memref_slice %arg19[%dma_wait3A_594] : memref<22528xi32, #tpu.memory_space<vmem>> -> memref<512xi32, #tpu.memory_space<vmem>>
    %dma_wait3A_596 = tpu.memref_slice %arg10[%add3A_82] : memref<327680xi32, #tpu.memory_space<hbm>> -> memref<512xi32, #tpu.memory_space<hbm>>
    tpu.wait_dma2 semaphore(%arg24 : memref<!tpu.dma_semaphore, #tpu.memory_space<semaphore_mem>>) src(%dma_wait3A_596 : memref<512xi32, #tpu.memory_space<hbm>>) dst(%dma_wait3A_595 : memref<512xi32, #tpu.memory_space<vmem>>)
    %mul3A_597 = arith.constant 64 : i32
    %mul3A_598 = arith.muli %add3A, %mul3A_597 : i32
    "tpu.region"() ({
      %run_scoped3A = tpu.sem_alloc : memref<!tpu.dma_semaphore, #tpu.memory_space<semaphore_mem>>
      %dma_start3A_1491 = arith.constant 22016 : i32
      %dma_start3A_1492 = tpu.memref_slice %arg19[%dma_start3A_1491] : memref<22528xi32, #tpu.memory_space<vmem>> -> memref<64xi32, #tpu.memory_space<vmem>>
      %dma_start3A_1493 = tpu.memref_slice %arg6[%mul3A_598] : memref<16384xi32, #tpu.memory_space<hbm>> -> memref<64xi32, #tpu.memory_space<hbm>>
      %dma_start3A_1494 = arith.constant 22016 : i32
      %dma_start3A_1495 = tpu.memref_slice %arg19[%dma_start3A_1494] : memref<22528xi32, #tpu.memory_space<vmem>> -> memref<64xi32, #tpu.memory_space<vmem>>
      %dma_start3A_1496 = tpu.memref_slice %arg6[%mul3A_598] : memref<16384xi32, #tpu.memory_space<hbm>> -> memref<64xi32, #tpu.memory_space<hbm>>
      tpu.enqueue_dma source(%dma_start3A_1496 : memref<64xi32, #tpu.memory_space<hbm>>) target(%dma_start3A_1495 : memref<64xi32, #tpu.memory_space<vmem>>) target_semaphore(%run_scoped3A : memref<!tpu.dma_semaphore, #tpu.memory_space<semaphore_mem>>)
      %dma_wait3A_1497 = arith.constant 22016 : i32
      %dma_wait3A_1498 = tpu.memref_slice %arg19[%dma_wait3A_1497] : memref<22528xi32, #tpu.memory_space<vmem>> -> memref<64xi32, #tpu.memory_space<vmem>>
      %dma_wait3A_1499 = tpu.memref_slice %arg6[%mul3A_598] : memref<16384xi32, #tpu.memory_space<hbm>> -> memref<64xi32, #tpu.memory_space<hbm>>
      %dma_wait3A_1500 = arith.constant 22016 : i32
      %dma_wait3A_1501 = tpu.memref_slice %arg19[%dma_wait3A_1500] : memref<22528xi32, #tpu.memory_space<vmem>> -> memref<64xi32, #tpu.memory_space<vmem>>
      %dma_wait3A_1502 = tpu.memref_slice %arg6[%mul3A_598] : memref<16384xi32, #tpu.memory_space<hbm>> -> memref<64xi32, #tpu.memory_space<hbm>>
      tpu.wait_dma2 semaphore(%run_scoped3A : memref<!tpu.dma_semaphore, #tpu.memory_space<semaphore_mem>>) src(%dma_wait3A_1502 : memref<64xi32, #tpu.memory_space<hbm>>) dst(%dma_wait3A_1501 : memref<64xi32, #tpu.memory_space<vmem>>)
      tpu.yield
    }) : () -> ()
    %dma_start3A_599 = arith.constant 22016 : i32
    %dma_start3A_600 = tpu.memref_slice %arg19[%dma_start3A_599] : memref<22528xi32, #tpu.memory_space<vmem>> -> memref<64xi32, #tpu.memory_space<vmem>>
    %dma_start3A_601 = arith.constant 0 : i32
    %dma_start3A_602 = arith.constant 0 : i32
    %dma_start3A_603 = tpu.memref_slice %arg2[%dma_start3A_601, %dma_start3A_602] : memref<100000x64xf32, #tpu.memory_space<hbm>> -> memref<100000x64xf32, #tpu.memory_space<hbm>>
    tpu.enqueue_indirect_dma source(%dma_start3A_603 : memref<100000x64xf32, #tpu.memory_space<hbm>>) target(%arg23 : memref<64x64xf32, #tpu.memory_space<vmem>>) offsets(%dma_start3A_600 : memref<64xi32, #tpu.memory_space<vmem>>) semaphore(%arg25 : memref<!tpu.dma_semaphore, #tpu.memory_space<semaphore_mem>>)
    %dma_wait3A_604 = arith.constant 22016 : i32
    %dma_wait3A_605 = tpu.memref_slice %arg19[%dma_wait3A_604] : memref<22528xi32, #tpu.memory_space<vmem>> -> memref<64xi32, #tpu.memory_space<vmem>>
    %dma_wait3A_606 = arith.constant 0 : i32
    %dma_wait3A_607 = arith.constant 0 : i32
    %dma_wait3A_608 = tpu.memref_slice %arg2[%dma_wait3A_606, %dma_wait3A_607] : memref<100000x64xf32, #tpu.memory_space<hbm>> -> memref<100000x64xf32, #tpu.memory_space<hbm>>
    tpu.wait_indirect_dma semaphore(%arg25 : memref<!tpu.dma_semaphore, #tpu.memory_space<semaphore_mem>>) src(%dma_wait3A_608 : memref<100000x64xf32, #tpu.memory_space<hbm>>) dst(%arg23 : memref<64x64xf32, #tpu.memory_space<vmem>>)
    "tpu.region"() ({
      %run_scoped3A = tpu.sem_alloc : memref<!tpu.dma_semaphore, #tpu.memory_space<semaphore_mem>>
      %dma_start3A_1491 = arith.constant 0 : i32
      %dma_start3A_1492 = tpu.memref_slice %arg17[%mul3A_598, %dma_start3A_1491] : memref<2048x64xf32, #tpu.memory_space<hbm>> -> memref<64x64xf32, #tpu.memory_space<hbm>>
      %dma_start3A_1493 = arith.constant 0 : i32
      %dma_start3A_1494 = tpu.memref_slice %arg17[%mul3A_598, %dma_start3A_1493] : memref<2048x64xf32, #tpu.memory_space<hbm>> -> memref<64x64xf32, #tpu.memory_space<hbm>>
      tpu.enqueue_dma source(%arg23 : memref<64x64xf32, #tpu.memory_space<vmem>>) target(%dma_start3A_1494 : memref<64x64xf32, #tpu.memory_space<hbm>>) target_semaphore(%run_scoped3A : memref<!tpu.dma_semaphore, #tpu.memory_space<semaphore_mem>>)
      %dma_wait3A_1495 = arith.constant 0 : i32
      %dma_wait3A_1496 = tpu.memref_slice %arg17[%mul3A_598, %dma_wait3A_1495] : memref<2048x64xf32, #tpu.memory_space<hbm>> -> memref<64x64xf32, #tpu.memory_space<hbm>>
      %dma_wait3A_1497 = arith.constant 0 : i32
      %dma_wait3A_1498 = tpu.memref_slice %arg17[%mul3A_598, %dma_wait3A_1497] : memref<2048x64xf32, #tpu.memory_space<hbm>> -> memref<64x64xf32, #tpu.memory_space<hbm>>
      tpu.wait_dma2 semaphore(%run_scoped3A : memref<!tpu.dma_semaphore, #tpu.memory_space<semaphore_mem>>) src(%arg23 : memref<64x64xf32, #tpu.memory_space<vmem>>) dst(%dma_wait3A_1498 : memref<64x64xf32, #tpu.memory_space<hbm>>)
      tpu.yield
    }) : () -> ()
    %dma_start3A_609 = arith.constant 22016 : i32
    %dma_start3A_610 = tpu.memref_slice %arg19[%dma_start3A_609] : memref<22528xi32, #tpu.memory_space<vmem>> -> memref<64xi32, #tpu.memory_space<vmem>>
    %dma_start3A_611 = arith.constant 0 : i32
    %dma_start3A_612 = arith.constant 0 : i32
    %dma_start3A_613 = tpu.memref_slice %arg4[%dma_start3A_611, %dma_start3A_612] : memref<100000x64xf32, #tpu.memory_space<hbm>> -> memref<100000x64xf32, #tpu.memory_space<hbm>>
    tpu.enqueue_indirect_dma source(%dma_start3A_613 : memref<100000x64xf32, #tpu.memory_space<hbm>>) target(%arg23 : memref<64x64xf32, #tpu.memory_space<vmem>>) offsets(%dma_start3A_610 : memref<64xi32, #tpu.memory_space<vmem>>) semaphore(%arg25 : memref<!tpu.dma_semaphore, #tpu.memory_space<semaphore_mem>>)
    %dma_wait3A_614 = arith.constant 22016 : i32
    %dma_wait3A_615 = tpu.memref_slice %arg19[%dma_wait3A_614] : memref<22528xi32, #tpu.memory_space<vmem>> -> memref<64xi32, #tpu.memory_space<vmem>>
    %dma_wait3A_616 = arith.constant 0 : i32
    %dma_wait3A_617 = arith.constant 0 : i32
    %dma_wait3A_618 = tpu.memref_slice %arg4[%dma_wait3A_616, %dma_wait3A_617] : memref<100000x64xf32, #tpu.memory_space<hbm>> -> memref<100000x64xf32, #tpu.memory_space<hbm>>
    tpu.wait_indirect_dma semaphore(%arg25 : memref<!tpu.dma_semaphore, #tpu.memory_space<semaphore_mem>>) src(%dma_wait3A_618 : memref<100000x64xf32, #tpu.memory_space<hbm>>) dst(%arg23 : memref<64x64xf32, #tpu.memory_space<vmem>>)
    "tpu.region"() ({
      %run_scoped3A = tpu.sem_alloc : memref<!tpu.dma_semaphore, #tpu.memory_space<semaphore_mem>>
      %dma_start3A_1491 = arith.constant 0 : i32
      %dma_start3A_1492 = tpu.memref_slice %arg18[%mul3A_598, %dma_start3A_1491] : memref<2048x64xf32, #tpu.memory_space<hbm>> -> memref<64x64xf32, #tpu.memory_space<hbm>>
      %dma_start3A_1493 = arith.constant 0 : i32
      %dma_start3A_1494 = tpu.memref_slice %arg18[%mul3A_598, %dma_start3A_1493] : memref<2048x64xf32, #tpu.memory_space<hbm>> -> memref<64x64xf32, #tpu.memory_space<hbm>>
      tpu.enqueue_dma source(%arg23 : memref<64x64xf32, #tpu.memory_space<vmem>>) target(%dma_start3A_1494 : memref<64x64xf32, #tpu.memory_space<hbm>>) target_semaphore(%run_scoped3A : memref<!tpu.dma_semaphore, #tpu.memory_space<semaphore_mem>>)
      %dma_wait3A_1495 = arith.constant 0 : i32
      %dma_wait3A_1496 = tpu.memref_slice %arg18[%mul3A_598, %dma_wait3A_1495] : memref<2048x64xf32, #tpu.memory_space<hbm>> -> memref<64x64xf32, #tpu.memory_space<hbm>>
      %dma_wait3A_1497 = arith.constant 0 : i32
      %dma_wait3A_1498 = tpu.memref_slice %arg18[%mul3A_598, %dma_wait3A_1497] : memref<2048x64xf32, #tpu.memory_space<hbm>> -> memref<64x64xf32, #tpu.memory_space<hbm>>
      tpu.wait_dma2 semaphore(%run_scoped3A : memref<!tpu.dma_semaphore, #tpu.memory_space<semaphore_mem>>) src(%arg23 : memref<64x64xf32, #tpu.memory_space<vmem>>) dst(%dma_wait3A_1498 : memref<64x64xf32, #tpu.memory_space<hbm>>)
      tpu.yield
    }) : () -> ()
    %add3A_619 = arith.constant 0 : i32
    %add3A_620 = arith.addi %add3A_619, %mul3A_2 : i32
    %add3A_621 = arith.constant 16384 : i32
    %add3A_622 = arith.addi %add3A_621, %mul3A_2 : i32
    %add3A_623 = arith.constant 32768 : i32
    %add3A_624 = arith.addi %add3A_623, %mul3A_2 : i32
    %add3A_625 = arith.constant 49152 : i32
    %add3A_626 = arith.addi %add3A_625, %mul3A_2 : i32
    %add3A_627 = arith.constant 65536 : i32
    %add3A_628 = arith.addi %add3A_627, %mul3A_2 : i32
    %add3A_629 = arith.constant 81920 : i32
    %add3A_630 = arith.addi %add3A_629, %mul3A_2 : i32
    %add3A_631 = arith.constant 98304 : i32
    %add3A_632 = arith.addi %add3A_631, %mul3A_2 : i32
    %add3A_633 = arith.constant 114688 : i32
    %add3A_634 = arith.addi %add3A_633, %mul3A_2 : i32
    %add3A_635 = arith.constant 131072 : i32
    %add3A_636 = arith.addi %add3A_635, %mul3A_2 : i32
    %add3A_637 = arith.constant 147456 : i32
    %add3A_638 = arith.addi %add3A_637, %mul3A_2 : i32
    %add3A_639 = arith.constant 163840 : i32
    %add3A_640 = arith.addi %add3A_639, %mul3A_2 : i32
    %add3A_641 = arith.constant 180224 : i32
    %add3A_642 = arith.addi %add3A_641, %mul3A_2 : i32
    %add3A_643 = arith.constant 196608 : i32
    %add3A_644 = arith.addi %add3A_643, %mul3A_2 : i32
    %add3A_645 = arith.constant 212992 : i32
    %add3A_646 = arith.addi %add3A_645, %mul3A_2 : i32
    %add3A_647 = arith.constant 229376 : i32
    %add3A_648 = arith.addi %add3A_647, %mul3A_2 : i32
    %add3A_649 = arith.constant 245760 : i32
    %add3A_650 = arith.addi %add3A_649, %mul3A_2 : i32
    %add3A_651 = arith.constant 262144 : i32
    %add3A_652 = arith.addi %add3A_651, %mul3A_2 : i32
    %add3A_653 = arith.constant 278528 : i32
    %add3A_654 = arith.addi %add3A_653, %mul3A_2 : i32
    %add3A_655 = arith.constant 294912 : i32
    %add3A_656 = arith.addi %add3A_655, %mul3A_2 : i32
    %add3A_657 = arith.constant 311296 : i32
    %add3A_658 = arith.addi %add3A_657, %mul3A_2 : i32
    %add3A_659 = arith.constant 0 : i32
    %add3A_660 = arith.addi %add3A_659, %mul3A_2 : i32
    %add3A_661 = arith.constant 16384 : i32
    %add3A_662 = arith.addi %add3A_661, %mul3A_2 : i32
    %add3A_663 = arith.constant 32768 : i32
    %add3A_664 = arith.addi %add3A_663, %mul3A_2 : i32
    %add3A_665 = arith.constant 49152 : i32
    %add3A_666 = arith.addi %add3A_665, %mul3A_2 : i32
    %add3A_667 = arith.constant 65536 : i32
    %add3A_668 = arith.addi %add3A_667, %mul3A_2 : i32
    %add3A_669 = arith.constant 81920 : i32
    %add3A_670 = arith.addi %add3A_669, %mul3A_2 : i32
    %add3A_671 = arith.constant 98304 : i32
    %add3A_672 = arith.addi %add3A_671, %mul3A_2 : i32
    %add3A_673 = arith.constant 114688 : i32
    %add3A_674 = arith.addi %add3A_673, %mul3A_2 : i32
    %add3A_675 = arith.constant 131072 : i32
    %add3A_676 = arith.addi %add3A_675, %mul3A_2 : i32
    %add3A_677 = arith.constant 147456 : i32
    %add3A_678 = arith.addi %add3A_677, %mul3A_2 : i32
    %add3A_679 = arith.constant 163840 : i32
    %add3A_680 = arith.addi %add3A_679, %mul3A_2 : i32
    %add3A_681 = arith.constant 180224 : i32
    %add3A_682 = arith.addi %add3A_681, %mul3A_2 : i32
    %add3A_683 = arith.constant 196608 : i32
    %add3A_684 = arith.addi %add3A_683, %mul3A_2 : i32
    %add3A_685 = arith.constant 212992 : i32
    %add3A_686 = arith.addi %add3A_685, %mul3A_2 : i32
    %add3A_687 = arith.constant 229376 : i32
    %add3A_688 = arith.addi %add3A_687, %mul3A_2 : i32
    %add3A_689 = arith.constant 245760 : i32
    %add3A_690 = arith.addi %add3A_689, %mul3A_2 : i32
    %add3A_691 = arith.constant 262144 : i32
    %add3A_692 = arith.addi %add3A_691, %mul3A_2 : i32
    %add3A_693 = arith.constant 278528 : i32
    %add3A_694 = arith.addi %add3A_693, %mul3A_2 : i32
    %add3A_695 = arith.constant 294912 : i32
    %add3A_696 = arith.addi %add3A_695, %mul3A_2 : i32
    %add3A_697 = arith.constant 311296 : i32
    %add3A_698 = arith.addi %add3A_697, %mul3A_2 : i32
    %dma_start3A_699 = arith.constant 0 : i32
    %dma_start3A_700 = tpu.memref_slice %arg19[%dma_start3A_699] : memref<22528xi32, #tpu.memory_space<vmem>> -> memref<512xi32, #tpu.memory_space<vmem>>
    %dma_start3A_701 = arith.constant 0 : i32
    %dma_start3A_702 = arith.constant 0 : i32
    %dma_start3A_703 = tpu.memref_slice %arg2[%dma_start3A_701, %dma_start3A_702] : memref<100000x64xf32, #tpu.memory_space<hbm>> -> memref<100000x64xf32, #tpu.memory_space<hbm>>
    tpu.enqueue_indirect_dma source(%dma_start3A_703 : memref<100000x64xf32, #tpu.memory_space<hbm>>) target(%arg20 : memref<512x64xf32, #tpu.memory_space<vmem>>) offsets(%dma_start3A_700 : memref<512xi32, #tpu.memory_space<vmem>>) semaphore(%arg25 : memref<!tpu.dma_semaphore, #tpu.memory_space<semaphore_mem>>)
    %dma_wait3A_704 = arith.constant 0 : i32
    %dma_wait3A_705 = tpu.memref_slice %arg19[%dma_wait3A_704] : memref<22528xi32, #tpu.memory_space<vmem>> -> memref<512xi32, #tpu.memory_space<vmem>>
    %dma_wait3A_706 = arith.constant 0 : i32
    %dma_wait3A_707 = arith.constant 0 : i32
    %dma_wait3A_708 = tpu.memref_slice %arg2[%dma_wait3A_706, %dma_wait3A_707] : memref<100000x64xf32, #tpu.memory_space<hbm>> -> memref<100000x64xf32, #tpu.memory_space<hbm>>
    tpu.wait_indirect_dma semaphore(%arg25 : memref<!tpu.dma_semaphore, #tpu.memory_space<semaphore_mem>>) src(%dma_wait3A_708 : memref<100000x64xf32, #tpu.memory_space<hbm>>) dst(%arg20 : memref<512x64xf32, #tpu.memory_space<vmem>>)
    %dma_start3A_709 = arith.constant 0 : i32
    %dma_start3A_710 = tpu.memref_slice %arg11[%mul3A_2, %dma_start3A_709] : memref<16384x64xf32, #tpu.memory_space<hbm>> -> memref<512x64xf32, #tpu.memory_space<hbm>>
    %dma_start3A_711 = arith.constant 0 : i32
    %dma_start3A_712 = tpu.memref_slice %arg11[%mul3A_2, %dma_start3A_711] : memref<16384x64xf32, #tpu.memory_space<hbm>> -> memref<512x64xf32, #tpu.memory_space<hbm>>
    tpu.enqueue_dma source(%arg20 : memref<512x64xf32, #tpu.memory_space<vmem>>) target(%dma_start3A_712 : memref<512x64xf32, #tpu.memory_space<hbm>>) target_semaphore(%arg26 : memref<!tpu.dma_semaphore, #tpu.memory_space<semaphore_mem>>)
    %dma_start3A_713 = arith.constant 0 : i32
    %dma_start3A_714 = tpu.memref_slice %arg19[%dma_start3A_713] : memref<22528xi32, #tpu.memory_space<vmem>> -> memref<512xi32, #tpu.memory_space<vmem>>
    %dma_start3A_715 = arith.constant 0 : i32
    %dma_start3A_716 = arith.constant 0 : i32
    %dma_start3A_717 = tpu.memref_slice %arg4[%dma_start3A_715, %dma_start3A_716] : memref<100000x64xf32, #tpu.memory_space<hbm>> -> memref<100000x64xf32, #tpu.memory_space<hbm>>
    tpu.enqueue_indirect_dma source(%dma_start3A_717 : memref<100000x64xf32, #tpu.memory_space<hbm>>) target(%arg21 : memref<512x64xf32, #tpu.memory_space<vmem>>) offsets(%dma_start3A_714 : memref<512xi32, #tpu.memory_space<vmem>>) semaphore(%arg25 : memref<!tpu.dma_semaphore, #tpu.memory_space<semaphore_mem>>)
    %dma_wait3A_718 = arith.constant 0 : i32
    %dma_wait3A_719 = tpu.memref_slice %arg19[%dma_wait3A_718] : memref<22528xi32, #tpu.memory_space<vmem>> -> memref<512xi32, #tpu.memory_space<vmem>>
    %dma_wait3A_720 = arith.constant 0 : i32
    %dma_wait3A_721 = arith.constant 0 : i32
    %dma_wait3A_722 = tpu.memref_slice %arg4[%dma_wait3A_720, %dma_wait3A_721] : memref<100000x64xf32, #tpu.memory_space<hbm>> -> memref<100000x64xf32, #tpu.memory_space<hbm>>
    tpu.wait_indirect_dma semaphore(%arg25 : memref<!tpu.dma_semaphore, #tpu.memory_space<semaphore_mem>>) src(%dma_wait3A_722 : memref<100000x64xf32, #tpu.memory_space<hbm>>) dst(%arg21 : memref<512x64xf32, #tpu.memory_space<vmem>>)
    %dma_start3A_723 = arith.constant 0 : i32
    %dma_start3A_724 = tpu.memref_slice %arg12[%mul3A_2, %dma_start3A_723] : memref<16384x64xf32, #tpu.memory_space<hbm>> -> memref<512x64xf32, #tpu.memory_space<hbm>>
    %dma_start3A_725 = arith.constant 0 : i32
    %dma_start3A_726 = tpu.memref_slice %arg12[%mul3A_2, %dma_start3A_725] : memref<16384x64xf32, #tpu.memory_space<hbm>> -> memref<512x64xf32, #tpu.memory_space<hbm>>
    tpu.enqueue_dma source(%arg21 : memref<512x64xf32, #tpu.memory_space<vmem>>) target(%dma_start3A_726 : memref<512x64xf32, #tpu.memory_space<hbm>>) target_semaphore(%arg27 : memref<!tpu.dma_semaphore, #tpu.memory_space<semaphore_mem>>)
    %dma_start3A_727 = arith.constant 512 : i32
    %dma_start3A_728 = tpu.memref_slice %arg19[%dma_start3A_727] : memref<22528xi32, #tpu.memory_space<vmem>> -> memref<512xi32, #tpu.memory_space<vmem>>
    %dma_start3A_729 = arith.constant 0 : i32
    %dma_start3A_730 = arith.constant 0 : i32
    %dma_start3A_731 = tpu.memref_slice %arg3[%dma_start3A_729, %dma_start3A_730] : memref<100000x64xf32, #tpu.memory_space<hbm>> -> memref<100000x64xf32, #tpu.memory_space<hbm>>
    tpu.enqueue_indirect_dma source(%dma_start3A_731 : memref<100000x64xf32, #tpu.memory_space<hbm>>) target(%arg22 : memref<512x64xf32, #tpu.memory_space<vmem>>) offsets(%dma_start3A_728 : memref<512xi32, #tpu.memory_space<vmem>>) semaphore(%arg25 : memref<!tpu.dma_semaphore, #tpu.memory_space<semaphore_mem>>)
    %dma_wait3A_732 = arith.constant 512 : i32
    %dma_wait3A_733 = tpu.memref_slice %arg19[%dma_wait3A_732] : memref<22528xi32, #tpu.memory_space<vmem>> -> memref<512xi32, #tpu.memory_space<vmem>>
    %dma_wait3A_734 = arith.constant 0 : i32
    %dma_wait3A_735 = arith.constant 0 : i32
    %dma_wait3A_736 = tpu.memref_slice %arg3[%dma_wait3A_734, %dma_wait3A_735] : memref<100000x64xf32, #tpu.memory_space<hbm>> -> memref<100000x64xf32, #tpu.memory_space<hbm>>
    tpu.wait_indirect_dma semaphore(%arg25 : memref<!tpu.dma_semaphore, #tpu.memory_space<semaphore_mem>>) src(%dma_wait3A_736 : memref<100000x64xf32, #tpu.memory_space<hbm>>) dst(%arg22 : memref<512x64xf32, #tpu.memory_space<vmem>>)
    %dma_start3A_737 = arith.constant 0 : i32
    %dma_start3A_738 = tpu.memref_slice %arg13[%mul3A_2, %dma_start3A_737] : memref<16384x64xf32, #tpu.memory_space<hbm>> -> memref<512x64xf32, #tpu.memory_space<hbm>>
    %dma_start3A_739 = arith.constant 0 : i32
    %dma_start3A_740 = tpu.memref_slice %arg13[%mul3A_2, %dma_start3A_739] : memref<16384x64xf32, #tpu.memory_space<hbm>> -> memref<512x64xf32, #tpu.memory_space<hbm>>
    tpu.enqueue_dma source(%arg22 : memref<512x64xf32, #tpu.memory_space<vmem>>) target(%dma_start3A_740 : memref<512x64xf32, #tpu.memory_space<hbm>>) target_semaphore(%arg28 : memref<!tpu.dma_semaphore, #tpu.memory_space<semaphore_mem>>)
    %dma_wait3A_741 = arith.constant 0 : i32
    %dma_wait3A_742 = tpu.memref_slice %arg11[%mul3A_2, %dma_wait3A_741] : memref<16384x64xf32, #tpu.memory_space<hbm>> -> memref<512x64xf32, #tpu.memory_space<hbm>>
    %dma_wait3A_743 = arith.constant 0 : i32
    %dma_wait3A_744 = tpu.memref_slice %arg11[%mul3A_2, %dma_wait3A_743] : memref<16384x64xf32, #tpu.memory_space<hbm>> -> memref<512x64xf32, #tpu.memory_space<hbm>>
    tpu.wait_dma2 semaphore(%arg26 : memref<!tpu.dma_semaphore, #tpu.memory_space<semaphore_mem>>) src(%arg20 : memref<512x64xf32, #tpu.memory_space<vmem>>) dst(%dma_wait3A_744 : memref<512x64xf32, #tpu.memory_space<hbm>>)
    %dma_start3A_745 = arith.constant 1024 : i32
    %dma_start3A_746 = tpu.memref_slice %arg19[%dma_start3A_745] : memref<22528xi32, #tpu.memory_space<vmem>> -> memref<512xi32, #tpu.memory_space<vmem>>
    %dma_start3A_747 = arith.constant 0 : i32
    %dma_start3A_748 = arith.constant 0 : i32
    %dma_start3A_749 = tpu.memref_slice %arg5[%dma_start3A_747, %dma_start3A_748] : memref<100000x64xf32, #tpu.memory_space<hbm>> -> memref<100000x64xf32, #tpu.memory_space<hbm>>
    tpu.enqueue_indirect_dma source(%dma_start3A_749 : memref<100000x64xf32, #tpu.memory_space<hbm>>) target(%arg20 : memref<512x64xf32, #tpu.memory_space<vmem>>) offsets(%dma_start3A_746 : memref<512xi32, #tpu.memory_space<vmem>>) semaphore(%arg25 : memref<!tpu.dma_semaphore, #tpu.memory_space<semaphore_mem>>)
    %dma_wait3A_750 = arith.constant 1024 : i32
    %dma_wait3A_751 = tpu.memref_slice %arg19[%dma_wait3A_750] : memref<22528xi32, #tpu.memory_space<vmem>> -> memref<512xi32, #tpu.memory_space<vmem>>
    %dma_wait3A_752 = arith.constant 0 : i32
    %dma_wait3A_753 = arith.constant 0 : i32
    %dma_wait3A_754 = tpu.memref_slice %arg5[%dma_wait3A_752, %dma_wait3A_753] : memref<100000x64xf32, #tpu.memory_space<hbm>> -> memref<100000x64xf32, #tpu.memory_space<hbm>>
    tpu.wait_indirect_dma semaphore(%arg25 : memref<!tpu.dma_semaphore, #tpu.memory_space<semaphore_mem>>) src(%dma_wait3A_754 : memref<100000x64xf32, #tpu.memory_space<hbm>>) dst(%arg20 : memref<512x64xf32, #tpu.memory_space<vmem>>)
    %dma_start3A_755 = arith.constant 0 : i32
    %dma_start3A_756 = tpu.memref_slice %arg14[%mul3A_2, %dma_start3A_755] : memref<16384x64xf32, #tpu.memory_space<hbm>> -> memref<512x64xf32, #tpu.memory_space<hbm>>
    %dma_start3A_757 = arith.constant 0 : i32
    %dma_start3A_758 = tpu.memref_slice %arg14[%mul3A_2, %dma_start3A_757] : memref<16384x64xf32, #tpu.memory_space<hbm>> -> memref<512x64xf32, #tpu.memory_space<hbm>>
    tpu.enqueue_dma source(%arg20 : memref<512x64xf32, #tpu.memory_space<vmem>>) target(%dma_start3A_758 : memref<512x64xf32, #tpu.memory_space<hbm>>) target_semaphore(%arg26 : memref<!tpu.dma_semaphore, #tpu.memory_space<semaphore_mem>>)
    %dma_wait3A_759 = arith.constant 0 : i32
    %dma_wait3A_760 = tpu.memref_slice %arg12[%mul3A_2, %dma_wait3A_759] : memref<16384x64xf32, #tpu.memory_space<hbm>> -> memref<512x64xf32, #tpu.memory_space<hbm>>
    %dma_wait3A_761 = arith.constant 0 : i32
    %dma_wait3A_762 = tpu.memref_slice %arg12[%mul3A_2, %dma_wait3A_761] : memref<16384x64xf32, #tpu.memory_space<hbm>> -> memref<512x64xf32, #tpu.memory_space<hbm>>
    tpu.wait_dma2 semaphore(%arg27 : memref<!tpu.dma_semaphore, #tpu.memory_space<semaphore_mem>>) src(%arg21 : memref<512x64xf32, #tpu.memory_space<vmem>>) dst(%dma_wait3A_762 : memref<512x64xf32, #tpu.memory_space<hbm>>)
    %dma_start3A_763 = arith.constant 1536 : i32
    %dma_start3A_764 = tpu.memref_slice %arg19[%dma_start3A_763] : memref<22528xi32, #tpu.memory_space<vmem>> -> memref<512xi32, #tpu.memory_space<vmem>>
    %dma_start3A_765 = arith.constant 0 : i32
    %dma_start3A_766 = arith.constant 0 : i32
    %dma_start3A_767 = tpu.memref_slice %arg3[%dma_start3A_765, %dma_start3A_766] : memref<100000x64xf32, #tpu.memory_space<hbm>> -> memref<100000x64xf32, #tpu.memory_space<hbm>>
    tpu.enqueue_indirect_dma source(%dma_start3A_767 : memref<100000x64xf32, #tpu.memory_space<hbm>>) target(%arg21 : memref<512x64xf32, #tpu.memory_space<vmem>>) offsets(%dma_start3A_764 : memref<512xi32, #tpu.memory_space<vmem>>) semaphore(%arg25 : memref<!tpu.dma_semaphore, #tpu.memory_space<semaphore_mem>>)
    %dma_wait3A_768 = arith.constant 1536 : i32
    %dma_wait3A_769 = tpu.memref_slice %arg19[%dma_wait3A_768] : memref<22528xi32, #tpu.memory_space<vmem>> -> memref<512xi32, #tpu.memory_space<vmem>>
    %dma_wait3A_770 = arith.constant 0 : i32
    %dma_wait3A_771 = arith.constant 0 : i32
    %dma_wait3A_772 = tpu.memref_slice %arg3[%dma_wait3A_770, %dma_wait3A_771] : memref<100000x64xf32, #tpu.memory_space<hbm>> -> memref<100000x64xf32, #tpu.memory_space<hbm>>
    tpu.wait_indirect_dma semaphore(%arg25 : memref<!tpu.dma_semaphore, #tpu.memory_space<semaphore_mem>>) src(%dma_wait3A_772 : memref<100000x64xf32, #tpu.memory_space<hbm>>) dst(%arg21 : memref<512x64xf32, #tpu.memory_space<vmem>>)
    %dma_start3A_773 = arith.constant 0 : i32
    %dma_start3A_774 = tpu.memref_slice %arg15[%add3A_620, %dma_start3A_773] : memref<327680x64xf32, #tpu.memory_space<hbm>> -> memref<512x64xf32, #tpu.memory_space<hbm>>
    %dma_start3A_775 = arith.constant 0 : i32
    %dma_start3A_776 = tpu.memref_slice %arg15[%add3A_620, %dma_start3A_775] : memref<327680x64xf32, #tpu.memory_space<hbm>> -> memref<512x64xf32, #tpu.memory_space<hbm>>
    tpu.enqueue_dma source(%arg21 : memref<512x64xf32, #tpu.memory_space<vmem>>) target(%dma_start3A_776 : memref<512x64xf32, #tpu.memory_space<hbm>>) target_semaphore(%arg27 : memref<!tpu.dma_semaphore, #tpu.memory_space<semaphore_mem>>)
    %dma_wait3A_777 = arith.constant 0 : i32
    %dma_wait3A_778 = tpu.memref_slice %arg13[%mul3A_2, %dma_wait3A_777] : memref<16384x64xf32, #tpu.memory_space<hbm>> -> memref<512x64xf32, #tpu.memory_space<hbm>>
    %dma_wait3A_779 = arith.constant 0 : i32
    %dma_wait3A_780 = tpu.memref_slice %arg13[%mul3A_2, %dma_wait3A_779] : memref<16384x64xf32, #tpu.memory_space<hbm>> -> memref<512x64xf32, #tpu.memory_space<hbm>>
    tpu.wait_dma2 semaphore(%arg28 : memref<!tpu.dma_semaphore, #tpu.memory_space<semaphore_mem>>) src(%arg22 : memref<512x64xf32, #tpu.memory_space<vmem>>) dst(%dma_wait3A_780 : memref<512x64xf32, #tpu.memory_space<hbm>>)
    %dma_start3A_781 = arith.constant 2048 : i32
    %dma_start3A_782 = tpu.memref_slice %arg19[%dma_start3A_781] : memref<22528xi32, #tpu.memory_space<vmem>> -> memref<512xi32, #tpu.memory_space<vmem>>
    %dma_start3A_783 = arith.constant 0 : i32
    %dma_start3A_784 = arith.constant 0 : i32
    %dma_start3A_785 = tpu.memref_slice %arg3[%dma_start3A_783, %dma_start3A_784] : memref<100000x64xf32, #tpu.memory_space<hbm>> -> memref<100000x64xf32, #tpu.memory_space<hbm>>
    tpu.enqueue_indirect_dma source(%dma_start3A_785 : memref<100000x64xf32, #tpu.memory_space<hbm>>) target(%arg22 : memref<512x64xf32, #tpu.memory_space<vmem>>) offsets(%dma_start3A_782 : memref<512xi32, #tpu.memory_space<vmem>>) semaphore(%arg25 : memref<!tpu.dma_semaphore, #tpu.memory_space<semaphore_mem>>)
    %dma_wait3A_786 = arith.constant 2048 : i32
    %dma_wait3A_787 = tpu.memref_slice %arg19[%dma_wait3A_786] : memref<22528xi32, #tpu.memory_space<vmem>> -> memref<512xi32, #tpu.memory_space<vmem>>
    %dma_wait3A_788 = arith.constant 0 : i32
    %dma_wait3A_789 = arith.constant 0 : i32
    %dma_wait3A_790 = tpu.memref_slice %arg3[%dma_wait3A_788, %dma_wait3A_789] : memref<100000x64xf32, #tpu.memory_space<hbm>> -> memref<100000x64xf32, #tpu.memory_space<hbm>>
    tpu.wait_indirect_dma semaphore(%arg25 : memref<!tpu.dma_semaphore, #tpu.memory_space<semaphore_mem>>) src(%dma_wait3A_790 : memref<100000x64xf32, #tpu.memory_space<hbm>>) dst(%arg22 : memref<512x64xf32, #tpu.memory_space<vmem>>)
    %dma_start3A_791 = arith.constant 0 : i32
    %dma_start3A_792 = tpu.memref_slice %arg15[%add3A_622, %dma_start3A_791] : memref<327680x64xf32, #tpu.memory_space<hbm>> -> memref<512x64xf32, #tpu.memory_space<hbm>>
    %dma_start3A_793 = arith.constant 0 : i32
    %dma_start3A_794 = tpu.memref_slice %arg15[%add3A_622, %dma_start3A_793] : memref<327680x64xf32, #tpu.memory_space<hbm>> -> memref<512x64xf32, #tpu.memory_space<hbm>>
    tpu.enqueue_dma source(%arg22 : memref<512x64xf32, #tpu.memory_space<vmem>>) target(%dma_start3A_794 : memref<512x64xf32, #tpu.memory_space<hbm>>) target_semaphore(%arg28 : memref<!tpu.dma_semaphore, #tpu.memory_space<semaphore_mem>>)
    %dma_wait3A_795 = arith.constant 0 : i32
    %dma_wait3A_796 = tpu.memref_slice %arg14[%mul3A_2, %dma_wait3A_795] : memref<16384x64xf32, #tpu.memory_space<hbm>> -> memref<512x64xf32, #tpu.memory_space<hbm>>
    %dma_wait3A_797 = arith.constant 0 : i32
    %dma_wait3A_798 = tpu.memref_slice %arg14[%mul3A_2, %dma_wait3A_797] : memref<16384x64xf32, #tpu.memory_space<hbm>> -> memref<512x64xf32, #tpu.memory_space<hbm>>
    tpu.wait_dma2 semaphore(%arg26 : memref<!tpu.dma_semaphore, #tpu.memory_space<semaphore_mem>>) src(%arg20 : memref<512x64xf32, #tpu.memory_space<vmem>>) dst(%dma_wait3A_798 : memref<512x64xf32, #tpu.memory_space<hbm>>)
    %dma_start3A_799 = arith.constant 2560 : i32
    %dma_start3A_800 = tpu.memref_slice %arg19[%dma_start3A_799] : memref<22528xi32, #tpu.memory_space<vmem>> -> memref<512xi32, #tpu.memory_space<vmem>>
    %dma_start3A_801 = arith.constant 0 : i32
    %dma_start3A_802 = arith.constant 0 : i32
    %dma_start3A_803 = tpu.memref_slice %arg3[%dma_start3A_801, %dma_start3A_802] : memref<100000x64xf32, #tpu.memory_space<hbm>> -> memref<100000x64xf32, #tpu.memory_space<hbm>>
    tpu.enqueue_indirect_dma source(%dma_start3A_803 : memref<100000x64xf32, #tpu.memory_space<hbm>>) target(%arg20 : memref<512x64xf32, #tpu.memory_space<vmem>>) offsets(%dma_start3A_800 : memref<512xi32, #tpu.memory_space<vmem>>) semaphore(%arg25 : memref<!tpu.dma_semaphore, #tpu.memory_space<semaphore_mem>>)
    %dma_wait3A_804 = arith.constant 2560 : i32
    %dma_wait3A_805 = tpu.memref_slice %arg19[%dma_wait3A_804] : memref<22528xi32, #tpu.memory_space<vmem>> -> memref<512xi32, #tpu.memory_space<vmem>>
    %dma_wait3A_806 = arith.constant 0 : i32
    %dma_wait3A_807 = arith.constant 0 : i32
    %dma_wait3A_808 = tpu.memref_slice %arg3[%dma_wait3A_806, %dma_wait3A_807] : memref<100000x64xf32, #tpu.memory_space<hbm>> -> memref<100000x64xf32, #tpu.memory_space<hbm>>
    tpu.wait_indirect_dma semaphore(%arg25 : memref<!tpu.dma_semaphore, #tpu.memory_space<semaphore_mem>>) src(%dma_wait3A_808 : memref<100000x64xf32, #tpu.memory_space<hbm>>) dst(%arg20 : memref<512x64xf32, #tpu.memory_space<vmem>>)
    %dma_start3A_809 = arith.constant 0 : i32
    %dma_start3A_810 = tpu.memref_slice %arg15[%add3A_624, %dma_start3A_809] : memref<327680x64xf32, #tpu.memory_space<hbm>> -> memref<512x64xf32, #tpu.memory_space<hbm>>
    %dma_start3A_811 = arith.constant 0 : i32
    %dma_start3A_812 = tpu.memref_slice %arg15[%add3A_624, %dma_start3A_811] : memref<327680x64xf32, #tpu.memory_space<hbm>> -> memref<512x64xf32, #tpu.memory_space<hbm>>
    tpu.enqueue_dma source(%arg20 : memref<512x64xf32, #tpu.memory_space<vmem>>) target(%dma_start3A_812 : memref<512x64xf32, #tpu.memory_space<hbm>>) target_semaphore(%arg26 : memref<!tpu.dma_semaphore, #tpu.memory_space<semaphore_mem>>)
    %dma_wait3A_813 = arith.constant 0 : i32
    %dma_wait3A_814 = tpu.memref_slice %arg15[%add3A_620, %dma_wait3A_813] : memref<327680x64xf32, #tpu.memory_space<hbm>> -> memref<512x64xf32, #tpu.memory_space<hbm>>
    %dma_wait3A_815 = arith.constant 0 : i32
    %dma_wait3A_816 = tpu.memref_slice %arg15[%add3A_620, %dma_wait3A_815] : memref<327680x64xf32, #tpu.memory_space<hbm>> -> memref<512x64xf32, #tpu.memory_space<hbm>>
    tpu.wait_dma2 semaphore(%arg27 : memref<!tpu.dma_semaphore, #tpu.memory_space<semaphore_mem>>) src(%arg21 : memref<512x64xf32, #tpu.memory_space<vmem>>) dst(%dma_wait3A_816 : memref<512x64xf32, #tpu.memory_space<hbm>>)
    %dma_start3A_817 = arith.constant 3072 : i32
    %dma_start3A_818 = tpu.memref_slice %arg19[%dma_start3A_817] : memref<22528xi32, #tpu.memory_space<vmem>> -> memref<512xi32, #tpu.memory_space<vmem>>
    %dma_start3A_819 = arith.constant 0 : i32
    %dma_start3A_820 = arith.constant 0 : i32
    %dma_start3A_821 = tpu.memref_slice %arg3[%dma_start3A_819, %dma_start3A_820] : memref<100000x64xf32, #tpu.memory_space<hbm>> -> memref<100000x64xf32, #tpu.memory_space<hbm>>
    tpu.enqueue_indirect_dma source(%dma_start3A_821 : memref<100000x64xf32, #tpu.memory_space<hbm>>) target(%arg21 : memref<512x64xf32, #tpu.memory_space<vmem>>) offsets(%dma_start3A_818 : memref<512xi32, #tpu.memory_space<vmem>>) semaphore(%arg25 : memref<!tpu.dma_semaphore, #tpu.memory_space<semaphore_mem>>)
    %dma_wait3A_822 = arith.constant 3072 : i32
    %dma_wait3A_823 = tpu.memref_slice %arg19[%dma_wait3A_822] : memref<22528xi32, #tpu.memory_space<vmem>> -> memref<512xi32, #tpu.memory_space<vmem>>
    %dma_wait3A_824 = arith.constant 0 : i32
    %dma_wait3A_825 = arith.constant 0 : i32
    %dma_wait3A_826 = tpu.memref_slice %arg3[%dma_wait3A_824, %dma_wait3A_825] : memref<100000x64xf32, #tpu.memory_space<hbm>> -> memref<100000x64xf32, #tpu.memory_space<hbm>>
    tpu.wait_indirect_dma semaphore(%arg25 : memref<!tpu.dma_semaphore, #tpu.memory_space<semaphore_mem>>) src(%dma_wait3A_826 : memref<100000x64xf32, #tpu.memory_space<hbm>>) dst(%arg21 : memref<512x64xf32, #tpu.memory_space<vmem>>)
    %dma_start3A_827 = arith.constant 0 : i32
    %dma_start3A_828 = tpu.memref_slice %arg15[%add3A_626, %dma_start3A_827] : memref<327680x64xf32, #tpu.memory_space<hbm>> -> memref<512x64xf32, #tpu.memory_space<hbm>>
    %dma_start3A_829 = arith.constant 0 : i32
    %dma_start3A_830 = tpu.memref_slice %arg15[%add3A_626, %dma_start3A_829] : memref<327680x64xf32, #tpu.memory_space<hbm>> -> memref<512x64xf32, #tpu.memory_space<hbm>>
    tpu.enqueue_dma source(%arg21 : memref<512x64xf32, #tpu.memory_space<vmem>>) target(%dma_start3A_830 : memref<512x64xf32, #tpu.memory_space<hbm>>) target_semaphore(%arg27 : memref<!tpu.dma_semaphore, #tpu.memory_space<semaphore_mem>>)
    %dma_wait3A_831 = arith.constant 0 : i32
    %dma_wait3A_832 = tpu.memref_slice %arg15[%add3A_622, %dma_wait3A_831] : memref<327680x64xf32, #tpu.memory_space<hbm>> -> memref<512x64xf32, #tpu.memory_space<hbm>>
    %dma_wait3A_833 = arith.constant 0 : i32
    %dma_wait3A_834 = tpu.memref_slice %arg15[%add3A_622, %dma_wait3A_833] : memref<327680x64xf32, #tpu.memory_space<hbm>> -> memref<512x64xf32, #tpu.memory_space<hbm>>
    tpu.wait_dma2 semaphore(%arg28 : memref<!tpu.dma_semaphore, #tpu.memory_space<semaphore_mem>>) src(%arg22 : memref<512x64xf32, #tpu.memory_space<vmem>>) dst(%dma_wait3A_834 : memref<512x64xf32, #tpu.memory_space<hbm>>)
    %dma_start3A_835 = arith.constant 3584 : i32
    %dma_start3A_836 = tpu.memref_slice %arg19[%dma_start3A_835] : memref<22528xi32, #tpu.memory_space<vmem>> -> memref<512xi32, #tpu.memory_space<vmem>>
    %dma_start3A_837 = arith.constant 0 : i32
    %dma_start3A_838 = arith.constant 0 : i32
    %dma_start3A_839 = tpu.memref_slice %arg3[%dma_start3A_837, %dma_start3A_838] : memref<100000x64xf32, #tpu.memory_space<hbm>> -> memref<100000x64xf32, #tpu.memory_space<hbm>>
    tpu.enqueue_indirect_dma source(%dma_start3A_839 : memref<100000x64xf32, #tpu.memory_space<hbm>>) target(%arg22 : memref<512x64xf32, #tpu.memory_space<vmem>>) offsets(%dma_start3A_836 : memref<512xi32, #tpu.memory_space<vmem>>) semaphore(%arg25 : memref<!tpu.dma_semaphore, #tpu.memory_space<semaphore_mem>>)
    %dma_wait3A_840 = arith.constant 3584 : i32
    %dma_wait3A_841 = tpu.memref_slice %arg19[%dma_wait3A_840] : memref<22528xi32, #tpu.memory_space<vmem>> -> memref<512xi32, #tpu.memory_space<vmem>>
    %dma_wait3A_842 = arith.constant 0 : i32
    %dma_wait3A_843 = arith.constant 0 : i32
    %dma_wait3A_844 = tpu.memref_slice %arg3[%dma_wait3A_842, %dma_wait3A_843] : memref<100000x64xf32, #tpu.memory_space<hbm>> -> memref<100000x64xf32, #tpu.memory_space<hbm>>
    tpu.wait_indirect_dma semaphore(%arg25 : memref<!tpu.dma_semaphore, #tpu.memory_space<semaphore_mem>>) src(%dma_wait3A_844 : memref<100000x64xf32, #tpu.memory_space<hbm>>) dst(%arg22 : memref<512x64xf32, #tpu.memory_space<vmem>>)
    %dma_start3A_845 = arith.constant 0 : i32
    %dma_start3A_846 = tpu.memref_slice %arg15[%add3A_628, %dma_start3A_845] : memref<327680x64xf32, #tpu.memory_space<hbm>> -> memref<512x64xf32, #tpu.memory_space<hbm>>
    %dma_start3A_847 = arith.constant 0 : i32
    %dma_start3A_848 = tpu.memref_slice %arg15[%add3A_628, %dma_start3A_847] : memref<327680x64xf32, #tpu.memory_space<hbm>> -> memref<512x64xf32, #tpu.memory_space<hbm>>
    tpu.enqueue_dma source(%arg22 : memref<512x64xf32, #tpu.memory_space<vmem>>) target(%dma_start3A_848 : memref<512x64xf32, #tpu.memory_space<hbm>>) target_semaphore(%arg28 : memref<!tpu.dma_semaphore, #tpu.memory_space<semaphore_mem>>)
    %dma_wait3A_849 = arith.constant 0 : i32
    %dma_wait3A_850 = tpu.memref_slice %arg15[%add3A_624, %dma_wait3A_849] : memref<327680x64xf32, #tpu.memory_space<hbm>> -> memref<512x64xf32, #tpu.memory_space<hbm>>
    %dma_wait3A_851 = arith.constant 0 : i32
    %dma_wait3A_852 = tpu.memref_slice %arg15[%add3A_624, %dma_wait3A_851] : memref<327680x64xf32, #tpu.memory_space<hbm>> -> memref<512x64xf32, #tpu.memory_space<hbm>>
    tpu.wait_dma2 semaphore(%arg26 : memref<!tpu.dma_semaphore, #tpu.memory_space<semaphore_mem>>) src(%arg20 : memref<512x64xf32, #tpu.memory_space<vmem>>) dst(%dma_wait3A_852 : memref<512x64xf32, #tpu.memory_space<hbm>>)
    %dma_start3A_853 = arith.constant 4096 : i32
    %dma_start3A_854 = tpu.memref_slice %arg19[%dma_start3A_853] : memref<22528xi32, #tpu.memory_space<vmem>> -> memref<512xi32, #tpu.memory_space<vmem>>
    %dma_start3A_855 = arith.constant 0 : i32
    %dma_start3A_856 = arith.constant 0 : i32
    %dma_start3A_857 = tpu.memref_slice %arg3[%dma_start3A_855, %dma_start3A_856] : memref<100000x64xf32, #tpu.memory_space<hbm>> -> memref<100000x64xf32, #tpu.memory_space<hbm>>
    tpu.enqueue_indirect_dma source(%dma_start3A_857 : memref<100000x64xf32, #tpu.memory_space<hbm>>) target(%arg20 : memref<512x64xf32, #tpu.memory_space<vmem>>) offsets(%dma_start3A_854 : memref<512xi32, #tpu.memory_space<vmem>>) semaphore(%arg25 : memref<!tpu.dma_semaphore, #tpu.memory_space<semaphore_mem>>)
    %dma_wait3A_858 = arith.constant 4096 : i32
    %dma_wait3A_859 = tpu.memref_slice %arg19[%dma_wait3A_858] : memref<22528xi32, #tpu.memory_space<vmem>> -> memref<512xi32, #tpu.memory_space<vmem>>
    %dma_wait3A_860 = arith.constant 0 : i32
    %dma_wait3A_861 = arith.constant 0 : i32
    %dma_wait3A_862 = tpu.memref_slice %arg3[%dma_wait3A_860, %dma_wait3A_861] : memref<100000x64xf32, #tpu.memory_space<hbm>> -> memref<100000x64xf32, #tpu.memory_space<hbm>>
    tpu.wait_indirect_dma semaphore(%arg25 : memref<!tpu.dma_semaphore, #tpu.memory_space<semaphore_mem>>) src(%dma_wait3A_862 : memref<100000x64xf32, #tpu.memory_space<hbm>>) dst(%arg20 : memref<512x64xf32, #tpu.memory_space<vmem>>)
    %dma_start3A_863 = arith.constant 0 : i32
    %dma_start3A_864 = tpu.memref_slice %arg15[%add3A_630, %dma_start3A_863] : memref<327680x64xf32, #tpu.memory_space<hbm>> -> memref<512x64xf32, #tpu.memory_space<hbm>>
    %dma_start3A_865 = arith.constant 0 : i32
    %dma_start3A_866 = tpu.memref_slice %arg15[%add3A_630, %dma_start3A_865] : memref<327680x64xf32, #tpu.memory_space<hbm>> -> memref<512x64xf32, #tpu.memory_space<hbm>>
    tpu.enqueue_dma source(%arg20 : memref<512x64xf32, #tpu.memory_space<vmem>>) target(%dma_start3A_866 : memref<512x64xf32, #tpu.memory_space<hbm>>) target_semaphore(%arg26 : memref<!tpu.dma_semaphore, #tpu.memory_space<semaphore_mem>>)
    %dma_wait3A_867 = arith.constant 0 : i32
    %dma_wait3A_868 = tpu.memref_slice %arg15[%add3A_626, %dma_wait3A_867] : memref<327680x64xf32, #tpu.memory_space<hbm>> -> memref<512x64xf32, #tpu.memory_space<hbm>>
    %dma_wait3A_869 = arith.constant 0 : i32
    %dma_wait3A_870 = tpu.memref_slice %arg15[%add3A_626, %dma_wait3A_869] : memref<327680x64xf32, #tpu.memory_space<hbm>> -> memref<512x64xf32, #tpu.memory_space<hbm>>
    tpu.wait_dma2 semaphore(%arg27 : memref<!tpu.dma_semaphore, #tpu.memory_space<semaphore_mem>>) src(%arg21 : memref<512x64xf32, #tpu.memory_space<vmem>>) dst(%dma_wait3A_870 : memref<512x64xf32, #tpu.memory_space<hbm>>)
    %dma_start3A_871 = arith.constant 4608 : i32
    %dma_start3A_872 = tpu.memref_slice %arg19[%dma_start3A_871] : memref<22528xi32, #tpu.memory_space<vmem>> -> memref<512xi32, #tpu.memory_space<vmem>>
    %dma_start3A_873 = arith.constant 0 : i32
    %dma_start3A_874 = arith.constant 0 : i32
    %dma_start3A_875 = tpu.memref_slice %arg3[%dma_start3A_873, %dma_start3A_874] : memref<100000x64xf32, #tpu.memory_space<hbm>> -> memref<100000x64xf32, #tpu.memory_space<hbm>>
    tpu.enqueue_indirect_dma source(%dma_start3A_875 : memref<100000x64xf32, #tpu.memory_space<hbm>>) target(%arg21 : memref<512x64xf32, #tpu.memory_space<vmem>>) offsets(%dma_start3A_872 : memref<512xi32, #tpu.memory_space<vmem>>) semaphore(%arg25 : memref<!tpu.dma_semaphore, #tpu.memory_space<semaphore_mem>>)
    %dma_wait3A_876 = arith.constant 4608 : i32
    %dma_wait3A_877 = tpu.memref_slice %arg19[%dma_wait3A_876] : memref<22528xi32, #tpu.memory_space<vmem>> -> memref<512xi32, #tpu.memory_space<vmem>>
    %dma_wait3A_878 = arith.constant 0 : i32
    %dma_wait3A_879 = arith.constant 0 : i32
    %dma_wait3A_880 = tpu.memref_slice %arg3[%dma_wait3A_878, %dma_wait3A_879] : memref<100000x64xf32, #tpu.memory_space<hbm>> -> memref<100000x64xf32, #tpu.memory_space<hbm>>
    tpu.wait_indirect_dma semaphore(%arg25 : memref<!tpu.dma_semaphore, #tpu.memory_space<semaphore_mem>>) src(%dma_wait3A_880 : memref<100000x64xf32, #tpu.memory_space<hbm>>) dst(%arg21 : memref<512x64xf32, #tpu.memory_space<vmem>>)
    %dma_start3A_881 = arith.constant 0 : i32
    %dma_start3A_882 = tpu.memref_slice %arg15[%add3A_632, %dma_start3A_881] : memref<327680x64xf32, #tpu.memory_space<hbm>> -> memref<512x64xf32, #tpu.memory_space<hbm>>
    %dma_start3A_883 = arith.constant 0 : i32
    %dma_start3A_884 = tpu.memref_slice %arg15[%add3A_632, %dma_start3A_883] : memref<327680x64xf32, #tpu.memory_space<hbm>> -> memref<512x64xf32, #tpu.memory_space<hbm>>
    tpu.enqueue_dma source(%arg21 : memref<512x64xf32, #tpu.memory_space<vmem>>) target(%dma_start3A_884 : memref<512x64xf32, #tpu.memory_space<hbm>>) target_semaphore(%arg27 : memref<!tpu.dma_semaphore, #tpu.memory_space<semaphore_mem>>)
    %dma_wait3A_885 = arith.constant 0 : i32
    %dma_wait3A_886 = tpu.memref_slice %arg15[%add3A_628, %dma_wait3A_885] : memref<327680x64xf32, #tpu.memory_space<hbm>> -> memref<512x64xf32, #tpu.memory_space<hbm>>
    %dma_wait3A_887 = arith.constant 0 : i32
    %dma_wait3A_888 = tpu.memref_slice %arg15[%add3A_628, %dma_wait3A_887] : memref<327680x64xf32, #tpu.memory_space<hbm>> -> memref<512x64xf32, #tpu.memory_space<hbm>>
    tpu.wait_dma2 semaphore(%arg28 : memref<!tpu.dma_semaphore, #tpu.memory_space<semaphore_mem>>) src(%arg22 : memref<512x64xf32, #tpu.memory_space<vmem>>) dst(%dma_wait3A_888 : memref<512x64xf32, #tpu.memory_space<hbm>>)
    %dma_start3A_889 = arith.constant 5120 : i32
    %dma_start3A_890 = tpu.memref_slice %arg19[%dma_start3A_889] : memref<22528xi32, #tpu.memory_space<vmem>> -> memref<512xi32, #tpu.memory_space<vmem>>
    %dma_start3A_891 = arith.constant 0 : i32
    %dma_start3A_892 = arith.constant 0 : i32
    %dma_start3A_893 = tpu.memref_slice %arg3[%dma_start3A_891, %dma_start3A_892] : memref<100000x64xf32, #tpu.memory_space<hbm>> -> memref<100000x64xf32, #tpu.memory_space<hbm>>
    tpu.enqueue_indirect_dma source(%dma_start3A_893 : memref<100000x64xf32, #tpu.memory_space<hbm>>) target(%arg22 : memref<512x64xf32, #tpu.memory_space<vmem>>) offsets(%dma_start3A_890 : memref<512xi32, #tpu.memory_space<vmem>>) semaphore(%arg25 : memref<!tpu.dma_semaphore, #tpu.memory_space<semaphore_mem>>)
    %dma_wait3A_894 = arith.constant 5120 : i32
    %dma_wait3A_895 = tpu.memref_slice %arg19[%dma_wait3A_894] : memref<22528xi32, #tpu.memory_space<vmem>> -> memref<512xi32, #tpu.memory_space<vmem>>
    %dma_wait3A_896 = arith.constant 0 : i32
    %dma_wait3A_897 = arith.constant 0 : i32
    %dma_wait3A_898 = tpu.memref_slice %arg3[%dma_wait3A_896, %dma_wait3A_897] : memref<100000x64xf32, #tpu.memory_space<hbm>> -> memref<100000x64xf32, #tpu.memory_space<hbm>>
    tpu.wait_indirect_dma semaphore(%arg25 : memref<!tpu.dma_semaphore, #tpu.memory_space<semaphore_mem>>) src(%dma_wait3A_898 : memref<100000x64xf32, #tpu.memory_space<hbm>>) dst(%arg22 : memref<512x64xf32, #tpu.memory_space<vmem>>)
    %dma_start3A_899 = arith.constant 0 : i32
    %dma_start3A_900 = tpu.memref_slice %arg15[%add3A_634, %dma_start3A_899] : memref<327680x64xf32, #tpu.memory_space<hbm>> -> memref<512x64xf32, #tpu.memory_space<hbm>>
    %dma_start3A_901 = arith.constant 0 : i32
    %dma_start3A_902 = tpu.memref_slice %arg15[%add3A_634, %dma_start3A_901] : memref<327680x64xf32, #tpu.memory_space<hbm>> -> memref<512x64xf32, #tpu.memory_space<hbm>>
    tpu.enqueue_dma source(%arg22 : memref<512x64xf32, #tpu.memory_space<vmem>>) target(%dma_start3A_902 : memref<512x64xf32, #tpu.memory_space<hbm>>) target_semaphore(%arg28 : memref<!tpu.dma_semaphore, #tpu.memory_space<semaphore_mem>>)
    %dma_wait3A_903 = arith.constant 0 : i32
    %dma_wait3A_904 = tpu.memref_slice %arg15[%add3A_630, %dma_wait3A_903] : memref<327680x64xf32, #tpu.memory_space<hbm>> -> memref<512x64xf32, #tpu.memory_space<hbm>>
    %dma_wait3A_905 = arith.constant 0 : i32
    %dma_wait3A_906 = tpu.memref_slice %arg15[%add3A_630, %dma_wait3A_905] : memref<327680x64xf32, #tpu.memory_space<hbm>> -> memref<512x64xf32, #tpu.memory_space<hbm>>
    tpu.wait_dma2 semaphore(%arg26 : memref<!tpu.dma_semaphore, #tpu.memory_space<semaphore_mem>>) src(%arg20 : memref<512x64xf32, #tpu.memory_space<vmem>>) dst(%dma_wait3A_906 : memref<512x64xf32, #tpu.memory_space<hbm>>)
    %dma_start3A_907 = arith.constant 5632 : i32
    %dma_start3A_908 = tpu.memref_slice %arg19[%dma_start3A_907] : memref<22528xi32, #tpu.memory_space<vmem>> -> memref<512xi32, #tpu.memory_space<vmem>>
    %dma_start3A_909 = arith.constant 0 : i32
    %dma_start3A_910 = arith.constant 0 : i32
    %dma_start3A_911 = tpu.memref_slice %arg3[%dma_start3A_909, %dma_start3A_910] : memref<100000x64xf32, #tpu.memory_space<hbm>> -> memref<100000x64xf32, #tpu.memory_space<hbm>>
    tpu.enqueue_indirect_dma source(%dma_start3A_911 : memref<100000x64xf32, #tpu.memory_space<hbm>>) target(%arg20 : memref<512x64xf32, #tpu.memory_space<vmem>>) offsets(%dma_start3A_908 : memref<512xi32, #tpu.memory_space<vmem>>) semaphore(%arg25 : memref<!tpu.dma_semaphore, #tpu.memory_space<semaphore_mem>>)
    %dma_wait3A_912 = arith.constant 5632 : i32
    %dma_wait3A_913 = tpu.memref_slice %arg19[%dma_wait3A_912] : memref<22528xi32, #tpu.memory_space<vmem>> -> memref<512xi32, #tpu.memory_space<vmem>>
    %dma_wait3A_914 = arith.constant 0 : i32
    %dma_wait3A_915 = arith.constant 0 : i32
    %dma_wait3A_916 = tpu.memref_slice %arg3[%dma_wait3A_914, %dma_wait3A_915] : memref<100000x64xf32, #tpu.memory_space<hbm>> -> memref<100000x64xf32, #tpu.memory_space<hbm>>
    tpu.wait_indirect_dma semaphore(%arg25 : memref<!tpu.dma_semaphore, #tpu.memory_space<semaphore_mem>>) src(%dma_wait3A_916 : memref<100000x64xf32, #tpu.memory_space<hbm>>) dst(%arg20 : memref<512x64xf32, #tpu.memory_space<vmem>>)
    %dma_start3A_917 = arith.constant 0 : i32
    %dma_start3A_918 = tpu.memref_slice %arg15[%add3A_636, %dma_start3A_917] : memref<327680x64xf32, #tpu.memory_space<hbm>> -> memref<512x64xf32, #tpu.memory_space<hbm>>
    %dma_start3A_919 = arith.constant 0 : i32
    %dma_start3A_920 = tpu.memref_slice %arg15[%add3A_636, %dma_start3A_919] : memref<327680x64xf32, #tpu.memory_space<hbm>> -> memref<512x64xf32, #tpu.memory_space<hbm>>
    tpu.enqueue_dma source(%arg20 : memref<512x64xf32, #tpu.memory_space<vmem>>) target(%dma_start3A_920 : memref<512x64xf32, #tpu.memory_space<hbm>>) target_semaphore(%arg26 : memref<!tpu.dma_semaphore, #tpu.memory_space<semaphore_mem>>)
    %dma_wait3A_921 = arith.constant 0 : i32
    %dma_wait3A_922 = tpu.memref_slice %arg15[%add3A_632, %dma_wait3A_921] : memref<327680x64xf32, #tpu.memory_space<hbm>> -> memref<512x64xf32, #tpu.memory_space<hbm>>
    %dma_wait3A_923 = arith.constant 0 : i32
    %dma_wait3A_924 = tpu.memref_slice %arg15[%add3A_632, %dma_wait3A_923] : memref<327680x64xf32, #tpu.memory_space<hbm>> -> memref<512x64xf32, #tpu.memory_space<hbm>>
    tpu.wait_dma2 semaphore(%arg27 : memref<!tpu.dma_semaphore, #tpu.memory_space<semaphore_mem>>) src(%arg21 : memref<512x64xf32, #tpu.memory_space<vmem>>) dst(%dma_wait3A_924 : memref<512x64xf32, #tpu.memory_space<hbm>>)
    %dma_start3A_925 = arith.constant 6144 : i32
    %dma_start3A_926 = tpu.memref_slice %arg19[%dma_start3A_925] : memref<22528xi32, #tpu.memory_space<vmem>> -> memref<512xi32, #tpu.memory_space<vmem>>
    %dma_start3A_927 = arith.constant 0 : i32
    %dma_start3A_928 = arith.constant 0 : i32
    %dma_start3A_929 = tpu.memref_slice %arg3[%dma_start3A_927, %dma_start3A_928] : memref<100000x64xf32, #tpu.memory_space<hbm>> -> memref<100000x64xf32, #tpu.memory_space<hbm>>
    tpu.enqueue_indirect_dma source(%dma_start3A_929 : memref<100000x64xf32, #tpu.memory_space<hbm>>) target(%arg21 : memref<512x64xf32, #tpu.memory_space<vmem>>) offsets(%dma_start3A_926 : memref<512xi32, #tpu.memory_space<vmem>>) semaphore(%arg25 : memref<!tpu.dma_semaphore, #tpu.memory_space<semaphore_mem>>)
    %dma_wait3A_930 = arith.constant 6144 : i32
    %dma_wait3A_931 = tpu.memref_slice %arg19[%dma_wait3A_930] : memref<22528xi32, #tpu.memory_space<vmem>> -> memref<512xi32, #tpu.memory_space<vmem>>
    %dma_wait3A_932 = arith.constant 0 : i32
    %dma_wait3A_933 = arith.constant 0 : i32
    %dma_wait3A_934 = tpu.memref_slice %arg3[%dma_wait3A_932, %dma_wait3A_933] : memref<100000x64xf32, #tpu.memory_space<hbm>> -> memref<100000x64xf32, #tpu.memory_space<hbm>>
    tpu.wait_indirect_dma semaphore(%arg25 : memref<!tpu.dma_semaphore, #tpu.memory_space<semaphore_mem>>) src(%dma_wait3A_934 : memref<100000x64xf32, #tpu.memory_space<hbm>>) dst(%arg21 : memref<512x64xf32, #tpu.memory_space<vmem>>)
    %dma_start3A_935 = arith.constant 0 : i32
    %dma_start3A_936 = tpu.memref_slice %arg15[%add3A_638, %dma_start3A_935] : memref<327680x64xf32, #tpu.memory_space<hbm>> -> memref<512x64xf32, #tpu.memory_space<hbm>>
    %dma_start3A_937 = arith.constant 0 : i32
    %dma_start3A_938 = tpu.memref_slice %arg15[%add3A_638, %dma_start3A_937] : memref<327680x64xf32, #tpu.memory_space<hbm>> -> memref<512x64xf32, #tpu.memory_space<hbm>>
    tpu.enqueue_dma source(%arg21 : memref<512x64xf32, #tpu.memory_space<vmem>>) target(%dma_start3A_938 : memref<512x64xf32, #tpu.memory_space<hbm>>) target_semaphore(%arg27 : memref<!tpu.dma_semaphore, #tpu.memory_space<semaphore_mem>>)
    %dma_wait3A_939 = arith.constant 0 : i32
    %dma_wait3A_940 = tpu.memref_slice %arg15[%add3A_634, %dma_wait3A_939] : memref<327680x64xf32, #tpu.memory_space<hbm>> -> memref<512x64xf32, #tpu.memory_space<hbm>>
    %dma_wait3A_941 = arith.constant 0 : i32
    %dma_wait3A_942 = tpu.memref_slice %arg15[%add3A_634, %dma_wait3A_941] : memref<327680x64xf32, #tpu.memory_space<hbm>> -> memref<512x64xf32, #tpu.memory_space<hbm>>
    tpu.wait_dma2 semaphore(%arg28 : memref<!tpu.dma_semaphore, #tpu.memory_space<semaphore_mem>>) src(%arg22 : memref<512x64xf32, #tpu.memory_space<vmem>>) dst(%dma_wait3A_942 : memref<512x64xf32, #tpu.memory_space<hbm>>)
    %dma_start3A_943 = arith.constant 6656 : i32
    %dma_start3A_944 = tpu.memref_slice %arg19[%dma_start3A_943] : memref<22528xi32, #tpu.memory_space<vmem>> -> memref<512xi32, #tpu.memory_space<vmem>>
    %dma_start3A_945 = arith.constant 0 : i32
    %dma_start3A_946 = arith.constant 0 : i32
    %dma_start3A_947 = tpu.memref_slice %arg3[%dma_start3A_945, %dma_start3A_946] : memref<100000x64xf32, #tpu.memory_space<hbm>> -> memref<100000x64xf32, #tpu.memory_space<hbm>>
    tpu.enqueue_indirect_dma source(%dma_start3A_947 : memref<100000x64xf32, #tpu.memory_space<hbm>>) target(%arg22 : memref<512x64xf32, #tpu.memory_space<vmem>>) offsets(%dma_start3A_944 : memref<512xi32, #tpu.memory_space<vmem>>) semaphore(%arg25 : memref<!tpu.dma_semaphore, #tpu.memory_space<semaphore_mem>>)
    %dma_wait3A_948 = arith.constant 6656 : i32
    %dma_wait3A_949 = tpu.memref_slice %arg19[%dma_wait3A_948] : memref<22528xi32, #tpu.memory_space<vmem>> -> memref<512xi32, #tpu.memory_space<vmem>>
    %dma_wait3A_950 = arith.constant 0 : i32
    %dma_wait3A_951 = arith.constant 0 : i32
    %dma_wait3A_952 = tpu.memref_slice %arg3[%dma_wait3A_950, %dma_wait3A_951] : memref<100000x64xf32, #tpu.memory_space<hbm>> -> memref<100000x64xf32, #tpu.memory_space<hbm>>
    tpu.wait_indirect_dma semaphore(%arg25 : memref<!tpu.dma_semaphore, #tpu.memory_space<semaphore_mem>>) src(%dma_wait3A_952 : memref<100000x64xf32, #tpu.memory_space<hbm>>) dst(%arg22 : memref<512x64xf32, #tpu.memory_space<vmem>>)
    %dma_start3A_953 = arith.constant 0 : i32
    %dma_start3A_954 = tpu.memref_slice %arg15[%add3A_640, %dma_start3A_953] : memref<327680x64xf32, #tpu.memory_space<hbm>> -> memref<512x64xf32, #tpu.memory_space<hbm>>
    %dma_start3A_955 = arith.constant 0 : i32
    %dma_start3A_956 = tpu.memref_slice %arg15[%add3A_640, %dma_start3A_955] : memref<327680x64xf32, #tpu.memory_space<hbm>> -> memref<512x64xf32, #tpu.memory_space<hbm>>
    tpu.enqueue_dma source(%arg22 : memref<512x64xf32, #tpu.memory_space<vmem>>) target(%dma_start3A_956 : memref<512x64xf32, #tpu.memory_space<hbm>>) target_semaphore(%arg28 : memref<!tpu.dma_semaphore, #tpu.memory_space<semaphore_mem>>)
    %dma_wait3A_957 = arith.constant 0 : i32
    %dma_wait3A_958 = tpu.memref_slice %arg15[%add3A_636, %dma_wait3A_957] : memref<327680x64xf32, #tpu.memory_space<hbm>> -> memref<512x64xf32, #tpu.memory_space<hbm>>
    %dma_wait3A_959 = arith.constant 0 : i32
    %dma_wait3A_960 = tpu.memref_slice %arg15[%add3A_636, %dma_wait3A_959] : memref<327680x64xf32, #tpu.memory_space<hbm>> -> memref<512x64xf32, #tpu.memory_space<hbm>>
    tpu.wait_dma2 semaphore(%arg26 : memref<!tpu.dma_semaphore, #tpu.memory_space<semaphore_mem>>) src(%arg20 : memref<512x64xf32, #tpu.memory_space<vmem>>) dst(%dma_wait3A_960 : memref<512x64xf32, #tpu.memory_space<hbm>>)
    %dma_start3A_961 = arith.constant 7168 : i32
    %dma_start3A_962 = tpu.memref_slice %arg19[%dma_start3A_961] : memref<22528xi32, #tpu.memory_space<vmem>> -> memref<512xi32, #tpu.memory_space<vmem>>
    %dma_start3A_963 = arith.constant 0 : i32
    %dma_start3A_964 = arith.constant 0 : i32
    %dma_start3A_965 = tpu.memref_slice %arg3[%dma_start3A_963, %dma_start3A_964] : memref<100000x64xf32, #tpu.memory_space<hbm>> -> memref<100000x64xf32, #tpu.memory_space<hbm>>
    tpu.enqueue_indirect_dma source(%dma_start3A_965 : memref<100000x64xf32, #tpu.memory_space<hbm>>) target(%arg20 : memref<512x64xf32, #tpu.memory_space<vmem>>) offsets(%dma_start3A_962 : memref<512xi32, #tpu.memory_space<vmem>>) semaphore(%arg25 : memref<!tpu.dma_semaphore, #tpu.memory_space<semaphore_mem>>)
    %dma_wait3A_966 = arith.constant 7168 : i32
    %dma_wait3A_967 = tpu.memref_slice %arg19[%dma_wait3A_966] : memref<22528xi32, #tpu.memory_space<vmem>> -> memref<512xi32, #tpu.memory_space<vmem>>
    %dma_wait3A_968 = arith.constant 0 : i32
    %dma_wait3A_969 = arith.constant 0 : i32
    %dma_wait3A_970 = tpu.memref_slice %arg3[%dma_wait3A_968, %dma_wait3A_969] : memref<100000x64xf32, #tpu.memory_space<hbm>> -> memref<100000x64xf32, #tpu.memory_space<hbm>>
    tpu.wait_indirect_dma semaphore(%arg25 : memref<!tpu.dma_semaphore, #tpu.memory_space<semaphore_mem>>) src(%dma_wait3A_970 : memref<100000x64xf32, #tpu.memory_space<hbm>>) dst(%arg20 : memref<512x64xf32, #tpu.memory_space<vmem>>)
    %dma_start3A_971 = arith.constant 0 : i32
    %dma_start3A_972 = tpu.memref_slice %arg15[%add3A_642, %dma_start3A_971] : memref<327680x64xf32, #tpu.memory_space<hbm>> -> memref<512x64xf32, #tpu.memory_space<hbm>>
    %dma_start3A_973 = arith.constant 0 : i32
    %dma_start3A_974 = tpu.memref_slice %arg15[%add3A_642, %dma_start3A_973] : memref<327680x64xf32, #tpu.memory_space<hbm>> -> memref<512x64xf32, #tpu.memory_space<hbm>>
    tpu.enqueue_dma source(%arg20 : memref<512x64xf32, #tpu.memory_space<vmem>>) target(%dma_start3A_974 : memref<512x64xf32, #tpu.memory_space<hbm>>) target_semaphore(%arg26 : memref<!tpu.dma_semaphore, #tpu.memory_space<semaphore_mem>>)
    %dma_wait3A_975 = arith.constant 0 : i32
    %dma_wait3A_976 = tpu.memref_slice %arg15[%add3A_638, %dma_wait3A_975] : memref<327680x64xf32, #tpu.memory_space<hbm>> -> memref<512x64xf32, #tpu.memory_space<hbm>>
    %dma_wait3A_977 = arith.constant 0 : i32
    %dma_wait3A_978 = tpu.memref_slice %arg15[%add3A_638, %dma_wait3A_977] : memref<327680x64xf32, #tpu.memory_space<hbm>> -> memref<512x64xf32, #tpu.memory_space<hbm>>
    tpu.wait_dma2 semaphore(%arg27 : memref<!tpu.dma_semaphore, #tpu.memory_space<semaphore_mem>>) src(%arg21 : memref<512x64xf32, #tpu.memory_space<vmem>>) dst(%dma_wait3A_978 : memref<512x64xf32, #tpu.memory_space<hbm>>)
    %dma_start3A_979 = arith.constant 7680 : i32
    %dma_start3A_980 = tpu.memref_slice %arg19[%dma_start3A_979] : memref<22528xi32, #tpu.memory_space<vmem>> -> memref<512xi32, #tpu.memory_space<vmem>>
    %dma_start3A_981 = arith.constant 0 : i32
    %dma_start3A_982 = arith.constant 0 : i32
    %dma_start3A_983 = tpu.memref_slice %arg3[%dma_start3A_981, %dma_start3A_982] : memref<100000x64xf32, #tpu.memory_space<hbm>> -> memref<100000x64xf32, #tpu.memory_space<hbm>>
    tpu.enqueue_indirect_dma source(%dma_start3A_983 : memref<100000x64xf32, #tpu.memory_space<hbm>>) target(%arg21 : memref<512x64xf32, #tpu.memory_space<vmem>>) offsets(%dma_start3A_980 : memref<512xi32, #tpu.memory_space<vmem>>) semaphore(%arg25 : memref<!tpu.dma_semaphore, #tpu.memory_space<semaphore_mem>>)
    %dma_wait3A_984 = arith.constant 7680 : i32
    %dma_wait3A_985 = tpu.memref_slice %arg19[%dma_wait3A_984] : memref<22528xi32, #tpu.memory_space<vmem>> -> memref<512xi32, #tpu.memory_space<vmem>>
    %dma_wait3A_986 = arith.constant 0 : i32
    %dma_wait3A_987 = arith.constant 0 : i32
    %dma_wait3A_988 = tpu.memref_slice %arg3[%dma_wait3A_986, %dma_wait3A_987] : memref<100000x64xf32, #tpu.memory_space<hbm>> -> memref<100000x64xf32, #tpu.memory_space<hbm>>
    tpu.wait_indirect_dma semaphore(%arg25 : memref<!tpu.dma_semaphore, #tpu.memory_space<semaphore_mem>>) src(%dma_wait3A_988 : memref<100000x64xf32, #tpu.memory_space<hbm>>) dst(%arg21 : memref<512x64xf32, #tpu.memory_space<vmem>>)
    %dma_start3A_989 = arith.constant 0 : i32
    %dma_start3A_990 = tpu.memref_slice %arg15[%add3A_644, %dma_start3A_989] : memref<327680x64xf32, #tpu.memory_space<hbm>> -> memref<512x64xf32, #tpu.memory_space<hbm>>
    %dma_start3A_991 = arith.constant 0 : i32
    %dma_start3A_992 = tpu.memref_slice %arg15[%add3A_644, %dma_start3A_991] : memref<327680x64xf32, #tpu.memory_space<hbm>> -> memref<512x64xf32, #tpu.memory_space<hbm>>
    tpu.enqueue_dma source(%arg21 : memref<512x64xf32, #tpu.memory_space<vmem>>) target(%dma_start3A_992 : memref<512x64xf32, #tpu.memory_space<hbm>>) target_semaphore(%arg27 : memref<!tpu.dma_semaphore, #tpu.memory_space<semaphore_mem>>)
    %dma_wait3A_993 = arith.constant 0 : i32
    %dma_wait3A_994 = tpu.memref_slice %arg15[%add3A_640, %dma_wait3A_993] : memref<327680x64xf32, #tpu.memory_space<hbm>> -> memref<512x64xf32, #tpu.memory_space<hbm>>
    %dma_wait3A_995 = arith.constant 0 : i32
    %dma_wait3A_996 = tpu.memref_slice %arg15[%add3A_640, %dma_wait3A_995] : memref<327680x64xf32, #tpu.memory_space<hbm>> -> memref<512x64xf32, #tpu.memory_space<hbm>>
    tpu.wait_dma2 semaphore(%arg28 : memref<!tpu.dma_semaphore, #tpu.memory_space<semaphore_mem>>) src(%arg22 : memref<512x64xf32, #tpu.memory_space<vmem>>) dst(%dma_wait3A_996 : memref<512x64xf32, #tpu.memory_space<hbm>>)
    %dma_start3A_997 = arith.constant 8192 : i32
    %dma_start3A_998 = tpu.memref_slice %arg19[%dma_start3A_997] : memref<22528xi32, #tpu.memory_space<vmem>> -> memref<512xi32, #tpu.memory_space<vmem>>
    %dma_start3A_999 = arith.constant 0 : i32
    %dma_start3A_1000 = arith.constant 0 : i32
    %dma_start3A_1001 = tpu.memref_slice %arg3[%dma_start3A_999, %dma_start3A_1000] : memref<100000x64xf32, #tpu.memory_space<hbm>> -> memref<100000x64xf32, #tpu.memory_space<hbm>>
    tpu.enqueue_indirect_dma source(%dma_start3A_1001 : memref<100000x64xf32, #tpu.memory_space<hbm>>) target(%arg22 : memref<512x64xf32, #tpu.memory_space<vmem>>) offsets(%dma_start3A_998 : memref<512xi32, #tpu.memory_space<vmem>>) semaphore(%arg25 : memref<!tpu.dma_semaphore, #tpu.memory_space<semaphore_mem>>)
    %dma_wait3A_1002 = arith.constant 8192 : i32
    %dma_wait3A_1003 = tpu.memref_slice %arg19[%dma_wait3A_1002] : memref<22528xi32, #tpu.memory_space<vmem>> -> memref<512xi32, #tpu.memory_space<vmem>>
    %dma_wait3A_1004 = arith.constant 0 : i32
    %dma_wait3A_1005 = arith.constant 0 : i32
    %dma_wait3A_1006 = tpu.memref_slice %arg3[%dma_wait3A_1004, %dma_wait3A_1005] : memref<100000x64xf32, #tpu.memory_space<hbm>> -> memref<100000x64xf32, #tpu.memory_space<hbm>>
    tpu.wait_indirect_dma semaphore(%arg25 : memref<!tpu.dma_semaphore, #tpu.memory_space<semaphore_mem>>) src(%dma_wait3A_1006 : memref<100000x64xf32, #tpu.memory_space<hbm>>) dst(%arg22 : memref<512x64xf32, #tpu.memory_space<vmem>>)
    %dma_start3A_1007 = arith.constant 0 : i32
    %dma_start3A_1008 = tpu.memref_slice %arg15[%add3A_646, %dma_start3A_1007] : memref<327680x64xf32, #tpu.memory_space<hbm>> -> memref<512x64xf32, #tpu.memory_space<hbm>>
    %dma_start3A_1009 = arith.constant 0 : i32
    %dma_start3A_1010 = tpu.memref_slice %arg15[%add3A_646, %dma_start3A_1009] : memref<327680x64xf32, #tpu.memory_space<hbm>> -> memref<512x64xf32, #tpu.memory_space<hbm>>
    tpu.enqueue_dma source(%arg22 : memref<512x64xf32, #tpu.memory_space<vmem>>) target(%dma_start3A_1010 : memref<512x64xf32, #tpu.memory_space<hbm>>) target_semaphore(%arg28 : memref<!tpu.dma_semaphore, #tpu.memory_space<semaphore_mem>>)
    %dma_wait3A_1011 = arith.constant 0 : i32
    %dma_wait3A_1012 = tpu.memref_slice %arg15[%add3A_642, %dma_wait3A_1011] : memref<327680x64xf32, #tpu.memory_space<hbm>> -> memref<512x64xf32, #tpu.memory_space<hbm>>
    %dma_wait3A_1013 = arith.constant 0 : i32
    %dma_wait3A_1014 = tpu.memref_slice %arg15[%add3A_642, %dma_wait3A_1013] : memref<327680x64xf32, #tpu.memory_space<hbm>> -> memref<512x64xf32, #tpu.memory_space<hbm>>
    tpu.wait_dma2 semaphore(%arg26 : memref<!tpu.dma_semaphore, #tpu.memory_space<semaphore_mem>>) src(%arg20 : memref<512x64xf32, #tpu.memory_space<vmem>>) dst(%dma_wait3A_1014 : memref<512x64xf32, #tpu.memory_space<hbm>>)
    %dma_start3A_1015 = arith.constant 8704 : i32
    %dma_start3A_1016 = tpu.memref_slice %arg19[%dma_start3A_1015] : memref<22528xi32, #tpu.memory_space<vmem>> -> memref<512xi32, #tpu.memory_space<vmem>>
    %dma_start3A_1017 = arith.constant 0 : i32
    %dma_start3A_1018 = arith.constant 0 : i32
    %dma_start3A_1019 = tpu.memref_slice %arg3[%dma_start3A_1017, %dma_start3A_1018] : memref<100000x64xf32, #tpu.memory_space<hbm>> -> memref<100000x64xf32, #tpu.memory_space<hbm>>
    tpu.enqueue_indirect_dma source(%dma_start3A_1019 : memref<100000x64xf32, #tpu.memory_space<hbm>>) target(%arg20 : memref<512x64xf32, #tpu.memory_space<vmem>>) offsets(%dma_start3A_1016 : memref<512xi32, #tpu.memory_space<vmem>>) semaphore(%arg25 : memref<!tpu.dma_semaphore, #tpu.memory_space<semaphore_mem>>)
    %dma_wait3A_1020 = arith.constant 8704 : i32
    %dma_wait3A_1021 = tpu.memref_slice %arg19[%dma_wait3A_1020] : memref<22528xi32, #tpu.memory_space<vmem>> -> memref<512xi32, #tpu.memory_space<vmem>>
    %dma_wait3A_1022 = arith.constant 0 : i32
    %dma_wait3A_1023 = arith.constant 0 : i32
    %dma_wait3A_1024 = tpu.memref_slice %arg3[%dma_wait3A_1022, %dma_wait3A_1023] : memref<100000x64xf32, #tpu.memory_space<hbm>> -> memref<100000x64xf32, #tpu.memory_space<hbm>>
    tpu.wait_indirect_dma semaphore(%arg25 : memref<!tpu.dma_semaphore, #tpu.memory_space<semaphore_mem>>) src(%dma_wait3A_1024 : memref<100000x64xf32, #tpu.memory_space<hbm>>) dst(%arg20 : memref<512x64xf32, #tpu.memory_space<vmem>>)
    %dma_start3A_1025 = arith.constant 0 : i32
    %dma_start3A_1026 = tpu.memref_slice %arg15[%add3A_648, %dma_start3A_1025] : memref<327680x64xf32, #tpu.memory_space<hbm>> -> memref<512x64xf32, #tpu.memory_space<hbm>>
    %dma_start3A_1027 = arith.constant 0 : i32
    %dma_start3A_1028 = tpu.memref_slice %arg15[%add3A_648, %dma_start3A_1027] : memref<327680x64xf32, #tpu.memory_space<hbm>> -> memref<512x64xf32, #tpu.memory_space<hbm>>
    tpu.enqueue_dma source(%arg20 : memref<512x64xf32, #tpu.memory_space<vmem>>) target(%dma_start3A_1028 : memref<512x64xf32, #tpu.memory_space<hbm>>) target_semaphore(%arg26 : memref<!tpu.dma_semaphore, #tpu.memory_space<semaphore_mem>>)
    %dma_wait3A_1029 = arith.constant 0 : i32
    %dma_wait3A_1030 = tpu.memref_slice %arg15[%add3A_644, %dma_wait3A_1029] : memref<327680x64xf32, #tpu.memory_space<hbm>> -> memref<512x64xf32, #tpu.memory_space<hbm>>
    %dma_wait3A_1031 = arith.constant 0 : i32
    %dma_wait3A_1032 = tpu.memref_slice %arg15[%add3A_644, %dma_wait3A_1031] : memref<327680x64xf32, #tpu.memory_space<hbm>> -> memref<512x64xf32, #tpu.memory_space<hbm>>
    tpu.wait_dma2 semaphore(%arg27 : memref<!tpu.dma_semaphore, #tpu.memory_space<semaphore_mem>>) src(%arg21 : memref<512x64xf32, #tpu.memory_space<vmem>>) dst(%dma_wait3A_1032 : memref<512x64xf32, #tpu.memory_space<hbm>>)
    %dma_start3A_1033 = arith.constant 9216 : i32
    %dma_start3A_1034 = tpu.memref_slice %arg19[%dma_start3A_1033] : memref<22528xi32, #tpu.memory_space<vmem>> -> memref<512xi32, #tpu.memory_space<vmem>>
    %dma_start3A_1035 = arith.constant 0 : i32
    %dma_start3A_1036 = arith.constant 0 : i32
    %dma_start3A_1037 = tpu.memref_slice %arg3[%dma_start3A_1035, %dma_start3A_1036] : memref<100000x64xf32, #tpu.memory_space<hbm>> -> memref<100000x64xf32, #tpu.memory_space<hbm>>
    tpu.enqueue_indirect_dma source(%dma_start3A_1037 : memref<100000x64xf32, #tpu.memory_space<hbm>>) target(%arg21 : memref<512x64xf32, #tpu.memory_space<vmem>>) offsets(%dma_start3A_1034 : memref<512xi32, #tpu.memory_space<vmem>>) semaphore(%arg25 : memref<!tpu.dma_semaphore, #tpu.memory_space<semaphore_mem>>)
    %dma_wait3A_1038 = arith.constant 9216 : i32
    %dma_wait3A_1039 = tpu.memref_slice %arg19[%dma_wait3A_1038] : memref<22528xi32, #tpu.memory_space<vmem>> -> memref<512xi32, #tpu.memory_space<vmem>>
    %dma_wait3A_1040 = arith.constant 0 : i32
    %dma_wait3A_1041 = arith.constant 0 : i32
    %dma_wait3A_1042 = tpu.memref_slice %arg3[%dma_wait3A_1040, %dma_wait3A_1041] : memref<100000x64xf32, #tpu.memory_space<hbm>> -> memref<100000x64xf32, #tpu.memory_space<hbm>>
    tpu.wait_indirect_dma semaphore(%arg25 : memref<!tpu.dma_semaphore, #tpu.memory_space<semaphore_mem>>) src(%dma_wait3A_1042 : memref<100000x64xf32, #tpu.memory_space<hbm>>) dst(%arg21 : memref<512x64xf32, #tpu.memory_space<vmem>>)
    %dma_start3A_1043 = arith.constant 0 : i32
    %dma_start3A_1044 = tpu.memref_slice %arg15[%add3A_650, %dma_start3A_1043] : memref<327680x64xf32, #tpu.memory_space<hbm>> -> memref<512x64xf32, #tpu.memory_space<hbm>>
    %dma_start3A_1045 = arith.constant 0 : i32
    %dma_start3A_1046 = tpu.memref_slice %arg15[%add3A_650, %dma_start3A_1045] : memref<327680x64xf32, #tpu.memory_space<hbm>> -> memref<512x64xf32, #tpu.memory_space<hbm>>
    tpu.enqueue_dma source(%arg21 : memref<512x64xf32, #tpu.memory_space<vmem>>) target(%dma_start3A_1046 : memref<512x64xf32, #tpu.memory_space<hbm>>) target_semaphore(%arg27 : memref<!tpu.dma_semaphore, #tpu.memory_space<semaphore_mem>>)
    %dma_wait3A_1047 = arith.constant 0 : i32
    %dma_wait3A_1048 = tpu.memref_slice %arg15[%add3A_646, %dma_wait3A_1047] : memref<327680x64xf32, #tpu.memory_space<hbm>> -> memref<512x64xf32, #tpu.memory_space<hbm>>
    %dma_wait3A_1049 = arith.constant 0 : i32
    %dma_wait3A_1050 = tpu.memref_slice %arg15[%add3A_646, %dma_wait3A_1049] : memref<327680x64xf32, #tpu.memory_space<hbm>> -> memref<512x64xf32, #tpu.memory_space<hbm>>
    tpu.wait_dma2 semaphore(%arg28 : memref<!tpu.dma_semaphore, #tpu.memory_space<semaphore_mem>>) src(%arg22 : memref<512x64xf32, #tpu.memory_space<vmem>>) dst(%dma_wait3A_1050 : memref<512x64xf32, #tpu.memory_space<hbm>>)
    %dma_start3A_1051 = arith.constant 9728 : i32
    %dma_start3A_1052 = tpu.memref_slice %arg19[%dma_start3A_1051] : memref<22528xi32, #tpu.memory_space<vmem>> -> memref<512xi32, #tpu.memory_space<vmem>>
    %dma_start3A_1053 = arith.constant 0 : i32
    %dma_start3A_1054 = arith.constant 0 : i32
    %dma_start3A_1055 = tpu.memref_slice %arg3[%dma_start3A_1053, %dma_start3A_1054] : memref<100000x64xf32, #tpu.memory_space<hbm>> -> memref<100000x64xf32, #tpu.memory_space<hbm>>
    tpu.enqueue_indirect_dma source(%dma_start3A_1055 : memref<100000x64xf32, #tpu.memory_space<hbm>>) target(%arg22 : memref<512x64xf32, #tpu.memory_space<vmem>>) offsets(%dma_start3A_1052 : memref<512xi32, #tpu.memory_space<vmem>>) semaphore(%arg25 : memref<!tpu.dma_semaphore, #tpu.memory_space<semaphore_mem>>)
    %dma_wait3A_1056 = arith.constant 9728 : i32
    %dma_wait3A_1057 = tpu.memref_slice %arg19[%dma_wait3A_1056] : memref<22528xi32, #tpu.memory_space<vmem>> -> memref<512xi32, #tpu.memory_space<vmem>>
    %dma_wait3A_1058 = arith.constant 0 : i32
    %dma_wait3A_1059 = arith.constant 0 : i32
    %dma_wait3A_1060 = tpu.memref_slice %arg3[%dma_wait3A_1058, %dma_wait3A_1059] : memref<100000x64xf32, #tpu.memory_space<hbm>> -> memref<100000x64xf32, #tpu.memory_space<hbm>>
    tpu.wait_indirect_dma semaphore(%arg25 : memref<!tpu.dma_semaphore, #tpu.memory_space<semaphore_mem>>) src(%dma_wait3A_1060 : memref<100000x64xf32, #tpu.memory_space<hbm>>) dst(%arg22 : memref<512x64xf32, #tpu.memory_space<vmem>>)
    %dma_start3A_1061 = arith.constant 0 : i32
    %dma_start3A_1062 = tpu.memref_slice %arg15[%add3A_652, %dma_start3A_1061] : memref<327680x64xf32, #tpu.memory_space<hbm>> -> memref<512x64xf32, #tpu.memory_space<hbm>>
    %dma_start3A_1063 = arith.constant 0 : i32
    %dma_start3A_1064 = tpu.memref_slice %arg15[%add3A_652, %dma_start3A_1063] : memref<327680x64xf32, #tpu.memory_space<hbm>> -> memref<512x64xf32, #tpu.memory_space<hbm>>
    tpu.enqueue_dma source(%arg22 : memref<512x64xf32, #tpu.memory_space<vmem>>) target(%dma_start3A_1064 : memref<512x64xf32, #tpu.memory_space<hbm>>) target_semaphore(%arg28 : memref<!tpu.dma_semaphore, #tpu.memory_space<semaphore_mem>>)
    %dma_wait3A_1065 = arith.constant 0 : i32
    %dma_wait3A_1066 = tpu.memref_slice %arg15[%add3A_648, %dma_wait3A_1065] : memref<327680x64xf32, #tpu.memory_space<hbm>> -> memref<512x64xf32, #tpu.memory_space<hbm>>
    %dma_wait3A_1067 = arith.constant 0 : i32
    %dma_wait3A_1068 = tpu.memref_slice %arg15[%add3A_648, %dma_wait3A_1067] : memref<327680x64xf32, #tpu.memory_space<hbm>> -> memref<512x64xf32, #tpu.memory_space<hbm>>
    tpu.wait_dma2 semaphore(%arg26 : memref<!tpu.dma_semaphore, #tpu.memory_space<semaphore_mem>>) src(%arg20 : memref<512x64xf32, #tpu.memory_space<vmem>>) dst(%dma_wait3A_1068 : memref<512x64xf32, #tpu.memory_space<hbm>>)
    %dma_start3A_1069 = arith.constant 10240 : i32
    %dma_start3A_1070 = tpu.memref_slice %arg19[%dma_start3A_1069] : memref<22528xi32, #tpu.memory_space<vmem>> -> memref<512xi32, #tpu.memory_space<vmem>>
    %dma_start3A_1071 = arith.constant 0 : i32
    %dma_start3A_1072 = arith.constant 0 : i32
    %dma_start3A_1073 = tpu.memref_slice %arg3[%dma_start3A_1071, %dma_start3A_1072] : memref<100000x64xf32, #tpu.memory_space<hbm>> -> memref<100000x64xf32, #tpu.memory_space<hbm>>
    tpu.enqueue_indirect_dma source(%dma_start3A_1073 : memref<100000x64xf32, #tpu.memory_space<hbm>>) target(%arg20 : memref<512x64xf32, #tpu.memory_space<vmem>>) offsets(%dma_start3A_1070 : memref<512xi32, #tpu.memory_space<vmem>>) semaphore(%arg25 : memref<!tpu.dma_semaphore, #tpu.memory_space<semaphore_mem>>)
    %dma_wait3A_1074 = arith.constant 10240 : i32
    %dma_wait3A_1075 = tpu.memref_slice %arg19[%dma_wait3A_1074] : memref<22528xi32, #tpu.memory_space<vmem>> -> memref<512xi32, #tpu.memory_space<vmem>>
    %dma_wait3A_1076 = arith.constant 0 : i32
    %dma_wait3A_1077 = arith.constant 0 : i32
    %dma_wait3A_1078 = tpu.memref_slice %arg3[%dma_wait3A_1076, %dma_wait3A_1077] : memref<100000x64xf32, #tpu.memory_space<hbm>> -> memref<100000x64xf32, #tpu.memory_space<hbm>>
    tpu.wait_indirect_dma semaphore(%arg25 : memref<!tpu.dma_semaphore, #tpu.memory_space<semaphore_mem>>) src(%dma_wait3A_1078 : memref<100000x64xf32, #tpu.memory_space<hbm>>) dst(%arg20 : memref<512x64xf32, #tpu.memory_space<vmem>>)
    %dma_start3A_1079 = arith.constant 0 : i32
    %dma_start3A_1080 = tpu.memref_slice %arg15[%add3A_654, %dma_start3A_1079] : memref<327680x64xf32, #tpu.memory_space<hbm>> -> memref<512x64xf32, #tpu.memory_space<hbm>>
    %dma_start3A_1081 = arith.constant 0 : i32
    %dma_start3A_1082 = tpu.memref_slice %arg15[%add3A_654, %dma_start3A_1081] : memref<327680x64xf32, #tpu.memory_space<hbm>> -> memref<512x64xf32, #tpu.memory_space<hbm>>
    tpu.enqueue_dma source(%arg20 : memref<512x64xf32, #tpu.memory_space<vmem>>) target(%dma_start3A_1082 : memref<512x64xf32, #tpu.memory_space<hbm>>) target_semaphore(%arg26 : memref<!tpu.dma_semaphore, #tpu.memory_space<semaphore_mem>>)
    %dma_wait3A_1083 = arith.constant 0 : i32
    %dma_wait3A_1084 = tpu.memref_slice %arg15[%add3A_650, %dma_wait3A_1083] : memref<327680x64xf32, #tpu.memory_space<hbm>> -> memref<512x64xf32, #tpu.memory_space<hbm>>
    %dma_wait3A_1085 = arith.constant 0 : i32
    %dma_wait3A_1086 = tpu.memref_slice %arg15[%add3A_650, %dma_wait3A_1085] : memref<327680x64xf32, #tpu.memory_space<hbm>> -> memref<512x64xf32, #tpu.memory_space<hbm>>
    tpu.wait_dma2 semaphore(%arg27 : memref<!tpu.dma_semaphore, #tpu.memory_space<semaphore_mem>>) src(%arg21 : memref<512x64xf32, #tpu.memory_space<vmem>>) dst(%dma_wait3A_1086 : memref<512x64xf32, #tpu.memory_space<hbm>>)
    %dma_start3A_1087 = arith.constant 10752 : i32
    %dma_start3A_1088 = tpu.memref_slice %arg19[%dma_start3A_1087] : memref<22528xi32, #tpu.memory_space<vmem>> -> memref<512xi32, #tpu.memory_space<vmem>>
    %dma_start3A_1089 = arith.constant 0 : i32
    %dma_start3A_1090 = arith.constant 0 : i32
    %dma_start3A_1091 = tpu.memref_slice %arg3[%dma_start3A_1089, %dma_start3A_1090] : memref<100000x64xf32, #tpu.memory_space<hbm>> -> memref<100000x64xf32, #tpu.memory_space<hbm>>
    tpu.enqueue_indirect_dma source(%dma_start3A_1091 : memref<100000x64xf32, #tpu.memory_space<hbm>>) target(%arg21 : memref<512x64xf32, #tpu.memory_space<vmem>>) offsets(%dma_start3A_1088 : memref<512xi32, #tpu.memory_space<vmem>>) semaphore(%arg25 : memref<!tpu.dma_semaphore, #tpu.memory_space<semaphore_mem>>)
    %dma_wait3A_1092 = arith.constant 10752 : i32
    %dma_wait3A_1093 = tpu.memref_slice %arg19[%dma_wait3A_1092] : memref<22528xi32, #tpu.memory_space<vmem>> -> memref<512xi32, #tpu.memory_space<vmem>>
    %dma_wait3A_1094 = arith.constant 0 : i32
    %dma_wait3A_1095 = arith.constant 0 : i32
    %dma_wait3A_1096 = tpu.memref_slice %arg3[%dma_wait3A_1094, %dma_wait3A_1095] : memref<100000x64xf32, #tpu.memory_space<hbm>> -> memref<100000x64xf32, #tpu.memory_space<hbm>>
    tpu.wait_indirect_dma semaphore(%arg25 : memref<!tpu.dma_semaphore, #tpu.memory_space<semaphore_mem>>) src(%dma_wait3A_1096 : memref<100000x64xf32, #tpu.memory_space<hbm>>) dst(%arg21 : memref<512x64xf32, #tpu.memory_space<vmem>>)
    %dma_start3A_1097 = arith.constant 0 : i32
    %dma_start3A_1098 = tpu.memref_slice %arg15[%add3A_656, %dma_start3A_1097] : memref<327680x64xf32, #tpu.memory_space<hbm>> -> memref<512x64xf32, #tpu.memory_space<hbm>>
    %dma_start3A_1099 = arith.constant 0 : i32
    %dma_start3A_1100 = tpu.memref_slice %arg15[%add3A_656, %dma_start3A_1099] : memref<327680x64xf32, #tpu.memory_space<hbm>> -> memref<512x64xf32, #tpu.memory_space<hbm>>
    tpu.enqueue_dma source(%arg21 : memref<512x64xf32, #tpu.memory_space<vmem>>) target(%dma_start3A_1100 : memref<512x64xf32, #tpu.memory_space<hbm>>) target_semaphore(%arg27 : memref<!tpu.dma_semaphore, #tpu.memory_space<semaphore_mem>>)
    %dma_wait3A_1101 = arith.constant 0 : i32
    %dma_wait3A_1102 = tpu.memref_slice %arg15[%add3A_652, %dma_wait3A_1101] : memref<327680x64xf32, #tpu.memory_space<hbm>> -> memref<512x64xf32, #tpu.memory_space<hbm>>
    %dma_wait3A_1103 = arith.constant 0 : i32
    %dma_wait3A_1104 = tpu.memref_slice %arg15[%add3A_652, %dma_wait3A_1103] : memref<327680x64xf32, #tpu.memory_space<hbm>> -> memref<512x64xf32, #tpu.memory_space<hbm>>
    tpu.wait_dma2 semaphore(%arg28 : memref<!tpu.dma_semaphore, #tpu.memory_space<semaphore_mem>>) src(%arg22 : memref<512x64xf32, #tpu.memory_space<vmem>>) dst(%dma_wait3A_1104 : memref<512x64xf32, #tpu.memory_space<hbm>>)
    %dma_start3A_1105 = arith.constant 11264 : i32
    %dma_start3A_1106 = tpu.memref_slice %arg19[%dma_start3A_1105] : memref<22528xi32, #tpu.memory_space<vmem>> -> memref<512xi32, #tpu.memory_space<vmem>>
    %dma_start3A_1107 = arith.constant 0 : i32
    %dma_start3A_1108 = arith.constant 0 : i32
    %dma_start3A_1109 = tpu.memref_slice %arg3[%dma_start3A_1107, %dma_start3A_1108] : memref<100000x64xf32, #tpu.memory_space<hbm>> -> memref<100000x64xf32, #tpu.memory_space<hbm>>
    tpu.enqueue_indirect_dma source(%dma_start3A_1109 : memref<100000x64xf32, #tpu.memory_space<hbm>>) target(%arg22 : memref<512x64xf32, #tpu.memory_space<vmem>>) offsets(%dma_start3A_1106 : memref<512xi32, #tpu.memory_space<vmem>>) semaphore(%arg25 : memref<!tpu.dma_semaphore, #tpu.memory_space<semaphore_mem>>)
    %dma_wait3A_1110 = arith.constant 11264 : i32
    %dma_wait3A_1111 = tpu.memref_slice %arg19[%dma_wait3A_1110] : memref<22528xi32, #tpu.memory_space<vmem>> -> memref<512xi32, #tpu.memory_space<vmem>>
    %dma_wait3A_1112 = arith.constant 0 : i32
    %dma_wait3A_1113 = arith.constant 0 : i32
    %dma_wait3A_1114 = tpu.memref_slice %arg3[%dma_wait3A_1112, %dma_wait3A_1113] : memref<100000x64xf32, #tpu.memory_space<hbm>> -> memref<100000x64xf32, #tpu.memory_space<hbm>>
    tpu.wait_indirect_dma semaphore(%arg25 : memref<!tpu.dma_semaphore, #tpu.memory_space<semaphore_mem>>) src(%dma_wait3A_1114 : memref<100000x64xf32, #tpu.memory_space<hbm>>) dst(%arg22 : memref<512x64xf32, #tpu.memory_space<vmem>>)
    %dma_start3A_1115 = arith.constant 0 : i32
    %dma_start3A_1116 = tpu.memref_slice %arg15[%add3A_658, %dma_start3A_1115] : memref<327680x64xf32, #tpu.memory_space<hbm>> -> memref<512x64xf32, #tpu.memory_space<hbm>>
    %dma_start3A_1117 = arith.constant 0 : i32
    %dma_start3A_1118 = tpu.memref_slice %arg15[%add3A_658, %dma_start3A_1117] : memref<327680x64xf32, #tpu.memory_space<hbm>> -> memref<512x64xf32, #tpu.memory_space<hbm>>
    tpu.enqueue_dma source(%arg22 : memref<512x64xf32, #tpu.memory_space<vmem>>) target(%dma_start3A_1118 : memref<512x64xf32, #tpu.memory_space<hbm>>) target_semaphore(%arg28 : memref<!tpu.dma_semaphore, #tpu.memory_space<semaphore_mem>>)
    %dma_wait3A_1119 = arith.constant 0 : i32
    %dma_wait3A_1120 = tpu.memref_slice %arg15[%add3A_654, %dma_wait3A_1119] : memref<327680x64xf32, #tpu.memory_space<hbm>> -> memref<512x64xf32, #tpu.memory_space<hbm>>
    %dma_wait3A_1121 = arith.constant 0 : i32
    %dma_wait3A_1122 = tpu.memref_slice %arg15[%add3A_654, %dma_wait3A_1121] : memref<327680x64xf32, #tpu.memory_space<hbm>> -> memref<512x64xf32, #tpu.memory_space<hbm>>
    tpu.wait_dma2 semaphore(%arg26 : memref<!tpu.dma_semaphore, #tpu.memory_space<semaphore_mem>>) src(%arg20 : memref<512x64xf32, #tpu.memory_space<vmem>>) dst(%dma_wait3A_1122 : memref<512x64xf32, #tpu.memory_space<hbm>>)
    %dma_start3A_1123 = arith.constant 11776 : i32
    %dma_start3A_1124 = tpu.memref_slice %arg19[%dma_start3A_1123] : memref<22528xi32, #tpu.memory_space<vmem>> -> memref<512xi32, #tpu.memory_space<vmem>>
    %dma_start3A_1125 = arith.constant 0 : i32
    %dma_start3A_1126 = arith.constant 0 : i32
    %dma_start3A_1127 = tpu.memref_slice %arg5[%dma_start3A_1125, %dma_start3A_1126] : memref<100000x64xf32, #tpu.memory_space<hbm>> -> memref<100000x64xf32, #tpu.memory_space<hbm>>
    tpu.enqueue_indirect_dma source(%dma_start3A_1127 : memref<100000x64xf32, #tpu.memory_space<hbm>>) target(%arg20 : memref<512x64xf32, #tpu.memory_space<vmem>>) offsets(%dma_start3A_1124 : memref<512xi32, #tpu.memory_space<vmem>>) semaphore(%arg25 : memref<!tpu.dma_semaphore, #tpu.memory_space<semaphore_mem>>)
    %dma_wait3A_1128 = arith.constant 11776 : i32
    %dma_wait3A_1129 = tpu.memref_slice %arg19[%dma_wait3A_1128] : memref<22528xi32, #tpu.memory_space<vmem>> -> memref<512xi32, #tpu.memory_space<vmem>>
    %dma_wait3A_1130 = arith.constant 0 : i32
    %dma_wait3A_1131 = arith.constant 0 : i32
    %dma_wait3A_1132 = tpu.memref_slice %arg5[%dma_wait3A_1130, %dma_wait3A_1131] : memref<100000x64xf32, #tpu.memory_space<hbm>> -> memref<100000x64xf32, #tpu.memory_space<hbm>>
    tpu.wait_indirect_dma semaphore(%arg25 : memref<!tpu.dma_semaphore, #tpu.memory_space<semaphore_mem>>) src(%dma_wait3A_1132 : memref<100000x64xf32, #tpu.memory_space<hbm>>) dst(%arg20 : memref<512x64xf32, #tpu.memory_space<vmem>>)
    %dma_start3A_1133 = arith.constant 0 : i32
    %dma_start3A_1134 = tpu.memref_slice %arg16[%add3A_660, %dma_start3A_1133] : memref<327680x64xf32, #tpu.memory_space<hbm>> -> memref<512x64xf32, #tpu.memory_space<hbm>>
    %dma_start3A_1135 = arith.constant 0 : i32
    %dma_start3A_1136 = tpu.memref_slice %arg16[%add3A_660, %dma_start3A_1135] : memref<327680x64xf32, #tpu.memory_space<hbm>> -> memref<512x64xf32, #tpu.memory_space<hbm>>
    tpu.enqueue_dma source(%arg20 : memref<512x64xf32, #tpu.memory_space<vmem>>) target(%dma_start3A_1136 : memref<512x64xf32, #tpu.memory_space<hbm>>) target_semaphore(%arg26 : memref<!tpu.dma_semaphore, #tpu.memory_space<semaphore_mem>>)
    %dma_wait3A_1137 = arith.constant 0 : i32
    %dma_wait3A_1138 = tpu.memref_slice %arg15[%add3A_656, %dma_wait3A_1137] : memref<327680x64xf32, #tpu.memory_space<hbm>> -> memref<512x64xf32, #tpu.memory_space<hbm>>
    %dma_wait3A_1139 = arith.constant 0 : i32
    %dma_wait3A_1140 = tpu.memref_slice %arg15[%add3A_656, %dma_wait3A_1139] : memref<327680x64xf32, #tpu.memory_space<hbm>> -> memref<512x64xf32, #tpu.memory_space<hbm>>
    tpu.wait_dma2 semaphore(%arg27 : memref<!tpu.dma_semaphore, #tpu.memory_space<semaphore_mem>>) src(%arg21 : memref<512x64xf32, #tpu.memory_space<vmem>>) dst(%dma_wait3A_1140 : memref<512x64xf32, #tpu.memory_space<hbm>>)
    %dma_start3A_1141 = arith.constant 12288 : i32
    %dma_start3A_1142 = tpu.memref_slice %arg19[%dma_start3A_1141] : memref<22528xi32, #tpu.memory_space<vmem>> -> memref<512xi32, #tpu.memory_space<vmem>>
    %dma_start3A_1143 = arith.constant 0 : i32
    %dma_start3A_1144 = arith.constant 0 : i32
    %dma_start3A_1145 = tpu.memref_slice %arg5[%dma_start3A_1143, %dma_start3A_1144] : memref<100000x64xf32, #tpu.memory_space<hbm>> -> memref<100000x64xf32, #tpu.memory_space<hbm>>
    tpu.enqueue_indirect_dma source(%dma_start3A_1145 : memref<100000x64xf32, #tpu.memory_space<hbm>>) target(%arg21 : memref<512x64xf32, #tpu.memory_space<vmem>>) offsets(%dma_start3A_1142 : memref<512xi32, #tpu.memory_space<vmem>>) semaphore(%arg25 : memref<!tpu.dma_semaphore, #tpu.memory_space<semaphore_mem>>)
    %dma_wait3A_1146 = arith.constant 12288 : i32
    %dma_wait3A_1147 = tpu.memref_slice %arg19[%dma_wait3A_1146] : memref<22528xi32, #tpu.memory_space<vmem>> -> memref<512xi32, #tpu.memory_space<vmem>>
    %dma_wait3A_1148 = arith.constant 0 : i32
    %dma_wait3A_1149 = arith.constant 0 : i32
    %dma_wait3A_1150 = tpu.memref_slice %arg5[%dma_wait3A_1148, %dma_wait3A_1149] : memref<100000x64xf32, #tpu.memory_space<hbm>> -> memref<100000x64xf32, #tpu.memory_space<hbm>>
    tpu.wait_indirect_dma semaphore(%arg25 : memref<!tpu.dma_semaphore, #tpu.memory_space<semaphore_mem>>) src(%dma_wait3A_1150 : memref<100000x64xf32, #tpu.memory_space<hbm>>) dst(%arg21 : memref<512x64xf32, #tpu.memory_space<vmem>>)
    %dma_start3A_1151 = arith.constant 0 : i32
    %dma_start3A_1152 = tpu.memref_slice %arg16[%add3A_662, %dma_start3A_1151] : memref<327680x64xf32, #tpu.memory_space<hbm>> -> memref<512x64xf32, #tpu.memory_space<hbm>>
    %dma_start3A_1153 = arith.constant 0 : i32
    %dma_start3A_1154 = tpu.memref_slice %arg16[%add3A_662, %dma_start3A_1153] : memref<327680x64xf32, #tpu.memory_space<hbm>> -> memref<512x64xf32, #tpu.memory_space<hbm>>
    tpu.enqueue_dma source(%arg21 : memref<512x64xf32, #tpu.memory_space<vmem>>) target(%dma_start3A_1154 : memref<512x64xf32, #tpu.memory_space<hbm>>) target_semaphore(%arg27 : memref<!tpu.dma_semaphore, #tpu.memory_space<semaphore_mem>>)
    %dma_wait3A_1155 = arith.constant 0 : i32
    %dma_wait3A_1156 = tpu.memref_slice %arg15[%add3A_658, %dma_wait3A_1155] : memref<327680x64xf32, #tpu.memory_space<hbm>> -> memref<512x64xf32, #tpu.memory_space<hbm>>
    %dma_wait3A_1157 = arith.constant 0 : i32
    %dma_wait3A_1158 = tpu.memref_slice %arg15[%add3A_658, %dma_wait3A_1157] : memref<327680x64xf32, #tpu.memory_space<hbm>> -> memref<512x64xf32, #tpu.memory_space<hbm>>
    tpu.wait_dma2 semaphore(%arg28 : memref<!tpu.dma_semaphore, #tpu.memory_space<semaphore_mem>>) src(%arg22 : memref<512x64xf32, #tpu.memory_space<vmem>>) dst(%dma_wait3A_1158 : memref<512x64xf32, #tpu.memory_space<hbm>>)
    %dma_start3A_1159 = arith.constant 12800 : i32
    %dma_start3A_1160 = tpu.memref_slice %arg19[%dma_start3A_1159] : memref<22528xi32, #tpu.memory_space<vmem>> -> memref<512xi32, #tpu.memory_space<vmem>>
    %dma_start3A_1161 = arith.constant 0 : i32
    %dma_start3A_1162 = arith.constant 0 : i32
    %dma_start3A_1163 = tpu.memref_slice %arg5[%dma_start3A_1161, %dma_start3A_1162] : memref<100000x64xf32, #tpu.memory_space<hbm>> -> memref<100000x64xf32, #tpu.memory_space<hbm>>
    tpu.enqueue_indirect_dma source(%dma_start3A_1163 : memref<100000x64xf32, #tpu.memory_space<hbm>>) target(%arg22 : memref<512x64xf32, #tpu.memory_space<vmem>>) offsets(%dma_start3A_1160 : memref<512xi32, #tpu.memory_space<vmem>>) semaphore(%arg25 : memref<!tpu.dma_semaphore, #tpu.memory_space<semaphore_mem>>)
    %dma_wait3A_1164 = arith.constant 12800 : i32
    %dma_wait3A_1165 = tpu.memref_slice %arg19[%dma_wait3A_1164] : memref<22528xi32, #tpu.memory_space<vmem>> -> memref<512xi32, #tpu.memory_space<vmem>>
    %dma_wait3A_1166 = arith.constant 0 : i32
    %dma_wait3A_1167 = arith.constant 0 : i32
    %dma_wait3A_1168 = tpu.memref_slice %arg5[%dma_wait3A_1166, %dma_wait3A_1167] : memref<100000x64xf32, #tpu.memory_space<hbm>> -> memref<100000x64xf32, #tpu.memory_space<hbm>>
    tpu.wait_indirect_dma semaphore(%arg25 : memref<!tpu.dma_semaphore, #tpu.memory_space<semaphore_mem>>) src(%dma_wait3A_1168 : memref<100000x64xf32, #tpu.memory_space<hbm>>) dst(%arg22 : memref<512x64xf32, #tpu.memory_space<vmem>>)
    %dma_start3A_1169 = arith.constant 0 : i32
    %dma_start3A_1170 = tpu.memref_slice %arg16[%add3A_664, %dma_start3A_1169] : memref<327680x64xf32, #tpu.memory_space<hbm>> -> memref<512x64xf32, #tpu.memory_space<hbm>>
    %dma_start3A_1171 = arith.constant 0 : i32
    %dma_start3A_1172 = tpu.memref_slice %arg16[%add3A_664, %dma_start3A_1171] : memref<327680x64xf32, #tpu.memory_space<hbm>> -> memref<512x64xf32, #tpu.memory_space<hbm>>
    tpu.enqueue_dma source(%arg22 : memref<512x64xf32, #tpu.memory_space<vmem>>) target(%dma_start3A_1172 : memref<512x64xf32, #tpu.memory_space<hbm>>) target_semaphore(%arg28 : memref<!tpu.dma_semaphore, #tpu.memory_space<semaphore_mem>>)
    %dma_wait3A_1173 = arith.constant 0 : i32
    %dma_wait3A_1174 = tpu.memref_slice %arg16[%add3A_660, %dma_wait3A_1173] : memref<327680x64xf32, #tpu.memory_space<hbm>> -> memref<512x64xf32, #tpu.memory_space<hbm>>
    %dma_wait3A_1175 = arith.constant 0 : i32
    %dma_wait3A_1176 = tpu.memref_slice %arg16[%add3A_660, %dma_wait3A_1175] : memref<327680x64xf32, #tpu.memory_space<hbm>> -> memref<512x64xf32, #tpu.memory_space<hbm>>
    tpu.wait_dma2 semaphore(%arg26 : memref<!tpu.dma_semaphore, #tpu.memory_space<semaphore_mem>>) src(%arg20 : memref<512x64xf32, #tpu.memory_space<vmem>>) dst(%dma_wait3A_1176 : memref<512x64xf32, #tpu.memory_space<hbm>>)
    %dma_start3A_1177 = arith.constant 13312 : i32
    %dma_start3A_1178 = tpu.memref_slice %arg19[%dma_start3A_1177] : memref<22528xi32, #tpu.memory_space<vmem>> -> memref<512xi32, #tpu.memory_space<vmem>>
    %dma_start3A_1179 = arith.constant 0 : i32
    %dma_start3A_1180 = arith.constant 0 : i32
    %dma_start3A_1181 = tpu.memref_slice %arg5[%dma_start3A_1179, %dma_start3A_1180] : memref<100000x64xf32, #tpu.memory_space<hbm>> -> memref<100000x64xf32, #tpu.memory_space<hbm>>
    tpu.enqueue_indirect_dma source(%dma_start3A_1181 : memref<100000x64xf32, #tpu.memory_space<hbm>>) target(%arg20 : memref<512x64xf32, #tpu.memory_space<vmem>>) offsets(%dma_start3A_1178 : memref<512xi32, #tpu.memory_space<vmem>>) semaphore(%arg25 : memref<!tpu.dma_semaphore, #tpu.memory_space<semaphore_mem>>)
    %dma_wait3A_1182 = arith.constant 13312 : i32
    %dma_wait3A_1183 = tpu.memref_slice %arg19[%dma_wait3A_1182] : memref<22528xi32, #tpu.memory_space<vmem>> -> memref<512xi32, #tpu.memory_space<vmem>>
    %dma_wait3A_1184 = arith.constant 0 : i32
    %dma_wait3A_1185 = arith.constant 0 : i32
    %dma_wait3A_1186 = tpu.memref_slice %arg5[%dma_wait3A_1184, %dma_wait3A_1185] : memref<100000x64xf32, #tpu.memory_space<hbm>> -> memref<100000x64xf32, #tpu.memory_space<hbm>>
    tpu.wait_indirect_dma semaphore(%arg25 : memref<!tpu.dma_semaphore, #tpu.memory_space<semaphore_mem>>) src(%dma_wait3A_1186 : memref<100000x64xf32, #tpu.memory_space<hbm>>) dst(%arg20 : memref<512x64xf32, #tpu.memory_space<vmem>>)
    %dma_start3A_1187 = arith.constant 0 : i32
    %dma_start3A_1188 = tpu.memref_slice %arg16[%add3A_666, %dma_start3A_1187] : memref<327680x64xf32, #tpu.memory_space<hbm>> -> memref<512x64xf32, #tpu.memory_space<hbm>>
    %dma_start3A_1189 = arith.constant 0 : i32
    %dma_start3A_1190 = tpu.memref_slice %arg16[%add3A_666, %dma_start3A_1189] : memref<327680x64xf32, #tpu.memory_space<hbm>> -> memref<512x64xf32, #tpu.memory_space<hbm>>
    tpu.enqueue_dma source(%arg20 : memref<512x64xf32, #tpu.memory_space<vmem>>) target(%dma_start3A_1190 : memref<512x64xf32, #tpu.memory_space<hbm>>) target_semaphore(%arg26 : memref<!tpu.dma_semaphore, #tpu.memory_space<semaphore_mem>>)
    %dma_wait3A_1191 = arith.constant 0 : i32
    %dma_wait3A_1192 = tpu.memref_slice %arg16[%add3A_662, %dma_wait3A_1191] : memref<327680x64xf32, #tpu.memory_space<hbm>> -> memref<512x64xf32, #tpu.memory_space<hbm>>
    %dma_wait3A_1193 = arith.constant 0 : i32
    %dma_wait3A_1194 = tpu.memref_slice %arg16[%add3A_662, %dma_wait3A_1193] : memref<327680x64xf32, #tpu.memory_space<hbm>> -> memref<512x64xf32, #tpu.memory_space<hbm>>
    tpu.wait_dma2 semaphore(%arg27 : memref<!tpu.dma_semaphore, #tpu.memory_space<semaphore_mem>>) src(%arg21 : memref<512x64xf32, #tpu.memory_space<vmem>>) dst(%dma_wait3A_1194 : memref<512x64xf32, #tpu.memory_space<hbm>>)
    %dma_start3A_1195 = arith.constant 13824 : i32
    %dma_start3A_1196 = tpu.memref_slice %arg19[%dma_start3A_1195] : memref<22528xi32, #tpu.memory_space<vmem>> -> memref<512xi32, #tpu.memory_space<vmem>>
    %dma_start3A_1197 = arith.constant 0 : i32
    %dma_start3A_1198 = arith.constant 0 : i32
    %dma_start3A_1199 = tpu.memref_slice %arg5[%dma_start3A_1197, %dma_start3A_1198] : memref<100000x64xf32, #tpu.memory_space<hbm>> -> memref<100000x64xf32, #tpu.memory_space<hbm>>
    tpu.enqueue_indirect_dma source(%dma_start3A_1199 : memref<100000x64xf32, #tpu.memory_space<hbm>>) target(%arg21 : memref<512x64xf32, #tpu.memory_space<vmem>>) offsets(%dma_start3A_1196 : memref<512xi32, #tpu.memory_space<vmem>>) semaphore(%arg25 : memref<!tpu.dma_semaphore, #tpu.memory_space<semaphore_mem>>)
    %dma_wait3A_1200 = arith.constant 13824 : i32
    %dma_wait3A_1201 = tpu.memref_slice %arg19[%dma_wait3A_1200] : memref<22528xi32, #tpu.memory_space<vmem>> -> memref<512xi32, #tpu.memory_space<vmem>>
    %dma_wait3A_1202 = arith.constant 0 : i32
    %dma_wait3A_1203 = arith.constant 0 : i32
    %dma_wait3A_1204 = tpu.memref_slice %arg5[%dma_wait3A_1202, %dma_wait3A_1203] : memref<100000x64xf32, #tpu.memory_space<hbm>> -> memref<100000x64xf32, #tpu.memory_space<hbm>>
    tpu.wait_indirect_dma semaphore(%arg25 : memref<!tpu.dma_semaphore, #tpu.memory_space<semaphore_mem>>) src(%dma_wait3A_1204 : memref<100000x64xf32, #tpu.memory_space<hbm>>) dst(%arg21 : memref<512x64xf32, #tpu.memory_space<vmem>>)
    %dma_start3A_1205 = arith.constant 0 : i32
    %dma_start3A_1206 = tpu.memref_slice %arg16[%add3A_668, %dma_start3A_1205] : memref<327680x64xf32, #tpu.memory_space<hbm>> -> memref<512x64xf32, #tpu.memory_space<hbm>>
    %dma_start3A_1207 = arith.constant 0 : i32
    %dma_start3A_1208 = tpu.memref_slice %arg16[%add3A_668, %dma_start3A_1207] : memref<327680x64xf32, #tpu.memory_space<hbm>> -> memref<512x64xf32, #tpu.memory_space<hbm>>
    tpu.enqueue_dma source(%arg21 : memref<512x64xf32, #tpu.memory_space<vmem>>) target(%dma_start3A_1208 : memref<512x64xf32, #tpu.memory_space<hbm>>) target_semaphore(%arg27 : memref<!tpu.dma_semaphore, #tpu.memory_space<semaphore_mem>>)
    %dma_wait3A_1209 = arith.constant 0 : i32
    %dma_wait3A_1210 = tpu.memref_slice %arg16[%add3A_664, %dma_wait3A_1209] : memref<327680x64xf32, #tpu.memory_space<hbm>> -> memref<512x64xf32, #tpu.memory_space<hbm>>
    %dma_wait3A_1211 = arith.constant 0 : i32
    %dma_wait3A_1212 = tpu.memref_slice %arg16[%add3A_664, %dma_wait3A_1211] : memref<327680x64xf32, #tpu.memory_space<hbm>> -> memref<512x64xf32, #tpu.memory_space<hbm>>
    tpu.wait_dma2 semaphore(%arg28 : memref<!tpu.dma_semaphore, #tpu.memory_space<semaphore_mem>>) src(%arg22 : memref<512x64xf32, #tpu.memory_space<vmem>>) dst(%dma_wait3A_1212 : memref<512x64xf32, #tpu.memory_space<hbm>>)
    %dma_start3A_1213 = arith.constant 14336 : i32
    %dma_start3A_1214 = tpu.memref_slice %arg19[%dma_start3A_1213] : memref<22528xi32, #tpu.memory_space<vmem>> -> memref<512xi32, #tpu.memory_space<vmem>>
    %dma_start3A_1215 = arith.constant 0 : i32
    %dma_start3A_1216 = arith.constant 0 : i32
    %dma_start3A_1217 = tpu.memref_slice %arg5[%dma_start3A_1215, %dma_start3A_1216] : memref<100000x64xf32, #tpu.memory_space<hbm>> -> memref<100000x64xf32, #tpu.memory_space<hbm>>
    tpu.enqueue_indirect_dma source(%dma_start3A_1217 : memref<100000x64xf32, #tpu.memory_space<hbm>>) target(%arg22 : memref<512x64xf32, #tpu.memory_space<vmem>>) offsets(%dma_start3A_1214 : memref<512xi32, #tpu.memory_space<vmem>>) semaphore(%arg25 : memref<!tpu.dma_semaphore, #tpu.memory_space<semaphore_mem>>)
    %dma_wait3A_1218 = arith.constant 14336 : i32
    %dma_wait3A_1219 = tpu.memref_slice %arg19[%dma_wait3A_1218] : memref<22528xi32, #tpu.memory_space<vmem>> -> memref<512xi32, #tpu.memory_space<vmem>>
    %dma_wait3A_1220 = arith.constant 0 : i32
    %dma_wait3A_1221 = arith.constant 0 : i32
    %dma_wait3A_1222 = tpu.memref_slice %arg5[%dma_wait3A_1220, %dma_wait3A_1221] : memref<100000x64xf32, #tpu.memory_space<hbm>> -> memref<100000x64xf32, #tpu.memory_space<hbm>>
    tpu.wait_indirect_dma semaphore(%arg25 : memref<!tpu.dma_semaphore, #tpu.memory_space<semaphore_mem>>) src(%dma_wait3A_1222 : memref<100000x64xf32, #tpu.memory_space<hbm>>) dst(%arg22 : memref<512x64xf32, #tpu.memory_space<vmem>>)
    %dma_start3A_1223 = arith.constant 0 : i32
    %dma_start3A_1224 = tpu.memref_slice %arg16[%add3A_670, %dma_start3A_1223] : memref<327680x64xf32, #tpu.memory_space<hbm>> -> memref<512x64xf32, #tpu.memory_space<hbm>>
    %dma_start3A_1225 = arith.constant 0 : i32
    %dma_start3A_1226 = tpu.memref_slice %arg16[%add3A_670, %dma_start3A_1225] : memref<327680x64xf32, #tpu.memory_space<hbm>> -> memref<512x64xf32, #tpu.memory_space<hbm>>
    tpu.enqueue_dma source(%arg22 : memref<512x64xf32, #tpu.memory_space<vmem>>) target(%dma_start3A_1226 : memref<512x64xf32, #tpu.memory_space<hbm>>) target_semaphore(%arg28 : memref<!tpu.dma_semaphore, #tpu.memory_space<semaphore_mem>>)
    %dma_wait3A_1227 = arith.constant 0 : i32
    %dma_wait3A_1228 = tpu.memref_slice %arg16[%add3A_666, %dma_wait3A_1227] : memref<327680x64xf32, #tpu.memory_space<hbm>> -> memref<512x64xf32, #tpu.memory_space<hbm>>
    %dma_wait3A_1229 = arith.constant 0 : i32
    %dma_wait3A_1230 = tpu.memref_slice %arg16[%add3A_666, %dma_wait3A_1229] : memref<327680x64xf32, #tpu.memory_space<hbm>> -> memref<512x64xf32, #tpu.memory_space<hbm>>
    tpu.wait_dma2 semaphore(%arg26 : memref<!tpu.dma_semaphore, #tpu.memory_space<semaphore_mem>>) src(%arg20 : memref<512x64xf32, #tpu.memory_space<vmem>>) dst(%dma_wait3A_1230 : memref<512x64xf32, #tpu.memory_space<hbm>>)
    %dma_start3A_1231 = arith.constant 14848 : i32
    %dma_start3A_1232 = tpu.memref_slice %arg19[%dma_start3A_1231] : memref<22528xi32, #tpu.memory_space<vmem>> -> memref<512xi32, #tpu.memory_space<vmem>>
    %dma_start3A_1233 = arith.constant 0 : i32
    %dma_start3A_1234 = arith.constant 0 : i32
    %dma_start3A_1235 = tpu.memref_slice %arg5[%dma_start3A_1233, %dma_start3A_1234] : memref<100000x64xf32, #tpu.memory_space<hbm>> -> memref<100000x64xf32, #tpu.memory_space<hbm>>
    tpu.enqueue_indirect_dma source(%dma_start3A_1235 : memref<100000x64xf32, #tpu.memory_space<hbm>>) target(%arg20 : memref<512x64xf32, #tpu.memory_space<vmem>>) offsets(%dma_start3A_1232 : memref<512xi32, #tpu.memory_space<vmem>>) semaphore(%arg25 : memref<!tpu.dma_semaphore, #tpu.memory_space<semaphore_mem>>)
    %dma_wait3A_1236 = arith.constant 14848 : i32
    %dma_wait3A_1237 = tpu.memref_slice %arg19[%dma_wait3A_1236] : memref<22528xi32, #tpu.memory_space<vmem>> -> memref<512xi32, #tpu.memory_space<vmem>>
    %dma_wait3A_1238 = arith.constant 0 : i32
    %dma_wait3A_1239 = arith.constant 0 : i32
    %dma_wait3A_1240 = tpu.memref_slice %arg5[%dma_wait3A_1238, %dma_wait3A_1239] : memref<100000x64xf32, #tpu.memory_space<hbm>> -> memref<100000x64xf32, #tpu.memory_space<hbm>>
    tpu.wait_indirect_dma semaphore(%arg25 : memref<!tpu.dma_semaphore, #tpu.memory_space<semaphore_mem>>) src(%dma_wait3A_1240 : memref<100000x64xf32, #tpu.memory_space<hbm>>) dst(%arg20 : memref<512x64xf32, #tpu.memory_space<vmem>>)
    %dma_start3A_1241 = arith.constant 0 : i32
    %dma_start3A_1242 = tpu.memref_slice %arg16[%add3A_672, %dma_start3A_1241] : memref<327680x64xf32, #tpu.memory_space<hbm>> -> memref<512x64xf32, #tpu.memory_space<hbm>>
    %dma_start3A_1243 = arith.constant 0 : i32
    %dma_start3A_1244 = tpu.memref_slice %arg16[%add3A_672, %dma_start3A_1243] : memref<327680x64xf32, #tpu.memory_space<hbm>> -> memref<512x64xf32, #tpu.memory_space<hbm>>
    tpu.enqueue_dma source(%arg20 : memref<512x64xf32, #tpu.memory_space<vmem>>) target(%dma_start3A_1244 : memref<512x64xf32, #tpu.memory_space<hbm>>) target_semaphore(%arg26 : memref<!tpu.dma_semaphore, #tpu.memory_space<semaphore_mem>>)
    %dma_wait3A_1245 = arith.constant 0 : i32
    %dma_wait3A_1246 = tpu.memref_slice %arg16[%add3A_668, %dma_wait3A_1245] : memref<327680x64xf32, #tpu.memory_space<hbm>> -> memref<512x64xf32, #tpu.memory_space<hbm>>
    %dma_wait3A_1247 = arith.constant 0 : i32
    %dma_wait3A_1248 = tpu.memref_slice %arg16[%add3A_668, %dma_wait3A_1247] : memref<327680x64xf32, #tpu.memory_space<hbm>> -> memref<512x64xf32, #tpu.memory_space<hbm>>
    tpu.wait_dma2 semaphore(%arg27 : memref<!tpu.dma_semaphore, #tpu.memory_space<semaphore_mem>>) src(%arg21 : memref<512x64xf32, #tpu.memory_space<vmem>>) dst(%dma_wait3A_1248 : memref<512x64xf32, #tpu.memory_space<hbm>>)
    %dma_start3A_1249 = arith.constant 15360 : i32
    %dma_start3A_1250 = tpu.memref_slice %arg19[%dma_start3A_1249] : memref<22528xi32, #tpu.memory_space<vmem>> -> memref<512xi32, #tpu.memory_space<vmem>>
    %dma_start3A_1251 = arith.constant 0 : i32
    %dma_start3A_1252 = arith.constant 0 : i32
    %dma_start3A_1253 = tpu.memref_slice %arg5[%dma_start3A_1251, %dma_start3A_1252] : memref<100000x64xf32, #tpu.memory_space<hbm>> -> memref<100000x64xf32, #tpu.memory_space<hbm>>
    tpu.enqueue_indirect_dma source(%dma_start3A_1253 : memref<100000x64xf32, #tpu.memory_space<hbm>>) target(%arg21 : memref<512x64xf32, #tpu.memory_space<vmem>>) offsets(%dma_start3A_1250 : memref<512xi32, #tpu.memory_space<vmem>>) semaphore(%arg25 : memref<!tpu.dma_semaphore, #tpu.memory_space<semaphore_mem>>)
    %dma_wait3A_1254 = arith.constant 15360 : i32
    %dma_wait3A_1255 = tpu.memref_slice %arg19[%dma_wait3A_1254] : memref<22528xi32, #tpu.memory_space<vmem>> -> memref<512xi32, #tpu.memory_space<vmem>>
    %dma_wait3A_1256 = arith.constant 0 : i32
    %dma_wait3A_1257 = arith.constant 0 : i32
    %dma_wait3A_1258 = tpu.memref_slice %arg5[%dma_wait3A_1256, %dma_wait3A_1257] : memref<100000x64xf32, #tpu.memory_space<hbm>> -> memref<100000x64xf32, #tpu.memory_space<hbm>>
    tpu.wait_indirect_dma semaphore(%arg25 : memref<!tpu.dma_semaphore, #tpu.memory_space<semaphore_mem>>) src(%dma_wait3A_1258 : memref<100000x64xf32, #tpu.memory_space<hbm>>) dst(%arg21 : memref<512x64xf32, #tpu.memory_space<vmem>>)
    %dma_start3A_1259 = arith.constant 0 : i32
    %dma_start3A_1260 = tpu.memref_slice %arg16[%add3A_674, %dma_start3A_1259] : memref<327680x64xf32, #tpu.memory_space<hbm>> -> memref<512x64xf32, #tpu.memory_space<hbm>>
    %dma_start3A_1261 = arith.constant 0 : i32
    %dma_start3A_1262 = tpu.memref_slice %arg16[%add3A_674, %dma_start3A_1261] : memref<327680x64xf32, #tpu.memory_space<hbm>> -> memref<512x64xf32, #tpu.memory_space<hbm>>
    tpu.enqueue_dma source(%arg21 : memref<512x64xf32, #tpu.memory_space<vmem>>) target(%dma_start3A_1262 : memref<512x64xf32, #tpu.memory_space<hbm>>) target_semaphore(%arg27 : memref<!tpu.dma_semaphore, #tpu.memory_space<semaphore_mem>>)
    %dma_wait3A_1263 = arith.constant 0 : i32
    %dma_wait3A_1264 = tpu.memref_slice %arg16[%add3A_670, %dma_wait3A_1263] : memref<327680x64xf32, #tpu.memory_space<hbm>> -> memref<512x64xf32, #tpu.memory_space<hbm>>
    %dma_wait3A_1265 = arith.constant 0 : i32
    %dma_wait3A_1266 = tpu.memref_slice %arg16[%add3A_670, %dma_wait3A_1265] : memref<327680x64xf32, #tpu.memory_space<hbm>> -> memref<512x64xf32, #tpu.memory_space<hbm>>
    tpu.wait_dma2 semaphore(%arg28 : memref<!tpu.dma_semaphore, #tpu.memory_space<semaphore_mem>>) src(%arg22 : memref<512x64xf32, #tpu.memory_space<vmem>>) dst(%dma_wait3A_1266 : memref<512x64xf32, #tpu.memory_space<hbm>>)
    %dma_start3A_1267 = arith.constant 15872 : i32
    %dma_start3A_1268 = tpu.memref_slice %arg19[%dma_start3A_1267] : memref<22528xi32, #tpu.memory_space<vmem>> -> memref<512xi32, #tpu.memory_space<vmem>>
    %dma_start3A_1269 = arith.constant 0 : i32
    %dma_start3A_1270 = arith.constant 0 : i32
    %dma_start3A_1271 = tpu.memref_slice %arg5[%dma_start3A_1269, %dma_start3A_1270] : memref<100000x64xf32, #tpu.memory_space<hbm>> -> memref<100000x64xf32, #tpu.memory_space<hbm>>
    tpu.enqueue_indirect_dma source(%dma_start3A_1271 : memref<100000x64xf32, #tpu.memory_space<hbm>>) target(%arg22 : memref<512x64xf32, #tpu.memory_space<vmem>>) offsets(%dma_start3A_1268 : memref<512xi32, #tpu.memory_space<vmem>>) semaphore(%arg25 : memref<!tpu.dma_semaphore, #tpu.memory_space<semaphore_mem>>)
    %dma_wait3A_1272 = arith.constant 15872 : i32
    %dma_wait3A_1273 = tpu.memref_slice %arg19[%dma_wait3A_1272] : memref<22528xi32, #tpu.memory_space<vmem>> -> memref<512xi32, #tpu.memory_space<vmem>>
    %dma_wait3A_1274 = arith.constant 0 : i32
    %dma_wait3A_1275 = arith.constant 0 : i32
    %dma_wait3A_1276 = tpu.memref_slice %arg5[%dma_wait3A_1274, %dma_wait3A_1275] : memref<100000x64xf32, #tpu.memory_space<hbm>> -> memref<100000x64xf32, #tpu.memory_space<hbm>>
    tpu.wait_indirect_dma semaphore(%arg25 : memref<!tpu.dma_semaphore, #tpu.memory_space<semaphore_mem>>) src(%dma_wait3A_1276 : memref<100000x64xf32, #tpu.memory_space<hbm>>) dst(%arg22 : memref<512x64xf32, #tpu.memory_space<vmem>>)
    %dma_start3A_1277 = arith.constant 0 : i32
    %dma_start3A_1278 = tpu.memref_slice %arg16[%add3A_676, %dma_start3A_1277] : memref<327680x64xf32, #tpu.memory_space<hbm>> -> memref<512x64xf32, #tpu.memory_space<hbm>>
    %dma_start3A_1279 = arith.constant 0 : i32
    %dma_start3A_1280 = tpu.memref_slice %arg16[%add3A_676, %dma_start3A_1279] : memref<327680x64xf32, #tpu.memory_space<hbm>> -> memref<512x64xf32, #tpu.memory_space<hbm>>
    tpu.enqueue_dma source(%arg22 : memref<512x64xf32, #tpu.memory_space<vmem>>) target(%dma_start3A_1280 : memref<512x64xf32, #tpu.memory_space<hbm>>) target_semaphore(%arg28 : memref<!tpu.dma_semaphore, #tpu.memory_space<semaphore_mem>>)
    %dma_wait3A_1281 = arith.constant 0 : i32
    %dma_wait3A_1282 = tpu.memref_slice %arg16[%add3A_672, %dma_wait3A_1281] : memref<327680x64xf32, #tpu.memory_space<hbm>> -> memref<512x64xf32, #tpu.memory_space<hbm>>
    %dma_wait3A_1283 = arith.constant 0 : i32
    %dma_wait3A_1284 = tpu.memref_slice %arg16[%add3A_672, %dma_wait3A_1283] : memref<327680x64xf32, #tpu.memory_space<hbm>> -> memref<512x64xf32, #tpu.memory_space<hbm>>
    tpu.wait_dma2 semaphore(%arg26 : memref<!tpu.dma_semaphore, #tpu.memory_space<semaphore_mem>>) src(%arg20 : memref<512x64xf32, #tpu.memory_space<vmem>>) dst(%dma_wait3A_1284 : memref<512x64xf32, #tpu.memory_space<hbm>>)
    %dma_start3A_1285 = arith.constant 16384 : i32
    %dma_start3A_1286 = tpu.memref_slice %arg19[%dma_start3A_1285] : memref<22528xi32, #tpu.memory_space<vmem>> -> memref<512xi32, #tpu.memory_space<vmem>>
    %dma_start3A_1287 = arith.constant 0 : i32
    %dma_start3A_1288 = arith.constant 0 : i32
    %dma_start3A_1289 = tpu.memref_slice %arg5[%dma_start3A_1287, %dma_start3A_1288] : memref<100000x64xf32, #tpu.memory_space<hbm>> -> memref<100000x64xf32, #tpu.memory_space<hbm>>
    tpu.enqueue_indirect_dma source(%dma_start3A_1289 : memref<100000x64xf32, #tpu.memory_space<hbm>>) target(%arg20 : memref<512x64xf32, #tpu.memory_space<vmem>>) offsets(%dma_start3A_1286 : memref<512xi32, #tpu.memory_space<vmem>>) semaphore(%arg25 : memref<!tpu.dma_semaphore, #tpu.memory_space<semaphore_mem>>)
    %dma_wait3A_1290 = arith.constant 16384 : i32
    %dma_wait3A_1291 = tpu.memref_slice %arg19[%dma_wait3A_1290] : memref<22528xi32, #tpu.memory_space<vmem>> -> memref<512xi32, #tpu.memory_space<vmem>>
    %dma_wait3A_1292 = arith.constant 0 : i32
    %dma_wait3A_1293 = arith.constant 0 : i32
    %dma_wait3A_1294 = tpu.memref_slice %arg5[%dma_wait3A_1292, %dma_wait3A_1293] : memref<100000x64xf32, #tpu.memory_space<hbm>> -> memref<100000x64xf32, #tpu.memory_space<hbm>>
    tpu.wait_indirect_dma semaphore(%arg25 : memref<!tpu.dma_semaphore, #tpu.memory_space<semaphore_mem>>) src(%dma_wait3A_1294 : memref<100000x64xf32, #tpu.memory_space<hbm>>) dst(%arg20 : memref<512x64xf32, #tpu.memory_space<vmem>>)
    %dma_start3A_1295 = arith.constant 0 : i32
    %dma_start3A_1296 = tpu.memref_slice %arg16[%add3A_678, %dma_start3A_1295] : memref<327680x64xf32, #tpu.memory_space<hbm>> -> memref<512x64xf32, #tpu.memory_space<hbm>>
    %dma_start3A_1297 = arith.constant 0 : i32
    %dma_start3A_1298 = tpu.memref_slice %arg16[%add3A_678, %dma_start3A_1297] : memref<327680x64xf32, #tpu.memory_space<hbm>> -> memref<512x64xf32, #tpu.memory_space<hbm>>
    tpu.enqueue_dma source(%arg20 : memref<512x64xf32, #tpu.memory_space<vmem>>) target(%dma_start3A_1298 : memref<512x64xf32, #tpu.memory_space<hbm>>) target_semaphore(%arg26 : memref<!tpu.dma_semaphore, #tpu.memory_space<semaphore_mem>>)
    %dma_wait3A_1299 = arith.constant 0 : i32
    %dma_wait3A_1300 = tpu.memref_slice %arg16[%add3A_674, %dma_wait3A_1299] : memref<327680x64xf32, #tpu.memory_space<hbm>> -> memref<512x64xf32, #tpu.memory_space<hbm>>
    %dma_wait3A_1301 = arith.constant 0 : i32
    %dma_wait3A_1302 = tpu.memref_slice %arg16[%add3A_674, %dma_wait3A_1301] : memref<327680x64xf32, #tpu.memory_space<hbm>> -> memref<512x64xf32, #tpu.memory_space<hbm>>
    tpu.wait_dma2 semaphore(%arg27 : memref<!tpu.dma_semaphore, #tpu.memory_space<semaphore_mem>>) src(%arg21 : memref<512x64xf32, #tpu.memory_space<vmem>>) dst(%dma_wait3A_1302 : memref<512x64xf32, #tpu.memory_space<hbm>>)
    %dma_start3A_1303 = arith.constant 16896 : i32
    %dma_start3A_1304 = tpu.memref_slice %arg19[%dma_start3A_1303] : memref<22528xi32, #tpu.memory_space<vmem>> -> memref<512xi32, #tpu.memory_space<vmem>>
    %dma_start3A_1305 = arith.constant 0 : i32
    %dma_start3A_1306 = arith.constant 0 : i32
    %dma_start3A_1307 = tpu.memref_slice %arg5[%dma_start3A_1305, %dma_start3A_1306] : memref<100000x64xf32, #tpu.memory_space<hbm>> -> memref<100000x64xf32, #tpu.memory_space<hbm>>
    tpu.enqueue_indirect_dma source(%dma_start3A_1307 : memref<100000x64xf32, #tpu.memory_space<hbm>>) target(%arg21 : memref<512x64xf32, #tpu.memory_space<vmem>>) offsets(%dma_start3A_1304 : memref<512xi32, #tpu.memory_space<vmem>>) semaphore(%arg25 : memref<!tpu.dma_semaphore, #tpu.memory_space<semaphore_mem>>)
    %dma_wait3A_1308 = arith.constant 16896 : i32
    %dma_wait3A_1309 = tpu.memref_slice %arg19[%dma_wait3A_1308] : memref<22528xi32, #tpu.memory_space<vmem>> -> memref<512xi32, #tpu.memory_space<vmem>>
    %dma_wait3A_1310 = arith.constant 0 : i32
    %dma_wait3A_1311 = arith.constant 0 : i32
    %dma_wait3A_1312 = tpu.memref_slice %arg5[%dma_wait3A_1310, %dma_wait3A_1311] : memref<100000x64xf32, #tpu.memory_space<hbm>> -> memref<100000x64xf32, #tpu.memory_space<hbm>>
    tpu.wait_indirect_dma semaphore(%arg25 : memref<!tpu.dma_semaphore, #tpu.memory_space<semaphore_mem>>) src(%dma_wait3A_1312 : memref<100000x64xf32, #tpu.memory_space<hbm>>) dst(%arg21 : memref<512x64xf32, #tpu.memory_space<vmem>>)
    %dma_start3A_1313 = arith.constant 0 : i32
    %dma_start3A_1314 = tpu.memref_slice %arg16[%add3A_680, %dma_start3A_1313] : memref<327680x64xf32, #tpu.memory_space<hbm>> -> memref<512x64xf32, #tpu.memory_space<hbm>>
    %dma_start3A_1315 = arith.constant 0 : i32
    %dma_start3A_1316 = tpu.memref_slice %arg16[%add3A_680, %dma_start3A_1315] : memref<327680x64xf32, #tpu.memory_space<hbm>> -> memref<512x64xf32, #tpu.memory_space<hbm>>
    tpu.enqueue_dma source(%arg21 : memref<512x64xf32, #tpu.memory_space<vmem>>) target(%dma_start3A_1316 : memref<512x64xf32, #tpu.memory_space<hbm>>) target_semaphore(%arg27 : memref<!tpu.dma_semaphore, #tpu.memory_space<semaphore_mem>>)
    %dma_wait3A_1317 = arith.constant 0 : i32
    %dma_wait3A_1318 = tpu.memref_slice %arg16[%add3A_676, %dma_wait3A_1317] : memref<327680x64xf32, #tpu.memory_space<hbm>> -> memref<512x64xf32, #tpu.memory_space<hbm>>
    %dma_wait3A_1319 = arith.constant 0 : i32
    %dma_wait3A_1320 = tpu.memref_slice %arg16[%add3A_676, %dma_wait3A_1319] : memref<327680x64xf32, #tpu.memory_space<hbm>> -> memref<512x64xf32, #tpu.memory_space<hbm>>
    tpu.wait_dma2 semaphore(%arg28 : memref<!tpu.dma_semaphore, #tpu.memory_space<semaphore_mem>>) src(%arg22 : memref<512x64xf32, #tpu.memory_space<vmem>>) dst(%dma_wait3A_1320 : memref<512x64xf32, #tpu.memory_space<hbm>>)
    %dma_start3A_1321 = arith.constant 17408 : i32
    %dma_start3A_1322 = tpu.memref_slice %arg19[%dma_start3A_1321] : memref<22528xi32, #tpu.memory_space<vmem>> -> memref<512xi32, #tpu.memory_space<vmem>>
    %dma_start3A_1323 = arith.constant 0 : i32
    %dma_start3A_1324 = arith.constant 0 : i32
    %dma_start3A_1325 = tpu.memref_slice %arg5[%dma_start3A_1323, %dma_start3A_1324] : memref<100000x64xf32, #tpu.memory_space<hbm>> -> memref<100000x64xf32, #tpu.memory_space<hbm>>
    tpu.enqueue_indirect_dma source(%dma_start3A_1325 : memref<100000x64xf32, #tpu.memory_space<hbm>>) target(%arg22 : memref<512x64xf32, #tpu.memory_space<vmem>>) offsets(%dma_start3A_1322 : memref<512xi32, #tpu.memory_space<vmem>>) semaphore(%arg25 : memref<!tpu.dma_semaphore, #tpu.memory_space<semaphore_mem>>)
    %dma_wait3A_1326 = arith.constant 17408 : i32
    %dma_wait3A_1327 = tpu.memref_slice %arg19[%dma_wait3A_1326] : memref<22528xi32, #tpu.memory_space<vmem>> -> memref<512xi32, #tpu.memory_space<vmem>>
    %dma_wait3A_1328 = arith.constant 0 : i32
    %dma_wait3A_1329 = arith.constant 0 : i32
    %dma_wait3A_1330 = tpu.memref_slice %arg5[%dma_wait3A_1328, %dma_wait3A_1329] : memref<100000x64xf32, #tpu.memory_space<hbm>> -> memref<100000x64xf32, #tpu.memory_space<hbm>>
    tpu.wait_indirect_dma semaphore(%arg25 : memref<!tpu.dma_semaphore, #tpu.memory_space<semaphore_mem>>) src(%dma_wait3A_1330 : memref<100000x64xf32, #tpu.memory_space<hbm>>) dst(%arg22 : memref<512x64xf32, #tpu.memory_space<vmem>>)
    %dma_start3A_1331 = arith.constant 0 : i32
    %dma_start3A_1332 = tpu.memref_slice %arg16[%add3A_682, %dma_start3A_1331] : memref<327680x64xf32, #tpu.memory_space<hbm>> -> memref<512x64xf32, #tpu.memory_space<hbm>>
    %dma_start3A_1333 = arith.constant 0 : i32
    %dma_start3A_1334 = tpu.memref_slice %arg16[%add3A_682, %dma_start3A_1333] : memref<327680x64xf32, #tpu.memory_space<hbm>> -> memref<512x64xf32, #tpu.memory_space<hbm>>
    tpu.enqueue_dma source(%arg22 : memref<512x64xf32, #tpu.memory_space<vmem>>) target(%dma_start3A_1334 : memref<512x64xf32, #tpu.memory_space<hbm>>) target_semaphore(%arg28 : memref<!tpu.dma_semaphore, #tpu.memory_space<semaphore_mem>>)
    %dma_wait3A_1335 = arith.constant 0 : i32
    %dma_wait3A_1336 = tpu.memref_slice %arg16[%add3A_678, %dma_wait3A_1335] : memref<327680x64xf32, #tpu.memory_space<hbm>> -> memref<512x64xf32, #tpu.memory_space<hbm>>
    %dma_wait3A_1337 = arith.constant 0 : i32
    %dma_wait3A_1338 = tpu.memref_slice %arg16[%add3A_678, %dma_wait3A_1337] : memref<327680x64xf32, #tpu.memory_space<hbm>> -> memref<512x64xf32, #tpu.memory_space<hbm>>
    tpu.wait_dma2 semaphore(%arg26 : memref<!tpu.dma_semaphore, #tpu.memory_space<semaphore_mem>>) src(%arg20 : memref<512x64xf32, #tpu.memory_space<vmem>>) dst(%dma_wait3A_1338 : memref<512x64xf32, #tpu.memory_space<hbm>>)
    %dma_start3A_1339 = arith.constant 17920 : i32
    %dma_start3A_1340 = tpu.memref_slice %arg19[%dma_start3A_1339] : memref<22528xi32, #tpu.memory_space<vmem>> -> memref<512xi32, #tpu.memory_space<vmem>>
    %dma_start3A_1341 = arith.constant 0 : i32
    %dma_start3A_1342 = arith.constant 0 : i32
    %dma_start3A_1343 = tpu.memref_slice %arg5[%dma_start3A_1341, %dma_start3A_1342] : memref<100000x64xf32, #tpu.memory_space<hbm>> -> memref<100000x64xf32, #tpu.memory_space<hbm>>
    tpu.enqueue_indirect_dma source(%dma_start3A_1343 : memref<100000x64xf32, #tpu.memory_space<hbm>>) target(%arg20 : memref<512x64xf32, #tpu.memory_space<vmem>>) offsets(%dma_start3A_1340 : memref<512xi32, #tpu.memory_space<vmem>>) semaphore(%arg25 : memref<!tpu.dma_semaphore, #tpu.memory_space<semaphore_mem>>)
    %dma_wait3A_1344 = arith.constant 17920 : i32
    %dma_wait3A_1345 = tpu.memref_slice %arg19[%dma_wait3A_1344] : memref<22528xi32, #tpu.memory_space<vmem>> -> memref<512xi32, #tpu.memory_space<vmem>>
    %dma_wait3A_1346 = arith.constant 0 : i32
    %dma_wait3A_1347 = arith.constant 0 : i32
    %dma_wait3A_1348 = tpu.memref_slice %arg5[%dma_wait3A_1346, %dma_wait3A_1347] : memref<100000x64xf32, #tpu.memory_space<hbm>> -> memref<100000x64xf32, #tpu.memory_space<hbm>>
    tpu.wait_indirect_dma semaphore(%arg25 : memref<!tpu.dma_semaphore, #tpu.memory_space<semaphore_mem>>) src(%dma_wait3A_1348 : memref<100000x64xf32, #tpu.memory_space<hbm>>) dst(%arg20 : memref<512x64xf32, #tpu.memory_space<vmem>>)
    %dma_start3A_1349 = arith.constant 0 : i32
    %dma_start3A_1350 = tpu.memref_slice %arg16[%add3A_684, %dma_start3A_1349] : memref<327680x64xf32, #tpu.memory_space<hbm>> -> memref<512x64xf32, #tpu.memory_space<hbm>>
    %dma_start3A_1351 = arith.constant 0 : i32
    %dma_start3A_1352 = tpu.memref_slice %arg16[%add3A_684, %dma_start3A_1351] : memref<327680x64xf32, #tpu.memory_space<hbm>> -> memref<512x64xf32, #tpu.memory_space<hbm>>
    tpu.enqueue_dma source(%arg20 : memref<512x64xf32, #tpu.memory_space<vmem>>) target(%dma_start3A_1352 : memref<512x64xf32, #tpu.memory_space<hbm>>) target_semaphore(%arg26 : memref<!tpu.dma_semaphore, #tpu.memory_space<semaphore_mem>>)
    %dma_wait3A_1353 = arith.constant 0 : i32
    %dma_wait3A_1354 = tpu.memref_slice %arg16[%add3A_680, %dma_wait3A_1353] : memref<327680x64xf32, #tpu.memory_space<hbm>> -> memref<512x64xf32, #tpu.memory_space<hbm>>
    %dma_wait3A_1355 = arith.constant 0 : i32
    %dma_wait3A_1356 = tpu.memref_slice %arg16[%add3A_680, %dma_wait3A_1355] : memref<327680x64xf32, #tpu.memory_space<hbm>> -> memref<512x64xf32, #tpu.memory_space<hbm>>
    tpu.wait_dma2 semaphore(%arg27 : memref<!tpu.dma_semaphore, #tpu.memory_space<semaphore_mem>>) src(%arg21 : memref<512x64xf32, #tpu.memory_space<vmem>>) dst(%dma_wait3A_1356 : memref<512x64xf32, #tpu.memory_space<hbm>>)
    %dma_start3A_1357 = arith.constant 18432 : i32
    %dma_start3A_1358 = tpu.memref_slice %arg19[%dma_start3A_1357] : memref<22528xi32, #tpu.memory_space<vmem>> -> memref<512xi32, #tpu.memory_space<vmem>>
    %dma_start3A_1359 = arith.constant 0 : i32
    %dma_start3A_1360 = arith.constant 0 : i32
    %dma_start3A_1361 = tpu.memref_slice %arg5[%dma_start3A_1359, %dma_start3A_1360] : memref<100000x64xf32, #tpu.memory_space<hbm>> -> memref<100000x64xf32, #tpu.memory_space<hbm>>
    tpu.enqueue_indirect_dma source(%dma_start3A_1361 : memref<100000x64xf32, #tpu.memory_space<hbm>>) target(%arg21 : memref<512x64xf32, #tpu.memory_space<vmem>>) offsets(%dma_start3A_1358 : memref<512xi32, #tpu.memory_space<vmem>>) semaphore(%arg25 : memref<!tpu.dma_semaphore, #tpu.memory_space<semaphore_mem>>)
    %dma_wait3A_1362 = arith.constant 18432 : i32
    %dma_wait3A_1363 = tpu.memref_slice %arg19[%dma_wait3A_1362] : memref<22528xi32, #tpu.memory_space<vmem>> -> memref<512xi32, #tpu.memory_space<vmem>>
    %dma_wait3A_1364 = arith.constant 0 : i32
    %dma_wait3A_1365 = arith.constant 0 : i32
    %dma_wait3A_1366 = tpu.memref_slice %arg5[%dma_wait3A_1364, %dma_wait3A_1365] : memref<100000x64xf32, #tpu.memory_space<hbm>> -> memref<100000x64xf32, #tpu.memory_space<hbm>>
    tpu.wait_indirect_dma semaphore(%arg25 : memref<!tpu.dma_semaphore, #tpu.memory_space<semaphore_mem>>) src(%dma_wait3A_1366 : memref<100000x64xf32, #tpu.memory_space<hbm>>) dst(%arg21 : memref<512x64xf32, #tpu.memory_space<vmem>>)
    %dma_start3A_1367 = arith.constant 0 : i32
    %dma_start3A_1368 = tpu.memref_slice %arg16[%add3A_686, %dma_start3A_1367] : memref<327680x64xf32, #tpu.memory_space<hbm>> -> memref<512x64xf32, #tpu.memory_space<hbm>>
    %dma_start3A_1369 = arith.constant 0 : i32
    %dma_start3A_1370 = tpu.memref_slice %arg16[%add3A_686, %dma_start3A_1369] : memref<327680x64xf32, #tpu.memory_space<hbm>> -> memref<512x64xf32, #tpu.memory_space<hbm>>
    tpu.enqueue_dma source(%arg21 : memref<512x64xf32, #tpu.memory_space<vmem>>) target(%dma_start3A_1370 : memref<512x64xf32, #tpu.memory_space<hbm>>) target_semaphore(%arg27 : memref<!tpu.dma_semaphore, #tpu.memory_space<semaphore_mem>>)
    %dma_wait3A_1371 = arith.constant 0 : i32
    %dma_wait3A_1372 = tpu.memref_slice %arg16[%add3A_682, %dma_wait3A_1371] : memref<327680x64xf32, #tpu.memory_space<hbm>> -> memref<512x64xf32, #tpu.memory_space<hbm>>
    %dma_wait3A_1373 = arith.constant 0 : i32
    %dma_wait3A_1374 = tpu.memref_slice %arg16[%add3A_682, %dma_wait3A_1373] : memref<327680x64xf32, #tpu.memory_space<hbm>> -> memref<512x64xf32, #tpu.memory_space<hbm>>
    tpu.wait_dma2 semaphore(%arg28 : memref<!tpu.dma_semaphore, #tpu.memory_space<semaphore_mem>>) src(%arg22 : memref<512x64xf32, #tpu.memory_space<vmem>>) dst(%dma_wait3A_1374 : memref<512x64xf32, #tpu.memory_space<hbm>>)
    %dma_start3A_1375 = arith.constant 18944 : i32
    %dma_start3A_1376 = tpu.memref_slice %arg19[%dma_start3A_1375] : memref<22528xi32, #tpu.memory_space<vmem>> -> memref<512xi32, #tpu.memory_space<vmem>>
    %dma_start3A_1377 = arith.constant 0 : i32
    %dma_start3A_1378 = arith.constant 0 : i32
    %dma_start3A_1379 = tpu.memref_slice %arg5[%dma_start3A_1377, %dma_start3A_1378] : memref<100000x64xf32, #tpu.memory_space<hbm>> -> memref<100000x64xf32, #tpu.memory_space<hbm>>
    tpu.enqueue_indirect_dma source(%dma_start3A_1379 : memref<100000x64xf32, #tpu.memory_space<hbm>>) target(%arg22 : memref<512x64xf32, #tpu.memory_space<vmem>>) offsets(%dma_start3A_1376 : memref<512xi32, #tpu.memory_space<vmem>>) semaphore(%arg25 : memref<!tpu.dma_semaphore, #tpu.memory_space<semaphore_mem>>)
    %dma_wait3A_1380 = arith.constant 18944 : i32
    %dma_wait3A_1381 = tpu.memref_slice %arg19[%dma_wait3A_1380] : memref<22528xi32, #tpu.memory_space<vmem>> -> memref<512xi32, #tpu.memory_space<vmem>>
    %dma_wait3A_1382 = arith.constant 0 : i32
    %dma_wait3A_1383 = arith.constant 0 : i32
    %dma_wait3A_1384 = tpu.memref_slice %arg5[%dma_wait3A_1382, %dma_wait3A_1383] : memref<100000x64xf32, #tpu.memory_space<hbm>> -> memref<100000x64xf32, #tpu.memory_space<hbm>>
    tpu.wait_indirect_dma semaphore(%arg25 : memref<!tpu.dma_semaphore, #tpu.memory_space<semaphore_mem>>) src(%dma_wait3A_1384 : memref<100000x64xf32, #tpu.memory_space<hbm>>) dst(%arg22 : memref<512x64xf32, #tpu.memory_space<vmem>>)
    %dma_start3A_1385 = arith.constant 0 : i32
    %dma_start3A_1386 = tpu.memref_slice %arg16[%add3A_688, %dma_start3A_1385] : memref<327680x64xf32, #tpu.memory_space<hbm>> -> memref<512x64xf32, #tpu.memory_space<hbm>>
    %dma_start3A_1387 = arith.constant 0 : i32
    %dma_start3A_1388 = tpu.memref_slice %arg16[%add3A_688, %dma_start3A_1387] : memref<327680x64xf32, #tpu.memory_space<hbm>> -> memref<512x64xf32, #tpu.memory_space<hbm>>
    tpu.enqueue_dma source(%arg22 : memref<512x64xf32, #tpu.memory_space<vmem>>) target(%dma_start3A_1388 : memref<512x64xf32, #tpu.memory_space<hbm>>) target_semaphore(%arg28 : memref<!tpu.dma_semaphore, #tpu.memory_space<semaphore_mem>>)
    %dma_wait3A_1389 = arith.constant 0 : i32
    %dma_wait3A_1390 = tpu.memref_slice %arg16[%add3A_684, %dma_wait3A_1389] : memref<327680x64xf32, #tpu.memory_space<hbm>> -> memref<512x64xf32, #tpu.memory_space<hbm>>
    %dma_wait3A_1391 = arith.constant 0 : i32
    %dma_wait3A_1392 = tpu.memref_slice %arg16[%add3A_684, %dma_wait3A_1391] : memref<327680x64xf32, #tpu.memory_space<hbm>> -> memref<512x64xf32, #tpu.memory_space<hbm>>
    tpu.wait_dma2 semaphore(%arg26 : memref<!tpu.dma_semaphore, #tpu.memory_space<semaphore_mem>>) src(%arg20 : memref<512x64xf32, #tpu.memory_space<vmem>>) dst(%dma_wait3A_1392 : memref<512x64xf32, #tpu.memory_space<hbm>>)
    %dma_start3A_1393 = arith.constant 19456 : i32
    %dma_start3A_1394 = tpu.memref_slice %arg19[%dma_start3A_1393] : memref<22528xi32, #tpu.memory_space<vmem>> -> memref<512xi32, #tpu.memory_space<vmem>>
    %dma_start3A_1395 = arith.constant 0 : i32
    %dma_start3A_1396 = arith.constant 0 : i32
    %dma_start3A_1397 = tpu.memref_slice %arg5[%dma_start3A_1395, %dma_start3A_1396] : memref<100000x64xf32, #tpu.memory_space<hbm>> -> memref<100000x64xf32, #tpu.memory_space<hbm>>
    tpu.enqueue_indirect_dma source(%dma_start3A_1397 : memref<100000x64xf32, #tpu.memory_space<hbm>>) target(%arg20 : memref<512x64xf32, #tpu.memory_space<vmem>>) offsets(%dma_start3A_1394 : memref<512xi32, #tpu.memory_space<vmem>>) semaphore(%arg25 : memref<!tpu.dma_semaphore, #tpu.memory_space<semaphore_mem>>)
    %dma_wait3A_1398 = arith.constant 19456 : i32
    %dma_wait3A_1399 = tpu.memref_slice %arg19[%dma_wait3A_1398] : memref<22528xi32, #tpu.memory_space<vmem>> -> memref<512xi32, #tpu.memory_space<vmem>>
    %dma_wait3A_1400 = arith.constant 0 : i32
    %dma_wait3A_1401 = arith.constant 0 : i32
    %dma_wait3A_1402 = tpu.memref_slice %arg5[%dma_wait3A_1400, %dma_wait3A_1401] : memref<100000x64xf32, #tpu.memory_space<hbm>> -> memref<100000x64xf32, #tpu.memory_space<hbm>>
    tpu.wait_indirect_dma semaphore(%arg25 : memref<!tpu.dma_semaphore, #tpu.memory_space<semaphore_mem>>) src(%dma_wait3A_1402 : memref<100000x64xf32, #tpu.memory_space<hbm>>) dst(%arg20 : memref<512x64xf32, #tpu.memory_space<vmem>>)
    %dma_start3A_1403 = arith.constant 0 : i32
    %dma_start3A_1404 = tpu.memref_slice %arg16[%add3A_690, %dma_start3A_1403] : memref<327680x64xf32, #tpu.memory_space<hbm>> -> memref<512x64xf32, #tpu.memory_space<hbm>>
    %dma_start3A_1405 = arith.constant 0 : i32
    %dma_start3A_1406 = tpu.memref_slice %arg16[%add3A_690, %dma_start3A_1405] : memref<327680x64xf32, #tpu.memory_space<hbm>> -> memref<512x64xf32, #tpu.memory_space<hbm>>
    tpu.enqueue_dma source(%arg20 : memref<512x64xf32, #tpu.memory_space<vmem>>) target(%dma_start3A_1406 : memref<512x64xf32, #tpu.memory_space<hbm>>) target_semaphore(%arg26 : memref<!tpu.dma_semaphore, #tpu.memory_space<semaphore_mem>>)
    %dma_wait3A_1407 = arith.constant 0 : i32
    %dma_wait3A_1408 = tpu.memref_slice %arg16[%add3A_686, %dma_wait3A_1407] : memref<327680x64xf32, #tpu.memory_space<hbm>> -> memref<512x64xf32, #tpu.memory_space<hbm>>
    %dma_wait3A_1409 = arith.constant 0 : i32
    %dma_wait3A_1410 = tpu.memref_slice %arg16[%add3A_686, %dma_wait3A_1409] : memref<327680x64xf32, #tpu.memory_space<hbm>> -> memref<512x64xf32, #tpu.memory_space<hbm>>
    tpu.wait_dma2 semaphore(%arg27 : memref<!tpu.dma_semaphore, #tpu.memory_space<semaphore_mem>>) src(%arg21 : memref<512x64xf32, #tpu.memory_space<vmem>>) dst(%dma_wait3A_1410 : memref<512x64xf32, #tpu.memory_space<hbm>>)
    %dma_start3A_1411 = arith.constant 19968 : i32
    %dma_start3A_1412 = tpu.memref_slice %arg19[%dma_start3A_1411] : memref<22528xi32, #tpu.memory_space<vmem>> -> memref<512xi32, #tpu.memory_space<vmem>>
    %dma_start3A_1413 = arith.constant 0 : i32
    %dma_start3A_1414 = arith.constant 0 : i32
    %dma_start3A_1415 = tpu.memref_slice %arg5[%dma_start3A_1413, %dma_start3A_1414] : memref<100000x64xf32, #tpu.memory_space<hbm>> -> memref<100000x64xf32, #tpu.memory_space<hbm>>
    tpu.enqueue_indirect_dma source(%dma_start3A_1415 : memref<100000x64xf32, #tpu.memory_space<hbm>>) target(%arg21 : memref<512x64xf32, #tpu.memory_space<vmem>>) offsets(%dma_start3A_1412 : memref<512xi32, #tpu.memory_space<vmem>>) semaphore(%arg25 : memref<!tpu.dma_semaphore, #tpu.memory_space<semaphore_mem>>)
    %dma_wait3A_1416 = arith.constant 19968 : i32
    %dma_wait3A_1417 = tpu.memref_slice %arg19[%dma_wait3A_1416] : memref<22528xi32, #tpu.memory_space<vmem>> -> memref<512xi32, #tpu.memory_space<vmem>>
    %dma_wait3A_1418 = arith.constant 0 : i32
    %dma_wait3A_1419 = arith.constant 0 : i32
    %dma_wait3A_1420 = tpu.memref_slice %arg5[%dma_wait3A_1418, %dma_wait3A_1419] : memref<100000x64xf32, #tpu.memory_space<hbm>> -> memref<100000x64xf32, #tpu.memory_space<hbm>>
    tpu.wait_indirect_dma semaphore(%arg25 : memref<!tpu.dma_semaphore, #tpu.memory_space<semaphore_mem>>) src(%dma_wait3A_1420 : memref<100000x64xf32, #tpu.memory_space<hbm>>) dst(%arg21 : memref<512x64xf32, #tpu.memory_space<vmem>>)
    %dma_start3A_1421 = arith.constant 0 : i32
    %dma_start3A_1422 = tpu.memref_slice %arg16[%add3A_692, %dma_start3A_1421] : memref<327680x64xf32, #tpu.memory_space<hbm>> -> memref<512x64xf32, #tpu.memory_space<hbm>>
    %dma_start3A_1423 = arith.constant 0 : i32
    %dma_start3A_1424 = tpu.memref_slice %arg16[%add3A_692, %dma_start3A_1423] : memref<327680x64xf32, #tpu.memory_space<hbm>> -> memref<512x64xf32, #tpu.memory_space<hbm>>
    tpu.enqueue_dma source(%arg21 : memref<512x64xf32, #tpu.memory_space<vmem>>) target(%dma_start3A_1424 : memref<512x64xf32, #tpu.memory_space<hbm>>) target_semaphore(%arg27 : memref<!tpu.dma_semaphore, #tpu.memory_space<semaphore_mem>>)
    %dma_wait3A_1425 = arith.constant 0 : i32
    %dma_wait3A_1426 = tpu.memref_slice %arg16[%add3A_688, %dma_wait3A_1425] : memref<327680x64xf32, #tpu.memory_space<hbm>> -> memref<512x64xf32, #tpu.memory_space<hbm>>
    %dma_wait3A_1427 = arith.constant 0 : i32
    %dma_wait3A_1428 = tpu.memref_slice %arg16[%add3A_688, %dma_wait3A_1427] : memref<327680x64xf32, #tpu.memory_space<hbm>> -> memref<512x64xf32, #tpu.memory_space<hbm>>
    tpu.wait_dma2 semaphore(%arg28 : memref<!tpu.dma_semaphore, #tpu.memory_space<semaphore_mem>>) src(%arg22 : memref<512x64xf32, #tpu.memory_space<vmem>>) dst(%dma_wait3A_1428 : memref<512x64xf32, #tpu.memory_space<hbm>>)
    %dma_start3A_1429 = arith.constant 20480 : i32
    %dma_start3A_1430 = tpu.memref_slice %arg19[%dma_start3A_1429] : memref<22528xi32, #tpu.memory_space<vmem>> -> memref<512xi32, #tpu.memory_space<vmem>>
    %dma_start3A_1431 = arith.constant 0 : i32
    %dma_start3A_1432 = arith.constant 0 : i32
    %dma_start3A_1433 = tpu.memref_slice %arg5[%dma_start3A_1431, %dma_start3A_1432] : memref<100000x64xf32, #tpu.memory_space<hbm>> -> memref<100000x64xf32, #tpu.memory_space<hbm>>
    tpu.enqueue_indirect_dma source(%dma_start3A_1433 : memref<100000x64xf32, #tpu.memory_space<hbm>>) target(%arg22 : memref<512x64xf32, #tpu.memory_space<vmem>>) offsets(%dma_start3A_1430 : memref<512xi32, #tpu.memory_space<vmem>>) semaphore(%arg25 : memref<!tpu.dma_semaphore, #tpu.memory_space<semaphore_mem>>)
    %dma_wait3A_1434 = arith.constant 20480 : i32
    %dma_wait3A_1435 = tpu.memref_slice %arg19[%dma_wait3A_1434] : memref<22528xi32, #tpu.memory_space<vmem>> -> memref<512xi32, #tpu.memory_space<vmem>>
    %dma_wait3A_1436 = arith.constant 0 : i32
    %dma_wait3A_1437 = arith.constant 0 : i32
    %dma_wait3A_1438 = tpu.memref_slice %arg5[%dma_wait3A_1436, %dma_wait3A_1437] : memref<100000x64xf32, #tpu.memory_space<hbm>> -> memref<100000x64xf32, #tpu.memory_space<hbm>>
    tpu.wait_indirect_dma semaphore(%arg25 : memref<!tpu.dma_semaphore, #tpu.memory_space<semaphore_mem>>) src(%dma_wait3A_1438 : memref<100000x64xf32, #tpu.memory_space<hbm>>) dst(%arg22 : memref<512x64xf32, #tpu.memory_space<vmem>>)
    %dma_start3A_1439 = arith.constant 0 : i32
    %dma_start3A_1440 = tpu.memref_slice %arg16[%add3A_694, %dma_start3A_1439] : memref<327680x64xf32, #tpu.memory_space<hbm>> -> memref<512x64xf32, #tpu.memory_space<hbm>>
    %dma_start3A_1441 = arith.constant 0 : i32
    %dma_start3A_1442 = tpu.memref_slice %arg16[%add3A_694, %dma_start3A_1441] : memref<327680x64xf32, #tpu.memory_space<hbm>> -> memref<512x64xf32, #tpu.memory_space<hbm>>
    tpu.enqueue_dma source(%arg22 : memref<512x64xf32, #tpu.memory_space<vmem>>) target(%dma_start3A_1442 : memref<512x64xf32, #tpu.memory_space<hbm>>) target_semaphore(%arg28 : memref<!tpu.dma_semaphore, #tpu.memory_space<semaphore_mem>>)
    %dma_wait3A_1443 = arith.constant 0 : i32
    %dma_wait3A_1444 = tpu.memref_slice %arg16[%add3A_690, %dma_wait3A_1443] : memref<327680x64xf32, #tpu.memory_space<hbm>> -> memref<512x64xf32, #tpu.memory_space<hbm>>
    %dma_wait3A_1445 = arith.constant 0 : i32
    %dma_wait3A_1446 = tpu.memref_slice %arg16[%add3A_690, %dma_wait3A_1445] : memref<327680x64xf32, #tpu.memory_space<hbm>> -> memref<512x64xf32, #tpu.memory_space<hbm>>
    tpu.wait_dma2 semaphore(%arg26 : memref<!tpu.dma_semaphore, #tpu.memory_space<semaphore_mem>>) src(%arg20 : memref<512x64xf32, #tpu.memory_space<vmem>>) dst(%dma_wait3A_1446 : memref<512x64xf32, #tpu.memory_space<hbm>>)
    %dma_start3A_1447 = arith.constant 20992 : i32
    %dma_start3A_1448 = tpu.memref_slice %arg19[%dma_start3A_1447] : memref<22528xi32, #tpu.memory_space<vmem>> -> memref<512xi32, #tpu.memory_space<vmem>>
    %dma_start3A_1449 = arith.constant 0 : i32
    %dma_start3A_1450 = arith.constant 0 : i32
    %dma_start3A_1451 = tpu.memref_slice %arg5[%dma_start3A_1449, %dma_start3A_1450] : memref<100000x64xf32, #tpu.memory_space<hbm>> -> memref<100000x64xf32, #tpu.memory_space<hbm>>
    tpu.enqueue_indirect_dma source(%dma_start3A_1451 : memref<100000x64xf32, #tpu.memory_space<hbm>>) target(%arg20 : memref<512x64xf32, #tpu.memory_space<vmem>>) offsets(%dma_start3A_1448 : memref<512xi32, #tpu.memory_space<vmem>>) semaphore(%arg25 : memref<!tpu.dma_semaphore, #tpu.memory_space<semaphore_mem>>)
    %dma_wait3A_1452 = arith.constant 20992 : i32
    %dma_wait3A_1453 = tpu.memref_slice %arg19[%dma_wait3A_1452] : memref<22528xi32, #tpu.memory_space<vmem>> -> memref<512xi32, #tpu.memory_space<vmem>>
    %dma_wait3A_1454 = arith.constant 0 : i32
    %dma_wait3A_1455 = arith.constant 0 : i32
    %dma_wait3A_1456 = tpu.memref_slice %arg5[%dma_wait3A_1454, %dma_wait3A_1455] : memref<100000x64xf32, #tpu.memory_space<hbm>> -> memref<100000x64xf32, #tpu.memory_space<hbm>>
    tpu.wait_indirect_dma semaphore(%arg25 : memref<!tpu.dma_semaphore, #tpu.memory_space<semaphore_mem>>) src(%dma_wait3A_1456 : memref<100000x64xf32, #tpu.memory_space<hbm>>) dst(%arg20 : memref<512x64xf32, #tpu.memory_space<vmem>>)
    %dma_start3A_1457 = arith.constant 0 : i32
    %dma_start3A_1458 = tpu.memref_slice %arg16[%add3A_696, %dma_start3A_1457] : memref<327680x64xf32, #tpu.memory_space<hbm>> -> memref<512x64xf32, #tpu.memory_space<hbm>>
    %dma_start3A_1459 = arith.constant 0 : i32
    %dma_start3A_1460 = tpu.memref_slice %arg16[%add3A_696, %dma_start3A_1459] : memref<327680x64xf32, #tpu.memory_space<hbm>> -> memref<512x64xf32, #tpu.memory_space<hbm>>
    tpu.enqueue_dma source(%arg20 : memref<512x64xf32, #tpu.memory_space<vmem>>) target(%dma_start3A_1460 : memref<512x64xf32, #tpu.memory_space<hbm>>) target_semaphore(%arg26 : memref<!tpu.dma_semaphore, #tpu.memory_space<semaphore_mem>>)
    %dma_wait3A_1461 = arith.constant 0 : i32
    %dma_wait3A_1462 = tpu.memref_slice %arg16[%add3A_692, %dma_wait3A_1461] : memref<327680x64xf32, #tpu.memory_space<hbm>> -> memref<512x64xf32, #tpu.memory_space<hbm>>
    %dma_wait3A_1463 = arith.constant 0 : i32
    %dma_wait3A_1464 = tpu.memref_slice %arg16[%add3A_692, %dma_wait3A_1463] : memref<327680x64xf32, #tpu.memory_space<hbm>> -> memref<512x64xf32, #tpu.memory_space<hbm>>
    tpu.wait_dma2 semaphore(%arg27 : memref<!tpu.dma_semaphore, #tpu.memory_space<semaphore_mem>>) src(%arg21 : memref<512x64xf32, #tpu.memory_space<vmem>>) dst(%dma_wait3A_1464 : memref<512x64xf32, #tpu.memory_space<hbm>>)
    %dma_start3A_1465 = arith.constant 21504 : i32
    %dma_start3A_1466 = tpu.memref_slice %arg19[%dma_start3A_1465] : memref<22528xi32, #tpu.memory_space<vmem>> -> memref<512xi32, #tpu.memory_space<vmem>>
    %dma_start3A_1467 = arith.constant 0 : i32
    %dma_start3A_1468 = arith.constant 0 : i32
    %dma_start3A_1469 = tpu.memref_slice %arg5[%dma_start3A_1467, %dma_start3A_1468] : memref<100000x64xf32, #tpu.memory_space<hbm>> -> memref<100000x64xf32, #tpu.memory_space<hbm>>
    tpu.enqueue_indirect_dma source(%dma_start3A_1469 : memref<100000x64xf32, #tpu.memory_space<hbm>>) target(%arg21 : memref<512x64xf32, #tpu.memory_space<vmem>>) offsets(%dma_start3A_1466 : memref<512xi32, #tpu.memory_space<vmem>>) semaphore(%arg25 : memref<!tpu.dma_semaphore, #tpu.memory_space<semaphore_mem>>)
    %dma_wait3A_1470 = arith.constant 21504 : i32
    %dma_wait3A_1471 = tpu.memref_slice %arg19[%dma_wait3A_1470] : memref<22528xi32, #tpu.memory_space<vmem>> -> memref<512xi32, #tpu.memory_space<vmem>>
    %dma_wait3A_1472 = arith.constant 0 : i32
    %dma_wait3A_1473 = arith.constant 0 : i32
    %dma_wait3A_1474 = tpu.memref_slice %arg5[%dma_wait3A_1472, %dma_wait3A_1473] : memref<100000x64xf32, #tpu.memory_space<hbm>> -> memref<100000x64xf32, #tpu.memory_space<hbm>>
    tpu.wait_indirect_dma semaphore(%arg25 : memref<!tpu.dma_semaphore, #tpu.memory_space<semaphore_mem>>) src(%dma_wait3A_1474 : memref<100000x64xf32, #tpu.memory_space<hbm>>) dst(%arg21 : memref<512x64xf32, #tpu.memory_space<vmem>>)
    %dma_start3A_1475 = arith.constant 0 : i32
    %dma_start3A_1476 = tpu.memref_slice %arg16[%add3A_698, %dma_start3A_1475] : memref<327680x64xf32, #tpu.memory_space<hbm>> -> memref<512x64xf32, #tpu.memory_space<hbm>>
    %dma_start3A_1477 = arith.constant 0 : i32
    %dma_start3A_1478 = tpu.memref_slice %arg16[%add3A_698, %dma_start3A_1477] : memref<327680x64xf32, #tpu.memory_space<hbm>> -> memref<512x64xf32, #tpu.memory_space<hbm>>
    tpu.enqueue_dma source(%arg21 : memref<512x64xf32, #tpu.memory_space<vmem>>) target(%dma_start3A_1478 : memref<512x64xf32, #tpu.memory_space<hbm>>) target_semaphore(%arg27 : memref<!tpu.dma_semaphore, #tpu.memory_space<semaphore_mem>>)
    %dma_wait3A_1479 = arith.constant 0 : i32
    %dma_wait3A_1480 = tpu.memref_slice %arg16[%add3A_696, %dma_wait3A_1479] : memref<327680x64xf32, #tpu.memory_space<hbm>> -> memref<512x64xf32, #tpu.memory_space<hbm>>
    %dma_wait3A_1481 = arith.constant 0 : i32
    %dma_wait3A_1482 = tpu.memref_slice %arg16[%add3A_696, %dma_wait3A_1481] : memref<327680x64xf32, #tpu.memory_space<hbm>> -> memref<512x64xf32, #tpu.memory_space<hbm>>
    tpu.wait_dma2 semaphore(%arg26 : memref<!tpu.dma_semaphore, #tpu.memory_space<semaphore_mem>>) src(%arg20 : memref<512x64xf32, #tpu.memory_space<vmem>>) dst(%dma_wait3A_1482 : memref<512x64xf32, #tpu.memory_space<hbm>>)
    %dma_wait3A_1483 = arith.constant 0 : i32
    %dma_wait3A_1484 = tpu.memref_slice %arg16[%add3A_698, %dma_wait3A_1483] : memref<327680x64xf32, #tpu.memory_space<hbm>> -> memref<512x64xf32, #tpu.memory_space<hbm>>
    %dma_wait3A_1485 = arith.constant 0 : i32
    %dma_wait3A_1486 = tpu.memref_slice %arg16[%add3A_698, %dma_wait3A_1485] : memref<327680x64xf32, #tpu.memory_space<hbm>> -> memref<512x64xf32, #tpu.memory_space<hbm>>
    tpu.wait_dma2 semaphore(%arg27 : memref<!tpu.dma_semaphore, #tpu.memory_space<semaphore_mem>>) src(%arg21 : memref<512x64xf32, #tpu.memory_space<vmem>>) dst(%dma_wait3A_1486 : memref<512x64xf32, #tpu.memory_space<hbm>>)
    %dma_wait3A_1487 = arith.constant 0 : i32
    %dma_wait3A_1488 = tpu.memref_slice %arg16[%add3A_694, %dma_wait3A_1487] : memref<327680x64xf32, #tpu.memory_space<hbm>> -> memref<512x64xf32, #tpu.memory_space<hbm>>
    %dma_wait3A_1489 = arith.constant 0 : i32
    %dma_wait3A_1490 = tpu.memref_slice %arg16[%add3A_694, %dma_wait3A_1489] : memref<327680x64xf32, #tpu.memory_space<hbm>> -> memref<512x64xf32, #tpu.memory_space<hbm>>
    tpu.wait_dma2 semaphore(%arg28 : memref<!tpu.dma_semaphore, #tpu.memory_space<semaphore_mem>>) src(%arg22 : memref<512x64xf32, #tpu.memory_space<vmem>>) dst(%dma_wait3A_1490 : memref<512x64xf32, #tpu.memory_space<hbm>>)
    return
  }
}

module attributes {stable_mosaic.version = 14 : i64} {
  func.func @_fused_body(%arg0: i32, %arg1: memref<256x128xf32, #tpu.memory_space<vmem>>, %arg2: memref<256x128xf32, #tpu.memory_space<vmem>>, %arg3: memref<256x128xf32, #tpu.memory_space<vmem>>, %arg4: memref<256x128xf32, #tpu.memory_space<vmem>>, %arg5: memref<20x256x128xf32, #tpu.memory_space<vmem>>, %arg6: memref<20x256x128xf32, #tpu.memory_space<vmem>>, %arg7: memref<5120x256xf32, #tpu.memory_space<vmem>>, %arg8: memref<256x64xf32, #tpu.memory_space<vmem>>, %arg9: memref<2048x64xf32, #tpu.memory_space<vmem>>, %arg10: memref<64x64xf32, #tpu.memory_space<vmem>>, %arg11: memref<1x64xf32, #tpu.memory_space<vmem>>, %arg12: memref<1x1xf32, #tpu.memory_space<vmem>>, %arg13: memref<1x1xf32, #tpu.memory_space<vmem>>) attributes {dimension_semantics = [#tpu.dimension_semantics<arbitrary>], iteration_bounds = array<i64: 32>, scalar_prefetch = 0 : i64, scratch_operands = 0 : i64, tpu.core_type = #tpu.core_type<tc>, window_params = [{transform_indices = @transform_0, window_bounds = array<i64: 256, 128>}, {transform_indices = @transform_1, window_bounds = array<i64: 256, 128>}, {transform_indices = @transform_2, window_bounds = array<i64: 256, 128>}, {transform_indices = @transform_3, window_bounds = array<i64: 256, 128>}, {transform_indices = @transform_4, window_bounds = array<i64: 20, 256, 128>}, {transform_indices = @transform_5, window_bounds = array<i64: 20, 256, 128>}, {pipeline_mode = #tpu.pipeline_mode<synchronous>, transform_indices = @transform_6, window_bounds = array<i64: 5120, 256>}, {transform_indices = @transform_7, window_bounds = array<i64: 256, 64>}, {pipeline_mode = #tpu.pipeline_mode<synchronous>, transform_indices = @transform_8, window_bounds = array<i64: 2048, 64>}, {pipeline_mode = #tpu.pipeline_mode<synchronous>, transform_indices = @transform_9, window_bounds = array<i64: 64, 64>}, {pipeline_mode = #tpu.pipeline_mode<synchronous>, transform_indices = @transform_10, window_bounds = array<i64: 1, 64>}, {pipeline_mode = #tpu.pipeline_mode<synchronous>, transform_indices = @transform_11, window_bounds = array<i64: 1, 1>}, {pipeline_mode = #tpu.pipeline_mode<synchronous>, transform_indices = @transform_12, window_bounds = array<i64: 1, 1>}]} {
    %iota3A = tpu.iota {dimensions = array<i32: 1>} : vector<2x128xi32>
    %iota3A_0 = tpu.iota {dimensions = array<i32: 0>} : vector<2x128xi32>
    %lt3A = arith.constant 64 : i32
    %lt3A_1 = vector.broadcast %lt3A : i32 to vector<2x128xi32>
    %lt3A_2 = arith.cmpi slt, %iota3A, %lt3A_1 : vector<2x128xi32>
    %eq3A = arith.constant 0 : i32
    %eq3A_3 = vector.broadcast %eq3A : i32 to vector<2x128xi32>
    %eq3A_4 = arith.cmpi eq, %iota3A_0, %eq3A_3 : vector<2x128xi32>
    %eq3A_5 = arith.xori %lt3A_2, %eq3A_4 : vector<2x128xi1>
    %eq3A_6 = arith.constant dense<true> : vector<2x128xi1>
    %eq3A_7 = arith.xori %eq3A_5, %eq3A_6 : vector<2x128xi1>
    %jit3A = arith.constant 1.000000e+00 : f32
    %jit3A_8 = arith.constant 0.000000e+00 : f32
    %broadcast_in_dim3A = vector.broadcast %jit3A : f32 to vector<2x128xf32>
    %broadcast_in_dim3A_9 = vector.broadcast %jit3A_8 : f32 to vector<2x128xf32>
    %select_n3A = arith.select %eq3A_7, %broadcast_in_dim3A, %broadcast_in_dim3A_9 : vector<2x128xi1>, vector<2x128xf32>
    %get3A = arith.constant 0 : index
    %get3A_10 = arith.constant 0 : index
    %get3A_11 = vector.load %arg1[%get3A, %get3A_10] : memref<256x128xf32, #tpu.memory_space<vmem>>, vector<256x128xf32>
    %get3A_12 = arith.constant 0 : index
    %get3A_13 = arith.constant 0 : index
    %get3A_14 = vector.load %arg3[%get3A_12, %get3A_13] : memref<256x128xf32, #tpu.memory_space<vmem>>, vector<256x128xf32>
    %get3A_15 = arith.constant 0 : index
    %get3A_16 = arith.constant 0 : index
    %get3A_17 = arith.constant 0 : index
    %get3A_18 = vector.load %arg5[%get3A_15, %get3A_16, %get3A_17] : memref<20x256x128xf32, #tpu.memory_space<vmem>>, vector<20x256x128xf32>
    %reshape3A = vector.shape_cast %get3A_18 : vector<20x256x128xf32> to vector<5120x128xf32>
    %broadcast_in_dim3A_19 = vector.shape_cast %get3A_11 : vector<256x128xf32> to vector<1x256x128xf32>
    %mul3A = vector.broadcast %broadcast_in_dim3A_19 : vector<1x256x128xf32> to vector<20x256x128xf32>
    %mul3A_20 = arith.mulf %mul3A, %get3A_18 : vector<20x256x128xf32>
    %reshape3A_21 = vector.shape_cast %mul3A_20 : vector<20x256x128xf32> to vector<5120x128xf32>
    %mul3A_22 = arith.mulf %get3A_11, %get3A_11 : vector<256x128xf32>
    %dot_general3A = arith.constant dense<0.000000e+00> : vector<2x256xf32>
    %dot_general3A_23 = tpu.matmul %select_n3A, %mul3A_22, %dot_general3A {dimension_numbers = #tpu.dot_dimension_numbers<[1], [1], [0], [0], [0, 0, 1, 0], [], []>, transpose_lhs_hint = false} : vector<2x128xf32>, vector<256x128xf32>, vector<2x256xf32> -> vector<2x256xf32>
    %mul3A_24 = arith.mulf %get3A_14, %get3A_14 : vector<256x128xf32>
    %dot_general3A_25 = arith.constant dense<0.000000e+00> : vector<2x256xf32>
    %dot_general3A_26 = tpu.matmul %select_n3A, %mul3A_24, %dot_general3A_25 {dimension_numbers = #tpu.dot_dimension_numbers<[1], [1], [0], [0], [0, 0, 1, 0], [], []>, transpose_lhs_hint = false} : vector<2x128xf32>, vector<256x128xf32>, vector<2x256xf32> -> vector<2x256xf32>
    %mul3A_27 = arith.mulf %get3A_11, %get3A_14 : vector<256x128xf32>
    %dot_general3A_28 = arith.constant dense<0.000000e+00> : vector<2x256xf32>
    %dot_general3A_29 = tpu.matmul %select_n3A, %mul3A_27, %dot_general3A_28 {dimension_numbers = #tpu.dot_dimension_numbers<[1], [1], [0], [0], [0, 0, 1, 0], [], []>, transpose_lhs_hint = false} : vector<2x128xf32>, vector<256x128xf32>, vector<2x256xf32> -> vector<2x256xf32>
    %mul3A_30 = arith.mulf %reshape3A, %reshape3A : vector<5120x128xf32>
    %dot_general3A_31 = arith.constant dense<0.000000e+00> : vector<2x5120xf32>
    %dot_general3A_32 = tpu.matmul %select_n3A, %mul3A_30, %dot_general3A_31 {dimension_numbers = #tpu.dot_dimension_numbers<[1], [1], [0], [0], [0, 0, 1, 0], [], []>, transpose_lhs_hint = false} : vector<2x128xf32>, vector<5120x128xf32>, vector<2x5120xf32> -> vector<2x5120xf32>
    %dot_general3A_33 = arith.constant dense<0.000000e+00> : vector<2x5120xf32>
    %dot_general3A_34 = tpu.matmul %select_n3A, %reshape3A_21, %dot_general3A_33 {dimension_numbers = #tpu.dot_dimension_numbers<[1], [1], [0], [0], [0, 0, 1, 0], [], []>, transpose_lhs_hint = false} : vector<2x128xf32>, vector<5120x128xf32>, vector<2x5120xf32> -> vector<2x5120xf32>
    %max3A = arith.constant 9.99999974E-6 : f32
    %max3A_35 = vector.broadcast %max3A : f32 to vector<2x256xf32>
    %max3A_36 = arith.maximumf %dot_general3A_23, %max3A_35 : vector<2x256xf32>
    %sqrt3A = math.sqrt %max3A_36 : vector<2x256xf32>
    %add3A = arith.constant 1.000000e+00 : f32
    %add3A_37 = vector.broadcast %add3A : f32 to vector<2x256xf32>
    %add3A_38 = arith.addf %add3A_37, %sqrt3A : vector<2x256xf32>
    %div3A = arith.constant 0.899999976 : f32
    %div3A_39 = vector.broadcast %div3A : f32 to vector<2x256xf32>
    %div3A_40 = arith.divf %div3A_39, %add3A_38 : vector<2x256xf32>
    %max3A_41 = arith.constant 9.99999974E-6 : f32
    %max3A_42 = vector.broadcast %max3A_41 : f32 to vector<2x256xf32>
    %max3A_43 = arith.maximumf %dot_general3A_26, %max3A_42 : vector<2x256xf32>
    %sqrt3A_44 = math.sqrt %max3A_43 : vector<2x256xf32>
    %add3A_45 = arith.constant 1.000000e+00 : f32
    %add3A_46 = vector.broadcast %add3A_45 : f32 to vector<2x256xf32>
    %add3A_47 = arith.addf %add3A_46, %sqrt3A_44 : vector<2x256xf32>
    %div3A_48 = arith.constant 0.899999976 : f32
    %div3A_49 = vector.broadcast %div3A_48 : f32 to vector<2x256xf32>
    %div3A_50 = arith.divf %div3A_49, %add3A_47 : vector<2x256xf32>
    %max3A_51 = arith.constant 9.99999974E-6 : f32
    %max3A_52 = vector.broadcast %max3A_51 : f32 to vector<2x5120xf32>
    %max3A_53 = arith.maximumf %dot_general3A_32, %max3A_52 : vector<2x5120xf32>
    %sqrt3A_54 = math.sqrt %max3A_53 : vector<2x5120xf32>
    %add3A_55 = arith.constant 1.000000e+00 : f32
    %add3A_56 = vector.broadcast %add3A_55 : f32 to vector<2x5120xf32>
    %add3A_57 = arith.addf %add3A_56, %sqrt3A_54 : vector<2x5120xf32>
    %div3A_58 = arith.constant 0.899999976 : f32
    %div3A_59 = vector.broadcast %div3A_58 : f32 to vector<2x5120xf32>
    %div3A_60 = arith.divf %div3A_59, %add3A_57 : vector<2x5120xf32>
    %mul3A_61 = arith.mulf %div3A_40, %div3A_40 : vector<2x256xf32>
    %mul3A_62 = arith.mulf %mul3A_61, %dot_general3A_23 : vector<2x256xf32>
    %mul3A_63 = arith.mulf %div3A_50, %div3A_50 : vector<2x256xf32>
    %mul3A_64 = arith.mulf %mul3A_63, %dot_general3A_26 : vector<2x256xf32>
    %add3A_65 = arith.addf %mul3A_62, %mul3A_64 : vector<2x256xf32>
    %mul3A_66 = arith.constant 2.000000e+00 : f32
    %mul3A_67 = vector.broadcast %mul3A_66 : f32 to vector<2x256xf32>
    %mul3A_68 = arith.mulf %mul3A_67, %div3A_40 : vector<2x256xf32>
    %mul3A_69 = arith.mulf %mul3A_68, %div3A_50 : vector<2x256xf32>
    %mul3A_70 = arith.mulf %mul3A_69, %dot_general3A_29 : vector<2x256xf32>
    %sub3A = arith.subf %add3A_65, %mul3A_70 : vector<2x256xf32>
    %max3A_71 = arith.constant 0.000000e+00 : f32
    %max3A_72 = vector.broadcast %max3A_71 : f32 to vector<2x256xf32>
    %max3A_73 = arith.maximumf %sub3A, %max3A_72 : vector<2x256xf32>
    %mul3A_74 = arith.constant 2.000000e+00 : f32
    %mul3A_75 = vector.broadcast %mul3A_74 : f32 to vector<2x256xf32>
    %mul3A_76 = arith.mulf %mul3A_75, %max3A_73 : vector<2x256xf32>
    %sub3A_77 = arith.constant 1.000000e+00 : f32
    %sub3A_78 = vector.broadcast %sub3A_77 : f32 to vector<2x256xf32>
    %sub3A_79 = arith.subf %sub3A_78, %mul3A_62 : vector<2x256xf32>
    %sub3A_80 = arith.constant 1.000000e+00 : f32
    %sub3A_81 = vector.broadcast %sub3A_80 : f32 to vector<2x256xf32>
    %sub3A_82 = arith.subf %sub3A_81, %mul3A_64 : vector<2x256xf32>
    %mul3A_83 = arith.mulf %sub3A_79, %sub3A_82 : vector<2x256xf32>
    %max3A_84 = arith.constant 9.99999974E-6 : f32
    %max3A_85 = vector.broadcast %max3A_84 : f32 to vector<2x256xf32>
    %max3A_86 = arith.maximumf %mul3A_83, %max3A_85 : vector<2x256xf32>
    %div3A_87 = arith.divf %mul3A_76, %max3A_86 : vector<2x256xf32>
    %add3A_88 = arith.constant 1.000000e+00 : f32
    %add3A_89 = vector.broadcast %add3A_88 : f32 to vector<2x256xf32>
    %add3A_90 = arith.addf %add3A_89, %div3A_87 : vector<2x256xf32>
    %max3A_91 = arith.constant 1.000010e+00 : f32
    %max3A_92 = vector.broadcast %max3A_91 : f32 to vector<2x256xf32>
    %max3A_93 = arith.maximumf %add3A_90, %max3A_92 : vector<2x256xf32>
    %mul3A_94 = arith.mulf %max3A_93, %max3A_93 : vector<2x256xf32>
    %sub3A_95 = arith.constant 1.000000e+00 : f32
    %sub3A_96 = vector.broadcast %sub3A_95 : f32 to vector<2x256xf32>
    %sub3A_97 = arith.subf %mul3A_94, %sub3A_96 : vector<2x256xf32>
    %sqrt3A_98 = math.sqrt %sub3A_97 : vector<2x256xf32>
    %add3A_99 = arith.addf %max3A_93, %sqrt3A_98 : vector<2x256xf32>
    %log3A = math.log %add3A_99 : vector<2x256xf32>
    %concatenate3A = tpu.concatenate %mul3A_62, %mul3A_62, %mul3A_62, %mul3A_62, %mul3A_62, %mul3A_62, %mul3A_62, %mul3A_62, %mul3A_62, %mul3A_62, %mul3A_62, %mul3A_62, %mul3A_62, %mul3A_62, %mul3A_62, %mul3A_62, %mul3A_62, %mul3A_62, %mul3A_62, %mul3A_62 in 1 : vector<2x256xf32>, vector<2x256xf32>, vector<2x256xf32>, vector<2x256xf32>, vector<2x256xf32>, vector<2x256xf32>, vector<2x256xf32>, vector<2x256xf32>, vector<2x256xf32>, vector<2x256xf32>, vector<2x256xf32>, vector<2x256xf32>, vector<2x256xf32>, vector<2x256xf32>, vector<2x256xf32>, vector<2x256xf32>, vector<2x256xf32>, vector<2x256xf32>, vector<2x256xf32>, vector<2x256xf32> -> vector<2x5120xf32>
    %concatenate3A_100 = tpu.concatenate %div3A_40, %div3A_40, %div3A_40, %div3A_40, %div3A_40, %div3A_40, %div3A_40, %div3A_40, %div3A_40, %div3A_40, %div3A_40, %div3A_40, %div3A_40, %div3A_40, %div3A_40, %div3A_40, %div3A_40, %div3A_40, %div3A_40, %div3A_40 in 1 : vector<2x256xf32>, vector<2x256xf32>, vector<2x256xf32>, vector<2x256xf32>, vector<2x256xf32>, vector<2x256xf32>, vector<2x256xf32>, vector<2x256xf32>, vector<2x256xf32>, vector<2x256xf32>, vector<2x256xf32>, vector<2x256xf32>, vector<2x256xf32>, vector<2x256xf32>, vector<2x256xf32>, vector<2x256xf32>, vector<2x256xf32>, vector<2x256xf32>, vector<2x256xf32>, vector<2x256xf32> -> vector<2x5120xf32>
    %mul3A_101 = arith.mulf %div3A_60, %div3A_60 : vector<2x5120xf32>
    %mul3A_102 = arith.mulf %mul3A_101, %dot_general3A_32 : vector<2x5120xf32>
    %add3A_103 = arith.addf %concatenate3A, %mul3A_102 : vector<2x5120xf32>
    %mul3A_104 = arith.constant 2.000000e+00 : f32
    %mul3A_105 = vector.broadcast %mul3A_104 : f32 to vector<2x5120xf32>
    %mul3A_106 = arith.mulf %mul3A_105, %concatenate3A_100 : vector<2x5120xf32>
    %mul3A_107 = arith.mulf %mul3A_106, %div3A_60 : vector<2x5120xf32>
    %mul3A_108 = arith.mulf %mul3A_107, %dot_general3A_34 : vector<2x5120xf32>
    %sub3A_109 = arith.subf %add3A_103, %mul3A_108 : vector<2x5120xf32>
    %max3A_110 = arith.constant 0.000000e+00 : f32
    %max3A_111 = vector.broadcast %max3A_110 : f32 to vector<2x5120xf32>
    %max3A_112 = arith.maximumf %sub3A_109, %max3A_111 : vector<2x5120xf32>
    %mul3A_113 = arith.constant 2.000000e+00 : f32
    %mul3A_114 = vector.broadcast %mul3A_113 : f32 to vector<2x5120xf32>
    %mul3A_115 = arith.mulf %mul3A_114, %max3A_112 : vector<2x5120xf32>
    %sub3A_116 = arith.constant 1.000000e+00 : f32
    %sub3A_117 = vector.broadcast %sub3A_116 : f32 to vector<2x5120xf32>
    %sub3A_118 = arith.subf %sub3A_117, %concatenate3A : vector<2x5120xf32>
    %sub3A_119 = arith.constant 1.000000e+00 : f32
    %sub3A_120 = vector.broadcast %sub3A_119 : f32 to vector<2x5120xf32>
    %sub3A_121 = arith.subf %sub3A_120, %mul3A_102 : vector<2x5120xf32>
    %mul3A_122 = arith.mulf %sub3A_118, %sub3A_121 : vector<2x5120xf32>
    %max3A_123 = arith.constant 9.99999974E-6 : f32
    %max3A_124 = vector.broadcast %max3A_123 : f32 to vector<2x5120xf32>
    %max3A_125 = arith.maximumf %mul3A_122, %max3A_124 : vector<2x5120xf32>
    %div3A_126 = arith.divf %mul3A_115, %max3A_125 : vector<2x5120xf32>
    %add3A_127 = arith.constant 1.000000e+00 : f32
    %add3A_128 = vector.broadcast %add3A_127 : f32 to vector<2x5120xf32>
    %add3A_129 = arith.addf %add3A_128, %div3A_126 : vector<2x5120xf32>
    %max3A_130 = arith.constant 1.000010e+00 : f32
    %max3A_131 = vector.broadcast %max3A_130 : f32 to vector<2x5120xf32>
    %max3A_132 = arith.maximumf %add3A_129, %max3A_131 : vector<2x5120xf32>
    %mul3A_133 = arith.mulf %max3A_132, %max3A_132 : vector<2x5120xf32>
    %sub3A_134 = arith.constant 1.000000e+00 : f32
    %sub3A_135 = vector.broadcast %sub3A_134 : f32 to vector<2x5120xf32>
    %sub3A_136 = arith.subf %mul3A_133, %sub3A_135 : vector<2x5120xf32>
    %sqrt3A_137 = math.sqrt %sub3A_136 : vector<2x5120xf32>
    %add3A_138 = arith.addf %max3A_132, %sqrt3A_137 : vector<2x5120xf32>
    %log3A_139 = math.log %add3A_138 : vector<2x5120xf32>
    %neg3A = arith.constant 0.000000e+00 : f32
    %neg3A_140 = vector.broadcast %neg3A : f32 to vector<2x256xf32>
    %neg3A_141 = arith.subf %neg3A_140, %log3A : vector<2x256xf32>
    %exp3A = math.exp %neg3A_141 : vector<2x256xf32>
    %add3A_142 = arith.constant 1.000000e+00 : f32
    %add3A_143 = vector.broadcast %add3A_142 : f32 to vector<2x256xf32>
    %add3A_144 = arith.addf %add3A_143, %exp3A : vector<2x256xf32>
    %div3A_145 = arith.divf %exp3A, %add3A_144 : vector<2x256xf32>
    %mul3A_146 = arith.constant 2.000000e+00 : f32
    %mul3A_147 = vector.broadcast %mul3A_146 : f32 to vector<2x256xf32>
    %mul3A_148 = arith.mulf %mul3A_147, %div3A_145 : vector<2x256xf32>
    %div3A_149 = arith.constant 2.000000e-01 : f32
    %div3A_150 = vector.broadcast %div3A_149 : f32 to vector<2x256xf32>
    %div3A_151 = arith.divf %mul3A_148, %div3A_150 : vector<2x256xf32>
    %neg3A_152 = arith.constant 0.000000e+00 : f32
    %neg3A_153 = vector.broadcast %neg3A_152 : f32 to vector<2x5120xf32>
    %neg3A_154 = arith.subf %neg3A_153, %log3A_139 : vector<2x5120xf32>
    %exp3A_155 = math.exp %neg3A_154 : vector<2x5120xf32>
    %add3A_156 = arith.constant 1.000000e+00 : f32
    %add3A_157 = vector.broadcast %add3A_156 : f32 to vector<2x5120xf32>
    %add3A_158 = arith.addf %add3A_157, %exp3A_155 : vector<2x5120xf32>
    %div3A_159 = arith.divf %exp3A_155, %add3A_158 : vector<2x5120xf32>
    %mul3A_160 = arith.constant 2.000000e+00 : f32
    %mul3A_161 = vector.broadcast %mul3A_160 : f32 to vector<2x5120xf32>
    %mul3A_162 = arith.mulf %mul3A_161, %div3A_159 : vector<2x5120xf32>
    %div3A_163 = arith.constant 2.000000e-01 : f32
    %div3A_164 = vector.broadcast %div3A_163 : f32 to vector<2x5120xf32>
    %div3A_165 = arith.divf %mul3A_162, %div3A_164 : vector<2x5120xf32>
    %exp3A_166 = math.exp %div3A_165 : vector<2x5120xf32>
    %get3A_167 = arith.constant 0 : index
    %get3A_168 = arith.constant 0 : index
    %get3A_169 = vector.load %arg7[%get3A_167, %get3A_168] : memref<5120x256xf32, #tpu.memory_space<vmem>>, vector<5120x256xf32>
    %dot_general3A_170 = arith.constant dense<0.000000e+00> : vector<2x256xf32>
    %dot_general3A_171 = tpu.matmul %exp3A_166, %get3A_169, %dot_general3A_170 {dimension_numbers = #tpu.dot_dimension_numbers<[1], [0], [0], [1], [0, 0, 1, 1], [], []>, transpose_lhs_hint = false} : vector<2x5120xf32>, vector<5120x256xf32>, vector<2x256xf32> -> vector<2x256xf32>
    %exp3A_172 = math.exp %div3A_151 : vector<2x256xf32>
    %add3A_173 = arith.addf %exp3A_172, %dot_general3A_171 : vector<2x256xf32>
    %log3A_174 = math.log %add3A_173 : vector<2x256xf32>
    %sub3A_175 = arith.subf %log3A_174, %div3A_151 : vector<2x256xf32>
    %reduce_sum3A = vector.shape_cast %sub3A_175 : vector<2x256xf32> to vector<1x2x256xf32>
    %reduce_sum3A_176 = arith.constant dense<0.000000e+00> : vector<1xf32>
    %reduce_sum3A_177 = vector.multi_reduction <add>, %reduce_sum3A, %reduce_sum3A_176 [1, 2] : vector<1x2x256xf32> to vector<1xf32>
    %reduce_sum3A_178 = vector.shape_cast %reduce_sum3A_177 : vector<1xf32> to vector<1x1x1xf32>
    %reduce_sum3A_179 = vector.extract %reduce_sum3A_178[0, 0, 0] : f32 from vector<1x1x1xf32>
    %get3A_180 = arith.constant 0 : index
    %get3A_181 = arith.constant 0 : index
    %get3A_182 = vector.load %arg2[%get3A_180, %get3A_181] : memref<256x128xf32, #tpu.memory_space<vmem>>, vector<256x128xf32>
    %get3A_183 = arith.constant 0 : index
    %get3A_184 = arith.constant 0 : index
    %get3A_185 = vector.load %arg4[%get3A_183, %get3A_184] : memref<256x128xf32, #tpu.memory_space<vmem>>, vector<256x128xf32>
    %get3A_186 = arith.constant 0 : index
    %get3A_187 = arith.constant 0 : index
    %get3A_188 = arith.constant 0 : index
    %get3A_189 = vector.load %arg6[%get3A_186, %get3A_187, %get3A_188] : memref<20x256x128xf32, #tpu.memory_space<vmem>>, vector<20x256x128xf32>
    %reshape3A_190 = vector.shape_cast %get3A_189 : vector<20x256x128xf32> to vector<5120x128xf32>
    %broadcast_in_dim3A_191 = vector.shape_cast %get3A_182 : vector<256x128xf32> to vector<1x256x128xf32>
    %mul3A_192 = vector.broadcast %broadcast_in_dim3A_191 : vector<1x256x128xf32> to vector<20x256x128xf32>
    %mul3A_193 = arith.mulf %mul3A_192, %get3A_189 : vector<20x256x128xf32>
    %reshape3A_194 = vector.shape_cast %mul3A_193 : vector<20x256x128xf32> to vector<5120x128xf32>
    %mul3A_195 = arith.mulf %get3A_182, %get3A_182 : vector<256x128xf32>
    %dot_general3A_196 = arith.constant dense<0.000000e+00> : vector<2x256xf32>
    %dot_general3A_197 = tpu.matmul %select_n3A, %mul3A_195, %dot_general3A_196 {dimension_numbers = #tpu.dot_dimension_numbers<[1], [1], [0], [0], [0, 0, 1, 0], [], []>, transpose_lhs_hint = false} : vector<2x128xf32>, vector<256x128xf32>, vector<2x256xf32> -> vector<2x256xf32>
    %mul3A_198 = arith.mulf %get3A_185, %get3A_185 : vector<256x128xf32>
    %dot_general3A_199 = arith.constant dense<0.000000e+00> : vector<2x256xf32>
    %dot_general3A_200 = tpu.matmul %select_n3A, %mul3A_198, %dot_general3A_199 {dimension_numbers = #tpu.dot_dimension_numbers<[1], [1], [0], [0], [0, 0, 1, 0], [], []>, transpose_lhs_hint = false} : vector<2x128xf32>, vector<256x128xf32>, vector<2x256xf32> -> vector<2x256xf32>
    %mul3A_201 = arith.mulf %get3A_182, %get3A_185 : vector<256x128xf32>
    %dot_general3A_202 = arith.constant dense<0.000000e+00> : vector<2x256xf32>
    %dot_general3A_203 = tpu.matmul %select_n3A, %mul3A_201, %dot_general3A_202 {dimension_numbers = #tpu.dot_dimension_numbers<[1], [1], [0], [0], [0, 0, 1, 0], [], []>, transpose_lhs_hint = false} : vector<2x128xf32>, vector<256x128xf32>, vector<2x256xf32> -> vector<2x256xf32>
    %mul3A_204 = arith.mulf %reshape3A_190, %reshape3A_190 : vector<5120x128xf32>
    %dot_general3A_205 = arith.constant dense<0.000000e+00> : vector<2x5120xf32>
    %dot_general3A_206 = tpu.matmul %select_n3A, %mul3A_204, %dot_general3A_205 {dimension_numbers = #tpu.dot_dimension_numbers<[1], [1], [0], [0], [0, 0, 1, 0], [], []>, transpose_lhs_hint = false} : vector<2x128xf32>, vector<5120x128xf32>, vector<2x5120xf32> -> vector<2x5120xf32>
    %dot_general3A_207 = arith.constant dense<0.000000e+00> : vector<2x5120xf32>
    %dot_general3A_208 = tpu.matmul %select_n3A, %reshape3A_194, %dot_general3A_207 {dimension_numbers = #tpu.dot_dimension_numbers<[1], [1], [0], [0], [0, 0, 1, 0], [], []>, transpose_lhs_hint = false} : vector<2x128xf32>, vector<5120x128xf32>, vector<2x5120xf32> -> vector<2x5120xf32>
    %max3A_209 = arith.constant 9.99999974E-6 : f32
    %max3A_210 = vector.broadcast %max3A_209 : f32 to vector<2x256xf32>
    %max3A_211 = arith.maximumf %dot_general3A_197, %max3A_210 : vector<2x256xf32>
    %sqrt3A_212 = math.sqrt %max3A_211 : vector<2x256xf32>
    %add3A_213 = arith.constant 1.000000e+00 : f32
    %add3A_214 = vector.broadcast %add3A_213 : f32 to vector<2x256xf32>
    %add3A_215 = arith.addf %add3A_214, %sqrt3A_212 : vector<2x256xf32>
    %div3A_216 = arith.constant 0.899999976 : f32
    %div3A_217 = vector.broadcast %div3A_216 : f32 to vector<2x256xf32>
    %div3A_218 = arith.divf %div3A_217, %add3A_215 : vector<2x256xf32>
    %max3A_219 = arith.constant 9.99999974E-6 : f32
    %max3A_220 = vector.broadcast %max3A_219 : f32 to vector<2x256xf32>
    %max3A_221 = arith.maximumf %dot_general3A_200, %max3A_220 : vector<2x256xf32>
    %sqrt3A_222 = math.sqrt %max3A_221 : vector<2x256xf32>
    %add3A_223 = arith.constant 1.000000e+00 : f32
    %add3A_224 = vector.broadcast %add3A_223 : f32 to vector<2x256xf32>
    %add3A_225 = arith.addf %add3A_224, %sqrt3A_222 : vector<2x256xf32>
    %div3A_226 = arith.constant 0.899999976 : f32
    %div3A_227 = vector.broadcast %div3A_226 : f32 to vector<2x256xf32>
    %div3A_228 = arith.divf %div3A_227, %add3A_225 : vector<2x256xf32>
    %max3A_229 = arith.constant 9.99999974E-6 : f32
    %max3A_230 = vector.broadcast %max3A_229 : f32 to vector<2x5120xf32>
    %max3A_231 = arith.maximumf %dot_general3A_206, %max3A_230 : vector<2x5120xf32>
    %sqrt3A_232 = math.sqrt %max3A_231 : vector<2x5120xf32>
    %add3A_233 = arith.constant 1.000000e+00 : f32
    %add3A_234 = vector.broadcast %add3A_233 : f32 to vector<2x5120xf32>
    %add3A_235 = arith.addf %add3A_234, %sqrt3A_232 : vector<2x5120xf32>
    %div3A_236 = arith.constant 0.899999976 : f32
    %div3A_237 = vector.broadcast %div3A_236 : f32 to vector<2x5120xf32>
    %div3A_238 = arith.divf %div3A_237, %add3A_235 : vector<2x5120xf32>
    %mul3A_239 = arith.mulf %div3A_218, %div3A_218 : vector<2x256xf32>
    %mul3A_240 = arith.mulf %mul3A_239, %dot_general3A_197 : vector<2x256xf32>
    %mul3A_241 = arith.mulf %div3A_228, %div3A_228 : vector<2x256xf32>
    %mul3A_242 = arith.mulf %mul3A_241, %dot_general3A_200 : vector<2x256xf32>
    %add3A_243 = arith.addf %mul3A_240, %mul3A_242 : vector<2x256xf32>
    %mul3A_244 = arith.constant 2.000000e+00 : f32
    %mul3A_245 = vector.broadcast %mul3A_244 : f32 to vector<2x256xf32>
    %mul3A_246 = arith.mulf %mul3A_245, %div3A_218 : vector<2x256xf32>
    %mul3A_247 = arith.mulf %mul3A_246, %div3A_228 : vector<2x256xf32>
    %mul3A_248 = arith.mulf %mul3A_247, %dot_general3A_203 : vector<2x256xf32>
    %sub3A_249 = arith.subf %add3A_243, %mul3A_248 : vector<2x256xf32>
    %max3A_250 = arith.constant 0.000000e+00 : f32
    %max3A_251 = vector.broadcast %max3A_250 : f32 to vector<2x256xf32>
    %max3A_252 = arith.maximumf %sub3A_249, %max3A_251 : vector<2x256xf32>
    %mul3A_253 = arith.constant 2.000000e+00 : f32
    %mul3A_254 = vector.broadcast %mul3A_253 : f32 to vector<2x256xf32>
    %mul3A_255 = arith.mulf %mul3A_254, %max3A_252 : vector<2x256xf32>
    %sub3A_256 = arith.constant 1.000000e+00 : f32
    %sub3A_257 = vector.broadcast %sub3A_256 : f32 to vector<2x256xf32>
    %sub3A_258 = arith.subf %sub3A_257, %mul3A_240 : vector<2x256xf32>
    %sub3A_259 = arith.constant 1.000000e+00 : f32
    %sub3A_260 = vector.broadcast %sub3A_259 : f32 to vector<2x256xf32>
    %sub3A_261 = arith.subf %sub3A_260, %mul3A_242 : vector<2x256xf32>
    %mul3A_262 = arith.mulf %sub3A_258, %sub3A_261 : vector<2x256xf32>
    %max3A_263 = arith.constant 9.99999974E-6 : f32
    %max3A_264 = vector.broadcast %max3A_263 : f32 to vector<2x256xf32>
    %max3A_265 = arith.maximumf %mul3A_262, %max3A_264 : vector<2x256xf32>
    %div3A_266 = arith.divf %mul3A_255, %max3A_265 : vector<2x256xf32>
    %add3A_267 = arith.constant 1.000000e+00 : f32
    %add3A_268 = vector.broadcast %add3A_267 : f32 to vector<2x256xf32>
    %add3A_269 = arith.addf %add3A_268, %div3A_266 : vector<2x256xf32>
    %max3A_270 = arith.constant 1.000010e+00 : f32
    %max3A_271 = vector.broadcast %max3A_270 : f32 to vector<2x256xf32>
    %max3A_272 = arith.maximumf %add3A_269, %max3A_271 : vector<2x256xf32>
    %mul3A_273 = arith.mulf %max3A_272, %max3A_272 : vector<2x256xf32>
    %sub3A_274 = arith.constant 1.000000e+00 : f32
    %sub3A_275 = vector.broadcast %sub3A_274 : f32 to vector<2x256xf32>
    %sub3A_276 = arith.subf %mul3A_273, %sub3A_275 : vector<2x256xf32>
    %sqrt3A_277 = math.sqrt %sub3A_276 : vector<2x256xf32>
    %add3A_278 = arith.addf %max3A_272, %sqrt3A_277 : vector<2x256xf32>
    %log3A_279 = math.log %add3A_278 : vector<2x256xf32>
    %concatenate3A_280 = tpu.concatenate %mul3A_240, %mul3A_240, %mul3A_240, %mul3A_240, %mul3A_240, %mul3A_240, %mul3A_240, %mul3A_240, %mul3A_240, %mul3A_240, %mul3A_240, %mul3A_240, %mul3A_240, %mul3A_240, %mul3A_240, %mul3A_240, %mul3A_240, %mul3A_240, %mul3A_240, %mul3A_240 in 1 : vector<2x256xf32>, vector<2x256xf32>, vector<2x256xf32>, vector<2x256xf32>, vector<2x256xf32>, vector<2x256xf32>, vector<2x256xf32>, vector<2x256xf32>, vector<2x256xf32>, vector<2x256xf32>, vector<2x256xf32>, vector<2x256xf32>, vector<2x256xf32>, vector<2x256xf32>, vector<2x256xf32>, vector<2x256xf32>, vector<2x256xf32>, vector<2x256xf32>, vector<2x256xf32>, vector<2x256xf32> -> vector<2x5120xf32>
    %concatenate3A_281 = tpu.concatenate %div3A_218, %div3A_218, %div3A_218, %div3A_218, %div3A_218, %div3A_218, %div3A_218, %div3A_218, %div3A_218, %div3A_218, %div3A_218, %div3A_218, %div3A_218, %div3A_218, %div3A_218, %div3A_218, %div3A_218, %div3A_218, %div3A_218, %div3A_218 in 1 : vector<2x256xf32>, vector<2x256xf32>, vector<2x256xf32>, vector<2x256xf32>, vector<2x256xf32>, vector<2x256xf32>, vector<2x256xf32>, vector<2x256xf32>, vector<2x256xf32>, vector<2x256xf32>, vector<2x256xf32>, vector<2x256xf32>, vector<2x256xf32>, vector<2x256xf32>, vector<2x256xf32>, vector<2x256xf32>, vector<2x256xf32>, vector<2x256xf32>, vector<2x256xf32>, vector<2x256xf32> -> vector<2x5120xf32>
    %mul3A_282 = arith.mulf %div3A_238, %div3A_238 : vector<2x5120xf32>
    %mul3A_283 = arith.mulf %mul3A_282, %dot_general3A_206 : vector<2x5120xf32>
    %add3A_284 = arith.addf %concatenate3A_280, %mul3A_283 : vector<2x5120xf32>
    %mul3A_285 = arith.constant 2.000000e+00 : f32
    %mul3A_286 = vector.broadcast %mul3A_285 : f32 to vector<2x5120xf32>
    %mul3A_287 = arith.mulf %mul3A_286, %concatenate3A_281 : vector<2x5120xf32>
    %mul3A_288 = arith.mulf %mul3A_287, %div3A_238 : vector<2x5120xf32>
    %mul3A_289 = arith.mulf %mul3A_288, %dot_general3A_208 : vector<2x5120xf32>
    %sub3A_290 = arith.subf %add3A_284, %mul3A_289 : vector<2x5120xf32>
    %max3A_291 = arith.constant 0.000000e+00 : f32
    %max3A_292 = vector.broadcast %max3A_291 : f32 to vector<2x5120xf32>
    %max3A_293 = arith.maximumf %sub3A_290, %max3A_292 : vector<2x5120xf32>
    %mul3A_294 = arith.constant 2.000000e+00 : f32
    %mul3A_295 = vector.broadcast %mul3A_294 : f32 to vector<2x5120xf32>
    %mul3A_296 = arith.mulf %mul3A_295, %max3A_293 : vector<2x5120xf32>
    %sub3A_297 = arith.constant 1.000000e+00 : f32
    %sub3A_298 = vector.broadcast %sub3A_297 : f32 to vector<2x5120xf32>
    %sub3A_299 = arith.subf %sub3A_298, %concatenate3A_280 : vector<2x5120xf32>
    %sub3A_300 = arith.constant 1.000000e+00 : f32
    %sub3A_301 = vector.broadcast %sub3A_300 : f32 to vector<2x5120xf32>
    %sub3A_302 = arith.subf %sub3A_301, %mul3A_283 : vector<2x5120xf32>
    %mul3A_303 = arith.mulf %sub3A_299, %sub3A_302 : vector<2x5120xf32>
    %max3A_304 = arith.constant 9.99999974E-6 : f32
    %max3A_305 = vector.broadcast %max3A_304 : f32 to vector<2x5120xf32>
    %max3A_306 = arith.maximumf %mul3A_303, %max3A_305 : vector<2x5120xf32>
    %div3A_307 = arith.divf %mul3A_296, %max3A_306 : vector<2x5120xf32>
    %add3A_308 = arith.constant 1.000000e+00 : f32
    %add3A_309 = vector.broadcast %add3A_308 : f32 to vector<2x5120xf32>
    %add3A_310 = arith.addf %add3A_309, %div3A_307 : vector<2x5120xf32>
    %max3A_311 = arith.constant 1.000010e+00 : f32
    %max3A_312 = vector.broadcast %max3A_311 : f32 to vector<2x5120xf32>
    %max3A_313 = arith.maximumf %add3A_310, %max3A_312 : vector<2x5120xf32>
    %mul3A_314 = arith.mulf %max3A_313, %max3A_313 : vector<2x5120xf32>
    %sub3A_315 = arith.constant 1.000000e+00 : f32
    %sub3A_316 = vector.broadcast %sub3A_315 : f32 to vector<2x5120xf32>
    %sub3A_317 = arith.subf %mul3A_314, %sub3A_316 : vector<2x5120xf32>
    %sqrt3A_318 = math.sqrt %sub3A_317 : vector<2x5120xf32>
    %add3A_319 = arith.addf %max3A_313, %sqrt3A_318 : vector<2x5120xf32>
    %log3A_320 = math.log %add3A_319 : vector<2x5120xf32>
    %neg3A_321 = arith.constant 0.000000e+00 : f32
    %neg3A_322 = vector.broadcast %neg3A_321 : f32 to vector<2x256xf32>
    %neg3A_323 = arith.subf %neg3A_322, %log3A_279 : vector<2x256xf32>
    %exp3A_324 = math.exp %neg3A_323 : vector<2x256xf32>
    %add3A_325 = arith.constant 1.000000e+00 : f32
    %add3A_326 = vector.broadcast %add3A_325 : f32 to vector<2x256xf32>
    %add3A_327 = arith.addf %add3A_326, %exp3A_324 : vector<2x256xf32>
    %div3A_328 = arith.divf %exp3A_324, %add3A_327 : vector<2x256xf32>
    %mul3A_329 = arith.constant 2.000000e+00 : f32
    %mul3A_330 = vector.broadcast %mul3A_329 : f32 to vector<2x256xf32>
    %mul3A_331 = arith.mulf %mul3A_330, %div3A_328 : vector<2x256xf32>
    %div3A_332 = arith.constant 2.000000e-01 : f32
    %div3A_333 = vector.broadcast %div3A_332 : f32 to vector<2x256xf32>
    %div3A_334 = arith.divf %mul3A_331, %div3A_333 : vector<2x256xf32>
    %neg3A_335 = arith.constant 0.000000e+00 : f32
    %neg3A_336 = vector.broadcast %neg3A_335 : f32 to vector<2x5120xf32>
    %neg3A_337 = arith.subf %neg3A_336, %log3A_320 : vector<2x5120xf32>
    %exp3A_338 = math.exp %neg3A_337 : vector<2x5120xf32>
    %add3A_339 = arith.constant 1.000000e+00 : f32
    %add3A_340 = vector.broadcast %add3A_339 : f32 to vector<2x5120xf32>
    %add3A_341 = arith.addf %add3A_340, %exp3A_338 : vector<2x5120xf32>
    %div3A_342 = arith.divf %exp3A_338, %add3A_341 : vector<2x5120xf32>
    %mul3A_343 = arith.constant 2.000000e+00 : f32
    %mul3A_344 = vector.broadcast %mul3A_343 : f32 to vector<2x5120xf32>
    %mul3A_345 = arith.mulf %mul3A_344, %div3A_342 : vector<2x5120xf32>
    %div3A_346 = arith.constant 2.000000e-01 : f32
    %div3A_347 = vector.broadcast %div3A_346 : f32 to vector<2x5120xf32>
    %div3A_348 = arith.divf %mul3A_345, %div3A_347 : vector<2x5120xf32>
    %exp3A_349 = math.exp %div3A_348 : vector<2x5120xf32>
    %get3A_350 = arith.constant 0 : index
    %get3A_351 = arith.constant 0 : index
    %get3A_352 = vector.load %arg7[%get3A_350, %get3A_351] : memref<5120x256xf32, #tpu.memory_space<vmem>>, vector<5120x256xf32>
    %dot_general3A_353 = arith.constant dense<0.000000e+00> : vector<2x256xf32>
    %dot_general3A_354 = tpu.matmul %exp3A_349, %get3A_352, %dot_general3A_353 {dimension_numbers = #tpu.dot_dimension_numbers<[1], [0], [0], [1], [0, 0, 1, 1], [], []>, transpose_lhs_hint = false} : vector<2x5120xf32>, vector<5120x256xf32>, vector<2x256xf32> -> vector<2x256xf32>
    %exp3A_355 = math.exp %div3A_334 : vector<2x256xf32>
    %add3A_356 = arith.addf %exp3A_355, %dot_general3A_354 : vector<2x256xf32>
    %log3A_357 = math.log %add3A_356 : vector<2x256xf32>
    %sub3A_358 = arith.subf %log3A_357, %div3A_334 : vector<2x256xf32>
    %reduce_sum3A_359 = vector.shape_cast %sub3A_358 : vector<2x256xf32> to vector<1x2x256xf32>
    %reduce_sum3A_360 = arith.constant dense<0.000000e+00> : vector<1xf32>
    %reduce_sum3A_361 = vector.multi_reduction <add>, %reduce_sum3A_359, %reduce_sum3A_360 [1, 2] : vector<1x2x256xf32> to vector<1xf32>
    %reduce_sum3A_362 = vector.shape_cast %reduce_sum3A_361 : vector<1xf32> to vector<1x1x1xf32>
    %reduce_sum3A_363 = vector.extract %reduce_sum3A_362[0, 0, 0] : f32 from vector<1x1x1xf32>
    %add3A_364 = arith.addf %reduce_sum3A_179, %reduce_sum3A_363 : f32
    %eq3A_365 = arith.constant 0 : i32
    %eq3A_366 = arith.cmpi eq, %arg0, %eq3A_365 : i32
    %convert_element_type3A = arith.extui %eq3A_366 : i1 to i32
    %cond3A = arith.constant 0 : i32
    %cond3A_367 = arith.cmpi ne, %convert_element_type3A, %cond3A : i32
    scf.if %cond3A_367 {
      %broadcast_in_dim3A_380 = arith.constant 0.000000e+00 : f32
      %broadcast_in_dim3A_381 = vector.broadcast %broadcast_in_dim3A_380 : f32 to vector<1x1xf32>
      %swap3A_382 = arith.constant 0 : index
      %swap3A_383 = arith.constant 0 : index
      %swap3A_384 = vector.load %arg12[%swap3A_382, %swap3A_383] : memref<1x1xf32, #tpu.memory_space<vmem>>, vector<1x1xf32>
      tpu.vector_store %arg12[%swap3A_382, %swap3A_383], %broadcast_in_dim3A_381 {strides = array<i32>} : memref<1x1xf32, #tpu.memory_space<vmem>>, vector<1x1xf32>,
      %broadcast_in_dim3A_385 = arith.constant 0.000000e+00 : f32
      %broadcast_in_dim3A_386 = vector.broadcast %broadcast_in_dim3A_385 : f32 to vector<1x1xf32>
      %swap3A_387 = arith.constant 0 : index
      %swap3A_388 = arith.constant 0 : index
      %swap3A_389 = vector.load %arg13[%swap3A_387, %swap3A_388] : memref<1x1xf32, #tpu.memory_space<vmem>>, vector<1x1xf32>
      tpu.vector_store %arg13[%swap3A_387, %swap3A_388], %broadcast_in_dim3A_386 {strides = array<i32>} : memref<1x1xf32, #tpu.memory_space<vmem>>, vector<1x1xf32>,
    } else {
    }
    %get3A_368 = arith.constant 0 : index
    %get3A_369 = arith.constant 0 : index
    %get3A_370 = vector.load %arg12[%get3A_368, %get3A_369] : memref<1x1xf32, #tpu.memory_space<vmem>>, vector<1x1xf32>
    %reshape3A_371 = vector.broadcast %add3A_364 : f32 to vector<1x1xf32>
    %add3A_372 = arith.addf %get3A_370, %reshape3A_371 : vector<1x1xf32>
    %swap3A = arith.constant 0 : index
    %swap3A_373 = arith.constant 0 : index
    %swap3A_374 = vector.load %arg12[%swap3A, %swap3A_373] : memref<1x1xf32, #tpu.memory_space<vmem>>, vector<1x1xf32>
    tpu.vector_store %arg12[%swap3A, %swap3A_373], %add3A_372 {strides = array<i32>} : memref<1x1xf32, #tpu.memory_space<vmem>>, vector<1x1xf32>,
    %lt3A_375 = arith.constant 8 : i32
    %lt3A_376 = arith.cmpi slt, %arg0, %lt3A_375 : i32
    %convert_element_type3A_377 = arith.extui %lt3A_376 : i1 to i32
    %cond3A_378 = arith.constant 0 : i32
    %cond3A_379 = arith.cmpi ne, %convert_element_type3A_377, %cond3A_378 : i32
    scf.if %cond3A_379 {
      %get3A_380 = arith.constant 0 : index
      %get3A_381 = arith.constant 0 : index
      %get3A_382 = vector.load %arg13[%get3A_380, %get3A_381] : memref<1x1xf32, #tpu.memory_space<vmem>>, vector<1x1xf32>
      %get3A_383 = arith.constant 0 : index
      %get3A_384 = arith.constant 0 : index
      %get3A_385 = vector.load %arg8[%get3A_383, %get3A_384] : memref<256x64xf32, #tpu.memory_space<vmem>>, vector<256x64xf32>
      %mul3A_386 = arith.mulf %get3A_385, %get3A_385 : vector<256x64xf32>
      %reduce_sum3A_387 = arith.constant dense<0.000000e+00> : vector<256xf32>
      %reduce_sum3A_388 = vector.multi_reduction <add>, %mul3A_386, %reduce_sum3A_387 [1] : vector<256x64xf32> to vector<256xf32>
      %broadcast_in_dim3A_389 = vector.shape_cast %reduce_sum3A_388 : vector<256xf32> to vector<256x1xf32>
      %jit3A_390 = arith.constant 9.99999974E-6 : f32
      %max3A_391 = vector.broadcast %jit3A_390 : f32 to vector<256x1xf32>
      %max3A_392 = arith.maximumf %max3A_391, %broadcast_in_dim3A_389 : vector<256x1xf32>
      %sqrt3A_393 = math.sqrt %max3A_392 : vector<256x1xf32>
      %add3A_394 = arith.constant 1.000000e+00 : f32
      %add3A_395 = vector.broadcast %add3A_394 : f32 to vector<256x1xf32>
      %add3A_396 = arith.addf %add3A_395, %sqrt3A_393 : vector<256x1xf32>
      %div3A_397 = vector.broadcast %add3A_396 : vector<256x1xf32> to vector<256x64xf32>
      %div3A_398 = arith.divf %get3A_385, %div3A_397 : vector<256x64xf32>
      %mul3A_399 = arith.constant 0.899999976 : f32
      %mul3A_400 = vector.broadcast %mul3A_399 : f32 to vector<256x64xf32>
      %mul3A_401 = arith.mulf %div3A_398, %mul3A_400 : vector<256x64xf32>
      %get3A_402 = arith.constant 0 : index
      %get3A_403 = arith.constant 0 : index
      %get3A_404 = vector.load %arg10[%get3A_402, %get3A_403] : memref<64x64xf32, #tpu.memory_space<vmem>>, vector<64x64xf32>
      %dot_general3A_405 = arith.constant dense<0.000000e+00> : vector<256x64xf32>
      %dot_general3A_406 = tpu.matmul %mul3A_401, %get3A_404, %dot_general3A_405 {dimension_numbers = #tpu.dot_dimension_numbers<[1], [0], [0], [1], [0, 0, 1, 1], [], []>, transpose_lhs_hint = false} : vector<256x64xf32>, vector<64x64xf32>, vector<256x64xf32> -> vector<256x64xf32>
      %get3A_407 = arith.constant 0 : index
      %get3A_408 = arith.constant 0 : index
      %get3A_409 = vector.load %arg11[%get3A_407, %get3A_408] : memref<1x64xf32, #tpu.memory_space<vmem>>, vector<1x64xf32>
      %add3A_410 = vector.broadcast %get3A_409 : vector<1x64xf32> to vector<256x64xf32>
      %add3A_411 = arith.addf %dot_general3A_406, %add3A_410 : vector<256x64xf32>
      %tanh3A = math.tanh %add3A_411 : vector<256x64xf32>
      %mul3A_412 = arith.mulf %tanh3A, %tanh3A : vector<256x64xf32>
      %reduce_sum3A_413 = arith.constant dense<0.000000e+00> : vector<256xf32>
      %reduce_sum3A_414 = vector.multi_reduction <add>, %mul3A_412, %reduce_sum3A_413 [1] : vector<256x64xf32> to vector<256xf32>
      %broadcast_in_dim3A_415 = vector.shape_cast %reduce_sum3A_414 : vector<256xf32> to vector<256x1xf32>
      %jit3A_416 = arith.constant 9.99999974E-6 : f32
      %max3A_417 = vector.broadcast %jit3A_416 : f32 to vector<256x1xf32>
      %max3A_418 = arith.maximumf %max3A_417, %broadcast_in_dim3A_415 : vector<256x1xf32>
      %sqrt3A_419 = math.sqrt %max3A_418 : vector<256x1xf32>
      %add3A_420 = arith.constant 1.000000e+00 : f32
      %add3A_421 = vector.broadcast %add3A_420 : f32 to vector<256x1xf32>
      %add3A_422 = arith.addf %add3A_421, %sqrt3A_419 : vector<256x1xf32>
      %div3A_423 = vector.broadcast %add3A_422 : vector<256x1xf32> to vector<256x64xf32>
      %div3A_424 = arith.divf %tanh3A, %div3A_423 : vector<256x64xf32>
      %mul3A_425 = arith.constant 0.899999976 : f32
      %mul3A_426 = vector.broadcast %mul3A_425 : f32 to vector<256x64xf32>
      %mul3A_427 = arith.mulf %div3A_424, %mul3A_426 : vector<256x64xf32>
      %get3A_428 = arith.constant 0 : index
      %get3A_429 = arith.constant 0 : index
      %get3A_430 = vector.load %arg9[%get3A_428, %get3A_429] : memref<2048x64xf32, #tpu.memory_space<vmem>>, vector<2048x64xf32>
      %mul3A_431 = arith.mulf %get3A_430, %get3A_430 : vector<2048x64xf32>
      %reduce_sum3A_432 = arith.constant dense<0.000000e+00> : vector<2048xf32>
      %reduce_sum3A_433 = vector.multi_reduction <add>, %mul3A_431, %reduce_sum3A_432 [1] : vector<2048x64xf32> to vector<2048xf32>
      %broadcast_in_dim3A_434 = vector.shape_cast %reduce_sum3A_433 : vector<2048xf32> to vector<2048x1xf32>
      %jit3A_435 = arith.constant 9.99999974E-6 : f32
      %max3A_436 = vector.broadcast %jit3A_435 : f32 to vector<2048x1xf32>
      %max3A_437 = arith.maximumf %max3A_436, %broadcast_in_dim3A_434 : vector<2048x1xf32>
      %sqrt3A_438 = math.sqrt %max3A_437 : vector<2048x1xf32>
      %add3A_439 = arith.constant 1.000000e+00 : f32
      %add3A_440 = vector.broadcast %add3A_439 : f32 to vector<2048x1xf32>
      %add3A_441 = arith.addf %add3A_440, %sqrt3A_438 : vector<2048x1xf32>
      %div3A_442 = vector.broadcast %add3A_441 : vector<2048x1xf32> to vector<2048x64xf32>
      %div3A_443 = arith.divf %get3A_430, %div3A_442 : vector<2048x64xf32>
      %mul3A_444 = arith.constant 0.899999976 : f32
      %mul3A_445 = vector.broadcast %mul3A_444 : f32 to vector<2048x64xf32>
      %mul3A_446 = arith.mulf %div3A_443, %mul3A_445 : vector<2048x64xf32>
      %mul3A_447 = arith.mulf %mul3A_427, %mul3A_427 : vector<256x64xf32>
      %reduce_sum3A_448 = arith.constant dense<0.000000e+00> : vector<256xf32>
      %reduce_sum3A_449 = vector.multi_reduction <add>, %mul3A_447, %reduce_sum3A_448 [1] : vector<256x64xf32> to vector<256xf32>
      %mul3A_450 = arith.mulf %mul3A_446, %mul3A_446 : vector<2048x64xf32>
      %reduce_sum3A_451 = arith.constant dense<0.000000e+00> : vector<2048xf32>
      %reduce_sum3A_452 = vector.multi_reduction <add>, %mul3A_450, %reduce_sum3A_451 [1] : vector<2048x64xf32> to vector<2048xf32>
      %dot_general3A_453 = arith.constant dense<0.000000e+00> : vector<256x2048xf32>
      %dot_general3A_454 = tpu.matmul %mul3A_427, %mul3A_446, %dot_general3A_453 {dimension_numbers = #tpu.dot_dimension_numbers<[1], [1], [0], [0], [0, 0, 1, 0], [], []>, transpose_lhs_hint = false} : vector<256x64xf32>, vector<2048x64xf32>, vector<256x2048xf32> -> vector<256x2048xf32>
      %broadcast_in_dim3A_455 = vector.shape_cast %reduce_sum3A_449 : vector<256xf32> to vector<256x1xf32>
      %broadcast_in_dim3A_456 = vector.shape_cast %reduce_sum3A_452 : vector<2048xf32> to vector<1x2048xf32>
      %add3A_457 = vector.broadcast %broadcast_in_dim3A_455 : vector<256x1xf32> to vector<256x2048xf32>
      %add3A_458 = vector.broadcast %broadcast_in_dim3A_456 : vector<1x2048xf32> to vector<256x2048xf32>
      %add3A_459 = arith.addf %add3A_457, %add3A_458 : vector<256x2048xf32>
      %mul3A_460 = arith.constant 2.000000e+00 : f32
      %mul3A_461 = vector.broadcast %mul3A_460 : f32 to vector<256x2048xf32>
      %mul3A_462 = arith.mulf %mul3A_461, %dot_general3A_454 : vector<256x2048xf32>
      %sub3A_463 = arith.subf %add3A_459, %mul3A_462 : vector<256x2048xf32>
      %max3A_464 = arith.constant 0.000000e+00 : f32
      %max3A_465 = vector.broadcast %max3A_464 : f32 to vector<256x2048xf32>
      %max3A_466 = arith.maximumf %sub3A_463, %max3A_465 : vector<256x2048xf32>
      %broadcast_in_dim3A_467 = vector.shape_cast %reduce_sum3A_449 : vector<256xf32> to vector<256x1xf32>
      %broadcast_in_dim3A_468 = vector.shape_cast %reduce_sum3A_452 : vector<2048xf32> to vector<1x2048xf32>
      %mul3A_469 = arith.constant 2.000000e+00 : f32
      %mul3A_470 = vector.broadcast %mul3A_469 : f32 to vector<256x2048xf32>
      %mul3A_471 = arith.mulf %mul3A_470, %max3A_466 : vector<256x2048xf32>
      %sub3A_472 = arith.constant 1.000000e+00 : f32
      %sub3A_473 = vector.broadcast %sub3A_472 : f32 to vector<256x1xf32>
      %sub3A_474 = arith.subf %sub3A_473, %broadcast_in_dim3A_467 : vector<256x1xf32>
      %sub3A_475 = arith.constant 1.000000e+00 : f32
      %sub3A_476 = vector.broadcast %sub3A_475 : f32 to vector<1x2048xf32>
      %sub3A_477 = arith.subf %sub3A_476, %broadcast_in_dim3A_468 : vector<1x2048xf32>
      %mul3A_478 = vector.broadcast %sub3A_474 : vector<256x1xf32> to vector<256x2048xf32>
      %mul3A_479 = vector.broadcast %sub3A_477 : vector<1x2048xf32> to vector<256x2048xf32>
      %mul3A_480 = arith.mulf %mul3A_478, %mul3A_479 : vector<256x2048xf32>
      %max3A_481 = arith.constant 9.99999974E-6 : f32
      %max3A_482 = vector.broadcast %max3A_481 : f32 to vector<256x2048xf32>
      %max3A_483 = arith.maximumf %mul3A_480, %max3A_482 : vector<256x2048xf32>
      %div3A_484 = arith.divf %mul3A_471, %max3A_483 : vector<256x2048xf32>
      %add3A_485 = arith.constant 1.000000e+00 : f32
      %add3A_486 = vector.broadcast %add3A_485 : f32 to vector<256x2048xf32>
      %add3A_487 = arith.addf %add3A_486, %div3A_484 : vector<256x2048xf32>
      %max3A_488 = arith.constant 1.000010e+00 : f32
      %max3A_489 = vector.broadcast %max3A_488 : f32 to vector<256x2048xf32>
      %max3A_490 = arith.maximumf %add3A_487, %max3A_489 : vector<256x2048xf32>
      %mul3A_491 = arith.mulf %max3A_490, %max3A_490 : vector<256x2048xf32>
      %sub3A_492 = arith.constant 1.000000e+00 : f32
      %sub3A_493 = vector.broadcast %sub3A_492 : f32 to vector<256x2048xf32>
      %sub3A_494 = arith.subf %mul3A_491, %sub3A_493 : vector<256x2048xf32>
      %sqrt3A_495 = math.sqrt %sub3A_494 : vector<256x2048xf32>
      %add3A_496 = arith.addf %max3A_490, %sqrt3A_495 : vector<256x2048xf32>
      %log3A_497 = math.log %add3A_496 : vector<256x2048xf32>
      %mul3A_498 = arith.mulf %log3A_497, %log3A_497 : vector<256x2048xf32>
      %neg3A_499 = arith.constant 0.000000e+00 : f32
      %neg3A_500 = vector.broadcast %neg3A_499 : f32 to vector<256x2048xf32>
      %neg3A_501 = arith.subf %neg3A_500, %mul3A_498 : vector<256x2048xf32>
      %div3A_502 = arith.constant 2.000000e-01 : f32
      %div3A_503 = vector.broadcast %div3A_502 : f32 to vector<256x2048xf32>
      %div3A_504 = arith.divf %neg3A_501, %div3A_503 : vector<256x2048xf32>
      %exp3A_505 = math.exp %div3A_504 : vector<256x2048xf32>
      %add3A_506 = arith.constant 1.000000e+00 : f32
      %add3A_507 = vector.broadcast %add3A_506 : f32 to vector<256x2048xf32>
      %add3A_508 = arith.addf %add3A_507, %exp3A_505 : vector<256x2048xf32>
      %div3A_509 = arith.divf %exp3A_505, %add3A_508 : vector<256x2048xf32>
      %mul3A_510 = arith.constant 2.000000e+00 : f32
      %mul3A_511 = vector.broadcast %mul3A_510 : f32 to vector<256x2048xf32>
      %mul3A_512 = arith.mulf %mul3A_511, %div3A_509 : vector<256x2048xf32>
      %exp3A_513 = math.exp %mul3A_512 : vector<256x2048xf32>
      %reduce_sum3A_514 = arith.constant dense<0.000000e+00> : vector<256xf32>
      %reduce_sum3A_515 = vector.multi_reduction <add>, %exp3A_513, %reduce_sum3A_514 [1] : vector<256x2048xf32> to vector<256xf32>
      %log3A_516 = math.log %reduce_sum3A_515 : vector<256xf32>
      %iota3A_517 = tpu.iota {dimensions = array<i32: 1>} : vector<256x2048xi32>
      %iota3A_518 = tpu.iota {dimensions = array<i32: 0>} : vector<256x2048xi32>
      %mul3A_519 = arith.constant 256 : i32
      %mul3A_520 = arith.muli %arg0, %mul3A_519 : i32
      %add3A_521 = vector.broadcast %mul3A_520 : i32 to vector<256x2048xi32>
      %add3A_522 = arith.addi %add3A_521, %iota3A_518 : vector<256x2048xi32>
      %eq3A_523 = arith.cmpi eq, %iota3A_517, %add3A_522 : vector<256x2048xi32>
      %jit3A_524 = arith.constant 0.000000e+00 : f32
      %broadcast_in_dim3A_525 = vector.broadcast %jit3A_524 : f32 to vector<256x2048xf32>
      %select_n3A_526 = arith.select %eq3A_523, %mul3A_512, %broadcast_in_dim3A_525 : vector<256x2048xi1>, vector<256x2048xf32>
      %reduce_sum3A_527 = arith.constant dense<0.000000e+00> : vector<256xf32>
      %reduce_sum3A_528 = vector.multi_reduction <add>, %select_n3A_526, %reduce_sum3A_527 [1] : vector<256x2048xf32> to vector<256xf32>
      %sub3A_529 = arith.subf %log3A_516, %reduce_sum3A_528 : vector<256xf32>
      %reduce_sum3A_530 = vector.shape_cast %sub3A_529 : vector<256xf32> to vector<1x256xf32>
      %reduce_sum3A_531 = arith.constant dense<0.000000e+00> : vector<1xf32>
      %reduce_sum3A_532 = vector.multi_reduction <add>, %reduce_sum3A_530, %reduce_sum3A_531 [1] : vector<1x256xf32> to vector<1xf32>
      %reduce_sum3A_533 = vector.shape_cast %reduce_sum3A_532 : vector<1xf32> to vector<1x1xf32>
      %reduce_sum3A_534 = vector.extract %reduce_sum3A_533[0, 0] : f32 from vector<1x1xf32>
      %reshape3A_535 = vector.broadcast %reduce_sum3A_534 : f32 to vector<1x1xf32>
      %add3A_536 = arith.addf %get3A_382, %reshape3A_535 : vector<1x1xf32>
      %swap3A_537 = arith.constant 0 : index
      %swap3A_538 = arith.constant 0 : index
      %swap3A_539 = vector.load %arg13[%swap3A_537, %swap3A_538] : memref<1x1xf32, #tpu.memory_space<vmem>>, vector<1x1xf32>
      tpu.vector_store %arg13[%swap3A_537, %swap3A_538], %add3A_536 {strides = array<i32>} : memref<1x1xf32, #tpu.memory_space<vmem>>, vector<1x1xf32>,
    } else {
    }
    return
  }
  func.func @transform_0(%arg0: i32) -> (i32, i32) {
    %c0_i32 = arith.constant 0 : i32
    %c0_i32_0 = arith.constant 0 : i32
    return %arg0, %c0_i32 : i32, i32
  }
  func.func @transform_1(%arg0: i32) -> (i32, i32) {
    %c0_i32 = arith.constant 0 : i32
    %c0_i32_0 = arith.constant 0 : i32
    return %arg0, %c0_i32 : i32, i32
  }
  func.func @transform_2(%arg0: i32) -> (i32, i32) {
    %c0_i32 = arith.constant 0 : i32
    %c0_i32_0 = arith.constant 0 : i32
    return %arg0, %c0_i32 : i32, i32
  }
  func.func @transform_3(%arg0: i32) -> (i32, i32) {
    %c0_i32 = arith.constant 0 : i32
    %c0_i32_0 = arith.constant 0 : i32
    return %arg0, %c0_i32 : i32, i32
  }
  func.func @transform_4(%arg0: i32) -> (i32, i32, i32) {
    %c0_i32 = arith.constant 0 : i32
    %c0_i32_0 = arith.constant 0 : i32
    %c0_i32_1 = arith.constant 0 : i32
    return %c0_i32, %arg0, %c0_i32_0 : i32, i32, i32
  }
  func.func @transform_5(%arg0: i32) -> (i32, i32, i32) {
    %c0_i32 = arith.constant 0 : i32
    %c0_i32_0 = arith.constant 0 : i32
    %c0_i32_1 = arith.constant 0 : i32
    return %c0_i32, %arg0, %c0_i32_0 : i32, i32, i32
  }
  func.func @transform_6(%arg0: i32) -> (i32, i32) {
    %c0_i32 = arith.constant 0 : i32
    %c0_i32_0 = arith.constant 0 : i32
    %c0_i32_1 = arith.constant 0 : i32
    return %c0_i32, %c0_i32_0 : i32, i32
  }
  func.func @transform_7(%arg0: i32) -> (i32, i32) {
    %jit3A = arith.constant 8 : i32
    %eq3A = arith.constant 0 : i32
    %eq3A_0 = arith.cmpi eq, %jit3A, %eq3A : i32
    %jit3A_1 = arith.constant 1 : i32
    %select_n3A = arith.select %eq3A_0, %jit3A_1, %jit3A : i32
    %rem3A = arith.remsi %arg0, %select_n3A : i32
    %ne3A = arith.constant 0 : i32
    %ne3A_2 = arith.cmpi ne, %rem3A, %ne3A : i32
    %lt3A = arith.constant 0 : i32
    %lt3A_3 = arith.cmpi slt, %rem3A, %lt3A : i32
    %lt3A_4 = arith.constant 0 : i32
    %lt3A_5 = arith.cmpi slt, %select_n3A, %lt3A_4 : i32
    %ne3A_6 = arith.xori %lt3A_3, %lt3A_5 : i1
    %and3A = arith.andi %ne3A_6, %ne3A_2 : i1
    %add3A = arith.addi %rem3A, %select_n3A : i32
    %select_n3A_7 = arith.select %and3A, %add3A, %rem3A : i32
    %c0_i32 = arith.constant 0 : i32
    %c0_i32_8 = arith.constant 0 : i32
    return %select_n3A_7, %c0_i32 : i32, i32
  }
  func.func @transform_8(%arg0: i32) -> (i32, i32) {
    %c0_i32 = arith.constant 0 : i32
    %c0_i32_0 = arith.constant 0 : i32
    %c0_i32_1 = arith.constant 0 : i32
    return %c0_i32, %c0_i32_0 : i32, i32
  }
  func.func @transform_9(%arg0: i32) -> (i32, i32) {
    %c0_i32 = arith.constant 0 : i32
    %c0_i32_0 = arith.constant 0 : i32
    %c0_i32_1 = arith.constant 0 : i32
    return %c0_i32, %c0_i32_0 : i32, i32
  }
  func.func @transform_10(%arg0: i32) -> (i32, i32) {
    %c0_i32 = arith.constant 0 : i32
    %c0_i32_0 = arith.constant 0 : i32
    %c0_i32_1 = arith.constant 0 : i32
    return %c0_i32, %c0_i32_0 : i32, i32
  }
  func.func @transform_11(%arg0: i32) -> (i32, i32) {
    %c0_i32 = arith.constant 0 : i32
    %c0_i32_0 = arith.constant 0 : i32
    %c0_i32_1 = arith.constant 0 : i32
    return %c0_i32, %c0_i32_0 : i32, i32
  }
  func.func @transform_12(%arg0: i32) -> (i32, i32) {
    %c0_i32 = arith.constant 0 : i32
    %c0_i32_0 = arith.constant 0 : i32
    %c0_i32_1 = arith.constant 0 : i32
    return %c0_i32, %c0_i32_0 : i32, i32
  }
}

</mosaic_0001>

<sc_bundles>
// kernel: kernel.4.cloned.1.call-start
scs
__scs_entry_jumppad:
0x0: {  	(pc) =	sbr.rel $0x88, $3  }
0x1: {  	(tag) =	ssettag $0x0;
	lr =	simm.s32 $0x1  }
0x2: {  	[smem:$0x3F96] =	sst lr;
	_ =	strace $0xD0000000  }
0x3: {  	_ = 	snop  }
0x4: {  	_ = 	snop  }
0x5: {  	_ = 	snop  }
0x6: {  	_ = 	snop  }
0x7: {  	_ = 	snop  }
__scs_overlays_trampoline_lowered:
0x8: {  	[smem:$0x3FA5] =	sst s0  }
0x9: {  	[smem:$0x3FA6] =	sst s1  }
0xa: {  	[smem:$0x3FA7] =	sst s2  }
0xb: {  	[smem:$0x3FA8] =	sst s3  }
0xc: {  	[smem:$0x3FA9] =	sst s4  }
0xd: {  	[smem:$0x3FAA] =	sst s5  }
0xe: {  	[smem:$0x3FAB] =	sst s6  }
0xf: {  	[smem:$0x3FAC] =	sst s7  }
0x10: {  	[smem:$0x3FAD] =	sst s8  }
0x11: {  	[smem:$0x3FAE] =	sst s9;
	s0 =	simm.s32 @!p0 $0x0  }
0x12: {  	s1 =	sld [smem:$0x3F94];
	s0 =	simm.s32 @p0 $0x1  }
0x13: {  	[smem:$0x3FAF] =	sst s0;
	s0 =	simm.s32 @!p1 $0x0  }
0x14: {  	s2 =	sld [smem:$0x3F93];
	s0 =	simm.s32 @p1 $0x1  }
0x15: {  	[smem:$0x3FB0] =	sst s0;
	s0 =	simm.s32 @!p2 $0x0  }
0x16: {  	s3 =	sld [smem:$0x3FDB];
	s0 =	simm.s32 @p2 $0x1  }
0x17: {  	s4 =	simm.s32 $0x1BF5;
	[smem:$0x3FB2] =	sst s0  }
0x18: {  	s0 =	sld [smem:$0x3F95];
	_ =	swait.ge [sflag:s4], $0x0  }
0x19: {  	s7 =	sld [smem:$0x3F96]  }
0x1a: {  	s8 =	sadd.s32 $0xFFFFE003, lr  }
0x1b: {  	s9 =	sadd.s32 $0xFFFFFEF7, lr;
	s5 =	simm.s32 $0xFFFFFFFF;
	p2 =	slt.u32 s8, $0xFFFFF086  }
0x1c: {  	p1 =	slt.u32 s9, $0xF7A;
	s5 =	simm.s32 @!p2 $0x0  }
0x1d: {  	s5 =	simm.s32 @p1 $0x1;
	p0 =	seq.s32 s7, s2  }
0x1e: {  	s7 =	smul.u32 @!p0 $0xF7A, s2;
	p2 =	seq.s32 @!p0 s5, $0x0  }
0x1f: {  	s9 =	smul.u32 $0xF7A, s1;
	s8 =	simm.s32 @!p0 $0x1BF5;
	p2 =	por !p2, p0  }
0x20: {  	[sflag:s8] =	ssyncset.s32 @!p0 $0xFFFFF086;
	s6 =	sadd.s32 @!p0 s3, s7;
	s7 =	simm.s32 @!p0 $0x108  }
0x21: {  	s3 =	sadd.s32 s3, s9;
	s6 =	sadd.s32 @!p0 $0x88, s6;
	s7 =	simm.s32 @p2 $0x1082  }
0x22: {  	[simem:s7], [sflag:s8] =	dma.local @!p0 [hbm:s6], $0xF7A  }
0x23: {  	s9 =	sor.u32 $0xD0000000, s2;
	s6 =	simm.s32 $0x108;
	_ =	swait.ge @!p0 [sflag:s8], $0x0  }
0x24: {  	s3 =	sadd.s32 $0x88, s3;
	s6 =	simm.s32 @!p1 $0x1082;
	[sflag:s4] =	ssyncset.s32 $0xFFFFF086  }
0x25: {  	[simem:s6], [sflag:s4] =	dma.local [hbm:s3], $0xF7A  }
0x26: {  	[smem:$0x3F96] =	sst s1;
	(tag) =	ssettag s2;
	_ =	strace s9  }
0x27: {  	s1 =	sld [smem:$0x3FA6]  }
0x28: {  	s2 =	sld [smem:$0x3FA7]  }
0x29: {  	s4 =	sld [smem:$0x3FA9]  }
0x2a: {  	p0 =	seq.s32 s5, $0x0;
	s5 =	sld [smem:$0x3FAA]  }
0x2b: {  	s6 =	sld [smem:$0x3FAB]  }
0x2c: {  	s7 =	sld [smem:$0x3FAC]  }
0x2d: {  	s3 =	simm.s32 $0x108;
	s8 =	sld [smem:$0x3FAD]  }
0x2e: {  	s3 =	simm.s32 @!p0 $0x1082;
	s9 =	sld [smem:$0x3FAE]  }
0x2f: {  	lr =	sadd.s32 s0, s3;
	s0 =	sld [smem:$0x3FA5]  }
0x30: {  	s3 =	sld [smem:$0x3FA8]  }
0x31: {  	[smem:$0x3FB1] =	sst s10  }
0x32: {  	s10 =	sld [smem:$0x3FAF];
	_ =	sdelay $0x3  }
0x33: {  	p0 =	seq.s32 s10, $0x1;
	s10 =	sld [smem:$0x3FB1];
	_ =	sdelay $0x3  }
0x34: {  	[smem:$0x3FB1] =	sst s10  }
0x35: {  	s10 =	sld [smem:$0x3FB0];
	_ =	sdelay $0x3  }
0x36: {  	p1 =	seq.s32 s10, $0x1;
	s10 =	sld [smem:$0x3FB1];
	_ =	sdelay $0x3  }
0x37: {  	[smem:$0x3FB1] =	sst s10  }
0x38: {  	s10 =	sld [smem:$0x3FB2]  }
0x39: {  	_ = 	snop;
	(pc) =	sbr.ind lr, $3  }
0x3a: {  	_ = 	snop  }
0x3b: {  	_ = 	snop  }
0x3c: {  	p2 =	seq.s32 s10, $0x1;
	s10 =	sld [smem:$0x3FB1]  }
0x3d: {  	_ =	shalt  }
0x3e: {  	_ =	shalt  }
0x3f: {  	_ =	shalt  }
0x40: {  	_ =	shalt  }
0x41: {  	_ =	shalt  }
0x42: {  	_ =	shalt  }
0x43: {  	_ =	shalt  }
0x44: {  	_ =	shalt  }
0x45: {  	_ =	shalt  }
0x46: {  	_ =	shalt  }
0x47: {  	_ =	shalt  }
0x48: {  	_ =	shalt  }
0x49: {  	_ =	shalt  }
0x4a: {  	_ =	shalt  }
0x4b: {  	_ =	shalt  }
0x4c: {  	_ =	shalt  }
0x4d: {  	_ =	shalt  }
0x4e: {  	_ =	shalt  }
0x4f: {  	_ =	shalt  }
0x50: {  	_ =	shalt  }
0x51: {  	_ =	shalt  }
0x52: {  	_ =	shalt  }
0x53: {  	_ =	shalt  }
0x54: {  	_ =	shalt  }
0x55: {  	_ =	shalt  }
0x56: {  	_ =	shalt  }
0x57: {  	_ =	shalt  }
0x58: {  	_ =	shalt  }
0x59: {  	_ =	shalt  }
0x5a: {  	_ =	shalt  }
0x5b: {  	_ =	shalt  }
0x5c: {  	_ =	shalt  }
0x5d: {  	_ =	shalt  }
0x5e: {  	_ =	shalt  }
0x5f: {  	_ =	shalt  }
0x60: {  	_ =	shalt  }
0x61: {  	_ =	shalt  }
0x62: {  	_ =	shalt  }
0x63: {  	_ =	shalt  }
0x64: {  	_ =	shalt  }
0x65: {  	_ =	shalt  }
0x66: {  	_ =	shalt  }
0x67: {  	_ =	shalt  }
0x68: {  	_ =	shalt  }
0x69: {  	_ =	shalt  }
0x6a: {  	_ =	shalt  }
0x6b: {  	_ =	shalt  }
0x6c: {  	_ =	shalt  }
0x6d: {  	_ =	shalt  }
0x6e: {  	_ =	shalt  }
0x6f: {  	_ =	shalt  }
0x70: {  	_ =	shalt  }
0x71: {  	_ =	shalt  }
0x72: {  	_ =	shalt  }
0x73: {  	_ =	shalt  }
0x74: {  	_ =	shalt  }
0x75: {  	_ =	shalt  }
0x76: {  	_ =	shalt  }
0x77: {  	_ =	shalt  }
0x78: {  	_ =	shalt  }
0x79: {  	_ =	shalt  }
0x7a: {  	_ =	shalt  }
0x7b: {  	_ =	shalt  }
0x7c: {  	_ =	shalt  }
0x7d: {  	_ =	shalt  }
0x7e: {  	_ =	shalt  }
0x7f: {  	_ =	shalt  }
0x80: {  	_ =	shalt  }
0x81: {  	_ =	shalt  }
0x82: {  	_ =	shalt  }
0x83: {  	_ =	shalt  }
0x84: {  	_ =	shalt  }
0x85: {  	_ =	shalt  }
0x86: {  	_ =	shalt  }
0x87: {  	_ =	shalt  }
.Lfunc_end0:
.L_simem_size_0:
called_computation_lowered:
.L_overlay_start_0:
0x88: {  	s2 =	sld [smem:$0x3FD9]  }
0x89: {  	s3 =	sld [smem:$0x3FFE];
	_ =	sdelay $0x1  }
0x8a: {  	s1 =	srdreg.scid  }
0x8b: {  	s0 =	sand.u32 $0x1, s1  }
0x8c: {  	s17 =	sshll.u32 s0, $0xA;
	s2 =	sadd.s32 s3, s2  }
0x8d: {  	s2 =	sadd.s32 s2, s17  }
0x8e: {  	[smem:$0x3FBD] =	sst s2  }
0x8f: {  	_ = 	snop  }
0x90: {  	s2 =	sld [smem:$0x3FC3]  }
0x91: {  	s18 =	sld [smem:$0x3FC2]  }
0x92: {  	s4 =	sld [smem:$0x3FC0];
	(tm) =	ssettm $0x1  }
0x93: {  	s5 =	sld [smem:$0x3FFB];
	_ =	sdelay $0x3  }
0x94: {  	_ =	strace s5  }
0x95: {  	s5 =	sld [smem:$0x3FFC];
	_ =	sdelay $0x3  }
0x96: {  	_ =	strace s5  }
0x97: {  	s5 =	sld [smem:$0x3FFD];
	_ =	sdelay $0x3  }
0x98: {  	_ =	strace s5  }
0x99: {  	_ =	strace $0x8FFFFFFF  }
0x9a: {  	s19 =	sld [smem:$0x3FDB];
	_ =	sdelay $0x1  }
0x9b: {  	s6 =	simm.s32 $_scs_section_size  }
0x9c: {  	s7 =	simm.s32 $_size__tile_overlayer_lowered;
	s8 =	simm.s32 $_tile_overlayer_lowered  }
0x9d: {  	s22 =	simm.s32 $0x1BFF;
	s21 =	sshll.u32 s8, $0x1;
	s5 =	sadd.s32 s6, s19  }
0x9e: {  	s9 =	simm.s32 $0x0;
	s20 =	sshll.u32 s7, $0x1;
	s7 =	sadd.s32 s21, s5  }
0x9f: {  	[timem:s9], [sflag:s22] =	dma.local [hbm:s7], s20  }
0xa0: {  	_ =	swait.ge [sflag:s22], s20  }
0xa1: {  	s6 =	ssub.s32 $0x0, s20;
	[sflag:s22] =	ssyncset.done $0x0  }
0xa2: {  	[sflag:s22] =	ssyncadd.s32 s6;
	_ =	sdelay $0x1  }
0xa3: {  	s23 =	simm.s32 $0x1B8B  }
0xa4: {  	_ =	swait.ge [sflag:s23], $0x1  }
0xa5: {  	[sflag:s23] =	ssyncset.done $0x0  }
0xa6: {  	s25 =	simm.s32 $0x1B8E;
	s24 =	sld [smem:$0x3FFE];
	[sflag:s23] =	ssyncadd.s32 $0xFFFFFFFF  }
0xa7: {  	s26 =	simm.s32 $execute0_lowered;
	[smem:$0x3FD2] =	sst s25  }
0xa8: {  	s7 =	sshll.u32 s26, $0x1;
	_ =	strace $0x80000046;
	[dreg:$0x1] =	wrdreg $0xFFFFFFFF  }
0xa9: {  	s28 =	simm.s32 $_size_execute0_lowered;
	s5 =	sadd.s32 s5, s7;
	[dreg:$0x0] =	wrdreg $0x0  }
0xaa: {  	s7 =	sshll.u32 s28, $0x1;
	[dreg:$0x2] =	wrdreg s5  }
0xab: {  	[dreg:$0x3] =	wrdreg s7  }
0xac: {  	[dreg:$0x4] =	wrdreg $0xC0  }
0xad: {  	_ =	task [dreg:s9], $0x5FFFF  }
0xae: {  	[dreg:$0x1] =	wrdreg $0xFFFFFFFF  }
0xaf: {  	[dreg:$0x0] =	wrdreg $0x60  }
0xb0: {  	[dreg:$0x2] =	wrdreg s24  }
0xb1: {  	[dreg:$0x3] =	wrdreg s2  }
0xb2: {  	[dreg:$0x4] =	wrdreg s18  }
0xb3: {  	[dreg:$0x5] =	wrdreg s4  }
0xb4: {  	[dreg:$0x6] =	wrdreg $0x9  }
0xb5: {  	_ =	task.clear_ibuf [dreg:s9], $0x7FFFF;
	_ =	strace $0x90000046  }
0xb6: {  	s29 =	simm.s32 $0x9;
	_ =	strace $0x80000048  }
0xb7: {  	_ =	swait.ge [sflag:s29], $0x1  }
0xb8: {  	[sflag:s29] =	ssyncadd.s32 $0xFFFFFFFF  }
0xb9: {  	_ =	strace $0x90000048  }
0xba: {  	_ =	sfence  }
0xbb: {  	s30 =	sld [smem:$0x0];
	_ =	sdelay $0x2  }
0xbc: {  	s31 =	sshll.u32 s1, $0xD;
	s1 =	sshrl.u32 s1, $0x2  }
0xbd: {  	s3 =	sand.u32 $0x4000, s31;
	s1 =	sadd.s32 s1, s30  }
0xbe: {  	s0 =	sor.u32 s3, s0;
	s1 =	sshll.u32 s1, $0x11  }
0xbf: {  	s0 =	sor.u32 s1, s0  }
0xc0: {  	s0 =	sadd.s32 $0x8F2B, s0  }
0xc1: {  	[sflag:s0] =	ssyncadd.remote.s32 $0x1  }
0xc2: {  	_ =	sfence.sel $0xFFFF  }
0xc3: {  	[dreg:$0x0] =	wrdreg $0xFFFFFFFF;
	(pc) =	sbr.abs _section_cstart, $3  }
0xc4: {  	[dreg:$0x1] =	wrdreg $0xFFFFFFFF  }
0xc5: {  	_ =	task.clear_ibuf [dreg:s9], $0x2FFFF;
	_ =	strace $0x9FFFFFFF  }
0xc6: {  	(tm) =	ssettm $0x7FFFFFFF  }
0xc7: {  	_ =	shalt  }
tec
execute0_lowered:
.L_overlay_start_1:
0x0: {  	(tag) =	ssettag $0x1  }
0x1: {  	s5 =	rddreg [dreg:$0x0]  }
0x2: {  	s10 =	rddreg [dreg:$0x1]  }
0x3: {  	s1 =	srdreg.scid;
	s2 =	stileid.u32  }
0x4: {  	s0 =	rddreg [dreg:$0x2];
	s4 =	sand.u32 $0x1, s1;
	s31 =	sshll.u32 s2, $0x1  }
0x5: {  	s3 =	rddreg [dreg:$0x3];
	s20 =	sor.u32 s4, s31  }
0x6: {  	s2 =	simm.s32 $0x0;
	[smem:$0x7F9] =	sst s4;
	s14 =	sshll.u32 s20, $0x9  }
0x7: {  	[smem:$0x7FF] =	sst s2;
	s9 =	sor.u32 $0x4000, s14  }
0x8: {  	_ =	strace $0x80000047;
	s8 =	sor.u32 $0x8000, s14;
	[smem:$0x7C7] =	sst s9  }
0x9: {  	s7 =	sor.u32 $0xC000, s14;
	[smem:$0x7C9] =	sst s8  }
0xa: {  	s6 =	sor.u32 $0x10000, s14;
	[smem:$0x7CB] =	sst s7  }
0xb: {  	s4 =	sor.u32 $0x14000, s14;
	[smem:$0x7CD] =	sst s6  }
0xc: {  	s26 =	sshll.u32 s20, $0x6;
	s12 =	sor.u32 $0x18000, s14;
	[smem:$0x7CF] =	sst s4  }
0xd: {  	s11 =	sadd.s32 s10, s26;
	[smem:$0x7D1] =	sst s12  }
0xe: {  	s13 =	sor.u32 $0x1C000, s14;
	[dreg:$0x5] =	wrdreg s11  }
0xf: {  	s0 =	sadd.s32 s0, s26;
	[smem:$0x7D3] =	sst s13  }
0x10: {  	s25 =	sadd.s32 $0x5200, s5;
	s15 =	sadd.s32 s3, s26;
	[dreg:$0x6] =	wrdreg s0  }
0x11: {  	s16 =	sadd.s32 s25, s26;
	[dreg:$0x7] =	wrdreg s15  }
0x12: {  	s24 =	sor.u32 $0x20000, s14;
	[dreg:$0x8] =	wrdreg s16  }
0x13: {  	s5 =	sor.u32 $0x28000, s14;
	[smem:$0x7D5] =	sst s24  }
0x14: {  	s30 =	sshrl.u32 s7, $0x3;
	[smem:$0x7D9] =	sst s5;
	s7 =	sor.u32 $0x2C000, s14  }
0x15: {  	s28 =	sshrl.u32 s9, $0x3;
	s9 =	sor.u32 $0x30000, s14;
	[smem:$0x7DB] =	sst s7  }
0x16: {  	s29 =	sshrl.u32 s8, $0x3;
	s17 =	sadd.s32 s25, s28;
	[smem:$0x7DD] =	sst s9  }
0x17: {  	s18 =	sadd.s32 s25, s29;
	[dreg:$0x9] =	wrdreg s17  }
0x18: {  	s31 =	sshrl.u32 s6, $0x3;
	s19 =	sadd.s32 s25, s30;
	[dreg:$0xa] =	wrdreg s18  }
0x19: {  	s15 =	sshrl.u32 s13, $0x3;
	s21 =	sadd.s32 s25, s31;
	[dreg:$0xb] =	wrdreg s19  }
0x1a: {  	s13 =	sshrl.u32 s24, $0x3;
	s3 =	sadd.s32 s25, s15;
	[dreg:$0xc] =	wrdreg s21  }
0x1b: {  	s11 =	sshrl.u32 s5, $0x3;
	s16 =	sadd.s32 s25, s13;
	[dreg:$0xf] =	wrdreg s3  }
0x1c: {  	s8 =	sadd.s32 s25, s11;
	[dreg:$0x10] =	wrdreg s16  }
0x1d: {  	s18 =	sshrl.u32 s4, $0x3;
	s4 =	sor.u32 $0x24000, s14;
	[dreg:$0x12] =	wrdreg s8  }
0x1e: {  	s10 =	sshrl.u32 s7, $0x3;
	s16 =	sor.u32 $0x34000, s14;
	[smem:$0x7D7] =	sst s4  }
0x1f: {  	s9 =	sshrl.u32 s9, $0x3;
	s19 =	sadd.s32 s25, s10;
	[smem:$0x7DF] =	sst s16  }
0x20: {  	s21 =	sadd.s32 s25, s9;
	[dreg:$0x13] =	wrdreg s19  }
0x21: {  	s17 =	sshrl.u32 s12, $0x3;
	s22 =	sadd.s32 s25, s18;
	[dreg:$0x14] =	wrdreg s21  }
0x22: {  	s23 =	sadd.s32 s25, s17;
	s12 =	sshrl.u32 s4, $0x3;
	[dreg:$0xd] =	wrdreg s22  }
0x23: {  	[dreg:$0xe] =	wrdreg s23;
	s6 =	sadd.s32 s25, s12  }
0x24: {  	s8 =	sshrl.u32 s16, $0x3;
	s22 =	sor.u32 $0x38000, s14;
	[dreg:$0x11] =	wrdreg s6  }
0x25: {  	s21 =	sor.u32 $0x3C000, s14;
	s23 =	sadd.s32 s25, s8;
	[smem:$0x7E1] =	sst s22  }
0x26: {  	[dreg:$0x15] =	wrdreg s23;
	s7 =	sshrl.u32 s22, $0x3;
	s6 =	sshrl.u32 s21, $0x3  }
0x27: {  	s23 =	sor.u32 $0x44000, s14;
	s22 =	sadd.s32 s25, s7;
	s24 =	sadd.s32 s25, s6  }
0x28: {  	s4 =	sshrl.u32 s23, $0x3;
	[dreg:$0x17] =	wrdreg s24;
	s24 =	sor.u32 $0x48000, s14  }
0x29: {  	[dreg:$0x16] =	wrdreg s22;
	s1 =	sadd.s32 s25, s4;
	s3 =	sshrl.u32 s24, $0x3  }
0x2a: {  	s19 =	sor.u32 $0x40000, s14;
	[dreg:$0x19] =	wrdreg s1;
	s16 =	sadd.s32 s25, s3  }
0x2b: {  	s5 =	sshrl.u32 s19, $0x3;
	s22 =	sor.u32 $0x4C000, s14;
	[dreg:$0x1a] =	wrdreg s16  }
0x2c: {  	s0 =	sadd.s32 s25, s5;
	s1 =	sshrl.u32 s22, $0x3;
	s16 =	rddreg [dreg:$0x0]  }
0x2d: {  	[dreg:$0x18] =	wrdreg s0;
	s0 =	sadd.s32 s25, s1;
	s25 =	sadd.s32 $0xF200, s16  }
0x2e: {  	[dreg:$0x1b] =	wrdreg s0;
	s26 =	sadd.s32 s25, s26  }
0x2f: {  	s29 =	sadd.s32 s25, s29;
	[dreg:$0x1c] =	wrdreg s26  }
0x30: {  	s30 =	sadd.s32 s25, s30;
	[dreg:$0x1e] =	wrdreg s29  }
0x31: {  	s31 =	sadd.s32 s25, s31;
	[dreg:$0x1f] =	wrdreg s30  }
0x32: {  	s18 =	sadd.s32 s25, s18;
	[smem:$0x7B0] =	sst s31  }
0x33: {  	s1 =	sadd.s32 s25, s1;
	[smem:$0x7B1] =	sst s18  }
0x34: {  	s26 =	sadd.s32 s25, s28;
	[smem:$0x7BF] =	sst s1  }
0x35: {  	s29 =	sadd.s32 s25, s15;
	[dreg:$0x1d] =	wrdreg s26  }
0x36: {  	s30 =	sadd.s32 s25, s13;
	[smem:$0x7B3] =	sst s29  }
0x37: {  	s31 =	sadd.s32 s25, s12;
	[smem:$0x7B4] =	sst s30  }
0x38: {  	s12 =	sadd.s32 s25, s11;
	[smem:$0x7B5] =	sst s31  }
0x39: {  	s13 =	sadd.s32 s25, s10;
	[smem:$0x7B6] =	sst s12  }
0x3a: {  	s15 =	sadd.s32 s25, s9;
	[smem:$0x7B7] =	sst s13  }
0x3b: {  	s18 =	sadd.s32 s25, s7;
	[smem:$0x7B8] =	sst s15  }
0x3c: {  	[smem:$0x7BA] =	sst s18  }
0x3d: {  	s30 =	sadd.s32 s25, s4;
	s4 =	rddreg [dreg:$0x1]  }
0x3e: {  	s29 =	sadd.s32 s25, s5;
	s5 =	sadd.s32 s14, s16;
	s14 =	sld [smem:$0x7C7]  }
0x3f: {  	s26 =	sadd.s32 s25, s17;
	s18 =	sld [smem:$0x7CB]  }
0x40: {  	s17 =	sadd.s32 s25, s8;
	[smem:$0x7B2] =	sst s26  }
0x41: {  	[smem:$0x7B9] =	sst s17  }
0x42: {  	s10 =	sshll.u32 s20, $0xC;
	[smem:$0x7BC] =	sst s29  }
0x43: {  	s1 =	sadd.s32 $0x499400, s16;
	s31 =	sadd.s32 s25, s3;
	[smem:$0x7BD] =	sst s30  }
0x44: {  	s15 =	sadd.s32 s1, s10;
	[smem:$0x7BE] =	sst s31  }
0x45: {  	s8 =	sadd.s32 s10, s16;
	[smem:$0x7C8] =	sst s15  }
0x46: {  	s26 =	sadd.s32 s25, s6;
	s25 =	smov.u32 s16;
	s16 =	sld [smem:$0x7C9]  }
0x47: {  	s9 =	sadd.s32 $0x21200, s8;
	s11 =	sadd.s32 $0x41200, s8;
	s30 =	sld [smem:$0x7CF]  }
0x48: {  	s12 =	sadd.s32 $0x61200, s8;
	s13 =	sadd.s32 $0x81200, s8;
	s8 =	sld [smem:$0x7D1]  }
0x49: {  	s3 =	sshll.u32 s20, $0x3;
	s15 =	sld [smem:$0x7D7]  }
0x4a: {  	s0 =	sadd.s32 s4, s3;
	[smem:$0x7BB] =	sst s26  }
0x4b: {  	s6 =	sadd.s32 $0x1D200, s5;
	[smem:$0x7C0] =	sst s0  }
0x4c: {  	s7 =	sadd.s32 $0x19200, s5;
	[smem:$0x7C1] =	sst s6  }
0x4d: {  	[smem:$0x7C2] =	sst s7  }
0x4e: {  	[smem:$0x7C3] =	sst s9  }
0x4f: {  	[smem:$0x7C4] =	sst s11  }
0x50: {  	[smem:$0x7C5] =	sst s12  }
0x51: {  	[smem:$0x7C6] =	sst s13  }
0x52: {  	s26 =	sld [smem:$0x7CD]  }
0x53: {  	s11 =	sld [smem:$0x7D3];
	s0 =	sshll.u32 s14, $0x3  }
0x54: {  	s13 =	sld [smem:$0x7D5];
	s4 =	sshll.u32 s18, $0x3;
	s17 =	sadd.s32 s1, s0  }
0x55: {  	s29 =	sadd.s32 s1, s4;
	[smem:$0x7CA] =	sst s17  }
0x56: {  	[smem:$0x7CE] =	sst s29  }
0x57: {  	s3 =	sshll.u32 s16, $0x3;
	s17 =	sld [smem:$0x7D9]  }
0x58: {  	s6 =	sshll.u32 s30, $0x3;
	s20 =	sadd.s32 s1, s3;
	s29 =	sld [smem:$0x7DD]  }
0x59: {  	s7 =	sshll.u32 s8, $0x3;
	s9 =	sadd.s32 s1, s6;
	[smem:$0x7CC] =	sst s20  }
0x5a: {  	s12 =	sadd.s32 s1, s7;
	[smem:$0x7D2] =	sst s9  }
0x5b: {  	s5 =	sshll.u32 s26, $0x3;
	[smem:$0x7D4] =	sst s12  }
0x5c: {  	s8 =	sshll.u32 s11, $0x3;
	s31 =	sadd.s32 s1, s5;
	s20 =	sld [smem:$0x7DB]  }
0x5d: {  	s11 =	sshll.u32 s15, $0x3;
	s14 =	sadd.s32 s1, s8;
	[smem:$0x7D0] =	sst s31  }
0x5e: {  	s18 =	sadd.s32 s1, s11;
	[smem:$0x7D6] =	sst s14  }
0x5f: {  	s9 =	sshll.u32 s13, $0x3;
	[smem:$0x7DA] =	sst s18  }
0x60: {  	s16 =	sadd.s32 s1, s9;
	s31 =	sld [smem:$0x7DF]  }
0x61: {  	[smem:$0x7D8] =	sst s16;
	s12 =	sshll.u32 s17, $0x3  }
0x62: {  	s14 =	sshll.u32 s29, $0x3;
	s17 =	sld [smem:$0x7E1];
	s26 =	sadd.s32 s1, s12  }
0x63: {  	s13 =	sshll.u32 s20, $0x3;
	s16 =	sadd.s32 s1, s14;
	[smem:$0x7DC] =	sst s26  }
0x64: {  	s30 =	sadd.s32 s1, s13;
	s15 =	sshll.u32 s31, $0x3;
	[smem:$0x7E0] =	sst s16  }
0x65: {  	[smem:$0x7DE] =	sst s30;
	s16 =	sshll.u32 s17, $0x3;
	s18 =	sadd.s32 s1, s15  }
0x66: {  	s17 =	sshll.u32 s21, $0x3;
	[smem:$0x7E2] =	sst s18;
	s20 =	sadd.s32 s1, s16  }
0x67: {  	s30 =	sadd.s32 $0x719400, s25;
	s21 =	sadd.s32 s1, s17;
	[smem:$0x7E3] =	sst s20  }
0x68: {  	s31 =	sadd.s32 s30, s10;
	[smem:$0x7E4] =	sst s21  }
0x69: {  	s0 =	sadd.s32 s30, s0;
	[smem:$0x7E9] =	sst s31  }
0x6a: {  	s3 =	sadd.s32 s30, s3;
	[smem:$0x7EA] =	sst s0  }
0x6b: {  	s4 =	sadd.s32 s30, s4;
	[smem:$0x7EB] =	sst s3  }
0x6c: {  	s5 =	sadd.s32 s30, s5;
	[smem:$0x7EC] =	sst s4  }
0x6d: {  	s6 =	sadd.s32 s30, s6;
	[smem:$0x7ED] =	sst s5  }
0x6e: {  	s7 =	sadd.s32 s30, s7;
	[smem:$0x7EE] =	sst s6  }
0x6f: {  	s8 =	sadd.s32 s30, s8;
	[smem:$0x7EF] =	sst s7  }
0x70: {  	p0 =	por $0x0, $0x0;
	s9 =	sadd.s32 s30, s9;
	[smem:$0x7F0] =	sst s8  }
0x71: {  	s28 =	sadd.s32 $0x312800, s25;
	s10 =	sadd.s32 s30, s11;
	[smem:$0x7F1] =	sst s9  }
0x72: {  	s18 =	sshll.u32 s19, $0x3;
	s11 =	sadd.s32 s30, s12;
	[smem:$0x7F2] =	sst s10  }
0x73: {  	s19 =	sshll.u32 s23, $0x3;
	s12 =	sadd.s32 s30, s13;
	[smem:$0x7F3] =	sst s11  }
0x74: {  	s13 =	sadd.s32 s30, s14;
	s14 =	sadd.s32 s30, s15;
	[smem:$0x7F4] =	sst s12  }
0x75: {  	s15 =	sadd.s32 s30, s16;
	s16 =	sadd.s32 $0x24F200, s25;
	[smem:$0x7F5] =	sst s13  }
0x76: {  	s17 =	sadd.s32 s30, s17;
	s23 =	sadd.s32 s1, s18;
	[smem:$0x7F6] =	sst s14  }
0x77: {  	s20 =	sshll.u32 s24, $0x3;
	s26 =	sadd.s32 s1, s19;
	[smem:$0x7F7] =	sst s15  }
0x78: {  	s21 =	sshll.u32 s22, $0x3;
	s11 =	sadd.s32 $0x3D5E00, s25;
	s24 =	sld [smem:$0x7F9]  }
0x79: {  	s3 =	sadd.s32 $0x18BC00, s25;
	[smem:$0x7F8] =	sst s17;
	s25 =	sadd.s32 s30, s19  }
0x7a: {  	s4 =	simm.s32 $0x200;
	s29 =	sadd.s32 s1, s20;
	s1 =	sadd.s32 s1, s21  }
0x7b: {  	s19 =	simm.s32 $0x1;
	[smem:$0x7E8] =	sst s1;
	s1 =	ssub.s32 $0x2, s24  }
0x7c: {  	s17 =	simm.s32 $0x5600;
	[smem:$0x7E6] =	sst s26;
	s26 =	sshrl.u32 s1, $0x1  }
0x7d: {  	s13 =	simm.s32 $0x6;
	s6 =	simm.s32 $0x1D800;
	s1 =	ssub.s32 s1, s26  }
0x7e: {  	s8 =	simm.s32 $0x2;
	[smem:$0x7E5] =	sst s23;
	s31 =	smax.u32 s1, $0x1  }
0x7f: {  	s12 =	simm.s32 $0x5800;
	[smem:$0x7FB] =	sst s25;
	p1 =	sne.s32 s31, $0x1  }
.Ltmp0:
0x80: {  	s23 =	sadd.s32 s30, s18;
	[smem:$0x7E7] =	sst s29;
	(pc) =	sbr.rel @!p1 .LBB2_5-.Ltmp0, $4  }
0x81: {  	s10 =	simm.s32 $0xD800;
	s14 =	simm.s32 $0x15800;
	[smem:$0x7FA] =	sst s23  }
0x82: {  	s29 =	sadd.s32 s30, s20;
	s30 =	sadd.s32 s30, s21;
	s21 =	rddreg [dreg:$0x5]  }
0x83: {  	s9 =	simm.s32 $0x3;
	s7 =	simm.s32 $0x4;
	[smem:$0x7FC] =	sst s29  }
0x84: {  	s5 =	simm.s32 $0x5;
	[smem:$0x7FD] =	sst s30;
	s18 =	sadd.s32 $0xFFFFFFFF, s31  }
0x85: {  	s20 =	rddreg [dreg:$0x6]  }
0x86: {  	[tilespmem:s2], [sflag:$0x1] =	stream.linear.gather [hbm4b:s21+s2], $0x200, $0x38;
	[tilespmem:$0x1E800] =	vst v63  }
0x87: {  	s0 =	rddreg [dreg:$0x7]  }
0x88: {  	[tilespmem:s4], [sflag:$0x1] =	stream.linear.gather [hbm4b:s20+s2], $0x200, $0x38;
	[tilespmem:$0x1E800] =	vst v63  }
0x89: {  	s1 =	rddreg [dreg:$0x8];
	s31 =	simm.s32 $0x400  }
0x8a: {  	[tilespmem:s31], [sflag:$0x1] =	stream.linear.gather [hbm4b:s0+s2], $0x200, $0x38;
	[tilespmem:$0x1E800] =	vst v63  }
0x8b: {  	s15 =	rddreg [dreg:$0x9];
	s6 =	simm.s32 $0x600  }
0x8c: {  	[tilespmem:s6], [sflag:$0x1] =	stream.linear.gather [hbm4b:s1+s2], $0x200, $0x38;
	[tilespmem:$0x1E800] =	vst v63  }
0x8d: {  	s17 =	rddreg [dreg:$0xa];
	s30 =	simm.s32 $0x800  }
0x8e: {  	[tilespmem:s30], [sflag:$0x1] =	stream.linear.gather [hbm4b:s15+s2], $0x200, $0x38;
	[tilespmem:$0x1E800] =	vst v63  }
0x8f: {  	s22 =	rddreg [dreg:$0xb];
	s15 =	simm.s32 $0xA00  }
0x90: {  	[tilespmem:s15], [sflag:$0x1] =	stream.linear.gather [hbm4b:s17+s2], $0x200, $0x38;
	[tilespmem:$0x1E800] =	vst v63  }
0x91: {  	s23 =	rddreg [dreg:$0xc];
	s29 =	simm.s32 $0xC00  }
0x92: {  	[tilespmem:s29], [sflag:$0x1] =	stream.linear.gather [hbm4b:s22+s2], $0x200, $0x38;
	[tilespmem:$0x1E800] =	vst v63  }
0x93: {  	s24 =	rddreg [dreg:$0xd];
	s17 =	simm.s32 $0xE00  }
0x94: {  	[tilespmem:s17], [sflag:$0x1] =	stream.linear.gather [hbm4b:s23+s2], $0x200, $0x38;
	[tilespmem:$0x1E800] =	vst v63  }
0x95: {  	s25 =	rddreg [dreg:$0xe];
	s26 =	simm.s32 $0x1000  }
0x96: {  	[tilespmem:s26], [sflag:$0x1] =	stream.linear.gather [hbm4b:s24+s2], $0x200, $0x38;
	[tilespmem:$0x1E800] =	vst v63  }
0x97: {  	s21 =	rddreg [dreg:$0x13];
	s22 =	simm.s32 $0x1200  }
0x98: {  	[tilespmem:s22], [sflag:$0x1] =	stream.linear.gather [hbm4b:s25+s2], $0x200, $0x38;
	[tilespmem:$0x1E800] =	vst v63  }
0x99: {  	s0 =	rddreg [dreg:$0xf];
	s25 =	simm.s32 $0x1400  }
0x9a: {  	[tilespmem:s25], [sflag:$0x1] =	stream.linear.gather [hbm4b:s0+s2], $0x200, $0x38;
	[tilespmem:$0x1E800] =	vst v63  }
0x9b: {  	s1 =	rddreg [dreg:$0x10];
	s23 =	simm.s32 $0x1600  }
0x9c: {  	[tilespmem:s23], [sflag:$0x1] =	stream.linear.gather [hbm4b:s1+s2], $0x200, $0x38;
	[tilespmem:$0x1E800] =	vst v63  }
0x9d: {  	s24 =	rddreg [dreg:$0x11];
	s1 =	simm.s32 $0x1800  }
0x9e: {  	[tilespmem:s1], [sflag:$0x1] =	stream.linear.gather [hbm4b:s24+s2], $0x200, $0x38;
	[tilespmem:$0x1E800] =	vst v63  }
0x9f: {  	s20 =	rddreg [dreg:$0x12];
	s24 =	simm.s32 $0x1A00  }
0xa0: {  	[tilespmem:s24], [sflag:$0x1] =	stream.linear.gather [hbm4b:s20+s2], $0x200, $0x38;
	[tilespmem:$0x1E800] =	vst v63  }
0xa1: {  	s20 =	rddreg [dreg:$0x14];
	s24 =	simm.s32 $0x1C00  }
0xa2: {  	[tilespmem:s24], [sflag:$0x1] =	stream.linear.gather [hbm4b:s21+s2], $0x200, $0x38;
	[tilespmem:$0x1E800] =	vst v63  }
0xa3: {  	s21 =	rddreg [dreg:$0x15];
	s24 =	simm.s32 $0x1E00  }
0xa4: {  	[tilespmem:s24], [sflag:$0x1] =	stream.linear.gather [hbm4b:s20+s2], $0x200, $0x38;
	[tilespmem:$0x1E800] =	vst v63  }
0xa5: {  	s20 =	rddreg [dreg:$0x16];
	s24 =	simm.s32 $0x2000  }
0xa6: {  	[tilespmem:s24], [sflag:$0x1] =	stream.linear.gather [hbm4b:s21+s2], $0x200, $0x38;
	[tilespmem:$0x1E800] =	vst v63  }
0xa7: {  	s21 =	rddreg [dreg:$0x17];
	s24 =	simm.s32 $0x2200  }
0xa8: {  	[tilespmem:s24], [sflag:$0x1] =	stream.linear.gather [hbm4b:s20+s2], $0x200, $0x38;
	[tilespmem:$0x1E800] =	vst v63  }
0xa9: {  	s20 =	rddreg [dreg:$0x18];
	s24 =	simm.s32 $0x2400  }
0xaa: {  	[tilespmem:s24], [sflag:$0x1] =	stream.linear.gather [hbm4b:s21+s2], $0x200, $0x38;
	[tilespmem:$0x1E800] =	vst v63  }
0xab: {  	s21 =	rddreg [dreg:$0x19];
	s24 =	simm.s32 $0x2600  }
0xac: {  	[tilespmem:s24], [sflag:$0x1] =	stream.linear.gather [hbm4b:s20+s2], $0x200, $0x38;
	[tilespmem:$0x1E800] =	vst v63  }
0xad: {  	s20 =	rddreg [dreg:$0x1a];
	s24 =	simm.s32 $0x2800  }
0xae: {  	[tilespmem:s24], [sflag:$0x1] =	stream.linear.gather [hbm4b:s21+s2], $0x200, $0x38;
	[tilespmem:$0x1E800] =	vst v63  }
0xaf: {  	s21 =	rddreg [dreg:$0x1b];
	s24 =	simm.s32 $0x2A00  }
0xb0: {  	[tilespmem:s24], [sflag:$0x1] =	stream.linear.gather [hbm4b:s20+s2], $0x200, $0x38;
	[tilespmem:$0x1E800] =	vst v63  }
0xb1: {  	s20 =	rddreg [dreg:$0x1c];
	s24 =	simm.s32 $0x2C00  }
0xb2: {  	[tilespmem:s24], [sflag:$0x1] =	stream.linear.gather [hbm4b:s21+s2], $0x200, $0x38;
	[tilespmem:$0x1E800] =	vst v63  }
0xb3: {  	s21 =	rddreg [dreg:$0x1d];
	s24 =	simm.s32 $0x2E00  }
0xb4: {  	[tilespmem:s24], [sflag:$0x1] =	stream.linear.gather [hbm4b:s20+s2], $0x200, $0x38;
	[tilespmem:$0x1E800] =	vst v63  }
0xb5: {  	s20 =	rddreg [dreg:$0x1e];
	s24 =	simm.s32 $0x3000  }
0xb6: {  	[tilespmem:s24], [sflag:$0x1] =	stream.linear.gather [hbm4b:s21+s2], $0x200, $0x38;
	[tilespmem:$0x1E800] =	vst v63  }
0xb7: {  	s21 =	rddreg [dreg:$0x1f];
	s24 =	simm.s32 $0x3200  }
0xb8: {  	[tilespmem:s24], [sflag:$0x1] =	stream.linear.gather [hbm4b:s20+s2], $0x200, $0x38;
	[tilespmem:$0x1E800] =	vst v63  }
0xb9: {  	s20 =	sld [smem:$0x7B0];
	s24 =	simm.s32 $0x3400  }
0xba: {  	[tilespmem:s24], [sflag:$0x1] =	stream.linear.gather [hbm4b:s21+s2], $0x200, $0x38;
	[tilespmem:$0x1E800] =	vst v63  }
0xbb: {  	s21 =	sld [smem:$0x7B1];
	s24 =	simm.s32 $0x3600  }
0xbc: {  	[tilespmem:s24], [sflag:$0x1] =	stream.linear.gather [hbm4b:s20+s2], $0x200, $0x38;
	[tilespmem:$0x1E800] =	vst v63  }
0xbd: {  	s20 =	sld [smem:$0x7B2];
	s24 =	simm.s32 $0x3800  }
0xbe: {  	[tilespmem:s24], [sflag:$0x1] =	stream.linear.gather [hbm4b:s21+s2], $0x200, $0x38;
	[tilespmem:$0x1E800] =	vst v63  }
0xbf: {  	s21 =	sld [smem:$0x7B3];
	s24 =	simm.s32 $0x3A00  }
0xc0: {  	[tilespmem:s24], [sflag:$0x1] =	stream.linear.gather [hbm4b:s20+s2], $0x200, $0x38;
	[tilespmem:$0x1E800] =	vst v63  }
0xc1: {  	s20 =	sld [smem:$0x7B4];
	s24 =	simm.s32 $0x3C00  }
0xc2: {  	[tilespmem:s24], [sflag:$0x1] =	stream.linear.gather [hbm4b:s21+s2], $0x200, $0x38;
	[tilespmem:$0x1E800] =	vst v63  }
0xc3: {  	s21 =	sld [smem:$0x7B5];
	s24 =	simm.s32 $0x3E00  }
0xc4: {  	[tilespmem:s24], [sflag:$0x1] =	stream.linear.gather [hbm4b:s20+s2], $0x200, $0x38;
	[tilespmem:$0x1E800] =	vst v63  }
0xc5: {  	s20 =	sld [smem:$0x7B6];
	s24 =	simm.s32 $0x4000  }
0xc6: {  	[tilespmem:s24], [sflag:$0x1] =	stream.linear.gather [hbm4b:s21+s2], $0x200, $0x38;
	[tilespmem:$0x1E800] =	vst v63  }
0xc7: {  	s21 =	sld [smem:$0x7B7];
	s24 =	simm.s32 $0x4200  }
0xc8: {  	[tilespmem:s24], [sflag:$0x1] =	stream.linear.gather [hbm4b:s20+s2], $0x200, $0x38;
	[tilespmem:$0x1E800] =	vst v63  }
0xc9: {  	s20 =	sld [smem:$0x7B8];
	s24 =	simm.s32 $0x4400  }
0xca: {  	[tilespmem:s24], [sflag:$0x1] =	stream.linear.gather [hbm4b:s21+s2], $0x200, $0x38;
	[tilespmem:$0x1E800] =	vst v63  }
0xcb: {  	s21 =	sld [smem:$0x7B9];
	s24 =	simm.s32 $0x4600  }
0xcc: {  	[tilespmem:s24], [sflag:$0x1] =	stream.linear.gather [hbm4b:s20+s2], $0x200, $0x38;
	[tilespmem:$0x1E800] =	vst v63  }
0xcd: {  	s20 =	sld [smem:$0x7BA];
	s24 =	simm.s32 $0x4800  }
0xce: {  	[tilespmem:s24], [sflag:$0x1] =	stream.linear.gather [hbm4b:s21+s2], $0x200, $0x38;
	[tilespmem:$0x1E800] =	vst v63  }
0xcf: {  	s21 =	sld [smem:$0x7BB];
	s24 =	simm.s32 $0x4A00  }
0xd0: {  	[tilespmem:s24], [sflag:$0x1] =	stream.linear.gather [hbm4b:s20+s2], $0x200, $0x38;
	[tilespmem:$0x1E800] =	vst v63  }
0xd1: {  	s20 =	sld [smem:$0x7BC];
	s24 =	simm.s32 $0x4C00  }
0xd2: {  	[tilespmem:s24], [sflag:$0x1] =	stream.linear.gather [hbm4b:s21+s2], $0x200, $0x38;
	[tilespmem:$0x1E800] =	vst v63  }
0xd3: {  	s21 =	sld [smem:$0x7BD];
	s24 =	simm.s32 $0x4E00  }
0xd4: {  	[tilespmem:s24], [sflag:$0x1] =	stream.linear.gather [hbm4b:s20+s2], $0x200, $0x38;
	[tilespmem:$0x1E800] =	vst v63  }
0xd5: {  	s20 =	sld [smem:$0x7BE];
	s24 =	simm.s32 $0x5000  }
0xd6: {  	[tilespmem:s24], [sflag:$0x1] =	stream.linear.gather [hbm4b:s21+s2], $0x200, $0x38;
	[tilespmem:$0x1E800] =	vst v63  }
0xd7: {  	s21 =	sld [smem:$0x7BF];
	s24 =	simm.s32 $0x5200  }
0xd8: {  	[tilespmem:s24], [sflag:$0x1] =	stream.linear.gather [hbm4b:s20+s2], $0x200, $0x38;
	[tilespmem:$0x1E800] =	vst v63  }
0xd9: {  	s20 =	simm.s32 $0x5400  }
0xda: {  	[tilespmem:s20], [sflag:$0x1] =	stream.linear.gather [hbm4b:s21+s2], $0x200, $0x38;
	[tilespmem:$0x1E800] =	vst v63  }
0xdb: {  	_ =	swait.ge [sflag:s19], $0x200  }
0xdc: {  	[sflag:s19] =	ssyncset.done $0x0  }
0xdd: {  	[sflag:s19] =	ssyncadd.s32 $0xFFFFFE00  }
0xde: {  	_ =	swait.ge [sflag:s19], $0x200  }
0xdf: {  	[sflag:s19] =	ssyncset.done $0x0  }
0xe0: {  	[sflag:s19] =	ssyncadd.s32 $0xFFFFFE00  }
0xe1: {  	_ =	swait.ge [sflag:s19], $0x200  }
0xe2: {  	[sflag:s19] =	ssyncset.done $0x0  }
0xe3: {  	[sflag:s19] =	ssyncadd.s32 $0xFFFFFE00  }
0xe4: {  	_ =	swait.ge [sflag:s19], $0x200  }
0xe5: {  	[sflag:s19] =	ssyncset.done $0x0  }
0xe6: {  	[sflag:s19] =	ssyncadd.s32 $0xFFFFFE00  }
0xe7: {  	_ =	swait.ge [sflag:s19], $0x200  }
0xe8: {  	[sflag:s19] =	ssyncset.done $0x0  }
0xe9: {  	[sflag:s19] =	ssyncadd.s32 $0xFFFFFE00  }
0xea: {  	_ =	swait.ge [sflag:s19], $0x200  }
0xeb: {  	[sflag:s19] =	ssyncset.done $0x0  }
0xec: {  	[sflag:s19] =	ssyncadd.s32 $0xFFFFFE00  }
0xed: {  	_ =	swait.ge [sflag:s19], $0x200  }
0xee: {  	[sflag:s19] =	ssyncset.done $0x0  }
0xef: {  	[sflag:s19] =	ssyncadd.s32 $0xFFFFFE00  }
0xf0: {  	_ =	swait.ge [sflag:s19], $0x200  }
0xf1: {  	[sflag:s19] =	ssyncset.done $0x0  }
0xf2: {  	[sflag:s19] =	ssyncadd.s32 $0xFFFFFE00  }
0xf3: {  	_ =	swait.ge [sflag:s19], $0x200  }
0xf4: {  	[sflag:s19] =	ssyncset.done $0x0  }
0xf5: {  	[sflag:s19] =	ssyncadd.s32 $0xFFFFFE00  }
0xf6: {  	_ =	swait.ge [sflag:s19], $0x200  }
0xf7: {  	[sflag:s19] =	ssyncset.done $0x0  }
0xf8: {  	[sflag:s19] =	ssyncadd.s32 $0xFFFFFE00  }
0xf9: {  	_ =	swait.ge [sflag:s19], $0x200  }
0xfa: {  	[sflag:s19] =	ssyncset.done $0x0  }
0xfb: {  	[sflag:s19] =	ssyncadd.s32 $0xFFFFFE00  }
0xfc: {  	_ =	swait.ge [sflag:s19], $0x200  }
0xfd: {  	[sflag:s19] =	ssyncset.done $0x0  }
0xfe: {  	[sflag:s19] =	ssyncadd.s32 $0xFFFFFE00  }
0xff: {  	_ =	swait.ge [sflag:s19], $0x200  }
0x100: {  	[sflag:s19] =	ssyncset.done $0x0  }
0x101: {  	[sflag:s19] =	ssyncadd.s32 $0xFFFFFE00  }
0x102: {  	_ =	swait.ge [sflag:s19], $0x200  }
0x103: {  	[sflag:s19] =	ssyncset.done $0x0  }
0x104: {  	[sflag:s19] =	ssyncadd.s32 $0xFFFFFE00  }
0x105: {  	_ =	swait.ge [sflag:s19], $0x200  }
0x106: {  	[sflag:s19] =	ssyncset.done $0x0  }
0x107: {  	[sflag:s19] =	ssyncadd.s32 $0xFFFFFE00  }
0x108: {  	_ =	swait.ge [sflag:s19], $0x200  }
0x109: {  	[sflag:s19] =	ssyncset.done $0x0  }
0x10a: {  	[sflag:s19] =	ssyncadd.s32 $0xFFFFFE00  }
0x10b: {  	_ =	swait.ge [sflag:s19], $0x200  }
0x10c: {  	[sflag:s19] =	ssyncset.done $0x0  }
0x10d: {  	[sflag:s19] =	ssyncadd.s32 $0xFFFFFE00  }
0x10e: {  	_ =	swait.ge [sflag:s19], $0x200  }
0x10f: {  	[sflag:s19] =	ssyncset.done $0x0  }
0x110: {  	[sflag:s19] =	ssyncadd.s32 $0xFFFFFE00  }
0x111: {  	_ =	swait.ge [sflag:s19], $0x200  }
0x112: {  	[sflag:s19] =	ssyncset.done $0x0  }
0x113: {  	[sflag:s19] =	ssyncadd.s32 $0xFFFFFE00  }
0x114: {  	_ =	swait.ge [sflag:s19], $0x200  }
0x115: {  	[sflag:s19] =	ssyncset.done $0x0  }
0x116: {  	[sflag:s19] =	ssyncadd.s32 $0xFFFFFE00  }
0x117: {  	_ =	swait.ge [sflag:s19], $0x200  }
0x118: {  	[sflag:s19] =	ssyncset.done $0x0  }
0x119: {  	[sflag:s19] =	ssyncadd.s32 $0xFFFFFE00  }
0x11a: {  	_ =	swait.ge [sflag:s19], $0x200  }
0x11b: {  	[sflag:s19] =	ssyncset.done $0x0  }
0x11c: {  	[sflag:s19] =	ssyncadd.s32 $0xFFFFFE00  }
0x11d: {  	_ =	swait.ge [sflag:s19], $0x200  }
0x11e: {  	[sflag:s19] =	ssyncset.done $0x0  }
0x11f: {  	[sflag:s19] =	ssyncadd.s32 $0xFFFFFE00  }
0x120: {  	_ =	swait.ge [sflag:s19], $0x200  }
0x121: {  	[sflag:s19] =	ssyncset.done $0x0  }
0x122: {  	[sflag:s19] =	ssyncadd.s32 $0xFFFFFE00  }
0x123: {  	_ =	swait.ge [sflag:s19], $0x200  }
0x124: {  	[sflag:s19] =	ssyncset.done $0x0  }
0x125: {  	[sflag:s19] =	ssyncadd.s32 $0xFFFFFE00  }
0x126: {  	_ =	swait.ge [sflag:s19], $0x200  }
0x127: {  	[sflag:s19] =	ssyncset.done $0x0  }
0x128: {  	[sflag:s19] =	ssyncadd.s32 $0xFFFFFE00  }
0x129: {  	_ =	swait.ge [sflag:s19], $0x200  }
0x12a: {  	[sflag:s19] =	ssyncset.done $0x0  }
0x12b: {  	[sflag:s19] =	ssyncadd.s32 $0xFFFFFE00  }
0x12c: {  	_ =	swait.ge [sflag:s19], $0x200  }
0x12d: {  	[sflag:s19] =	ssyncset.done $0x0  }
0x12e: {  	[sflag:s19] =	ssyncadd.s32 $0xFFFFFE00  }
0x12f: {  	_ =	swait.ge [sflag:s19], $0x200  }
0x130: {  	[sflag:s19] =	ssyncset.done $0x0  }
0x131: {  	[sflag:s19] =	ssyncadd.s32 $0xFFFFFE00  }
0x132: {  	_ =	swait.ge [sflag:s19], $0x200  }
0x133: {  	[sflag:s19] =	ssyncset.done $0x0  }
0x134: {  	[sflag:s19] =	ssyncadd.s32 $0xFFFFFE00  }
0x135: {  	_ =	swait.ge [sflag:s19], $0x200  }
0x136: {  	[sflag:s19] =	ssyncset.done $0x0  }
0x137: {  	[sflag:s19] =	ssyncadd.s32 $0xFFFFFE00  }
0x138: {  	_ =	swait.ge [sflag:s19], $0x200  }
0x139: {  	[sflag:s19] =	ssyncset.done $0x0  }
0x13a: {  	[sflag:s19] =	ssyncadd.s32 $0xFFFFFE00  }
0x13b: {  	_ =	swait.ge [sflag:s19], $0x200  }
0x13c: {  	[sflag:s19] =	ssyncset.done $0x0  }
0x13d: {  	[sflag:s19] =	ssyncadd.s32 $0xFFFFFE00  }
0x13e: {  	_ =	swait.ge [sflag:s19], $0x200  }
0x13f: {  	[sflag:s19] =	ssyncset.done $0x0  }
0x140: {  	[sflag:s19] =	ssyncadd.s32 $0xFFFFFE00  }
0x141: {  	_ =	swait.ge [sflag:s19], $0x200  }
0x142: {  	[sflag:s19] =	ssyncset.done $0x0  }
0x143: {  	[sflag:s19] =	ssyncadd.s32 $0xFFFFFE00  }
0x144: {  	_ =	swait.ge [sflag:s19], $0x200  }
0x145: {  	[sflag:s19] =	ssyncset.done $0x0  }
0x146: {  	[sflag:s19] =	ssyncadd.s32 $0xFFFFFE00  }
0x147: {  	_ =	swait.ge [sflag:s19], $0x200  }
0x148: {  	[sflag:s19] =	ssyncset.done $0x0  }
0x149: {  	[sflag:s19] =	ssyncadd.s32 $0xFFFFFE00  }
0x14a: {  	_ =	swait.ge [sflag:s19], $0x200  }
0x14b: {  	[sflag:s19] =	ssyncset.done $0x0  }
0x14c: {  	[sflag:s19] =	ssyncadd.s32 $0xFFFFFE00  }
0x14d: {  	_ =	swait.ge [sflag:s19], $0x200  }
0x14e: {  	[sflag:s19] =	ssyncset.done $0x0  }
0x14f: {  	[sflag:s19] =	ssyncadd.s32 $0xFFFFFE00  }
0x150: {  	_ =	swait.ge [sflag:s19], $0x200  }
0x151: {  	[sflag:s19] =	ssyncset.done $0x0  }
0x152: {  	[sflag:s19] =	ssyncadd.s32 $0xFFFFFE00  }
0x153: {  	_ =	swait.ge [sflag:s19], $0x200  }
0x154: {  	[sflag:s19] =	ssyncset.done $0x0  }
0x155: {  	[sflag:s19] =	ssyncadd.s32 $0xFFFFFE00  }
0x156: {  	_ =	swait.ge [sflag:s19], $0x200  }
0x157: {  	[sflag:s19] =	ssyncset.done $0x0  }
0x158: {  	[sflag:s19] =	ssyncadd.s32 $0xFFFFFE00  }
0x159: {  	_ =	swait.ge [sflag:s19], $0x200  }
0x15a: {  	s21 =	sld [smem:$0x7C0]  }
0x15b: {  	[sflag:s19] =	ssyncset.done $0x0  }
0x15c: {  	s1 =	simm.s32 $0x5600;
	[sflag:s19] =	ssyncadd.s32 $0xFFFFFE00  }
0x15d: {  	[tilespmem:s1], [sflag:$0x6] =	stream.linear.gather [hbm4b:s21+s2], $0x40, $0x38;
	[tilespmem:$0x1E800] =	vst v63  }
0x15e: {  	_ =	swait.ge [sflag:s13], $0x40  }
0x15f: {  	[sflag:s13] =	ssyncset.done $0x0  }
0x160: {  	s0 =	simm.s32 $0x1D800;
	s21 =	simm.s32 $0x40;
	[sflag:s13] =	ssyncadd.s32 $0xFFFFFFC0  }
0x161: {  	[tilespmem:s0], [sflag:$0x2] =	stream.indirect.gather [hbm4b:s11+s21], $0x40, s1, s21, $0xb8;
	[tilespmem:$0x1E800] =	vst v63  }
0x162: {  	_ =	swait.ge [sflag:s8], $0x1000  }
0x163: {  	s20 =	sld [smem:$0x7C1]  }
0x164: {  	[sflag:s8] =	ssyncset.done $0x0  }
0x165: {  	[sflag:s8] =	ssyncadd.s32 $0xFFFFF000  }
0x166: {  	[hbm4b:s20+s2] =	stream.linear.scatter [tilespmem:s0], [sflag:$0x6], $0x1000, $0x38;
	[tilespmem:$0x1E800] =	vst v63  }
0x167: {  	_ =	swait.ge [sflag:s13], $0x1000  }
0x168: {  	[sflag:s13] =	ssyncset.done $0x0  }
0x169: {  	[sflag:s13] =	ssyncadd.s32 $0xFFFFF000  }
0x16a: {  	[tilespmem:s0], [sflag:$0x2] =	stream.indirect.gather [hbm4b:s16+s21], $0x40, s1, s21, $0xb8;
	[tilespmem:$0x1E800] =	vst v63  }
0x16b: {  	_ =	swait.ge [sflag:s8], $0x1000  }
0x16c: {  	s1 =	sld [smem:$0x7C2]  }
0x16d: {  	[sflag:s8] =	ssyncset.done $0x0  }
0x16e: {  	[sflag:s8] =	ssyncadd.s32 $0xFFFFF000  }
0x16f: {  	[hbm4b:s1+s2] =	stream.linear.scatter [tilespmem:s0], [sflag:$0x6], $0x1000, $0x38;
	[tilespmem:$0x1E800] =	vst v63  }
0x170: {  	_ =	swait.ge [sflag:s13], $0x1000  }
0x171: {  	[sflag:s13] =	ssyncset.done $0x0  }
0x172: {  	[smem:$0x7AE] =	sst s11;
	[sflag:s13] =	ssyncadd.s32 $0xFFFFF000  }
0x173: {  	[tilespmem:s12], [sflag:$0x2] =	stream.indirect.gather [hbm4b:s11+s4], $0x40, s2, s4, $0xb8;
	[tilespmem:$0x1E800] =	vst v63  }
0x174: {  	_ =	swait.ge [sflag:s8], $0x8000  }
0x175: {  	s11 =	sld [smem:$0x7C3]  }
0x176: {  	[sflag:s8] =	ssyncset.done $0x0  }
0x177: {  	[sflag:s8] =	ssyncadd.s32 $0xFFFF8000  }
0x178: {  	[hbm4b:s11+s2] =	stream.linear.scatter [tilespmem:s12], [sflag:$0x3], $0x8000, $0x38;
	[tilespmem:$0x1E800] =	vst v63  }
0x179: {  	[smem:$0x7AF] =	sst s16  }
0x17a: {  	[tilespmem:s10], [sflag:$0x2] =	stream.indirect.gather [hbm4b:s16+s4], $0x40, s2, s4, $0xb8;
	[tilespmem:$0x1E800] =	vst v63  }
0x17b: {  	_ =	swait.ge [sflag:s8], $0x8000  }
0x17c: {  	s21 =	sld [smem:$0x7C4]  }
0x17d: {  	[sflag:s8] =	ssyncset.done $0x0  }
0x17e: {  	[sflag:s8] =	ssyncadd.s32 $0xFFFF8000  }
0x17f: {  	[hbm4b:s21+s2] =	stream.linear.scatter [tilespmem:s10], [sflag:$0x4], $0x8000, $0x38;
	[tilespmem:$0x1E800] =	vst v63  }
0x180: {  	_ = 	snop  }
0x181: {  	[tilespmem:s14], [sflag:$0x2] =	stream.indirect.gather [hbm4b:s28+s4], $0x40, s4, s4, $0xb8;
	[tilespmem:$0x1E800] =	vst v63  }
0x182: {  	_ =	swait.ge [sflag:s8], $0x8000  }
0x183: {  	s0 =	sld [smem:$0x7C5]  }
0x184: {  	[sflag:s8] =	ssyncset.done $0x0  }
0x185: {  	[sflag:s8] =	ssyncadd.s32 $0xFFFF8000  }
0x186: {  	[hbm4b:s0+s2] =	stream.linear.scatter [tilespmem:s14], [sflag:$0x5], $0x8000, $0x38;
	[tilespmem:$0x1E800] =	vst v63  }
0x187: {  	_ =	swait.ge [sflag:s9], $0x8000  }
0x188: {  	[sflag:s9] =	ssyncset.done $0x0  }
0x189: {  	[sflag:s9] =	ssyncadd.s32 $0xFFFF8000  }
0x18a: {  	[tilespmem:s12], [sflag:$0x2] =	stream.indirect.gather [hbm4b:s3+s4], $0x40, s31, s4, $0xb8;
	[tilespmem:$0x1E800] =	vst v63  }
0x18b: {  	_ =	swait.ge [sflag:s8], $0x8000  }
0x18c: {  	s1 =	sld [smem:$0x7C6]  }
0x18d: {  	[sflag:s8] =	ssyncset.done $0x0  }
0x18e: {  	[sflag:s8] =	ssyncadd.s32 $0xFFFF8000  }
0x18f: {  	[hbm4b:s1+s2] =	stream.linear.scatter [tilespmem:s12], [sflag:$0x3], $0x8000, $0x38;
	[tilespmem:$0x1E800] =	vst v63  }
0x190: {  	_ =	swait.ge [sflag:s7], $0x8000  }
0x191: {  	[sflag:s7] =	ssyncset.done $0x0  }
0x192: {  	[sflag:s7] =	ssyncadd.s32 $0xFFFF8000  }
0x193: {  	[tilespmem:s10], [sflag:$0x2] =	stream.indirect.gather [hbm4b:s28+s4], $0x40, s6, s4, $0xb8;
	[tilespmem:$0x1E800] =	vst v63  }
0x194: {  	_ =	swait.ge [sflag:s8], $0x8000  }
0x195: {  	s11 =	sld [smem:$0x7C8]  }
0x196: {  	[sflag:s8] =	ssyncset.done $0x0  }
0x197: {  	[sflag:s8] =	ssyncadd.s32 $0xFFFF8000  }
0x198: {  	[hbm4b:s11+s2] =	stream.linear.scatter [tilespmem:s10], [sflag:$0x4], $0x8000, $0x38;
	[tilespmem:$0x1E800] =	vst v63  }
0x199: {  	_ =	swait.ge [sflag:s5], $0x8000  }
0x19a: {  	[sflag:s5] =	ssyncset.done $0x0  }
0x19b: {  	[sflag:s5] =	ssyncadd.s32 $0xFFFF8000  }
0x19c: {  	[tilespmem:s14], [sflag:$0x2] =	stream.indirect.gather [hbm4b:s28+s4], $0x40, s30, s4, $0xb8;
	[tilespmem:$0x1E800] =	vst v63  }
0x19d: {  	_ =	swait.ge [sflag:s8], $0x8000  }
0x19e: {  	s16 =	sld [smem:$0x7CA]  }
0x19f: {  	[sflag:s8] =	ssyncset.done $0x0  }
0x1a0: {  	[sflag:s8] =	ssyncadd.s32 $0xFFFF8000  }
0x1a1: {  	[hbm4b:s16+s2] =	stream.linear.scatter [tilespmem:s14], [sflag:$0x5], $0x8000, $0x38;
	[tilespmem:$0x1E800] =	vst v63  }
0x1a2: {  	_ =	swait.ge [sflag:s9], $0x8000  }
0x1a3: {  	[sflag:s9] =	ssyncset.done $0x0  }
0x1a4: {  	[sflag:s9] =	ssyncadd.s32 $0xFFFF8000  }
0x1a5: {  	[tilespmem:s12], [sflag:$0x2] =	stream.indirect.gather [hbm4b:s28+s4], $0x40, s15, s4, $0xb8;
	[tilespmem:$0x1E800] =	vst v63  }
0x1a6: {  	_ =	swait.ge [sflag:s8], $0x8000  }
0x1a7: {  	s21 =	sld [smem:$0x7CC]  }
0x1a8: {  	[sflag:s8] =	ssyncset.done $0x0  }
0x1a9: {  	[sflag:s8] =	ssyncadd.s32 $0xFFFF8000  }
0x1aa: {  	[hbm4b:s21+s2] =	stream.linear.scatter [tilespmem:s12], [sflag:$0x3], $0x8000, $0x38;
	[tilespmem:$0x1E800] =	vst v63  }
0x1ab: {  	_ =	swait.ge [sflag:s7], $0x8000  }
0x1ac: {  	[sflag:s7] =	ssyncset.done $0x0  }
0x1ad: {  	[sflag:s7] =	ssyncadd.s32 $0xFFFF8000  }
0x1ae: {  	[tilespmem:s10], [sflag:$0x2] =	stream.indirect.gather [hbm4b:s28+s4], $0x40, s29, s4, $0xb8;
	[tilespmem:$0x1E800] =	vst v63  }
0x1af: {  	_ =	swait.ge [sflag:s8], $0x8000  }
0x1b0: {  	s29 =	sld [smem:$0x7CE]  }
0x1b1: {  	[sflag:s8] =	ssyncset.done $0x0  }
0x1b2: {  	[sflag:s8] =	ssyncadd.s32 $0xFFFF8000  }
0x1b3: {  	[hbm4b:s29+s2] =	stream.linear.scatter [tilespmem:s10], [sflag:$0x4], $0x8000, $0x38;
	[tilespmem:$0x1E800] =	vst v63  }
0x1b4: {  	_ =	swait.ge [sflag:s5], $0x8000  }
0x1b5: {  	[sflag:s5] =	ssyncset.done $0x0  }
0x1b6: {  	[sflag:s5] =	ssyncadd.s32 $0xFFFF8000  }
0x1b7: {  	[tilespmem:s14], [sflag:$0x2] =	stream.indirect.gather [hbm4b:s28+s4], $0x40, s17, s4, $0xb8;
	[tilespmem:$0x1E800] =	vst v63  }
0x1b8: {  	_ =	swait.ge [sflag:s8], $0x8000  }
0x1b9: {  	s30 =	sld [smem:$0x7D0]  }
0x1ba: {  	[sflag:s8] =	ssyncset.done $0x0  }
0x1bb: {  	[sflag:s8] =	ssyncadd.s32 $0xFFFF8000  }
0x1bc: {  	[hbm4b:s30+s2] =	stream.linear.scatter [tilespmem:s14], [sflag:$0x5], $0x8000, $0x38;
	[tilespmem:$0x1E800] =	vst v63  }
0x1bd: {  	_ =	swait.ge [sflag:s9], $0x8000  }
0x1be: {  	[sflag:s9] =	ssyncset.done $0x0  }
0x1bf: {  	[sflag:s9] =	ssyncadd.s32 $0xFFFF8000  }
0x1c0: {  	[tilespmem:s12], [sflag:$0x2] =	stream.indirect.gather [hbm4b:s28+s4], $0x40, s26, s4, $0xb8;
	[tilespmem:$0x1E800] =	vst v63  }
0x1c1: {  	_ =	swait.ge [sflag:s8], $0x8000  }
0x1c2: {  	s31 =	sld [smem:$0x7D2]  }
0x1c3: {  	[sflag:s8] =	ssyncset.done $0x0  }
0x1c4: {  	[sflag:s8] =	ssyncadd.s32 $0xFFFF8000  }
0x1c5: {  	[hbm4b:s31+s2] =	stream.linear.scatter [tilespmem:s12], [sflag:$0x3], $0x8000, $0x38;
	[tilespmem:$0x1E800] =	vst v63  }
0x1c6: {  	_ =	swait.ge [sflag:s7], $0x8000  }
0x1c7: {  	[sflag:s7] =	ssyncset.done $0x0  }
0x1c8: {  	[sflag:s7] =	ssyncadd.s32 $0xFFFF8000  }
0x1c9: {  	[tilespmem:s10], [sflag:$0x2] =	stream.indirect.gather [hbm4b:s28+s4], $0x40, s22, s4, $0xb8;
	[tilespmem:$0x1E800] =	vst v63  }
0x1ca: {  	_ =	swait.ge [sflag:s8], $0x8000  }
0x1cb: {  	s0 =	sld [smem:$0x7D4]  }
0x1cc: {  	[sflag:s8] =	ssyncset.done $0x0  }
0x1cd: {  	[sflag:s8] =	ssyncadd.s32 $0xFFFF8000  }
0x1ce: {  	[hbm4b:s0+s2] =	stream.linear.scatter [tilespmem:s10], [sflag:$0x4], $0x8000, $0x38;
	[tilespmem:$0x1E800] =	vst v63  }
0x1cf: {  	_ =	swait.ge [sflag:s5], $0x8000  }
0x1d0: {  	[sflag:s5] =	ssyncset.done $0x0  }
0x1d1: {  	[sflag:s5] =	ssyncadd.s32 $0xFFFF8000  }
0x1d2: {  	[tilespmem:s14], [sflag:$0x2] =	stream.indirect.gather [hbm4b:s28+s4], $0x40, s25, s4, $0xb8;
	[tilespmem:$0x1E800] =	vst v63  }
0x1d3: {  	_ =	swait.ge [sflag:s8], $0x8000  }
0x1d4: {  	s1 =	sld [smem:$0x7D6]  }
0x1d5: {  	[sflag:s8] =	ssyncset.done $0x0  }
0x1d6: {  	[sflag:s8] =	ssyncadd.s32 $0xFFFF8000  }
0x1d7: {  	[hbm4b:s1+s2] =	stream.linear.scatter [tilespmem:s14], [sflag:$0x5], $0x8000, $0x38;
	[tilespmem:$0x1E800] =	vst v63  }
0x1d8: {  	_ =	swait.ge [sflag:s9], $0x8000  }
0x1d9: {  	[sflag:s9] =	ssyncset.done $0x0  }
0x1da: {  	[sflag:s9] =	ssyncadd.s32 $0xFFFF8000  }
0x1db: {  	[tilespmem:s12], [sflag:$0x2] =	stream.indirect.gather [hbm4b:s28+s4], $0x40, s23, s4, $0xb8;
	[tilespmem:$0x1E800] =	vst v63  }
0x1dc: {  	_ =	swait.ge [sflag:s8], $0x8000  }
0x1dd: {  	s6 =	sld [smem:$0x7D8]  }
0x1de: {  	[sflag:s8] =	ssyncset.done $0x0  }
0x1df: {  	[sflag:s8] =	ssyncadd.s32 $0xFFFF8000  }
0x1e0: {  	[hbm4b:s6+s2] =	stream.linear.scatter [tilespmem:s12], [sflag:$0x3], $0x8000, $0x38;
	[tilespmem:$0x1E800] =	vst v63  }
0x1e1: {  	_ =	swait.ge [sflag:s7], $0x8000  }
0x1e2: {  	[sflag:s7] =	ssyncset.done $0x0  }
0x1e3: {  	s11 =	simm.s32 $0x1800;
	[sflag:s7] =	ssyncadd.s32 $0xFFFF8000  }
0x1e4: {  	[tilespmem:s10], [sflag:$0x2] =	stream.indirect.gather [hbm4b:s28+s4], $0x40, s11, s4, $0xb8;
	[tilespmem:$0x1E800] =	vst v63  }
0x1e5: {  	_ =	swait.ge [sflag:s8], $0x8000  }
0x1e6: {  	s15 =	sld [smem:$0x7DA]  }
0x1e7: {  	[sflag:s8] =	ssyncset.done $0x0  }
0x1e8: {  	[sflag:s8] =	ssyncadd.s32 $0xFFFF8000  }
0x1e9: {  	[hbm4b:s15+s2] =	stream.linear.scatter [tilespmem:s10], [sflag:$0x4], $0x8000, $0x38;
	[tilespmem:$0x1E800] =	vst v63  }
0x1ea: {  	_ =	swait.ge [sflag:s5], $0x8000  }
0x1eb: {  	[sflag:s5] =	ssyncset.done $0x0  }
0x1ec: {  	s16 =	simm.s32 $0x1A00;
	[sflag:s5] =	ssyncadd.s32 $0xFFFF8000  }
0x1ed: {  	[tilespmem:s14], [sflag:$0x2] =	stream.indirect.gather [hbm4b:s28+s4], $0x40, s16, s4, $0xb8;
	[tilespmem:$0x1E800] =	vst v63  }
0x1ee: {  	_ =	swait.ge [sflag:s8], $0x8000  }
0x1ef: {  	s17 =	sld [smem:$0x7DC]  }
0x1f0: {  	[sflag:s8] =	ssyncset.done $0x0  }
0x1f1: {  	[sflag:s8] =	ssyncadd.s32 $0xFFFF8000  }
0x1f2: {  	[hbm4b:s17+s2] =	stream.linear.scatter [tilespmem:s14], [sflag:$0x5], $0x8000, $0x38;
	[tilespmem:$0x1E800] =	vst v63  }
0x1f3: {  	_ =	swait.ge [sflag:s9], $0x8000  }
0x1f4: {  	[sflag:s9] =	ssyncset.done $0x0  }
0x1f5: {  	s20 =	simm.s32 $0x1C00;
	[sflag:s9] =	ssyncadd.s32 $0xFFFF8000  }
0x1f6: {  	[tilespmem:s12], [sflag:$0x2] =	stream.indirect.gather [hbm4b:s28+s4], $0x40, s20, s4, $0xb8;
	[tilespmem:$0x1E800] =	vst v63  }
0x1f7: {  	_ =	swait.ge [sflag:s8], $0x8000  }
0x1f8: {  	s21 =	sld [smem:$0x7DE]  }
0x1f9: {  	[sflag:s8] =	ssyncset.done $0x0  }
0x1fa: {  	[sflag:s8] =	ssyncadd.s32 $0xFFFF8000  }
0x1fb: {  	[hbm4b:s21+s2] =	stream.linear.scatter [tilespmem:s12], [sflag:$0x3], $0x8000, $0x38;
	[tilespmem:$0x1E800] =	vst v63  }
0x1fc: {  	_ =	swait.ge [sflag:s7], $0x8000  }
0x1fd: {  	[sflag:s7] =	ssyncset.done $0x0  }
0x1fe: {  	s22 =	simm.s32 $0x1E00;
	[sflag:s7] =	ssyncadd.s32 $0xFFFF8000  }
0x1ff: {  	[tilespmem:s10], [sflag:$0x2] =	stream.indirect.gather [hbm4b:s28+s4], $0x40, s22, s4, $0xb8;
	[tilespmem:$0x1E800] =	vst v63  }
0x200: {  	_ =	swait.ge [sflag:s8], $0x8000  }
0x201: {  	s23 =	sld [smem:$0x7E0]  }
0x202: {  	[sflag:s8] =	ssyncset.done $0x0  }
0x203: {  	[sflag:s8] =	ssyncadd.s32 $0xFFFF8000  }
0x204: {  	[hbm4b:s23+s2] =	stream.linear.scatter [tilespmem:s10], [sflag:$0x4], $0x8000, $0x38;
	[tilespmem:$0x1E800] =	vst v63  }
0x205: {  	_ =	swait.ge [sflag:s5], $0x8000  }
0x206: {  	[sflag:s5] =	ssyncset.done $0x0  }
0x207: {  	s25 =	simm.s32 $0x2000;
	[sflag:s5] =	ssyncadd.s32 $0xFFFF8000  }
0x208: {  	[tilespmem:s14], [sflag:$0x2] =	stream.indirect.gather [hbm4b:s28+s4], $0x40, s25, s4, $0xb8;
	[tilespmem:$0x1E800] =	vst v63  }
0x209: {  	_ =	swait.ge [sflag:s8], $0x8000  }
0x20a: {  	s26 =	sld [smem:$0x7E2]  }
0x20b: {  	[sflag:s8] =	ssyncset.done $0x0  }
0x20c: {  	[sflag:s8] =	ssyncadd.s32 $0xFFFF8000  }
0x20d: {  	[hbm4b:s26+s2] =	stream.linear.scatter [tilespmem:s14], [sflag:$0x5], $0x8000, $0x38;
	[tilespmem:$0x1E800] =	vst v63  }
0x20e: {  	_ =	swait.ge [sflag:s9], $0x8000  }
0x20f: {  	[sflag:s9] =	ssyncset.done $0x0  }
0x210: {  	s29 =	simm.s32 $0x2200;
	[sflag:s9] =	ssyncadd.s32 $0xFFFF8000  }
0x211: {  	[tilespmem:s12], [sflag:$0x2] =	stream.indirect.gather [hbm4b:s28+s4], $0x40, s29, s4, $0xb8;
	[tilespmem:$0x1E800] =	vst v63  }
0x212: {  	_ =	swait.ge [sflag:s8], $0x8000  }
0x213: {  	s30 =	sld [smem:$0x7E3]  }
0x214: {  	[sflag:s8] =	ssyncset.done $0x0  }
0x215: {  	[sflag:s8] =	ssyncadd.s32 $0xFFFF8000  }
0x216: {  	[hbm4b:s30+s2] =	stream.linear.scatter [tilespmem:s12], [sflag:$0x3], $0x8000, $0x38;
	[tilespmem:$0x1E800] =	vst v63  }
0x217: {  	_ =	swait.ge [sflag:s7], $0x8000  }
0x218: {  	[sflag:s7] =	ssyncset.done $0x0  }
0x219: {  	s31 =	simm.s32 $0x2400;
	[sflag:s7] =	ssyncadd.s32 $0xFFFF8000  }
0x21a: {  	[tilespmem:s10], [sflag:$0x2] =	stream.indirect.gather [hbm4b:s28+s4], $0x40, s31, s4, $0xb8;
	[tilespmem:$0x1E800] =	vst v63  }
0x21b: {  	_ =	swait.ge [sflag:s8], $0x8000  }
0x21c: {  	s0 =	sld [smem:$0x7E4]  }
0x21d: {  	[sflag:s8] =	ssyncset.done $0x0  }
0x21e: {  	[sflag:s8] =	ssyncadd.s32 $0xFFFF8000  }
0x21f: {  	[hbm4b:s0+s2] =	stream.linear.scatter [tilespmem:s10], [sflag:$0x4], $0x8000, $0x38;
	[tilespmem:$0x1E800] =	vst v63  }
0x220: {  	_ =	swait.ge [sflag:s5], $0x8000  }
0x221: {  	[sflag:s5] =	ssyncset.done $0x0  }
0x222: {  	s1 =	simm.s32 $0x2600;
	[sflag:s5] =	ssyncadd.s32 $0xFFFF8000  }
0x223: {  	[tilespmem:s14], [sflag:$0x2] =	stream.indirect.gather [hbm4b:s28+s4], $0x40, s1, s4, $0xb8;
	[tilespmem:$0x1E800] =	vst v63  }
0x224: {  	_ =	swait.ge [sflag:s8], $0x8000  }
0x225: {  	s6 =	sld [smem:$0x7E5]  }
0x226: {  	[sflag:s8] =	ssyncset.done $0x0  }
0x227: {  	[sflag:s8] =	ssyncadd.s32 $0xFFFF8000  }
0x228: {  	[hbm4b:s6+s2] =	stream.linear.scatter [tilespmem:s14], [sflag:$0x5], $0x8000, $0x38;
	[tilespmem:$0x1E800] =	vst v63  }
0x229: {  	_ =	swait.ge [sflag:s9], $0x8000  }
0x22a: {  	[sflag:s9] =	ssyncset.done $0x0  }
0x22b: {  	s11 =	simm.s32 $0x2800;
	[sflag:s9] =	ssyncadd.s32 $0xFFFF8000  }
0x22c: {  	[tilespmem:s12], [sflag:$0x2] =	stream.indirect.gather [hbm4b:s28+s4], $0x40, s11, s4, $0xb8;
	[tilespmem:$0x1E800] =	vst v63  }
0x22d: {  	_ =	swait.ge [sflag:s8], $0x8000  }
0x22e: {  	s15 =	sld [smem:$0x7E6]  }
0x22f: {  	[sflag:s8] =	ssyncset.done $0x0  }
0x230: {  	[sflag:s8] =	ssyncadd.s32 $0xFFFF8000  }
0x231: {  	[hbm4b:s15+s2] =	stream.linear.scatter [tilespmem:s12], [sflag:$0x3], $0x8000, $0x38;
	[tilespmem:$0x1E800] =	vst v63  }
0x232: {  	_ =	swait.ge [sflag:s7], $0x8000  }
0x233: {  	[sflag:s7] =	ssyncset.done $0x0  }
0x234: {  	s16 =	simm.s32 $0x2A00;
	[sflag:s7] =	ssyncadd.s32 $0xFFFF8000  }
0x235: {  	[tilespmem:s10], [sflag:$0x2] =	stream.indirect.gather [hbm4b:s28+s4], $0x40, s16, s4, $0xb8;
	[tilespmem:$0x1E800] =	vst v63  }
0x236: {  	_ =	swait.ge [sflag:s8], $0x8000  }
0x237: {  	s17 =	sld [smem:$0x7E7]  }
0x238: {  	[sflag:s8] =	ssyncset.done $0x0  }
0x239: {  	[sflag:s8] =	ssyncadd.s32 $0xFFFF8000  }
0x23a: {  	[hbm4b:s17+s2] =	stream.linear.scatter [tilespmem:s10], [sflag:$0x4], $0x8000, $0x38;
	[tilespmem:$0x1E800] =	vst v63  }
0x23b: {  	_ =	swait.ge [sflag:s5], $0x8000  }
0x23c: {  	[sflag:s5] =	ssyncset.done $0x0  }
0x23d: {  	s20 =	simm.s32 $0x2C00;
	[sflag:s5] =	ssyncadd.s32 $0xFFFF8000  }
0x23e: {  	[tilespmem:s14], [sflag:$0x2] =	stream.indirect.gather [hbm4b:s28+s4], $0x40, s20, s4, $0xb8;
	[tilespmem:$0x1E800] =	vst v63  }
0x23f: {  	_ =	swait.ge [sflag:s8], $0x8000  }
0x240: {  	s21 =	sld [smem:$0x7E8]  }
0x241: {  	[sflag:s8] =	ssyncset.done $0x0  }
0x242: {  	[sflag:s8] =	ssyncadd.s32 $0xFFFF8000  }
0x243: {  	[hbm4b:s21+s2] =	stream.linear.scatter [tilespmem:s14], [sflag:$0x5], $0x8000, $0x38;
	[tilespmem:$0x1E800] =	vst v63  }
0x244: {  	_ =	swait.ge [sflag:s9], $0x8000  }
0x245: {  	[sflag:s9] =	ssyncset.done $0x0  }
0x246: {  	s22 =	simm.s32 $0x2E00;
	[sflag:s9] =	ssyncadd.s32 $0xFFFF8000  }
0x247: {  	[tilespmem:s12], [sflag:$0x2] =	stream.indirect.gather [hbm4b:s3+s4], $0x40, s22, s4, $0xb8;
	[tilespmem:$0x1E800] =	vst v63  }
0x248: {  	_ =	swait.ge [sflag:s8], $0x8000  }
0x249: {  	s23 =	sld [smem:$0x7E9]  }
0x24a: {  	[sflag:s8] =	ssyncset.done $0x0  }
0x24b: {  	[sflag:s8] =	ssyncadd.s32 $0xFFFF8000  }
0x24c: {  	[hbm4b:s23+s2] =	stream.linear.scatter [tilespmem:s12], [sflag:$0x3], $0x8000, $0x38;
	[tilespmem:$0x1E800] =	vst v63  }
0x24d: {  	_ =	swait.ge [sflag:s7], $0x8000  }
0x24e: {  	[sflag:s7] =	ssyncset.done $0x0  }
0x24f: {  	s25 =	simm.s32 $0x3000;
	[sflag:s7] =	ssyncadd.s32 $0xFFFF8000  }
0x250: {  	[tilespmem:s10], [sflag:$0x2] =	stream.indirect.gather [hbm4b:s3+s4], $0x40, s25, s4, $0xb8;
	[tilespmem:$0x1E800] =	vst v63  }
0x251: {  	_ =	swait.ge [sflag:s8], $0x8000  }
0x252: {  	s26 =	sld [smem:$0x7EA]  }
0x253: {  	[sflag:s8] =	ssyncset.done $0x0  }
0x254: {  	[sflag:s8] =	ssyncadd.s32 $0xFFFF8000  }
0x255: {  	[hbm4b:s26+s2] =	stream.linear.scatter [tilespmem:s10], [sflag:$0x4], $0x8000, $0x38;
	[tilespmem:$0x1E800] =	vst v63  }
0x256: {  	_ =	swait.ge [sflag:s5], $0x8000  }
0x257: {  	[sflag:s5] =	ssyncset.done $0x0  }
0x258: {  	s29 =	simm.s32 $0x3200;
	[sflag:s5] =	ssyncadd.s32 $0xFFFF8000  }
0x259: {  	[tilespmem:s14], [sflag:$0x2] =	stream.indirect.gather [hbm4b:s3+s4], $0x40, s29, s4, $0xb8;
	[tilespmem:$0x1E800] =	vst v63  }
0x25a: {  	_ =	swait.ge [sflag:s8], $0x8000  }
0x25b: {  	s30 =	sld [smem:$0x7EB]  }
0x25c: {  	[sflag:s8] =	ssyncset.done $0x0  }
0x25d: {  	[sflag:s8] =	ssyncadd.s32 $0xFFFF8000  }
0x25e: {  	[hbm4b:s30+s2] =	stream.linear.scatter [tilespmem:s14], [sflag:$0x5], $0x8000, $0x38;
	[tilespmem:$0x1E800] =	vst v63  }
0x25f: {  	_ =	swait.ge [sflag:s9], $0x8000  }
0x260: {  	[sflag:s9] =	ssyncset.done $0x0  }
0x261: {  	s31 =	simm.s32 $0x3400;
	[sflag:s9] =	ssyncadd.s32 $0xFFFF8000  }
0x262: {  	[tilespmem:s12], [sflag:$0x2] =	stream.indirect.gather [hbm4b:s3+s4], $0x40, s31, s4, $0xb8;
	[tilespmem:$0x1E800] =	vst v63  }
0x263: {  	_ =	swait.ge [sflag:s8], $0x8000  }
0x264: {  	s0 =	sld [smem:$0x7EC]  }
0x265: {  	[sflag:s8] =	ssyncset.done $0x0  }
0x266: {  	[sflag:s8] =	ssyncadd.s32 $0xFFFF8000  }
0x267: {  	[hbm4b:s0+s2] =	stream.linear.scatter [tilespmem:s12], [sflag:$0x3], $0x8000, $0x38;
	[tilespmem:$0x1E800] =	vst v63  }
0x268: {  	_ =	swait.ge [sflag:s7], $0x8000  }
0x269: {  	[sflag:s7] =	ssyncset.done $0x0  }
0x26a: {  	s1 =	simm.s32 $0x3600;
	[sflag:s7] =	ssyncadd.s32 $0xFFFF8000  }
0x26b: {  	[tilespmem:s10], [sflag:$0x2] =	stream.indirect.gather [hbm4b:s3+s4], $0x40, s1, s4, $0xb8;
	[tilespmem:$0x1E800] =	vst v63  }
0x26c: {  	_ =	swait.ge [sflag:s8], $0x8000  }
0x26d: {  	s6 =	sld [smem:$0x7ED]  }
0x26e: {  	[sflag:s8] =	ssyncset.done $0x0  }
0x26f: {  	[sflag:s8] =	ssyncadd.s32 $0xFFFF8000  }
0x270: {  	[hbm4b:s6+s2] =	stream.linear.scatter [tilespmem:s10], [sflag:$0x4], $0x8000, $0x38;
	[tilespmem:$0x1E800] =	vst v63  }
0x271: {  	_ =	swait.ge [sflag:s5], $0x8000  }
0x272: {  	[sflag:s5] =	ssyncset.done $0x0  }
0x273: {  	s11 =	simm.s32 $0x3800;
	[sflag:s5] =	ssyncadd.s32 $0xFFFF8000  }
0x274: {  	[tilespmem:s14], [sflag:$0x2] =	stream.indirect.gather [hbm4b:s3+s4], $0x40, s11, s4, $0xb8;
	[tilespmem:$0x1E800] =	vst v63  }
0x275: {  	_ =	swait.ge [sflag:s8], $0x8000  }
0x276: {  	s15 =	sld [smem:$0x7EE]  }
0x277: {  	[sflag:s8] =	ssyncset.done $0x0  }
0x278: {  	[sflag:s8] =	ssyncadd.s32 $0xFFFF8000  }
0x279: {  	[hbm4b:s15+s2] =	stream.linear.scatter [tilespmem:s14], [sflag:$0x5], $0x8000, $0x38;
	[tilespmem:$0x1E800] =	vst v63  }
0x27a: {  	_ =	swait.ge [sflag:s9], $0x8000  }
0x27b: {  	[sflag:s9] =	ssyncset.done $0x0  }
0x27c: {  	s16 =	simm.s32 $0x3A00;
	[sflag:s9] =	ssyncadd.s32 $0xFFFF8000  }
0x27d: {  	[tilespmem:s12], [sflag:$0x2] =	stream.indirect.gather [hbm4b:s3+s4], $0x40, s16, s4, $0xb8;
	[tilespmem:$0x1E800] =	vst v63  }
0x27e: {  	_ =	swait.ge [sflag:s8], $0x8000  }
0x27f: {  	s17 =	sld [smem:$0x7EF]  }
0x280: {  	[sflag:s8] =	ssyncset.done $0x0  }
0x281: {  	[sflag:s8] =	ssyncadd.s32 $0xFFFF8000  }
0x282: {  	[hbm4b:s17+s2] =	stream.linear.scatter [tilespmem:s12], [sflag:$0x3], $0x8000, $0x38;
	[tilespmem:$0x1E800] =	vst v63  }
0x283: {  	_ =	swait.ge [sflag:s7], $0x8000  }
0x284: {  	[sflag:s7] =	ssyncset.done $0x0  }
0x285: {  	s20 =	simm.s32 $0x3C00;
	[sflag:s7] =	ssyncadd.s32 $0xFFFF8000  }
0x286: {  	[tilespmem:s10], [sflag:$0x2] =	stream.indirect.gather [hbm4b:s3+s4], $0x40, s20, s4, $0xb8;
	[tilespmem:$0x1E800] =	vst v63  }
0x287: {  	_ =	swait.ge [sflag:s8], $0x8000  }
0x288: {  	s21 =	sld [smem:$0x7F0]  }
0x289: {  	[sflag:s8] =	ssyncset.done $0x0  }
0x28a: {  	[sflag:s8] =	ssyncadd.s32 $0xFFFF8000  }
0x28b: {  	[hbm4b:s21+s2] =	stream.linear.scatter [tilespmem:s10], [sflag:$0x4], $0x8000, $0x38;
	[tilespmem:$0x1E800] =	vst v63  }
0x28c: {  	_ =	swait.ge [sflag:s5], $0x8000  }
0x28d: {  	[sflag:s5] =	ssyncset.done $0x0  }
0x28e: {  	s22 =	simm.s32 $0x3E00;
	[sflag:s5] =	ssyncadd.s32 $0xFFFF8000  }
0x28f: {  	[tilespmem:s14], [sflag:$0x2] =	stream.indirect.gather [hbm4b:s3+s4], $0x40, s22, s4, $0xb8;
	[tilespmem:$0x1E800] =	vst v63  }
0x290: {  	_ =	swait.ge [sflag:s8], $0x8000  }
0x291: {  	s23 =	sld [smem:$0x7F1]  }
0x292: {  	[sflag:s8] =	ssyncset.done $0x0  }
0x293: {  	[sflag:s8] =	ssyncadd.s32 $0xFFFF8000  }
0x294: {  	[hbm4b:s23+s2] =	stream.linear.scatter [tilespmem:s14], [sflag:$0x5], $0x8000, $0x38;
	[tilespmem:$0x1E800] =	vst v63  }
0x295: {  	_ =	swait.ge [sflag:s9], $0x8000  }
0x296: {  	[sflag:s9] =	ssyncset.done $0x0  }
0x297: {  	s25 =	simm.s32 $0x4000;
	[sflag:s9] =	ssyncadd.s32 $0xFFFF8000  }
0x298: {  	[tilespmem:s12], [sflag:$0x2] =	stream.indirect.gather [hbm4b:s3+s4], $0x40, s25, s4, $0xb8;
	[tilespmem:$0x1E800] =	vst v63  }
0x299: {  	_ =	swait.ge [sflag:s8], $0x8000  }
0x29a: {  	s26 =	sld [smem:$0x7F2]  }
0x29b: {  	[sflag:s8] =	ssyncset.done $0x0  }
0x29c: {  	[sflag:s8] =	ssyncadd.s32 $0xFFFF8000  }
0x29d: {  	[hbm4b:s26+s2] =	stream.linear.scatter [tilespmem:s12], [sflag:$0x3], $0x8000, $0x38;
	[tilespmem:$0x1E800] =	vst v63  }
0x29e: {  	_ =	swait.ge [sflag:s7], $0x8000  }
0x29f: {  	[sflag:s7] =	ssyncset.done $0x0  }
0x2a0: {  	s29 =	simm.s32 $0x4200;
	[sflag:s7] =	ssyncadd.s32 $0xFFFF8000  }
0x2a1: {  	[tilespmem:s10], [sflag:$0x2] =	stream.indirect.gather [hbm4b:s3+s4], $0x40, s29, s4, $0xb8;
	[tilespmem:$0x1E800] =	vst v63  }
0x2a2: {  	_ =	swait.ge [sflag:s8], $0x8000  }
0x2a3: {  	s30 =	sld [smem:$0x7F3]  }
0x2a4: {  	[sflag:s8] =	ssyncset.done $0x0  }
0x2a5: {  	[sflag:s8] =	ssyncadd.s32 $0xFFFF8000  }
0x2a6: {  	[hbm4b:s30+s2] =	stream.linear.scatter [tilespmem:s10], [sflag:$0x4], $0x8000, $0x38;
	[tilespmem:$0x1E800] =	vst v63  }
0x2a7: {  	_ =	swait.ge [sflag:s5], $0x8000  }
0x2a8: {  	[sflag:s5] =	ssyncset.done $0x0  }
0x2a9: {  	s31 =	simm.s32 $0x4400;
	[sflag:s5] =	ssyncadd.s32 $0xFFFF8000  }
0x2aa: {  	[tilespmem:s14], [sflag:$0x2] =	stream.indirect.gather [hbm4b:s3+s4], $0x40, s31, s4, $0xb8;
	[tilespmem:$0x1E800] =	vst v63  }
0x2ab: {  	_ =	swait.ge [sflag:s8], $0x8000  }
0x2ac: {  	s0 =	sld [smem:$0x7F4]  }
0x2ad: {  	[sflag:s8] =	ssyncset.done $0x0  }
0x2ae: {  	[sflag:s8] =	ssyncadd.s32 $0xFFFF8000  }
0x2af: {  	[hbm4b:s0+s2] =	stream.linear.scatter [tilespmem:s14], [sflag:$0x5], $0x8000, $0x38;
	[tilespmem:$0x1E800] =	vst v63  }
0x2b0: {  	_ =	swait.ge [sflag:s9], $0x8000  }
0x2b1: {  	[sflag:s9] =	ssyncset.done $0x0  }
0x2b2: {  	s1 =	simm.s32 $0x4600;
	[sflag:s9] =	ssyncadd.s32 $0xFFFF8000  }
0x2b3: {  	[tilespmem:s12], [sflag:$0x2] =	stream.indirect.gather [hbm4b:s3+s4], $0x40, s1, s4, $0xb8;
	[tilespmem:$0x1E800] =	vst v63  }
0x2b4: {  	_ =	swait.ge [sflag:s8], $0x8000  }
0x2b5: {  	s6 =	sld [smem:$0x7F5]  }
0x2b6: {  	[sflag:s8] =	ssyncset.done $0x0  }
0x2b7: {  	[sflag:s8] =	ssyncadd.s32 $0xFFFF8000  }
0x2b8: {  	[hbm4b:s6+s2] =	stream.linear.scatter [tilespmem:s12], [sflag:$0x3], $0x8000, $0x38;
	[tilespmem:$0x1E800] =	vst v63  }
0x2b9: {  	_ =	swait.ge [sflag:s7], $0x8000  }
0x2ba: {  	[sflag:s7] =	ssyncset.done $0x0  }
0x2bb: {  	s11 =	simm.s32 $0x4800;
	[sflag:s7] =	ssyncadd.s32 $0xFFFF8000  }
0x2bc: {  	[tilespmem:s10], [sflag:$0x2] =	stream.indirect.gather [hbm4b:s3+s4], $0x40, s11, s4, $0xb8;
	[tilespmem:$0x1E800] =	vst v63  }
0x2bd: {  	_ =	swait.ge [sflag:s8], $0x8000  }
0x2be: {  	s15 =	sld [smem:$0x7F6]  }
0x2bf: {  	[sflag:s8] =	ssyncset.done $0x0  }
0x2c0: {  	[sflag:s8] =	ssyncadd.s32 $0xFFFF8000  }
0x2c1: {  	[hbm4b:s15+s2] =	stream.linear.scatter [tilespmem:s10], [sflag:$0x4], $0x8000, $0x38;
	[tilespmem:$0x1E800] =	vst v63  }
0x2c2: {  	_ =	swait.ge [sflag:s5], $0x8000  }
0x2c3: {  	[sflag:s5] =	ssyncset.done $0x0  }
0x2c4: {  	s16 =	simm.s32 $0x4A00;
	[sflag:s5] =	ssyncadd.s32 $0xFFFF8000  }
0x2c5: {  	[tilespmem:s14], [sflag:$0x2] =	stream.indirect.gather [hbm4b:s3+s4], $0x40, s16, s4, $0xb8;
	[tilespmem:$0x1E800] =	vst v63  }
0x2c6: {  	_ =	swait.ge [sflag:s8], $0x8000  }
0x2c7: {  	s17 =	sld [smem:$0x7F7]  }
0x2c8: {  	[sflag:s8] =	ssyncset.done $0x0  }
0x2c9: {  	[sflag:s8] =	ssyncadd.s32 $0xFFFF8000  }
0x2ca: {  	[hbm4b:s17+s2] =	stream.linear.scatter [tilespmem:s14], [sflag:$0x5], $0x8000, $0x38;
	[tilespmem:$0x1E800] =	vst v63  }
0x2cb: {  	_ =	swait.ge [sflag:s9], $0x8000  }
0x2cc: {  	[sflag:s9] =	ssyncset.done $0x0  }
0x2cd: {  	s20 =	simm.s32 $0x4C00;
	[sflag:s9] =	ssyncadd.s32 $0xFFFF8000  }
0x2ce: {  	[tilespmem:s12], [sflag:$0x2] =	stream.indirect.gather [hbm4b:s3+s4], $0x40, s20, s4, $0xb8;
	[tilespmem:$0x1E800] =	vst v63  }
0x2cf: {  	_ =	swait.ge [sflag:s8], $0x8000  }
0x2d0: {  	s21 =	sld [smem:$0x7F8]  }
0x2d1: {  	[sflag:s8] =	ssyncset.done $0x0  }
0x2d2: {  	[sflag:s8] =	ssyncadd.s32 $0xFFFF8000  }
0x2d3: {  	[hbm4b:s21+s2] =	stream.linear.scatter [tilespmem:s12], [sflag:$0x3], $0x8000, $0x38;
	[tilespmem:$0x1E800] =	vst v63  }
0x2d4: {  	_ =	swait.ge [sflag:s7], $0x8000  }
0x2d5: {  	[sflag:s7] =	ssyncset.done $0x0  }
0x2d6: {  	s22 =	simm.s32 $0x4E00;
	[sflag:s7] =	ssyncadd.s32 $0xFFFF8000  }
0x2d7: {  	[tilespmem:s10], [sflag:$0x2] =	stream.indirect.gather [hbm4b:s3+s4], $0x40, s22, s4, $0xb8;
	[tilespmem:$0x1E800] =	vst v63  }
0x2d8: {  	_ =	swait.ge [sflag:s8], $0x8000  }
0x2d9: {  	s23 =	sld [smem:$0x7FA]  }
0x2da: {  	[sflag:s8] =	ssyncset.done $0x0  }
0x2db: {  	[sflag:s8] =	ssyncadd.s32 $0xFFFF8000  }
0x2dc: {  	[hbm4b:s23+s2] =	stream.linear.scatter [tilespmem:s10], [sflag:$0x4], $0x8000, $0x38;
	[tilespmem:$0x1E800] =	vst v63  }
0x2dd: {  	_ =	swait.ge [sflag:s5], $0x8000  }
0x2de: {  	[sflag:s5] =	ssyncset.done $0x0  }
0x2df: {  	s25 =	simm.s32 $0x5000;
	[sflag:s5] =	ssyncadd.s32 $0xFFFF8000  }
0x2e0: {  	[tilespmem:s14], [sflag:$0x2] =	stream.indirect.gather [hbm4b:s3+s4], $0x40, s25, s4, $0xb8;
	[tilespmem:$0x1E800] =	vst v63  }
0x2e1: {  	_ =	swait.ge [sflag:s8], $0x8000  }
0x2e2: {  	s26 =	sld [smem:$0x7FB]  }
0x2e3: {  	[sflag:s8] =	ssyncset.done $0x0  }
0x2e4: {  	[sflag:s8] =	ssyncadd.s32 $0xFFFF8000  }
0x2e5: {  	[hbm4b:s26+s2] =	stream.linear.scatter [tilespmem:s14], [sflag:$0x5], $0x8000, $0x38;
	[tilespmem:$0x1E800] =	vst v63  }
0x2e6: {  	_ =	swait.ge [sflag:s9], $0x8000  }
0x2e7: {  	[sflag:s9] =	ssyncset.done $0x0  }
0x2e8: {  	s24 =	simm.s32 $0x5200;
	[sflag:s9] =	ssyncadd.s32 $0xFFFF8000  }
0x2e9: {  	[tilespmem:s12], [sflag:$0x2] =	stream.indirect.gather [hbm4b:s3+s4], $0x40, s24, s4, $0xb8;
	[tilespmem:$0x1E800] =	vst v63  }
0x2ea: {  	_ =	swait.ge [sflag:s8], $0x8000  }
0x2eb: {  	s29 =	sld [smem:$0x7FC]  }
0x2ec: {  	[sflag:s8] =	ssyncset.done $0x0  }
0x2ed: {  	[sflag:s8] =	ssyncadd.s32 $0xFFFF8000  }
0x2ee: {  	[hbm4b:s29+s2] =	stream.linear.scatter [tilespmem:s12], [sflag:$0x3], $0x8000, $0x38;
	[tilespmem:$0x1E800] =	vst v63  }
0x2ef: {  	_ =	swait.ge [sflag:s7], $0x8000  }
0x2f0: {  	[sflag:s7] =	ssyncset.done $0x0  }
0x2f1: {  	s30 =	simm.s32 $0x5400;
	[sflag:s7] =	ssyncadd.s32 $0xFFFF8000  }
0x2f2: {  	[tilespmem:s10], [sflag:$0x2] =	stream.indirect.gather [hbm4b:s3+s4], $0x40, s30, s4, $0xb8;
	[tilespmem:$0x1E800] =	vst v63  }
0x2f3: {  	_ =	swait.ge [sflag:s8], $0x8000  }
0x2f4: {  	s31 =	sld [smem:$0x7FD]  }
0x2f5: {  	[sflag:s8] =	ssyncset.done $0x0  }
0x2f6: {  	[sflag:s8] =	ssyncadd.s32 $0xFFFF8000  }
0x2f7: {  	[hbm4b:s31+s2] =	stream.linear.scatter [tilespmem:s10], [sflag:$0x4], $0x8000, $0x38;
	[tilespmem:$0x1E800] =	vst v63  }
0x2f8: {  	_ =	swait.ge [sflag:s9], $0x8000  }
0x2f9: {  	[sflag:s9] =	ssyncset.done $0x0  }
0x2fa: {  	p1 =	sne.s32 s18, $0x1;
	[sflag:s9] =	ssyncadd.s32 $0xFFFF8000  }
.Ltmp1:
0x2fb: {  	_ =	swait.ge [sflag:s7], $0x8000;
	(pc) =	sbr.rel @!p1 .LBB2_6-.Ltmp1, $4  }
0x2fc: {  	[sflag:s7] =	ssyncset.done $0x0  }
0x2fd: {  	[sflag:s7] =	ssyncadd.s32 $0xFFFF8000  }
0x2fe: {  	p0 =	por $0x1, $0x1;
	_ =	swait.ge [sflag:s5], $0x8000  }
0x2ff: {  	s17 =	sadd.s32 $0xFFFFFFFF, s18;
	s21 =	rddreg [dreg:$0x5];
	[sflag:s5] =	ssyncset.done $0x0  }
0x300: {  	s31 =	simm.s32 $0x400  }
0x301: {  	s1 =	simm.s32 $0x600;
	s30 =	simm.s32 $0x800;
	s15 =	simm.s32 $0xA00  }
0x302: {  	s29 =	simm.s32 $0xC00;
	s11 =	simm.s32 $0xE00;
	s26 =	simm.s32 $0x1000  }
0x303: {  	s16 =	simm.s32 $0x1200;
	s25 =	simm.s32 $0x1400;
	s6 =	simm.s32 $0x1600  }
0x304: {  	s24 =	simm.s32 $0x1800;
	s20 =	simm.s32 $0x5600;
	s18 =	simm.s32 $0x1D800  }
.LBB2_3:
0x305: {  	[sflag:s5] =	ssyncadd.s32 $0xFFFF8000  }
0x306: {  	s22 =	rddreg [dreg:$0x6]  }
0x307: {  	[tilespmem:s2], [sflag:$0x1] =	stream.linear.gather [hbm4b:s21+s2], $0x200, $0x38;
	[tilespmem:$0x1E800] =	vst v63  }
0x308: {  	s0 =	rddreg [dreg:$0x7]  }
0x309: {  	[tilespmem:s4], [sflag:$0x1] =	stream.linear.gather [hbm4b:s22+s2], $0x200, $0x38;
	[tilespmem:$0x1E800] =	vst v63  }
0x30a: {  	s23 =	rddreg [dreg:$0x8]  }
0x30b: {  	[tilespmem:s31], [sflag:$0x1] =	stream.linear.gather [hbm4b:s0+s2], $0x200, $0x38;
	[tilespmem:$0x1E800] =	vst v63  }
0x30c: {  	s21 =	rddreg [dreg:$0x13]  }
0x30d: {  	[tilespmem:s1], [sflag:$0x1] =	stream.linear.gather [hbm4b:s23+s2], $0x200, $0x38;
	[tilespmem:$0x1E800] =	vst v63  }
0x30e: {  	s0 =	rddreg [dreg:$0x9]  }
0x30f: {  	[tilespmem:s30], [sflag:$0x1] =	stream.linear.gather [hbm4b:s0+s2], $0x200, $0x38;
	[tilespmem:$0x1E800] =	vst v63  }
0x310: {  	s23 =	rddreg [dreg:$0xa]  }
0x311: {  	[tilespmem:s15], [sflag:$0x1] =	stream.linear.gather [hbm4b:s23+s2], $0x200, $0x38;
	[tilespmem:$0x1E800] =	vst v63  }
0x312: {  	s0 =	rddreg [dreg:$0xb]  }
0x313: {  	[tilespmem:s29], [sflag:$0x1] =	stream.linear.gather [hbm4b:s0+s2], $0x200, $0x38;
	[tilespmem:$0x1E800] =	vst v63  }
0x314: {  	s23 =	rddreg [dreg:$0xc]  }
0x315: {  	[tilespmem:s11], [sflag:$0x1] =	stream.linear.gather [hbm4b:s23+s2], $0x200, $0x38;
	[tilespmem:$0x1E800] =	vst v63  }
0x316: {  	s0 =	rddreg [dreg:$0xd]  }
0x317: {  	[tilespmem:s26], [sflag:$0x1] =	stream.linear.gather [hbm4b:s0+s2], $0x200, $0x38;
	[tilespmem:$0x1E800] =	vst v63  }
0x318: {  	s23 =	rddreg [dreg:$0xe]  }
0x319: {  	[tilespmem:s16], [sflag:$0x1] =	stream.linear.gather [hbm4b:s23+s2], $0x200, $0x38;
	[tilespmem:$0x1E800] =	vst v63  }
0x31a: {  	s0 =	rddreg [dreg:$0xf]  }
0x31b: {  	[tilespmem:s25], [sflag:$0x1] =	stream.linear.gather [hbm4b:s0+s2], $0x200, $0x38;
	[tilespmem:$0x1E800] =	vst v63  }
0x31c: {  	s23 =	rddreg [dreg:$0x10]  }
0x31d: {  	[tilespmem:s6], [sflag:$0x1] =	stream.linear.gather [hbm4b:s23+s2], $0x200, $0x38;
	[tilespmem:$0x1E800] =	vst v63  }
0x31e: {  	s0 =	rddreg [dreg:$0x11]  }
0x31f: {  	[tilespmem:s24], [sflag:$0x1] =	stream.linear.gather [hbm4b:s0+s2], $0x200, $0x38;
	[tilespmem:$0x1E800] =	vst v63  }
0x320: {  	s23 =	rddreg [dreg:$0x12];
	s0 =	simm.s32 $0x1A00  }
0x321: {  	[tilespmem:s0], [sflag:$0x1] =	stream.linear.gather [hbm4b:s23+s2], $0x200, $0x38;
	[tilespmem:$0x1E800] =	vst v63  }
0x322: {  	s22 =	rddreg [dreg:$0x14];
	s23 =	simm.s32 $0x1C00  }
0x323: {  	[tilespmem:s23], [sflag:$0x1] =	stream.linear.gather [hbm4b:s21+s2], $0x200, $0x38;
	[tilespmem:$0x1E800] =	vst v63  }
0x324: {  	s21 =	rddreg [dreg:$0x15];
	s23 =	simm.s32 $0x1E00  }
0x325: {  	[tilespmem:s23], [sflag:$0x1] =	stream.linear.gather [hbm4b:s22+s2], $0x200, $0x38;
	[tilespmem:$0x1E800] =	vst v63  }
0x326: {  	s22 =	rddreg [dreg:$0x16];
	s23 =	simm.s32 $0x2000  }
0x327: {  	[tilespmem:s23], [sflag:$0x1] =	stream.linear.gather [hbm4b:s21+s2], $0x200, $0x38;
	[tilespmem:$0x1E800] =	vst v63  }
0x328: {  	s21 =	rddreg [dreg:$0x17];
	s23 =	simm.s32 $0x2200  }
0x329: {  	[tilespmem:s23], [sflag:$0x1] =	stream.linear.gather [hbm4b:s22+s2], $0x200, $0x38;
	[tilespmem:$0x1E800] =	vst v63  }
0x32a: {  	s22 =	rddreg [dreg:$0x18];
	s23 =	simm.s32 $0x2400  }
0x32b: {  	[tilespmem:s23], [sflag:$0x1] =	stream.linear.gather [hbm4b:s21+s2], $0x200, $0x38;
	[tilespmem:$0x1E800] =	vst v63  }
0x32c: {  	s21 =	rddreg [dreg:$0x19];
	s23 =	simm.s32 $0x2600  }
0x32d: {  	[tilespmem:s23], [sflag:$0x1] =	stream.linear.gather [hbm4b:s22+s2], $0x200, $0x38;
	[tilespmem:$0x1E800] =	vst v63  }
0x32e: {  	s22 =	rddreg [dreg:$0x1a];
	s23 =	simm.s32 $0x2800  }
0x32f: {  	[tilespmem:s23], [sflag:$0x1] =	stream.linear.gather [hbm4b:s21+s2], $0x200, $0x38;
	[tilespmem:$0x1E800] =	vst v63  }
0x330: {  	s21 =	rddreg [dreg:$0x1b];
	s23 =	simm.s32 $0x2A00  }
0x331: {  	[tilespmem:s23], [sflag:$0x1] =	stream.linear.gather [hbm4b:s22+s2], $0x200, $0x38;
	[tilespmem:$0x1E800] =	vst v63  }
0x332: {  	s22 =	rddreg [dreg:$0x1c];
	s23 =	simm.s32 $0x2C00  }
0x333: {  	[tilespmem:s23], [sflag:$0x1] =	stream.linear.gather [hbm4b:s21+s2], $0x200, $0x38;
	[tilespmem:$0x1E800] =	vst v63  }
0x334: {  	s21 =	rddreg [dreg:$0x1d];
	s23 =	simm.s32 $0x2E00  }
0x335: {  	[tilespmem:s23], [sflag:$0x1] =	stream.linear.gather [hbm4b:s22+s2], $0x200, $0x38;
	[tilespmem:$0x1E800] =	vst v63  }
0x336: {  	s22 =	rddreg [dreg:$0x1e];
	s23 =	simm.s32 $0x3000  }
0x337: {  	[tilespmem:s23], [sflag:$0x1] =	stream.linear.gather [hbm4b:s21+s2], $0x200, $0x38;
	[tilespmem:$0x1E800] =	vst v63  }
0x338: {  	s21 =	rddreg [dreg:$0x1f];
	s23 =	simm.s32 $0x3200  }
0x339: {  	[tilespmem:s23], [sflag:$0x1] =	stream.linear.gather [hbm4b:s22+s2], $0x200, $0x38;
	[tilespmem:$0x1E800] =	vst v63  }
0x33a: {  	s22 =	sld [smem:$0x7B0];
	s23 =	simm.s32 $0x3400  }
0x33b: {  	[tilespmem:s23], [sflag:$0x1] =	stream.linear.gather [hbm4b:s21+s2], $0x200, $0x38;
	[tilespmem:$0x1E800] =	vst v63  }
0x33c: {  	s21 =	sld [smem:$0x7B1];
	s23 =	simm.s32 $0x3600  }
0x33d: {  	[tilespmem:s23], [sflag:$0x1] =	stream.linear.gather [hbm4b:s22+s2], $0x200, $0x38;
	[tilespmem:$0x1E800] =	vst v63  }
0x33e: {  	s22 =	sld [smem:$0x7B2];
	s23 =	simm.s32 $0x3800  }
0x33f: {  	[tilespmem:s23], [sflag:$0x1] =	stream.linear.gather [hbm4b:s21+s2], $0x200, $0x38;
	[tilespmem:$0x1E800] =	vst v63  }
0x340: {  	s21 =	sld [smem:$0x7B3];
	s23 =	simm.s32 $0x3A00  }
0x341: {  	[tilespmem:s23], [sflag:$0x1] =	stream.linear.gather [hbm4b:s22+s2], $0x200, $0x38;
	[tilespmem:$0x1E800] =	vst v63  }
0x342: {  	s22 =	sld [smem:$0x7B4];
	s23 =	simm.s32 $0x3C00  }
0x343: {  	[tilespmem:s23], [sflag:$0x1] =	stream.linear.gather [hbm4b:s21+s2], $0x200, $0x38;
	[tilespmem:$0x1E800] =	vst v63  }
0x344: {  	s21 =	sld [smem:$0x7B5];
	s23 =	simm.s32 $0x3E00  }
0x345: {  	[tilespmem:s23], [sflag:$0x1] =	stream.linear.gather [hbm4b:s22+s2], $0x200, $0x38;
	[tilespmem:$0x1E800] =	vst v63  }
0x346: {  	s22 =	sld [smem:$0x7B6];
	s23 =	simm.s32 $0x4000  }
0x347: {  	[tilespmem:s23], [sflag:$0x1] =	stream.linear.gather [hbm4b:s21+s2], $0x200, $0x38;
	[tilespmem:$0x1E800] =	vst v63  }
0x348: {  	s21 =	sld [smem:$0x7B7];
	s23 =	simm.s32 $0x4200  }
0x349: {  	[tilespmem:s23], [sflag:$0x1] =	stream.linear.gather [hbm4b:s22+s2], $0x200, $0x38;
	[tilespmem:$0x1E800] =	vst v63  }
0x34a: {  	s22 =	sld [smem:$0x7B8];
	s23 =	simm.s32 $0x4400  }
0x34b: {  	[tilespmem:s23], [sflag:$0x1] =	stream.linear.gather [hbm4b:s21+s2], $0x200, $0x38;
	[tilespmem:$0x1E800] =	vst v63  }
0x34c: {  	s21 =	sld [smem:$0x7B9];
	s23 =	simm.s32 $0x4600  }
0x34d: {  	[tilespmem:s23], [sflag:$0x1] =	stream.linear.gather [hbm4b:s22+s2], $0x200, $0x38;
	[tilespmem:$0x1E800] =	vst v63  }
0x34e: {  	s22 =	sld [smem:$0x7BA];
	s23 =	simm.s32 $0x4800  }
0x34f: {  	[tilespmem:s23], [sflag:$0x1] =	stream.linear.gather [hbm4b:s21+s2], $0x200, $0x38;
	[tilespmem:$0x1E800] =	vst v63  }
0x350: {  	s21 =	sld [smem:$0x7BB];
	s23 =	simm.s32 $0x4A00  }
0x351: {  	[tilespmem:s23], [sflag:$0x1] =	stream.linear.gather [hbm4b:s22+s2], $0x200, $0x38;
	[tilespmem:$0x1E800] =	vst v63  }
0x352: {  	s22 =	sld [smem:$0x7BC];
	s23 =	simm.s32 $0x4C00  }
0x353: {  	[tilespmem:s23], [sflag:$0x1] =	stream.linear.gather [hbm4b:s21+s2], $0x200, $0x38;
	[tilespmem:$0x1E800] =	vst v63  }
0x354: {  	s21 =	sld [smem:$0x7BD];
	s23 =	simm.s32 $0x4E00  }
0x355: {  	[tilespmem:s23], [sflag:$0x1] =	stream.linear.gather [hbm4b:s22+s2], $0x200, $0x38;
	[tilespmem:$0x1E800] =	vst v63  }
0x356: {  	s22 =	sld [smem:$0x7BE];
	s23 =	simm.s32 $0x5000  }
0x357: {  	[tilespmem:s23], [sflag:$0x1] =	stream.linear.gather [hbm4b:s21+s2], $0x200, $0x38;
	[tilespmem:$0x1E800] =	vst v63  }
0x358: {  	s21 =	sld [smem:$0x7BF];
	s23 =	simm.s32 $0x5200  }
0x359: {  	[tilespmem:s23], [sflag:$0x1] =	stream.linear.gather [hbm4b:s22+s2], $0x200, $0x38;
	[tilespmem:$0x1E800] =	vst v63  }
0x35a: {  	s23 =	simm.s32 $0x5400  }
0x35b: {  	[tilespmem:s23], [sflag:$0x1] =	stream.linear.gather [hbm4b:s21+s2], $0x200, $0x38;
	[tilespmem:$0x1E800] =	vst v63  }
0x35c: {  	_ =	swait.ge [sflag:s19], $0x200  }
0x35d: {  	[sflag:s19] =	ssyncset.done $0x0  }
0x35e: {  	[sflag:s19] =	ssyncadd.s32 $0xFFFFFE00  }
0x35f: {  	_ =	swait.ge [sflag:s19], $0x200  }
0x360: {  	[sflag:s19] =	ssyncset.done $0x0  }
0x361: {  	[sflag:s19] =	ssyncadd.s32 $0xFFFFFE00  }
0x362: {  	_ =	swait.ge [sflag:s19], $0x200  }
0x363: {  	[sflag:s19] =	ssyncset.done $0x0  }
0x364: {  	[sflag:s19] =	ssyncadd.s32 $0xFFFFFE00  }
0x365: {  	_ =	swait.ge [sflag:s19], $0x200  }
0x366: {  	[sflag:s19] =	ssyncset.done $0x0  }
0x367: {  	[sflag:s19] =	ssyncadd.s32 $0xFFFFFE00  }
0x368: {  	_ =	swait.ge [sflag:s19], $0x200  }
0x369: {  	[sflag:s19] =	ssyncset.done $0x0  }
0x36a: {  	[sflag:s19] =	ssyncadd.s32 $0xFFFFFE00  }
0x36b: {  	_ =	swait.ge [sflag:s19], $0x200  }
0x36c: {  	[sflag:s19] =	ssyncset.done $0x0  }
0x36d: {  	[sflag:s19] =	ssyncadd.s32 $0xFFFFFE00  }
0x36e: {  	_ =	swait.ge [sflag:s19], $0x200  }
0x36f: {  	[sflag:s19] =	ssyncset.done $0x0  }
0x370: {  	[sflag:s19] =	ssyncadd.s32 $0xFFFFFE00  }
0x371: {  	_ =	swait.ge [sflag:s19], $0x200  }
0x372: {  	[sflag:s19] =	ssyncset.done $0x0  }
0x373: {  	[sflag:s19] =	ssyncadd.s32 $0xFFFFFE00  }
0x374: {  	_ =	swait.ge [sflag:s19], $0x200  }
0x375: {  	[sflag:s19] =	ssyncset.done $0x0  }
0x376: {  	[sflag:s19] =	ssyncadd.s32 $0xFFFFFE00  }
0x377: {  	_ =	swait.ge [sflag:s19], $0x200  }
0x378: {  	[sflag:s19] =	ssyncset.done $0x0  }
0x379: {  	[sflag:s19] =	ssyncadd.s32 $0xFFFFFE00  }
0x37a: {  	_ =	swait.ge [sflag:s19], $0x200  }
0x37b: {  	[sflag:s19] =	ssyncset.done $0x0  }
0x37c: {  	[sflag:s19] =	ssyncadd.s32 $0xFFFFFE00  }
0x37d: {  	_ =	swait.ge [sflag:s19], $0x200  }
0x37e: {  	[sflag:s19] =	ssyncset.done $0x0  }
0x37f: {  	[sflag:s19] =	ssyncadd.s32 $0xFFFFFE00  }
0x380: {  	_ =	swait.ge [sflag:s19], $0x200  }
0x381: {  	[sflag:s19] =	ssyncset.done $0x0  }
0x382: {  	[sflag:s19] =	ssyncadd.s32 $0xFFFFFE00  }
0x383: {  	_ =	swait.ge [sflag:s19], $0x200  }
0x384: {  	[sflag:s19] =	ssyncset.done $0x0  }
0x385: {  	[sflag:s19] =	ssyncadd.s32 $0xFFFFFE00  }
0x386: {  	_ =	swait.ge [sflag:s19], $0x200  }
0x387: {  	[sflag:s19] =	ssyncset.done $0x0  }
0x388: {  	[sflag:s19] =	ssyncadd.s32 $0xFFFFFE00  }
0x389: {  	_ =	swait.ge [sflag:s19], $0x200  }
0x38a: {  	[sflag:s19] =	ssyncset.done $0x0  }
0x38b: {  	[sflag:s19] =	ssyncadd.s32 $0xFFFFFE00  }
0x38c: {  	_ =	swait.ge [sflag:s19], $0x200  }
0x38d: {  	[sflag:s19] =	ssyncset.done $0x0  }
0x38e: {  	[sflag:s19] =	ssyncadd.s32 $0xFFFFFE00  }
0x38f: {  	_ =	swait.ge [sflag:s19], $0x200  }
0x390: {  	[sflag:s19] =	ssyncset.done $0x0  }
0x391: {  	[sflag:s19] =	ssyncadd.s32 $0xFFFFFE00  }
0x392: {  	_ =	swait.ge [sflag:s19], $0x200  }
0x393: {  	[sflag:s19] =	ssyncset.done $0x0  }
0x394: {  	[sflag:s19] =	ssyncadd.s32 $0xFFFFFE00  }
0x395: {  	_ =	swait.ge [sflag:s19], $0x200  }
0x396: {  	[sflag:s19] =	ssyncset.done $0x0  }
0x397: {  	[sflag:s19] =	ssyncadd.s32 $0xFFFFFE00  }
0x398: {  	_ =	swait.ge [sflag:s19], $0x200  }
0x399: {  	[sflag:s19] =	ssyncset.done $0x0  }
0x39a: {  	[sflag:s19] =	ssyncadd.s32 $0xFFFFFE00  }
0x39b: {  	_ =	swait.ge [sflag:s19], $0x200  }
0x39c: {  	[sflag:s19] =	ssyncset.done $0x0  }
0x39d: {  	[sflag:s19] =	ssyncadd.s32 $0xFFFFFE00  }
0x39e: {  	_ =	swait.ge [sflag:s19], $0x200  }
0x39f: {  	[sflag:s19] =	ssyncset.done $0x0  }
0x3a0: {  	[sflag:s19] =	ssyncadd.s32 $0xFFFFFE00  }
0x3a1: {  	_ =	swait.ge [sflag:s19], $0x200  }
0x3a2: {  	[sflag:s19] =	ssyncset.done $0x0  }
0x3a3: {  	[sflag:s19] =	ssyncadd.s32 $0xFFFFFE00  }
0x3a4: {  	_ =	swait.ge [sflag:s19], $0x200  }
0x3a5: {  	[sflag:s19] =	ssyncset.done $0x0  }
0x3a6: {  	[sflag:s19] =	ssyncadd.s32 $0xFFFFFE00  }
0x3a7: {  	_ =	swait.ge [sflag:s19], $0x200  }
0x3a8: {  	[sflag:s19] =	ssyncset.done $0x0  }
0x3a9: {  	[sflag:s19] =	ssyncadd.s32 $0xFFFFFE00  }
0x3aa: {  	_ =	swait.ge [sflag:s19], $0x200  }
0x3ab: {  	[sflag:s19] =	ssyncset.done $0x0  }
0x3ac: {  	[sflag:s19] =	ssyncadd.s32 $0xFFFFFE00  }
0x3ad: {  	_ =	swait.ge [sflag:s19], $0x200  }
0x3ae: {  	[sflag:s19] =	ssyncset.done $0x0  }
0x3af: {  	[sflag:s19] =	ssyncadd.s32 $0xFFFFFE00  }
0x3b0: {  	_ =	swait.ge [sflag:s19], $0x200  }
0x3b1: {  	[sflag:s19] =	ssyncset.done $0x0  }
0x3b2: {  	[sflag:s19] =	ssyncadd.s32 $0xFFFFFE00  }
0x3b3: {  	_ =	swait.ge [sflag:s19], $0x200  }
0x3b4: {  	[sflag:s19] =	ssyncset.done $0x0  }
0x3b5: {  	[sflag:s19] =	ssyncadd.s32 $0xFFFFFE00  }
0x3b6: {  	_ =	swait.ge [sflag:s19], $0x200  }
0x3b7: {  	[sflag:s19] =	ssyncset.done $0x0  }
0x3b8: {  	[sflag:s19] =	ssyncadd.s32 $0xFFFFFE00  }
0x3b9: {  	_ =	swait.ge [sflag:s19], $0x200  }
0x3ba: {  	[sflag:s19] =	ssyncset.done $0x0  }
0x3bb: {  	[sflag:s19] =	ssyncadd.s32 $0xFFFFFE00  }
0x3bc: {  	_ =	swait.ge [sflag:s19], $0x200  }
0x3bd: {  	[sflag:s19] =	ssyncset.done $0x0  }
0x3be: {  	[sflag:s19] =	ssyncadd.s32 $0xFFFFFE00  }
0x3bf: {  	_ =	swait.ge [sflag:s19], $0x200  }
0x3c0: {  	[sflag:s19] =	ssyncset.done $0x0  }
0x3c1: {  	[sflag:s19] =	ssyncadd.s32 $0xFFFFFE00  }
0x3c2: {  	_ =	swait.ge [sflag:s19], $0x200  }
0x3c3: {  	[sflag:s19] =	ssyncset.done $0x0  }
0x3c4: {  	[sflag:s19] =	ssyncadd.s32 $0xFFFFFE00  }
0x3c5: {  	_ =	swait.ge [sflag:s19], $0x200  }
0x3c6: {  	[sflag:s19] =	ssyncset.done $0x0  }
0x3c7: {  	[sflag:s19] =	ssyncadd.s32 $0xFFFFFE00  }
0x3c8: {  	_ =	swait.ge [sflag:s19], $0x200  }
0x3c9: {  	[sflag:s19] =	ssyncset.done $0x0  }
0x3ca: {  	[sflag:s19] =	ssyncadd.s32 $0xFFFFFE00  }
0x3cb: {  	_ =	swait.ge [sflag:s19], $0x200  }
0x3cc: {  	[sflag:s19] =	ssyncset.done $0x0  }
0x3cd: {  	[sflag:s19] =	ssyncadd.s32 $0xFFFFFE00  }
0x3ce: {  	_ =	swait.ge [sflag:s19], $0x200  }
0x3cf: {  	[sflag:s19] =	ssyncset.done $0x0  }
0x3d0: {  	[sflag:s19] =	ssyncadd.s32 $0xFFFFFE00  }
0x3d1: {  	_ =	swait.ge [sflag:s19], $0x200  }
0x3d2: {  	[sflag:s19] =	ssyncset.done $0x0  }
0x3d3: {  	[sflag:s19] =	ssyncadd.s32 $0xFFFFFE00  }
0x3d4: {  	_ =	swait.ge [sflag:s19], $0x200  }
0x3d5: {  	[sflag:s19] =	ssyncset.done $0x0  }
0x3d6: {  	[sflag:s19] =	ssyncadd.s32 $0xFFFFFE00  }
0x3d7: {  	_ =	swait.ge [sflag:s19], $0x200  }
0x3d8: {  	[sflag:s19] =	ssyncset.done $0x0  }
0x3d9: {  	[sflag:s19] =	ssyncadd.s32 $0xFFFFFE00  }
0x3da: {  	_ =	swait.ge [sflag:s19], $0x200  }
0x3db: {  	s22 =	sld [smem:$0x7C0]  }
0x3dc: {  	[sflag:s19] =	ssyncset.done $0x0  }
0x3dd: {  	[sflag:s19] =	ssyncadd.s32 $0xFFFFFE00  }
0x3de: {  	[tilespmem:s20], [sflag:$0x6] =	stream.linear.gather [hbm4b:s22+s2], $0x40, $0x38;
	[tilespmem:$0x1E800] =	vst v63  }
0x3df: {  	_ =	swait.ge [sflag:s13], $0x40  }
0x3e0: {  	[sflag:s13] =	ssyncset.done $0x0  }
0x3e1: {  	[sflag:s13] =	ssyncadd.s32 $0xFFFFFFC0;
	s13 =	sld [smem:$0x7AE];
	_ =	sdelay $0x1  }
0x3e2: {  	s0 =	simm.s32 $0x40  }
0x3e3: {  	[tilespmem:s18], [sflag:$0x2] =	stream.indirect.gather [hbm4b:s13+s0], $0x40, s20, s0, $0xb8;
	[tilespmem:$0x1E800] =	vst v63  }
0x3e4: {  	_ =	swait.ge [sflag:s8], $0x1000  }
0x3e5: {  	s23 =	sld [smem:$0x7C1]  }
0x3e6: {  	[sflag:s8] =	ssyncset.done $0x0  }
0x3e7: {  	s22 =	simm.s32 $0x6;
	[sflag:s8] =	ssyncadd.s32 $0xFFFFF000  }
0x3e8: {  	[hbm4b:s23+s2] =	stream.linear.scatter [tilespmem:s18], [sflag:$0x6], $0x1000, $0x38;
	[tilespmem:$0x1E800] =	vst v63  }
0x3e9: {  	_ =	swait.ge [sflag:s22], $0x1000  }
0x3ea: {  	s23 =	sld [smem:$0x7AF]  }
0x3eb: {  	[sflag:s22] =	ssyncset.done $0x0  }
0x3ec: {  	[sflag:s22] =	ssyncadd.s32 $0xFFFFF000  }
0x3ed: {  	[tilespmem:s18], [sflag:$0x2] =	stream.indirect.gather [hbm4b:s23+s0], $0x40, s20, s0, $0xb8;
	[tilespmem:$0x1E800] =	vst v63  }
0x3ee: {  	_ =	swait.ge [sflag:s8], $0x1000  }
0x3ef: {  	s0 =	sld [smem:$0x7C2]  }
0x3f0: {  	[sflag:s8] =	ssyncset.done $0x0  }
0x3f1: {  	[sflag:s8] =	ssyncadd.s32 $0xFFFFF000  }
0x3f2: {  	[hbm4b:s0+s2] =	stream.linear.scatter [tilespmem:s18], [sflag:$0x6], $0x1000, $0x38;
	[tilespmem:$0x1E800] =	vst v63  }
0x3f3: {  	_ =	swait.ge [sflag:s22], $0x1000  }
0x3f4: {  	[sflag:s22] =	ssyncset.done $0x0  }
0x3f5: {  	[sflag:s22] =	ssyncadd.s32 $0xFFFFF000  }
0x3f6: {  	[tilespmem:s12], [sflag:$0x2] =	stream.indirect.gather [hbm4b:s13+s4], $0x40, s2, s4, $0xb8;
	[tilespmem:$0x1E800] =	vst v63  }
0x3f7: {  	_ =	swait.ge [sflag:s8], $0x8000  }
0x3f8: {  	s0 =	sld [smem:$0x7C3]  }
0x3f9: {  	[sflag:s8] =	ssyncset.done $0x0  }
0x3fa: {  	[sflag:s8] =	ssyncadd.s32 $0xFFFF8000  }
0x3fb: {  	[hbm4b:s0+s2] =	stream.linear.scatter [tilespmem:s12], [sflag:$0x3], $0x8000, $0x38;
	[tilespmem:$0x1E800] =	vst v63  }
0x3fc: {  	_ = 	snop  }
0x3fd: {  	[tilespmem:s10], [sflag:$0x2] =	stream.indirect.gather [hbm4b:s23+s4], $0x40, s2, s4, $0xb8;
	[tilespmem:$0x1E800] =	vst v63  }
0x3fe: {  	_ =	swait.ge [sflag:s8], $0x8000  }
0x3ff: {  	s22 =	sld [smem:$0x7C4]  }
0x400: {  	[sflag:s8] =	ssyncset.done $0x0  }
0x401: {  	[sflag:s8] =	ssyncadd.s32 $0xFFFF8000  }
0x402: {  	[hbm4b:s22+s2] =	stream.linear.scatter [tilespmem:s10], [sflag:$0x4], $0x8000, $0x38;
	[tilespmem:$0x1E800] =	vst v63  }
0x403: {  	_ = 	snop  }
0x404: {  	[tilespmem:s14], [sflag:$0x2] =	stream.indirect.gather [hbm4b:s28+s4], $0x40, s4, s4, $0xb8;
	[tilespmem:$0x1E800] =	vst v63  }
0x405: {  	_ =	swait.ge [sflag:s8], $0x8000  }
0x406: {  	s23 =	sld [smem:$0x7C5]  }
0x407: {  	[sflag:s8] =	ssyncset.done $0x0  }
0x408: {  	[sflag:s8] =	ssyncadd.s32 $0xFFFF8000  }
0x409: {  	[hbm4b:s23+s2] =	stream.linear.scatter [tilespmem:s14], [sflag:$0x5], $0x8000, $0x38;
	[tilespmem:$0x1E800] =	vst v63  }
0x40a: {  	_ =	swait.ge [sflag:s9], $0x8000  }
0x40b: {  	[sflag:s9] =	ssyncset.done $0x0  }
0x40c: {  	[sflag:s9] =	ssyncadd.s32 $0xFFFF8000  }
0x40d: {  	[tilespmem:s12], [sflag:$0x2] =	stream.indirect.gather [hbm4b:s3+s4], $0x40, s31, s4, $0xb8;
	[tilespmem:$0x1E800] =	vst v63  }
0x40e: {  	_ =	swait.ge [sflag:s8], $0x8000  }
0x40f: {  	s0 =	sld [smem:$0x7C6]  }
0x410: {  	[sflag:s8] =	ssyncset.done $0x0  }
0x411: {  	[sflag:s8] =	ssyncadd.s32 $0xFFFF8000  }
0x412: {  	[hbm4b:s0+s2] =	stream.linear.scatter [tilespmem:s12], [sflag:$0x3], $0x8000, $0x38;
	[tilespmem:$0x1E800] =	vst v63  }
0x413: {  	_ =	swait.ge [sflag:s7], $0x8000  }
0x414: {  	[sflag:s7] =	ssyncset.done $0x0  }
0x415: {  	[sflag:s7] =	ssyncadd.s32 $0xFFFF8000  }
0x416: {  	[tilespmem:s10], [sflag:$0x2] =	stream.indirect.gather [hbm4b:s28+s4], $0x40, s1, s4, $0xb8;
	[tilespmem:$0x1E800] =	vst v63  }
0x417: {  	_ =	swait.ge [sflag:s8], $0x8000  }
0x418: {  	s22 =	sld [smem:$0x7C8]  }
0x419: {  	[sflag:s8] =	ssyncset.done $0x0  }
0x41a: {  	[sflag:s8] =	ssyncadd.s32 $0xFFFF8000  }
0x41b: {  	[hbm4b:s22+s2] =	stream.linear.scatter [tilespmem:s10], [sflag:$0x4], $0x8000, $0x38;
	[tilespmem:$0x1E800] =	vst v63  }
0x41c: {  	_ =	swait.ge [sflag:s5], $0x8000  }
0x41d: {  	[sflag:s5] =	ssyncset.done $0x0  }
0x41e: {  	[sflag:s5] =	ssyncadd.s32 $0xFFFF8000  }
0x41f: {  	[tilespmem:s14], [sflag:$0x2] =	stream.indirect.gather [hbm4b:s28+s4], $0x40, s30, s4, $0xb8;
	[tilespmem:$0x1E800] =	vst v63  }
0x420: {  	_ =	swait.ge [sflag:s8], $0x8000  }
0x421: {  	s23 =	sld [smem:$0x7CA]  }
0x422: {  	[sflag:s8] =	ssyncset.done $0x0  }
0x423: {  	[sflag:s8] =	ssyncadd.s32 $0xFFFF8000  }
0x424: {  	[hbm4b:s23+s2] =	stream.linear.scatter [tilespmem:s14], [sflag:$0x5], $0x8000, $0x38;
	[tilespmem:$0x1E800] =	vst v63  }
0x425: {  	_ =	swait.ge [sflag:s9], $0x8000  }
0x426: {  	[sflag:s9] =	ssyncset.done $0x0  }
0x427: {  	[sflag:s9] =	ssyncadd.s32 $0xFFFF8000  }
0x428: {  	[tilespmem:s12], [sflag:$0x2] =	stream.indirect.gather [hbm4b:s28+s4], $0x40, s15, s4, $0xb8;
	[tilespmem:$0x1E800] =	vst v63  }
0x429: {  	_ =	swait.ge [sflag:s8], $0x8000  }
0x42a: {  	s0 =	sld [smem:$0x7CC]  }
0x42b: {  	[sflag:s8] =	ssyncset.done $0x0  }
0x42c: {  	[sflag:s8] =	ssyncadd.s32 $0xFFFF8000  }
0x42d: {  	[hbm4b:s0+s2] =	stream.linear.scatter [tilespmem:s12], [sflag:$0x3], $0x8000, $0x38;
	[tilespmem:$0x1E800] =	vst v63  }
0x42e: {  	_ =	swait.ge [sflag:s7], $0x8000  }
0x42f: {  	[sflag:s7] =	ssyncset.done $0x0  }
0x430: {  	[sflag:s7] =	ssyncadd.s32 $0xFFFF8000  }
0x431: {  	[tilespmem:s10], [sflag:$0x2] =	stream.indirect.gather [hbm4b:s28+s4], $0x40, s29, s4, $0xb8;
	[tilespmem:$0x1E800] =	vst v63  }
0x432: {  	_ =	swait.ge [sflag:s8], $0x8000  }
0x433: {  	s22 =	sld [smem:$0x7CE]  }
0x434: {  	[sflag:s8] =	ssyncset.done $0x0  }
0x435: {  	[sflag:s8] =	ssyncadd.s32 $0xFFFF8000  }
0x436: {  	[hbm4b:s22+s2] =	stream.linear.scatter [tilespmem:s10], [sflag:$0x4], $0x8000, $0x38;
	[tilespmem:$0x1E800] =	vst v63  }
0x437: {  	_ =	swait.ge [sflag:s5], $0x8000  }
0x438: {  	[sflag:s5] =	ssyncset.done $0x0  }
0x439: {  	[sflag:s5] =	ssyncadd.s32 $0xFFFF8000  }
0x43a: {  	[tilespmem:s14], [sflag:$0x2] =	stream.indirect.gather [hbm4b:s28+s4], $0x40, s11, s4, $0xb8;
	[tilespmem:$0x1E800] =	vst v63  }
0x43b: {  	_ =	swait.ge [sflag:s8], $0x8000  }
0x43c: {  	s23 =	sld [smem:$0x7D0]  }
0x43d: {  	[sflag:s8] =	ssyncset.done $0x0  }
0x43e: {  	[sflag:s8] =	ssyncadd.s32 $0xFFFF8000  }
0x43f: {  	[hbm4b:s23+s2] =	stream.linear.scatter [tilespmem:s14], [sflag:$0x5], $0x8000, $0x38;
	[tilespmem:$0x1E800] =	vst v63  }
0x440: {  	_ =	swait.ge [sflag:s9], $0x8000  }
0x441: {  	[sflag:s9] =	ssyncset.done $0x0  }
0x442: {  	[sflag:s9] =	ssyncadd.s32 $0xFFFF8000  }
0x443: {  	[tilespmem:s12], [sflag:$0x2] =	stream.indirect.gather [hbm4b:s28+s4], $0x40, s26, s4, $0xb8;
	[tilespmem:$0x1E800] =	vst v63  }
0x444: {  	_ =	swait.ge [sflag:s8], $0x8000  }
0x445: {  	s0 =	sld [smem:$0x7D2]  }
0x446: {  	[sflag:s8] =	ssyncset.done $0x0  }
0x447: {  	[sflag:s8] =	ssyncadd.s32 $0xFFFF8000  }
0x448: {  	[hbm4b:s0+s2] =	stream.linear.scatter [tilespmem:s12], [sflag:$0x3], $0x8000, $0x38;
	[tilespmem:$0x1E800] =	vst v63  }
0x449: {  	_ =	swait.ge [sflag:s7], $0x8000  }
0x44a: {  	[sflag:s7] =	ssyncset.done $0x0  }
0x44b: {  	[sflag:s7] =	ssyncadd.s32 $0xFFFF8000  }
0x44c: {  	[tilespmem:s10], [sflag:$0x2] =	stream.indirect.gather [hbm4b:s28+s4], $0x40, s16, s4, $0xb8;
	[tilespmem:$0x1E800] =	vst v63  }
0x44d: {  	_ =	swait.ge [sflag:s8], $0x8000  }
0x44e: {  	s22 =	sld [smem:$0x7D4]  }
0x44f: {  	[sflag:s8] =	ssyncset.done $0x0  }
0x450: {  	[sflag:s8] =	ssyncadd.s32 $0xFFFF8000  }
0x451: {  	[hbm4b:s22+s2] =	stream.linear.scatter [tilespmem:s10], [sflag:$0x4], $0x8000, $0x38;
	[tilespmem:$0x1E800] =	vst v63  }
0x452: {  	_ =	swait.ge [sflag:s5], $0x8000  }
0x453: {  	[sflag:s5] =	ssyncset.done $0x0  }
0x454: {  	[sflag:s5] =	ssyncadd.s32 $0xFFFF8000  }
0x455: {  	[tilespmem:s14], [sflag:$0x2] =	stream.indirect.gather [hbm4b:s28+s4], $0x40, s25, s4, $0xb8;
	[tilespmem:$0x1E800] =	vst v63  }
0x456: {  	_ =	swait.ge [sflag:s8], $0x8000  }
0x457: {  	s23 =	sld [smem:$0x7D6]  }
0x458: {  	[sflag:s8] =	ssyncset.done $0x0  }
0x459: {  	[sflag:s8] =	ssyncadd.s32 $0xFFFF8000  }
0x45a: {  	[hbm4b:s23+s2] =	stream.linear.scatter [tilespmem:s14], [sflag:$0x5], $0x8000, $0x38;
	[tilespmem:$0x1E800] =	vst v63  }
0x45b: {  	_ =	swait.ge [sflag:s9], $0x8000  }
0x45c: {  	[sflag:s9] =	ssyncset.done $0x0  }
0x45d: {  	[sflag:s9] =	ssyncadd.s32 $0xFFFF8000  }
0x45e: {  	[tilespmem:s12], [sflag:$0x2] =	stream.indirect.gather [hbm4b:s28+s4], $0x40, s6, s4, $0xb8;
	[tilespmem:$0x1E800] =	vst v63  }
0x45f: {  	_ =	swait.ge [sflag:s8], $0x8000  }
0x460: {  	s0 =	sld [smem:$0x7D8]  }
0x461: {  	[sflag:s8] =	ssyncset.done $0x0  }
0x462: {  	[sflag:s8] =	ssyncadd.s32 $0xFFFF8000  }
0x463: {  	[hbm4b:s0+s2] =	stream.linear.scatter [tilespmem:s12], [sflag:$0x3], $0x8000, $0x38;
	[tilespmem:$0x1E800] =	vst v63  }
0x464: {  	_ =	swait.ge [sflag:s7], $0x8000  }
0x465: {  	[sflag:s7] =	ssyncset.done $0x0  }
0x466: {  	[sflag:s7] =	ssyncadd.s32 $0xFFFF8000  }
0x467: {  	[tilespmem:s10], [sflag:$0x2] =	stream.indirect.gather [hbm4b:s28+s4], $0x40, s24, s4, $0xb8;
	[tilespmem:$0x1E800] =	vst v63  }
0x468: {  	_ =	swait.ge [sflag:s8], $0x8000  }
0x469: {  	s22 =	sld [smem:$0x7DA]  }
0x46a: {  	[sflag:s8] =	ssyncset.done $0x0  }
0x46b: {  	[sflag:s8] =	ssyncadd.s32 $0xFFFF8000  }
0x46c: {  	[hbm4b:s22+s2] =	stream.linear.scatter [tilespmem:s10], [sflag:$0x4], $0x8000, $0x38;
	[tilespmem:$0x1E800] =	vst v63  }
0x46d: {  	_ =	swait.ge [sflag:s5], $0x8000  }
0x46e: {  	[sflag:s5] =	ssyncset.done $0x0  }
0x46f: {  	s23 =	simm.s32 $0x1A00;
	[sflag:s5] =	ssyncadd.s32 $0xFFFF8000  }
0x470: {  	[tilespmem:s14], [sflag:$0x2] =	stream.indirect.gather [hbm4b:s28+s4], $0x40, s23, s4, $0xb8;
	[tilespmem:$0x1E800] =	vst v63  }
0x471: {  	_ =	swait.ge [sflag:s8], $0x8000  }
0x472: {  	s0 =	sld [smem:$0x7DC]  }
0x473: {  	[sflag:s8] =	ssyncset.done $0x0  }
0x474: {  	[sflag:s8] =	ssyncadd.s32 $0xFFFF8000  }
0x475: {  	[hbm4b:s0+s2] =	stream.linear.scatter [tilespmem:s14], [sflag:$0x5], $0x8000, $0x38;
	[tilespmem:$0x1E800] =	vst v63  }
0x476: {  	_ =	swait.ge [sflag:s9], $0x8000  }
0x477: {  	[sflag:s9] =	ssyncset.done $0x0  }
0x478: {  	s21 =	simm.s32 $0x1C00;
	[sflag:s9] =	ssyncadd.s32 $0xFFFF8000  }
0x479: {  	[tilespmem:s12], [sflag:$0x2] =	stream.indirect.gather [hbm4b:s28+s4], $0x40, s21, s4, $0xb8;
	[tilespmem:$0x1E800] =	vst v63  }
0x47a: {  	_ =	swait.ge [sflag:s8], $0x8000  }
0x47b: {  	s22 =	sld [smem:$0x7DE]  }
0x47c: {  	[sflag:s8] =	ssyncset.done $0x0  }
0x47d: {  	[sflag:s8] =	ssyncadd.s32 $0xFFFF8000  }
0x47e: {  	[hbm4b:s22+s2] =	stream.linear.scatter [tilespmem:s12], [sflag:$0x3], $0x8000, $0x38;
	[tilespmem:$0x1E800] =	vst v63  }
0x47f: {  	_ =	swait.ge [sflag:s7], $0x8000  }
0x480: {  	[sflag:s7] =	ssyncset.done $0x0  }
0x481: {  	s23 =	simm.s32 $0x1E00;
	[sflag:s7] =	ssyncadd.s32 $0xFFFF8000  }
0x482: {  	[tilespmem:s10], [sflag:$0x2] =	stream.indirect.gather [hbm4b:s28+s4], $0x40, s23, s4, $0xb8;
	[tilespmem:$0x1E800] =	vst v63  }
0x483: {  	_ =	swait.ge [sflag:s8], $0x8000  }
0x484: {  	s0 =	sld [smem:$0x7E0]  }
0x485: {  	[sflag:s8] =	ssyncset.done $0x0  }
0x486: {  	[sflag:s8] =	ssyncadd.s32 $0xFFFF8000  }
0x487: {  	[hbm4b:s0+s2] =	stream.linear.scatter [tilespmem:s10], [sflag:$0x4], $0x8000, $0x38;
	[tilespmem:$0x1E800] =	vst v63  }
0x488: {  	_ =	swait.ge [sflag:s5], $0x8000  }
0x489: {  	[sflag:s5] =	ssyncset.done $0x0  }
0x48a: {  	s21 =	simm.s32 $0x2000;
	[sflag:s5] =	ssyncadd.s32 $0xFFFF8000  }
0x48b: {  	[tilespmem:s14], [sflag:$0x2] =	stream.indirect.gather [hbm4b:s28+s4], $0x40, s21, s4, $0xb8;
	[tilespmem:$0x1E800] =	vst v63  }
0x48c: {  	_ =	swait.ge [sflag:s8], $0x8000  }
0x48d: {  	s22 =	sld [smem:$0x7E2]  }
0x48e: {  	[sflag:s8] =	ssyncset.done $0x0  }
0x48f: {  	[sflag:s8] =	ssyncadd.s32 $0xFFFF8000  }
0x490: {  	[hbm4b:s22+s2] =	stream.linear.scatter [tilespmem:s14], [sflag:$0x5], $0x8000, $0x38;
	[tilespmem:$0x1E800] =	vst v63  }
0x491: {  	_ =	swait.ge [sflag:s9], $0x8000  }
0x492: {  	[sflag:s9] =	ssyncset.done $0x0  }
0x493: {  	s23 =	simm.s32 $0x2200;
	[sflag:s9] =	ssyncadd.s32 $0xFFFF8000  }
0x494: {  	[tilespmem:s12], [sflag:$0x2] =	stream.indirect.gather [hbm4b:s28+s4], $0x40, s23, s4, $0xb8;
	[tilespmem:$0x1E800] =	vst v63  }
0x495: {  	_ =	swait.ge [sflag:s8], $0x8000  }
0x496: {  	s0 =	sld [smem:$0x7E3]  }
0x497: {  	[sflag:s8] =	ssyncset.done $0x0  }
0x498: {  	[sflag:s8] =	ssyncadd.s32 $0xFFFF8000  }
0x499: {  	[hbm4b:s0+s2] =	stream.linear.scatter [tilespmem:s12], [sflag:$0x3], $0x8000, $0x38;
	[tilespmem:$0x1E800] =	vst v63  }
0x49a: {  	_ =	swait.ge [sflag:s7], $0x8000  }
0x49b: {  	[sflag:s7] =	ssyncset.done $0x0  }
0x49c: {  	s21 =	simm.s32 $0x2400;
	[sflag:s7] =	ssyncadd.s32 $0xFFFF8000  }
0x49d: {  	[tilespmem:s10], [sflag:$0x2] =	stream.indirect.gather [hbm4b:s28+s4], $0x40, s21, s4, $0xb8;
	[tilespmem:$0x1E800] =	vst v63  }
0x49e: {  	_ =	swait.ge [sflag:s8], $0x8000  }
0x49f: {  	s22 =	sld [smem:$0x7E4]  }
0x4a0: {  	[sflag:s8] =	ssyncset.done $0x0  }
0x4a1: {  	[sflag:s8] =	ssyncadd.s32 $0xFFFF8000  }
0x4a2: {  	[hbm4b:s22+s2] =	stream.linear.scatter [tilespmem:s10], [sflag:$0x4], $0x8000, $0x38;
	[tilespmem:$0x1E800] =	vst v63  }
0x4a3: {  	_ =	swait.ge [sflag:s5], $0x8000  }
0x4a4: {  	[sflag:s5] =	ssyncset.done $0x0  }
0x4a5: {  	s23 =	simm.s32 $0x2600;
	[sflag:s5] =	ssyncadd.s32 $0xFFFF8000  }
0x4a6: {  	[tilespmem:s14], [sflag:$0x2] =	stream.indirect.gather [hbm4b:s28+s4], $0x40, s23, s4, $0xb8;
	[tilespmem:$0x1E800] =	vst v63  }
0x4a7: {  	_ =	swait.ge [sflag:s8], $0x8000  }
0x4a8: {  	s0 =	sld [smem:$0x7E5]  }
0x4a9: {  	[sflag:s8] =	ssyncset.done $0x0  }
0x4aa: {  	[sflag:s8] =	ssyncadd.s32 $0xFFFF8000  }
0x4ab: {  	[hbm4b:s0+s2] =	stream.linear.scatter [tilespmem:s14], [sflag:$0x5], $0x8000, $0x38;
	[tilespmem:$0x1E800] =	vst v63  }
0x4ac: {  	_ =	swait.ge [sflag:s9], $0x8000  }
0x4ad: {  	[sflag:s9] =	ssyncset.done $0x0  }
0x4ae: {  	s21 =	simm.s32 $0x2800;
	[sflag:s9] =	ssyncadd.s32 $0xFFFF8000  }
0x4af: {  	[tilespmem:s12], [sflag:$0x2] =	stream.indirect.gather [hbm4b:s28+s4], $0x40, s21, s4, $0xb8;
	[tilespmem:$0x1E800] =	vst v63  }
0x4b0: {  	_ =	swait.ge [sflag:s8], $0x8000  }
0x4b1: {  	s22 =	sld [smem:$0x7E6]  }
0x4b2: {  	[sflag:s8] =	ssyncset.done $0x0  }
0x4b3: {  	[sflag:s8] =	ssyncadd.s32 $0xFFFF8000  }
0x4b4: {  	[hbm4b:s22+s2] =	stream.linear.scatter [tilespmem:s12], [sflag:$0x3], $0x8000, $0x38;
	[tilespmem:$0x1E800] =	vst v63  }
0x4b5: {  	_ =	swait.ge [sflag:s7], $0x8000  }
0x4b6: {  	[sflag:s7] =	ssyncset.done $0x0  }
0x4b7: {  	s23 =	simm.s32 $0x2A00;
	[sflag:s7] =	ssyncadd.s32 $0xFFFF8000  }
0x4b8: {  	[tilespmem:s10], [sflag:$0x2] =	stream.indirect.gather [hbm4b:s28+s4], $0x40, s23, s4, $0xb8;
	[tilespmem:$0x1E800] =	vst v63  }
0x4b9: {  	_ =	swait.ge [sflag:s8], $0x8000  }
0x4ba: {  	s0 =	sld [smem:$0x7E7]  }
0x4bb: {  	[sflag:s8] =	ssyncset.done $0x0  }
0x4bc: {  	[sflag:s8] =	ssyncadd.s32 $0xFFFF8000  }
0x4bd: {  	[hbm4b:s0+s2] =	stream.linear.scatter [tilespmem:s10], [sflag:$0x4], $0x8000, $0x38;
	[tilespmem:$0x1E800] =	vst v63  }
0x4be: {  	_ =	swait.ge [sflag:s5], $0x8000  }
0x4bf: {  	[sflag:s5] =	ssyncset.done $0x0  }
0x4c0: {  	s21 =	simm.s32 $0x2C00;
	[sflag:s5] =	ssyncadd.s32 $0xFFFF8000  }
0x4c1: {  	[tilespmem:s14], [sflag:$0x2] =	stream.indirect.gather [hbm4b:s28+s4], $0x40, s21, s4, $0xb8;
	[tilespmem:$0x1E800] =	vst v63  }
0x4c2: {  	_ =	swait.ge [sflag:s8], $0x8000  }
0x4c3: {  	s22 =	sld [smem:$0x7E8]  }
0x4c4: {  	[sflag:s8] =	ssyncset.done $0x0  }
0x4c5: {  	[sflag:s8] =	ssyncadd.s32 $0xFFFF8000  }
0x4c6: {  	[hbm4b:s22+s2] =	stream.linear.scatter [tilespmem:s14], [sflag:$0x5], $0x8000, $0x38;
	[tilespmem:$0x1E800] =	vst v63  }
0x4c7: {  	_ =	swait.ge [sflag:s9], $0x8000  }
0x4c8: {  	[sflag:s9] =	ssyncset.done $0x0  }
0x4c9: {  	s23 =	simm.s32 $0x2E00;
	[sflag:s9] =	ssyncadd.s32 $0xFFFF8000  }
0x4ca: {  	[tilespmem:s12], [sflag:$0x2] =	stream.indirect.gather [hbm4b:s3+s4], $0x40, s23, s4, $0xb8;
	[tilespmem:$0x1E800] =	vst v63  }
0x4cb: {  	_ =	swait.ge [sflag:s8], $0x8000  }
0x4cc: {  	s0 =	sld [smem:$0x7E9]  }
0x4cd: {  	[sflag:s8] =	ssyncset.done $0x0  }
0x4ce: {  	[sflag:s8] =	ssyncadd.s32 $0xFFFF8000  }
0x4cf: {  	[hbm4b:s0+s2] =	stream.linear.scatter [tilespmem:s12], [sflag:$0x3], $0x8000, $0x38;
	[tilespmem:$0x1E800] =	vst v63  }
0x4d0: {  	_ =	swait.ge [sflag:s7], $0x8000  }
0x4d1: {  	[sflag:s7] =	ssyncset.done $0x0  }
0x4d2: {  	s21 =	simm.s32 $0x3000;
	[sflag:s7] =	ssyncadd.s32 $0xFFFF8000  }
0x4d3: {  	[tilespmem:s10], [sflag:$0x2] =	stream.indirect.gather [hbm4b:s3+s4], $0x40, s21, s4, $0xb8;
	[tilespmem:$0x1E800] =	vst v63  }
0x4d4: {  	_ =	swait.ge [sflag:s8], $0x8000  }
0x4d5: {  	s22 =	sld [smem:$0x7EA]  }
0x4d6: {  	[sflag:s8] =	ssyncset.done $0x0  }
0x4d7: {  	[sflag:s8] =	ssyncadd.s32 $0xFFFF8000  }
0x4d8: {  	[hbm4b:s22+s2] =	stream.linear.scatter [tilespmem:s10], [sflag:$0x4], $0x8000, $0x38;
	[tilespmem:$0x1E800] =	vst v63  }
0x4d9: {  	_ =	swait.ge [sflag:s5], $0x8000  }
0x4da: {  	[sflag:s5] =	ssyncset.done $0x0  }
0x4db: {  	s23 =	simm.s32 $0x3200;
	[sflag:s5] =	ssyncadd.s32 $0xFFFF8000  }
0x4dc: {  	[tilespmem:s14], [sflag:$0x2] =	stream.indirect.gather [hbm4b:s3+s4], $0x40, s23, s4, $0xb8;
	[tilespmem:$0x1E800] =	vst v63  }
0x4dd: {  	_ =	swait.ge [sflag:s8], $0x8000  }
0x4de: {  	s0 =	sld [smem:$0x7EB]  }
0x4df: {  	[sflag:s8] =	ssyncset.done $0x0  }
0x4e0: {  	[sflag:s8] =	ssyncadd.s32 $0xFFFF8000  }
0x4e1: {  	[hbm4b:s0+s2] =	stream.linear.scatter [tilespmem:s14], [sflag:$0x5], $0x8000, $0x38;
	[tilespmem:$0x1E800] =	vst v63  }
0x4e2: {  	_ =	swait.ge [sflag:s9], $0x8000  }
0x4e3: {  	[sflag:s9] =	ssyncset.done $0x0  }
0x4e4: {  	s21 =	simm.s32 $0x3400;
	[sflag:s9] =	ssyncadd.s32 $0xFFFF8000  }
0x4e5: {  	[tilespmem:s12], [sflag:$0x2] =	stream.indirect.gather [hbm4b:s3+s4], $0x40, s21, s4, $0xb8;
	[tilespmem:$0x1E800] =	vst v63  }
0x4e6: {  	_ =	swait.ge [sflag:s8], $0x8000  }
0x4e7: {  	s22 =	sld [smem:$0x7EC]  }
0x4e8: {  	[sflag:s8] =	ssyncset.done $0x0  }
0x4e9: {  	[sflag:s8] =	ssyncadd.s32 $0xFFFF8000  }
0x4ea: {  	[hbm4b:s22+s2] =	stream.linear.scatter [tilespmem:s12], [sflag:$0x3], $0x8000, $0x38;
	[tilespmem:$0x1E800] =	vst v63  }
0x4eb: {  	_ =	swait.ge [sflag:s7], $0x8000  }
0x4ec: {  	[sflag:s7] =	ssyncset.done $0x0  }
0x4ed: {  	s23 =	simm.s32 $0x3600;
	[sflag:s7] =	ssyncadd.s32 $0xFFFF8000  }
0x4ee: {  	[tilespmem:s10], [sflag:$0x2] =	stream.indirect.gather [hbm4b:s3+s4], $0x40, s23, s4, $0xb8;
	[tilespmem:$0x1E800] =	vst v63  }
0x4ef: {  	_ =	swait.ge [sflag:s8], $0x8000  }
0x4f0: {  	s0 =	sld [smem:$0x7ED]  }
0x4f1: {  	[sflag:s8] =	ssyncset.done $0x0  }
0x4f2: {  	[sflag:s8] =	ssyncadd.s32 $0xFFFF8000  }
0x4f3: {  	[hbm4b:s0+s2] =	stream.linear.scatter [tilespmem:s10], [sflag:$0x4], $0x8000, $0x38;
	[tilespmem:$0x1E800] =	vst v63  }
0x4f4: {  	_ =	swait.ge [sflag:s5], $0x8000  }
0x4f5: {  	[sflag:s5] =	ssyncset.done $0x0  }
0x4f6: {  	s21 =	simm.s32 $0x3800;
	[sflag:s5] =	ssyncadd.s32 $0xFFFF8000  }
0x4f7: {  	[tilespmem:s14], [sflag:$0x2] =	stream.indirect.gather [hbm4b:s3+s4], $0x40, s21, s4, $0xb8;
	[tilespmem:$0x1E800] =	vst v63  }
0x4f8: {  	_ =	swait.ge [sflag:s8], $0x8000  }
0x4f9: {  	s22 =	sld [smem:$0x7EE]  }
0x4fa: {  	[sflag:s8] =	ssyncset.done $0x0  }
0x4fb: {  	[sflag:s8] =	ssyncadd.s32 $0xFFFF8000  }
0x4fc: {  	[hbm4b:s22+s2] =	stream.linear.scatter [tilespmem:s14], [sflag:$0x5], $0x8000, $0x38;
	[tilespmem:$0x1E800] =	vst v63  }
0x4fd: {  	_ =	swait.ge [sflag:s9], $0x8000  }
0x4fe: {  	[sflag:s9] =	ssyncset.done $0x0  }
0x4ff: {  	s23 =	simm.s32 $0x3A00;
	[sflag:s9] =	ssyncadd.s32 $0xFFFF8000  }
0x500: {  	[tilespmem:s12], [sflag:$0x2] =	stream.indirect.gather [hbm4b:s3+s4], $0x40, s23, s4, $0xb8;
	[tilespmem:$0x1E800] =	vst v63  }
0x501: {  	_ =	swait.ge [sflag:s8], $0x8000  }
0x502: {  	s0 =	sld [smem:$0x7EF]  }
0x503: {  	[sflag:s8] =	ssyncset.done $0x0  }
0x504: {  	[sflag:s8] =	ssyncadd.s32 $0xFFFF8000  }
0x505: {  	[hbm4b:s0+s2] =	stream.linear.scatter [tilespmem:s12], [sflag:$0x3], $0x8000, $0x38;
	[tilespmem:$0x1E800] =	vst v63  }
0x506: {  	_ =	swait.ge [sflag:s7], $0x8000  }
0x507: {  	[sflag:s7] =	ssyncset.done $0x0  }
0x508: {  	s21 =	simm.s32 $0x3C00;
	[sflag:s7] =	ssyncadd.s32 $0xFFFF8000  }
0x509: {  	[tilespmem:s10], [sflag:$0x2] =	stream.indirect.gather [hbm4b:s3+s4], $0x40, s21, s4, $0xb8;
	[tilespmem:$0x1E800] =	vst v63  }
0x50a: {  	_ =	swait.ge [sflag:s8], $0x8000  }
0x50b: {  	s22 =	sld [smem:$0x7F0]  }
0x50c: {  	[sflag:s8] =	ssyncset.done $0x0  }
0x50d: {  	[sflag:s8] =	ssyncadd.s32 $0xFFFF8000  }
0x50e: {  	[hbm4b:s22+s2] =	stream.linear.scatter [tilespmem:s10], [sflag:$0x4], $0x8000, $0x38;
	[tilespmem:$0x1E800] =	vst v63  }
0x50f: {  	_ =	swait.ge [sflag:s5], $0x8000  }
0x510: {  	[sflag:s5] =	ssyncset.done $0x0  }
0x511: {  	s23 =	simm.s32 $0x3E00;
	[sflag:s5] =	ssyncadd.s32 $0xFFFF8000  }
0x512: {  	[tilespmem:s14], [sflag:$0x2] =	stream.indirect.gather [hbm4b:s3+s4], $0x40, s23, s4, $0xb8;
	[tilespmem:$0x1E800] =	vst v63  }
0x513: {  	_ =	swait.ge [sflag:s8], $0x8000  }
0x514: {  	s0 =	sld [smem:$0x7F1]  }
0x515: {  	[sflag:s8] =	ssyncset.done $0x0  }
0x516: {  	[sflag:s8] =	ssyncadd.s32 $0xFFFF8000  }
0x517: {  	[hbm4b:s0+s2] =	stream.linear.scatter [tilespmem:s14], [sflag:$0x5], $0x8000, $0x38;
	[tilespmem:$0x1E800] =	vst v63  }
0x518: {  	_ =	swait.ge [sflag:s9], $0x8000  }
0x519: {  	[sflag:s9] =	ssyncset.done $0x0  }
0x51a: {  	s21 =	simm.s32 $0x4000;
	[sflag:s9] =	ssyncadd.s32 $0xFFFF8000  }
0x51b: {  	[tilespmem:s12], [sflag:$0x2] =	stream.indirect.gather [hbm4b:s3+s4], $0x40, s21, s4, $0xb8;
	[tilespmem:$0x1E800] =	vst v63  }
0x51c: {  	_ =	swait.ge [sflag:s8], $0x8000  }
0x51d: {  	s22 =	sld [smem:$0x7F2]  }
0x51e: {  	[sflag:s8] =	ssyncset.done $0x0  }
0x51f: {  	[sflag:s8] =	ssyncadd.s32 $0xFFFF8000  }
0x520: {  	[hbm4b:s22+s2] =	stream.linear.scatter [tilespmem:s12], [sflag:$0x3], $0x8000, $0x38;
	[tilespmem:$0x1E800] =	vst v63  }
0x521: {  	_ =	swait.ge [sflag:s7], $0x8000  }
0x522: {  	[sflag:s7] =	ssyncset.done $0x0  }
0x523: {  	s23 =	simm.s32 $0x4200;
	[sflag:s7] =	ssyncadd.s32 $0xFFFF8000  }
0x524: {  	[tilespmem:s10], [sflag:$0x2] =	stream.indirect.gather [hbm4b:s3+s4], $0x40, s23, s4, $0xb8;
	[tilespmem:$0x1E800] =	vst v63  }
0x525: {  	_ =	swait.ge [sflag:s8], $0x8000  }
0x526: {  	s0 =	sld [smem:$0x7F3]  }
0x527: {  	[sflag:s8] =	ssyncset.done $0x0  }
0x528: {  	[sflag:s8] =	ssyncadd.s32 $0xFFFF8000  }
0x529: {  	[hbm4b:s0+s2] =	stream.linear.scatter [tilespmem:s10], [sflag:$0x4], $0x8000, $0x38;
	[tilespmem:$0x1E800] =	vst v63  }
0x52a: {  	_ =	swait.ge [sflag:s5], $0x8000  }
0x52b: {  	[sflag:s5] =	ssyncset.done $0x0  }
0x52c: {  	s21 =	simm.s32 $0x4400;
	[sflag:s5] =	ssyncadd.s32 $0xFFFF8000  }
0x52d: {  	[tilespmem:s14], [sflag:$0x2] =	stream.indirect.gather [hbm4b:s3+s4], $0x40, s21, s4, $0xb8;
	[tilespmem:$0x1E800] =	vst v63  }
0x52e: {  	_ =	swait.ge [sflag:s8], $0x8000  }
0x52f: {  	s22 =	sld [smem:$0x7F4]  }
0x530: {  	[sflag:s8] =	ssyncset.done $0x0  }
0x531: {  	[sflag:s8] =	ssyncadd.s32 $0xFFFF8000  }
0x532: {  	[hbm4b:s22+s2] =	stream.linear.scatter [tilespmem:s14], [sflag:$0x5], $0x8000, $0x38;
	[tilespmem:$0x1E800] =	vst v63  }
0x533: {  	_ =	swait.ge [sflag:s9], $0x8000  }
0x534: {  	[sflag:s9] =	ssyncset.done $0x0  }
0x535: {  	s23 =	simm.s32 $0x4600;
	[sflag:s9] =	ssyncadd.s32 $0xFFFF8000  }
0x536: {  	[tilespmem:s12], [sflag:$0x2] =	stream.indirect.gather [hbm4b:s3+s4], $0x40, s23, s4, $0xb8;
	[tilespmem:$0x1E800] =	vst v63  }
0x537: {  	_ =	swait.ge [sflag:s8], $0x8000  }
0x538: {  	s0 =	sld [smem:$0x7F5]  }
0x539: {  	[sflag:s8] =	ssyncset.done $0x0  }
0x53a: {  	[sflag:s8] =	ssyncadd.s32 $0xFFFF8000  }
0x53b: {  	[hbm4b:s0+s2] =	stream.linear.scatter [tilespmem:s12], [sflag:$0x3], $0x8000, $0x38;
	[tilespmem:$0x1E800] =	vst v63  }
0x53c: {  	_ =	swait.ge [sflag:s7], $0x8000  }
0x53d: {  	[sflag:s7] =	ssyncset.done $0x0  }
0x53e: {  	s21 =	simm.s32 $0x4800;
	[sflag:s7] =	ssyncadd.s32 $0xFFFF8000  }
0x53f: {  	[tilespmem:s10], [sflag:$0x2] =	stream.indirect.gather [hbm4b:s3+s4], $0x40, s21, s4, $0xb8;
	[tilespmem:$0x1E800] =	vst v63  }
0x540: {  	_ =	swait.ge [sflag:s8], $0x8000  }
0x541: {  	s22 =	sld [smem:$0x7F6]  }
0x542: {  	[sflag:s8] =	ssyncset.done $0x0  }
0x543: {  	[sflag:s8] =	ssyncadd.s32 $0xFFFF8000  }
0x544: {  	[hbm4b:s22+s2] =	stream.linear.scatter [tilespmem:s10], [sflag:$0x4], $0x8000, $0x38;
	[tilespmem:$0x1E800] =	vst v63  }
0x545: {  	_ =	swait.ge [sflag:s5], $0x8000  }
0x546: {  	[sflag:s5] =	ssyncset.done $0x0  }
0x547: {  	s23 =	simm.s32 $0x4A00;
	[sflag:s5] =	ssyncadd.s32 $0xFFFF8000  }
0x548: {  	[tilespmem:s14], [sflag:$0x2] =	stream.indirect.gather [hbm4b:s3+s4], $0x40, s23, s4, $0xb8;
	[tilespmem:$0x1E800] =	vst v63  }
0x549: {  	_ =	swait.ge [sflag:s8], $0x8000  }
0x54a: {  	s0 =	sld [smem:$0x7F7]  }
0x54b: {  	[sflag:s8] =	ssyncset.done $0x0  }
0x54c: {  	[sflag:s8] =	ssyncadd.s32 $0xFFFF8000  }
0x54d: {  	[hbm4b:s0+s2] =	stream.linear.scatter [tilespmem:s14], [sflag:$0x5], $0x8000, $0x38;
	[tilespmem:$0x1E800] =	vst v63  }
0x54e: {  	_ =	swait.ge [sflag:s9], $0x8000  }
0x54f: {  	[sflag:s9] =	ssyncset.done $0x0  }
0x550: {  	s21 =	simm.s32 $0x4C00;
	[sflag:s9] =	ssyncadd.s32 $0xFFFF8000  }
0x551: {  	[tilespmem:s12], [sflag:$0x2] =	stream.indirect.gather [hbm4b:s3+s4], $0x40, s21, s4, $0xb8;
	[tilespmem:$0x1E800] =	vst v63  }
0x552: {  	_ =	swait.ge [sflag:s8], $0x8000  }
0x553: {  	s22 =	sld [smem:$0x7F8]  }
0x554: {  	[sflag:s8] =	ssyncset.done $0x0  }
0x555: {  	[sflag:s8] =	ssyncadd.s32 $0xFFFF8000  }
0x556: {  	[hbm4b:s22+s2] =	stream.linear.scatter [tilespmem:s12], [sflag:$0x3], $0x8000, $0x38;
	[tilespmem:$0x1E800] =	vst v63  }
0x557: {  	_ =	swait.ge [sflag:s7], $0x8000  }
0x558: {  	[sflag:s7] =	ssyncset.done $0x0  }
0x559: {  	s23 =	simm.s32 $0x4E00;
	[sflag:s7] =	ssyncadd.s32 $0xFFFF8000  }
0x55a: {  	[tilespmem:s10], [sflag:$0x2] =	stream.indirect.gather [hbm4b:s3+s4], $0x40, s23, s4, $0xb8;
	[tilespmem:$0x1E800] =	vst v63  }
0x55b: {  	_ =	swait.ge [sflag:s8], $0x8000  }
0x55c: {  	s0 =	sld [smem:$0x7FA]  }
0x55d: {  	[sflag:s8] =	ssyncset.done $0x0  }
0x55e: {  	[sflag:s8] =	ssyncadd.s32 $0xFFFF8000  }
0x55f: {  	[hbm4b:s0+s2] =	stream.linear.scatter [tilespmem:s10], [sflag:$0x4], $0x8000, $0x38;
	[tilespmem:$0x1E800] =	vst v63  }
0x560: {  	_ =	swait.ge [sflag:s5], $0x8000  }
0x561: {  	[sflag:s5] =	ssyncset.done $0x0  }
0x562: {  	s21 =	simm.s32 $0x5000;
	[sflag:s5] =	ssyncadd.s32 $0xFFFF8000  }
0x563: {  	[tilespmem:s14], [sflag:$0x2] =	stream.indirect.gather [hbm4b:s3+s4], $0x40, s21, s4, $0xb8;
	[tilespmem:$0x1E800] =	vst v63  }
0x564: {  	_ =	swait.ge [sflag:s8], $0x8000  }
0x565: {  	s22 =	sld [smem:$0x7FB]  }
0x566: {  	[sflag:s8] =	ssyncset.done $0x0  }
0x567: {  	[sflag:s8] =	ssyncadd.s32 $0xFFFF8000  }
0x568: {  	[hbm4b:s22+s2] =	stream.linear.scatter [tilespmem:s14], [sflag:$0x5], $0x8000, $0x38;
	[tilespmem:$0x1E800] =	vst v63  }
0x569: {  	_ =	swait.ge [sflag:s9], $0x8000  }
0x56a: {  	[sflag:s9] =	ssyncset.done $0x0  }
0x56b: {  	s23 =	simm.s32 $0x5200;
	[sflag:s9] =	ssyncadd.s32 $0xFFFF8000  }
0x56c: {  	[tilespmem:s12], [sflag:$0x2] =	stream.indirect.gather [hbm4b:s3+s4], $0x40, s23, s4, $0xb8;
	[tilespmem:$0x1E800] =	vst v63  }
0x56d: {  	_ =	swait.ge [sflag:s8], $0x8000  }
0x56e: {  	s0 =	sld [smem:$0x7FC]  }
0x56f: {  	[sflag:s8] =	ssyncset.done $0x0  }
0x570: {  	[sflag:s8] =	ssyncadd.s32 $0xFFFF8000  }
0x571: {  	[hbm4b:s0+s2] =	stream.linear.scatter [tilespmem:s12], [sflag:$0x3], $0x8000, $0x38;
	[tilespmem:$0x1E800] =	vst v63  }
0x572: {  	_ =	swait.ge [sflag:s7], $0x8000  }
0x573: {  	[sflag:s7] =	ssyncset.done $0x0  }
0x574: {  	s22 =	simm.s32 $0x5400;
	[sflag:s7] =	ssyncadd.s32 $0xFFFF8000  }
0x575: {  	[tilespmem:s10], [sflag:$0x2] =	stream.indirect.gather [hbm4b:s3+s4], $0x40, s22, s4, $0xb8;
	[tilespmem:$0x1E800] =	vst v63  }
0x576: {  	_ =	swait.ge [sflag:s8], $0x8000  }
0x577: {  	s23 =	sld [smem:$0x7FD]  }
0x578: {  	[sflag:s8] =	ssyncset.done $0x0  }
0x579: {  	[sflag:s8] =	ssyncadd.s32 $0xFFFF8000  }
0x57a: {  	[hbm4b:s23+s2] =	stream.linear.scatter [tilespmem:s10], [sflag:$0x4], $0x8000, $0x38;
	[tilespmem:$0x1E800] =	vst v63  }
0x57b: {  	_ =	swait.ge [sflag:s9], $0x8000  }
0x57c: {  	[sflag:s9] =	ssyncset.done $0x0  }
0x57d: {  	p1 =	sne.s32 s17, $0x1;
	[sflag:s9] =	ssyncadd.s32 $0xFFFF8000  }
.Ltmp2:
0x57e: {  	_ =	swait.ge [sflag:s7], $0x8000;
	(pc) =	sbr.rel @p1 .LBB2_3-.Ltmp2, $4  }
0x57f: {  	[sflag:s7] =	ssyncset.done $0x0  }
0x580: {  	[sflag:s7] =	ssyncadd.s32 $0xFFFF8000  }
0x581: {  	s17 =	sadd.s32 $0xFFFFFFFF, s17;
	_ =	swait.ge [sflag:s5], $0x8000  }
0x582: {  	s13 =	simm.s32 $0x6;
	s21 =	rddreg [dreg:$0x5];
	[sflag:s5] =	ssyncset.done $0x0  }
0x583: {  	s11 =	sld [smem:$0x7AE]  }
0x584: {  	s17 =	simm.s32 $0x5600;
	s16 =	sld [smem:$0x7AF];
	s6 =	simm.s32 $0x1D800  }
.LBB2_5:
0x585: {  	[sflag:s5] =	ssyncadd.s32 @p0 $0xFFFF8000  }
0x586: {  	s20 =	rddreg [dreg:$0x6]  }
0x587: {  	[tilespmem:s2], [sflag:$0x1] =	stream.linear.gather [hbm4b:s21+s2], $0x200, $0x38;
	[tilespmem:$0x1E800] =	vst v63  }
0x588: {  	s31 =	rddreg [dreg:$0x7]  }
0x589: {  	[tilespmem:s4], [sflag:$0x1] =	stream.linear.gather [hbm4b:s20+s2], $0x200, $0x38;
	[tilespmem:$0x1E800] =	vst v63  }
0x58a: {  	s0 =	simm.s32 $0x400;
	s1 =	rddreg [dreg:$0x8]  }
0x58b: {  	[tilespmem:s0], [sflag:$0x1] =	stream.linear.gather [hbm4b:s31+s2], $0x200, $0x38;
	[tilespmem:$0x1E800] =	vst v63  }
0x58c: {  	s15 =	simm.s32 $0x600;
	s18 =	rddreg [dreg:$0x9]  }
0x58d: {  	[tilespmem:s15], [sflag:$0x1] =	stream.linear.gather [hbm4b:s1+s2], $0x200, $0x38;
	[tilespmem:$0x1E800] =	vst v63  }
0x58e: {  	s23 =	simm.s32 $0x800;
	s22 =	rddreg [dreg:$0xa]  }
0x58f: {  	[tilespmem:s23], [sflag:$0x1] =	stream.linear.gather [hbm4b:s18+s2], $0x200, $0x38;
	[tilespmem:$0x1E800] =	vst v63  }
0x590: {  	s24 =	rddreg [dreg:$0xb];
	s18 =	simm.s32 $0xA00  }
0x591: {  	[tilespmem:s18], [sflag:$0x1] =	stream.linear.gather [hbm4b:s22+s2], $0x200, $0x38;
	[tilespmem:$0x1E800] =	vst v63  }
0x592: {  	s25 =	rddreg [dreg:$0xc];
	s1 =	simm.s32 $0xC00  }
0x593: {  	[tilespmem:s1], [sflag:$0x1] =	stream.linear.gather [hbm4b:s24+s2], $0x200, $0x38;
	[tilespmem:$0x1E800] =	vst v63  }
0x594: {  	s26 =	rddreg [dreg:$0xd];
	s24 =	simm.s32 $0xE00  }
0x595: {  	[tilespmem:s24], [sflag:$0x1] =	stream.linear.gather [hbm4b:s25+s2], $0x200, $0x38;
	[tilespmem:$0x1E800] =	vst v63  }
0x596: {  	s29 =	rddreg [dreg:$0xe];
	s25 =	simm.s32 $0x1000  }
0x597: {  	[tilespmem:s25], [sflag:$0x1] =	stream.linear.gather [hbm4b:s26+s2], $0x200, $0x38;
	[tilespmem:$0x1E800] =	vst v63  }
0x598: {  	s30 =	rddreg [dreg:$0xf];
	s26 =	simm.s32 $0x1200  }
0x599: {  	[tilespmem:s26], [sflag:$0x1] =	stream.linear.gather [hbm4b:s29+s2], $0x200, $0x38;
	[tilespmem:$0x1E800] =	vst v63  }
0x59a: {  	s21 =	rddreg [dreg:$0x13];
	s29 =	simm.s32 $0x1400  }
0x59b: {  	[tilespmem:s29], [sflag:$0x1] =	stream.linear.gather [hbm4b:s30+s2], $0x200, $0x38;
	[tilespmem:$0x1E800] =	vst v63  }
0x59c: {  	s31 =	rddreg [dreg:$0x10];
	s30 =	simm.s32 $0x1600  }
0x59d: {  	[tilespmem:s30], [sflag:$0x1] =	stream.linear.gather [hbm4b:s31+s2], $0x200, $0x38;
	[tilespmem:$0x1E800] =	vst v63  }
0x59e: {  	s22 =	rddreg [dreg:$0x11];
	s31 =	simm.s32 $0x1800  }
0x59f: {  	[tilespmem:s31], [sflag:$0x1] =	stream.linear.gather [hbm4b:s22+s2], $0x200, $0x38;
	[tilespmem:$0x1E800] =	vst v63  }
0x5a0: {  	s20 =	rddreg [dreg:$0x12];
	s22 =	simm.s32 $0x1A00  }
0x5a1: {  	[tilespmem:s22], [sflag:$0x1] =	stream.linear.gather [hbm4b:s20+s2], $0x200, $0x38;
	[tilespmem:$0x1E800] =	vst v63  }
0x5a2: {  	s20 =	rddreg [dreg:$0x14];
	s22 =	simm.s32 $0x1C00  }
0x5a3: {  	[tilespmem:s22], [sflag:$0x1] =	stream.linear.gather [hbm4b:s21+s2], $0x200, $0x38;
	[tilespmem:$0x1E800] =	vst v63  }
0x5a4: {  	s21 =	rddreg [dreg:$0x15];
	s22 =	simm.s32 $0x1E00  }
0x5a5: {  	[tilespmem:s22], [sflag:$0x1] =	stream.linear.gather [hbm4b:s20+s2], $0x200, $0x38;
	[tilespmem:$0x1E800] =	vst v63  }
0x5a6: {  	s20 =	rddreg [dreg:$0x16];
	s22 =	simm.s32 $0x2000  }
0x5a7: {  	[tilespmem:s22], [sflag:$0x1] =	stream.linear.gather [hbm4b:s21+s2], $0x200, $0x38;
	[tilespmem:$0x1E800] =	vst v63  }
0x5a8: {  	s21 =	rddreg [dreg:$0x17];
	s22 =	simm.s32 $0x2200  }
0x5a9: {  	[tilespmem:s22], [sflag:$0x1] =	stream.linear.gather [hbm4b:s20+s2], $0x200, $0x38;
	[tilespmem:$0x1E800] =	vst v63  }
0x5aa: {  	s20 =	rddreg [dreg:$0x18];
	s22 =	simm.s32 $0x2400  }
0x5ab: {  	[tilespmem:s22], [sflag:$0x1] =	stream.linear.gather [hbm4b:s21+s2], $0x200, $0x38;
	[tilespmem:$0x1E800] =	vst v63  }
0x5ac: {  	s21 =	rddreg [dreg:$0x19];
	s22 =	simm.s32 $0x2600  }
0x5ad: {  	[tilespmem:s22], [sflag:$0x1] =	stream.linear.gather [hbm4b:s20+s2], $0x200, $0x38;
	[tilespmem:$0x1E800] =	vst v63  }
0x5ae: {  	s20 =	rddreg [dreg:$0x1a];
	s22 =	simm.s32 $0x2800  }
0x5af: {  	[tilespmem:s22], [sflag:$0x1] =	stream.linear.gather [hbm4b:s21+s2], $0x200, $0x38;
	[tilespmem:$0x1E800] =	vst v63  }
0x5b0: {  	s21 =	rddreg [dreg:$0x1b];
	s22 =	simm.s32 $0x2A00  }
0x5b1: {  	[tilespmem:s22], [sflag:$0x1] =	stream.linear.gather [hbm4b:s20+s2], $0x200, $0x38;
	[tilespmem:$0x1E800] =	vst v63  }
0x5b2: {  	s20 =	rddreg [dreg:$0x1c];
	s22 =	simm.s32 $0x2C00  }
0x5b3: {  	[tilespmem:s22], [sflag:$0x1] =	stream.linear.gather [hbm4b:s21+s2], $0x200, $0x38;
	[tilespmem:$0x1E800] =	vst v63  }
0x5b4: {  	s21 =	rddreg [dreg:$0x1d];
	s22 =	simm.s32 $0x2E00  }
0x5b5: {  	[tilespmem:s22], [sflag:$0x1] =	stream.linear.gather [hbm4b:s20+s2], $0x200, $0x38;
	[tilespmem:$0x1E800] =	vst v63  }
0x5b6: {  	s20 =	rddreg [dreg:$0x1e];
	s22 =	simm.s32 $0x3000  }
0x5b7: {  	[tilespmem:s22], [sflag:$0x1] =	stream.linear.gather [hbm4b:s21+s2], $0x200, $0x38;
	[tilespmem:$0x1E800] =	vst v63  }
0x5b8: {  	s21 =	rddreg [dreg:$0x1f];
	s22 =	simm.s32 $0x3200  }
0x5b9: {  	[tilespmem:s22], [sflag:$0x1] =	stream.linear.gather [hbm4b:s20+s2], $0x200, $0x38;
	[tilespmem:$0x1E800] =	vst v63  }
0x5ba: {  	s20 =	sld [smem:$0x7B0];
	s22 =	simm.s32 $0x3400  }
0x5bb: {  	[tilespmem:s22], [sflag:$0x1] =	stream.linear.gather [hbm4b:s21+s2], $0x200, $0x38;
	[tilespmem:$0x1E800] =	vst v63  }
0x5bc: {  	s21 =	sld [smem:$0x7B1];
	s22 =	simm.s32 $0x3600  }
0x5bd: {  	[tilespmem:s22], [sflag:$0x1] =	stream.linear.gather [hbm4b:s20+s2], $0x200, $0x38;
	[tilespmem:$0x1E800] =	vst v63  }
0x5be: {  	s20 =	sld [smem:$0x7B2];
	s22 =	simm.s32 $0x3800  }
0x5bf: {  	[tilespmem:s22], [sflag:$0x1] =	stream.linear.gather [hbm4b:s21+s2], $0x200, $0x38;
	[tilespmem:$0x1E800] =	vst v63  }
0x5c0: {  	s21 =	sld [smem:$0x7B3];
	s22 =	simm.s32 $0x3A00  }
0x5c1: {  	[tilespmem:s22], [sflag:$0x1] =	stream.linear.gather [hbm4b:s20+s2], $0x200, $0x38;
	[tilespmem:$0x1E800] =	vst v63  }
0x5c2: {  	s20 =	sld [smem:$0x7B4];
	s22 =	simm.s32 $0x3C00  }
0x5c3: {  	[tilespmem:s22], [sflag:$0x1] =	stream.linear.gather [hbm4b:s21+s2], $0x200, $0x38;
	[tilespmem:$0x1E800] =	vst v63  }
0x5c4: {  	s21 =	sld [smem:$0x7B5];
	s22 =	simm.s32 $0x3E00  }
0x5c5: {  	[tilespmem:s22], [sflag:$0x1] =	stream.linear.gather [hbm4b:s20+s2], $0x200, $0x38;
	[tilespmem:$0x1E800] =	vst v63  }
0x5c6: {  	s20 =	sld [smem:$0x7B6];
	s22 =	simm.s32 $0x4000  }
0x5c7: {  	[tilespmem:s22], [sflag:$0x1] =	stream.linear.gather [hbm4b:s21+s2], $0x200, $0x38;
	[tilespmem:$0x1E800] =	vst v63  }
0x5c8: {  	s21 =	sld [smem:$0x7B7];
	s22 =	simm.s32 $0x4200  }
0x5c9: {  	[tilespmem:s22], [sflag:$0x1] =	stream.linear.gather [hbm4b:s20+s2], $0x200, $0x38;
	[tilespmem:$0x1E800] =	vst v63  }
0x5ca: {  	s20 =	sld [smem:$0x7B8];
	s22 =	simm.s32 $0x4400  }
0x5cb: {  	[tilespmem:s22], [sflag:$0x1] =	stream.linear.gather [hbm4b:s21+s2], $0x200, $0x38;
	[tilespmem:$0x1E800] =	vst v63  }
0x5cc: {  	s21 =	sld [smem:$0x7B9];
	s22 =	simm.s32 $0x4600  }
0x5cd: {  	[tilespmem:s22], [sflag:$0x1] =	stream.linear.gather [hbm4b:s20+s2], $0x200, $0x38;
	[tilespmem:$0x1E800] =	vst v63  }
0x5ce: {  	s20 =	sld [smem:$0x7BA];
	s22 =	simm.s32 $0x4800  }
0x5cf: {  	[tilespmem:s22], [sflag:$0x1] =	stream.linear.gather [hbm4b:s21+s2], $0x200, $0x38;
	[tilespmem:$0x1E800] =	vst v63  }
0x5d0: {  	s21 =	sld [smem:$0x7BB];
	s22 =	simm.s32 $0x4A00  }
0x5d1: {  	[tilespmem:s22], [sflag:$0x1] =	stream.linear.gather [hbm4b:s20+s2], $0x200, $0x38;
	[tilespmem:$0x1E800] =	vst v63  }
0x5d2: {  	s20 =	sld [smem:$0x7BC];
	s22 =	simm.s32 $0x4C00  }
0x5d3: {  	[tilespmem:s22], [sflag:$0x1] =	stream.linear.gather [hbm4b:s21+s2], $0x200, $0x38;
	[tilespmem:$0x1E800] =	vst v63  }
0x5d4: {  	s21 =	sld [smem:$0x7BD];
	s22 =	simm.s32 $0x4E00  }
0x5d5: {  	[tilespmem:s22], [sflag:$0x1] =	stream.linear.gather [hbm4b:s20+s2], $0x200, $0x38;
	[tilespmem:$0x1E800] =	vst v63  }
0x5d6: {  	s20 =	sld [smem:$0x7BE];
	s22 =	simm.s32 $0x5000  }
0x5d7: {  	[tilespmem:s22], [sflag:$0x1] =	stream.linear.gather [hbm4b:s21+s2], $0x200, $0x38;
	[tilespmem:$0x1E800] =	vst v63  }
0x5d8: {  	s21 =	sld [smem:$0x7BF];
	s22 =	simm.s32 $0x5200  }
0x5d9: {  	[tilespmem:s22], [sflag:$0x1] =	stream.linear.gather [hbm4b:s20+s2], $0x200, $0x38;
	[tilespmem:$0x1E800] =	vst v63  }
0x5da: {  	s22 =	simm.s32 $0x5400  }
0x5db: {  	[tilespmem:s22], [sflag:$0x1] =	stream.linear.gather [hbm4b:s21+s2], $0x200, $0x38;
	[tilespmem:$0x1E800] =	vst v63  }
0x5dc: {  	_ =	swait.ge [sflag:s19], $0x200  }
0x5dd: {  	[sflag:s19] =	ssyncset.done $0x0  }
0x5de: {  	[sflag:s19] =	ssyncadd.s32 $0xFFFFFE00  }
0x5df: {  	_ =	swait.ge [sflag:s19], $0x200  }
0x5e0: {  	[sflag:s19] =	ssyncset.done $0x0  }
0x5e1: {  	[sflag:s19] =	ssyncadd.s32 $0xFFFFFE00  }
0x5e2: {  	_ =	swait.ge [sflag:s19], $0x200  }
0x5e3: {  	[sflag:s19] =	ssyncset.done $0x0  }
0x5e4: {  	[sflag:s19] =	ssyncadd.s32 $0xFFFFFE00  }
0x5e5: {  	_ =	swait.ge [sflag:s19], $0x200  }
0x5e6: {  	[sflag:s19] =	ssyncset.done $0x0  }
0x5e7: {  	[sflag:s19] =	ssyncadd.s32 $0xFFFFFE00  }
0x5e8: {  	_ =	swait.ge [sflag:s19], $0x200  }
0x5e9: {  	[sflag:s19] =	ssyncset.done $0x0  }
0x5ea: {  	[sflag:s19] =	ssyncadd.s32 $0xFFFFFE00  }
0x5eb: {  	_ =	swait.ge [sflag:s19], $0x200  }
0x5ec: {  	[sflag:s19] =	ssyncset.done $0x0  }
0x5ed: {  	[sflag:s19] =	ssyncadd.s32 $0xFFFFFE00  }
0x5ee: {  	_ =	swait.ge [sflag:s19], $0x200  }
0x5ef: {  	[sflag:s19] =	ssyncset.done $0x0  }
0x5f0: {  	[sflag:s19] =	ssyncadd.s32 $0xFFFFFE00  }
0x5f1: {  	_ =	swait.ge [sflag:s19], $0x200  }
0x5f2: {  	[sflag:s19] =	ssyncset.done $0x0  }
0x5f3: {  	[sflag:s19] =	ssyncadd.s32 $0xFFFFFE00  }
0x5f4: {  	_ =	swait.ge [sflag:s19], $0x200  }
0x5f5: {  	[sflag:s19] =	ssyncset.done $0x0  }
0x5f6: {  	[sflag:s19] =	ssyncadd.s32 $0xFFFFFE00  }
0x5f7: {  	_ =	swait.ge [sflag:s19], $0x200  }
0x5f8: {  	[sflag:s19] =	ssyncset.done $0x0  }
0x5f9: {  	[sflag:s19] =	ssyncadd.s32 $0xFFFFFE00  }
0x5fa: {  	_ =	swait.ge [sflag:s19], $0x200  }
0x5fb: {  	[sflag:s19] =	ssyncset.done $0x0  }
0x5fc: {  	[sflag:s19] =	ssyncadd.s32 $0xFFFFFE00  }
0x5fd: {  	_ =	swait.ge [sflag:s19], $0x200  }
0x5fe: {  	[sflag:s19] =	ssyncset.done $0x0  }
0x5ff: {  	[sflag:s19] =	ssyncadd.s32 $0xFFFFFE00  }
0x600: {  	_ =	swait.ge [sflag:s19], $0x200  }
0x601: {  	[sflag:s19] =	ssyncset.done $0x0  }
0x602: {  	[sflag:s19] =	ssyncadd.s32 $0xFFFFFE00  }
0x603: {  	_ =	swait.ge [sflag:s19], $0x200  }
0x604: {  	[sflag:s19] =	ssyncset.done $0x0  }
0x605: {  	[sflag:s19] =	ssyncadd.s32 $0xFFFFFE00  }
0x606: {  	_ =	swait.ge [sflag:s19], $0x200  }
0x607: {  	[sflag:s19] =	ssyncset.done $0x0  }
0x608: {  	[sflag:s19] =	ssyncadd.s32 $0xFFFFFE00  }
0x609: {  	_ =	swait.ge [sflag:s19], $0x200  }
0x60a: {  	[sflag:s19] =	ssyncset.done $0x0  }
0x60b: {  	[sflag:s19] =	ssyncadd.s32 $0xFFFFFE00  }
0x60c: {  	_ =	swait.ge [sflag:s19], $0x200  }
0x60d: {  	[sflag:s19] =	ssyncset.done $0x0  }
0x60e: {  	[sflag:s19] =	ssyncadd.s32 $0xFFFFFE00  }
0x60f: {  	_ =	swait.ge [sflag:s19], $0x200  }
0x610: {  	[sflag:s19] =	ssyncset.done $0x0  }
0x611: {  	[sflag:s19] =	ssyncadd.s32 $0xFFFFFE00  }
0x612: {  	_ =	swait.ge [sflag:s19], $0x200  }
0x613: {  	[sflag:s19] =	ssyncset.done $0x0  }
0x614: {  	[sflag:s19] =	ssyncadd.s32 $0xFFFFFE00  }
0x615: {  	_ =	swait.ge [sflag:s19], $0x200  }
0x616: {  	[sflag:s19] =	ssyncset.done $0x0  }
0x617: {  	[sflag:s19] =	ssyncadd.s32 $0xFFFFFE00  }
0x618: {  	_ =	swait.ge [sflag:s19], $0x200  }
0x619: {  	[sflag:s19] =	ssyncset.done $0x0  }
0x61a: {  	[sflag:s19] =	ssyncadd.s32 $0xFFFFFE00  }
0x61b: {  	_ =	swait.ge [sflag:s19], $0x200  }
0x61c: {  	[sflag:s19] =	ssyncset.done $0x0  }
0x61d: {  	[sflag:s19] =	ssyncadd.s32 $0xFFFFFE00  }
0x61e: {  	_ =	swait.ge [sflag:s19], $0x200  }
0x61f: {  	[sflag:s19] =	ssyncset.done $0x0  }
0x620: {  	[sflag:s19] =	ssyncadd.s32 $0xFFFFFE00  }
0x621: {  	_ =	swait.ge [sflag:s19], $0x200  }
0x622: {  	[sflag:s19] =	ssyncset.done $0x0  }
0x623: {  	[sflag:s19] =	ssyncadd.s32 $0xFFFFFE00  }
0x624: {  	_ =	swait.ge [sflag:s19], $0x200  }
0x625: {  	[sflag:s19] =	ssyncset.done $0x0  }
0x626: {  	[sflag:s19] =	ssyncadd.s32 $0xFFFFFE00  }
0x627: {  	_ =	swait.ge [sflag:s19], $0x200  }
0x628: {  	[sflag:s19] =	ssyncset.done $0x0  }
0x629: {  	[sflag:s19] =	ssyncadd.s32 $0xFFFFFE00  }
0x62a: {  	_ =	swait.ge [sflag:s19], $0x200  }
0x62b: {  	[sflag:s19] =	ssyncset.done $0x0  }
0x62c: {  	[sflag:s19] =	ssyncadd.s32 $0xFFFFFE00  }
0x62d: {  	_ =	swait.ge [sflag:s19], $0x200  }
0x62e: {  	[sflag:s19] =	ssyncset.done $0x0  }
0x62f: {  	[sflag:s19] =	ssyncadd.s32 $0xFFFFFE00  }
0x630: {  	_ =	swait.ge [sflag:s19], $0x200  }
0x631: {  	[sflag:s19] =	ssyncset.done $0x0  }
0x632: {  	[sflag:s19] =	ssyncadd.s32 $0xFFFFFE00  }
0x633: {  	_ =	swait.ge [sflag:s19], $0x200  }
0x634: {  	[sflag:s19] =	ssyncset.done $0x0  }
0x635: {  	[sflag:s19] =	ssyncadd.s32 $0xFFFFFE00  }
0x636: {  	_ =	swait.ge [sflag:s19], $0x200  }
0x637: {  	[sflag:s19] =	ssyncset.done $0x0  }
0x638: {  	[sflag:s19] =	ssyncadd.s32 $0xFFFFFE00  }
0x639: {  	_ =	swait.ge [sflag:s19], $0x200  }
0x63a: {  	[sflag:s19] =	ssyncset.done $0x0  }
0x63b: {  	[sflag:s19] =	ssyncadd.s32 $0xFFFFFE00  }
0x63c: {  	_ =	swait.ge [sflag:s19], $0x200  }
0x63d: {  	[sflag:s19] =	ssyncset.done $0x0  }
0x63e: {  	[sflag:s19] =	ssyncadd.s32 $0xFFFFFE00  }
0x63f: {  	_ =	swait.ge [sflag:s19], $0x200  }
0x640: {  	[sflag:s19] =	ssyncset.done $0x0  }
0x641: {  	[sflag:s19] =	ssyncadd.s32 $0xFFFFFE00  }
0x642: {  	_ =	swait.ge [sflag:s19], $0x200  }
0x643: {  	[sflag:s19] =	ssyncset.done $0x0  }
0x644: {  	[sflag:s19] =	ssyncadd.s32 $0xFFFFFE00  }
0x645: {  	_ =	swait.ge [sflag:s19], $0x200  }
0x646: {  	[sflag:s19] =	ssyncset.done $0x0  }
0x647: {  	[sflag:s19] =	ssyncadd.s32 $0xFFFFFE00  }
0x648: {  	_ =	swait.ge [sflag:s19], $0x200  }
0x649: {  	[sflag:s19] =	ssyncset.done $0x0  }
0x64a: {  	[sflag:s19] =	ssyncadd.s32 $0xFFFFFE00  }
0x64b: {  	_ =	swait.ge [sflag:s19], $0x200  }
0x64c: {  	[sflag:s19] =	ssyncset.done $0x0  }
0x64d: {  	[sflag:s19] =	ssyncadd.s32 $0xFFFFFE00  }
0x64e: {  	_ =	swait.ge [sflag:s19], $0x200  }
0x64f: {  	[sflag:s19] =	ssyncset.done $0x0  }
0x650: {  	[sflag:s19] =	ssyncadd.s32 $0xFFFFFE00  }
0x651: {  	_ =	swait.ge [sflag:s19], $0x200  }
0x652: {  	[sflag:s19] =	ssyncset.done $0x0  }
0x653: {  	[sflag:s19] =	ssyncadd.s32 $0xFFFFFE00  }
0x654: {  	_ =	swait.ge [sflag:s19], $0x200  }
0x655: {  	[sflag:s19] =	ssyncset.done $0x0  }
0x656: {  	[sflag:s19] =	ssyncadd.s32 $0xFFFFFE00  }
0x657: {  	_ =	swait.ge [sflag:s19], $0x200  }
0x658: {  	[sflag:s19] =	ssyncset.done $0x0  }
0x659: {  	[sflag:s19] =	ssyncadd.s32 $0xFFFFFE00  }
0x65a: {  	_ =	swait.ge [sflag:s19], $0x200  }
0x65b: {  	s21 =	sld [smem:$0x7C0]  }
0x65c: {  	[sflag:s19] =	ssyncset.done $0x0  }
0x65d: {  	[sflag:s19] =	ssyncadd.s32 $0xFFFFFE00  }
0x65e: {  	[tilespmem:s17], [sflag:$0x6] =	stream.linear.gather [hbm4b:s21+s2], $0x40, $0x38;
	[tilespmem:$0x1E800] =	vst v63  }
0x65f: {  	_ =	swait.ge [sflag:s13], $0x40  }
0x660: {  	[sflag:s13] =	ssyncset.done $0x0  }
0x661: {  	s20 =	simm.s32 $0x40;
	[sflag:s13] =	ssyncadd.s32 $0xFFFFFFC0  }
0x662: {  	[tilespmem:s6], [sflag:$0x2] =	stream.indirect.gather [hbm4b:s11+s20], $0x40, s17, s20, $0xb8;
	[tilespmem:$0x1E800] =	vst v63  }
0x663: {  	_ =	swait.ge [sflag:s8], $0x1000  }
0x664: {  	s21 =	sld [smem:$0x7C1]  }
0x665: {  	[sflag:s8] =	ssyncset.done $0x0  }
0x666: {  	[sflag:s8] =	ssyncadd.s32 $0xFFFFF000  }
0x667: {  	[hbm4b:s21+s2] =	stream.linear.scatter [tilespmem:s6], [sflag:$0x6], $0x1000, $0x38;
	[tilespmem:$0x1E800] =	vst v63  }
0x668: {  	_ =	swait.ge [sflag:s13], $0x1000  }
0x669: {  	[sflag:s13] =	ssyncset.done $0x0  }
0x66a: {  	[sflag:s13] =	ssyncadd.s32 $0xFFFFF000  }
0x66b: {  	[tilespmem:s6], [sflag:$0x2] =	stream.indirect.gather [hbm4b:s16+s20], $0x40, s17, s20, $0xb8;
	[tilespmem:$0x1E800] =	vst v63  }
0x66c: {  	_ =	swait.ge [sflag:s8], $0x1000  }
0x66d: {  	s19 =	sld [smem:$0x7C2]  }
0x66e: {  	[sflag:s8] =	ssyncset.done $0x0  }
0x66f: {  	[sflag:s8] =	ssyncadd.s32 $0xFFFFF000  }
0x670: {  	[hbm4b:s19+s2] =	stream.linear.scatter [tilespmem:s6], [sflag:$0x6], $0x1000, $0x38;
	[tilespmem:$0x1E800] =	vst v63  }
0x671: {  	_ =	swait.ge [sflag:s13], $0x1000  }
0x672: {  	[sflag:s13] =	ssyncset.done $0x0  }
0x673: {  	[sflag:s13] =	ssyncadd.s32 $0xFFFFF000  }
0x674: {  	[tilespmem:s12], [sflag:$0x2] =	stream.indirect.gather [hbm4b:s11+s4], $0x40, s2, s4, $0xb8;
	[tilespmem:$0x1E800] =	vst v63  }
0x675: {  	_ =	swait.ge [sflag:s8], $0x8000  }
0x676: {  	s20 =	sld [smem:$0x7C3]  }
0x677: {  	[sflag:s8] =	ssyncset.done $0x0  }
0x678: {  	[sflag:s8] =	ssyncadd.s32 $0xFFFF8000  }
0x679: {  	[hbm4b:s20+s2] =	stream.linear.scatter [tilespmem:s12], [sflag:$0x3], $0x8000, $0x38;
	[tilespmem:$0x1E800] =	vst v63  }
0x67a: {  	_ = 	snop  }
0x67b: {  	[tilespmem:s10], [sflag:$0x2] =	stream.indirect.gather [hbm4b:s16+s4], $0x40, s2, s4, $0xb8;
	[tilespmem:$0x1E800] =	vst v63  }
0x67c: {  	_ =	swait.ge [sflag:s8], $0x8000  }
0x67d: {  	s21 =	sld [smem:$0x7C4]  }
0x67e: {  	[sflag:s8] =	ssyncset.done $0x0  }
0x67f: {  	[sflag:s8] =	ssyncadd.s32 $0xFFFF8000  }
0x680: {  	[hbm4b:s21+s2] =	stream.linear.scatter [tilespmem:s10], [sflag:$0x4], $0x8000, $0x38;
	[tilespmem:$0x1E800] =	vst v63  }
0x681: {  	_ = 	snop  }
0x682: {  	[tilespmem:s14], [sflag:$0x2] =	stream.indirect.gather [hbm4b:s28+s4], $0x40, s4, s4, $0xb8;
	[tilespmem:$0x1E800] =	vst v63  }
0x683: {  	_ =	swait.ge [sflag:s8], $0x8000  }
0x684: {  	s11 =	sld [smem:$0x7C5]  }
0x685: {  	[sflag:s8] =	ssyncset.done $0x0  }
0x686: {  	[sflag:s8] =	ssyncadd.s32 $0xFFFF8000  }
0x687: {  	[hbm4b:s11+s2] =	stream.linear.scatter [tilespmem:s14], [sflag:$0x5], $0x8000, $0x38;
	[tilespmem:$0x1E800] =	vst v63  }
0x688: {  	_ =	swait.ge [sflag:s9], $0x8000  }
0x689: {  	[sflag:s9] =	ssyncset.done $0x0  }
0x68a: {  	[sflag:s9] =	ssyncadd.s32 $0xFFFF8000  }
0x68b: {  	[tilespmem:s12], [sflag:$0x2] =	stream.indirect.gather [hbm4b:s3+s4], $0x40, s0, s4, $0xb8;
	[tilespmem:$0x1E800] =	vst v63  }
0x68c: {  	_ =	swait.ge [sflag:s8], $0x8000  }
0x68d: {  	s13 =	sld [smem:$0x7C6]  }
0x68e: {  	[sflag:s8] =	ssyncset.done $0x0  }
0x68f: {  	[sflag:s8] =	ssyncadd.s32 $0xFFFF8000  }
0x690: {  	[hbm4b:s13+s2] =	stream.linear.scatter [tilespmem:s12], [sflag:$0x3], $0x8000, $0x38;
	[tilespmem:$0x1E800] =	vst v63  }
0x691: {  	_ =	swait.ge [sflag:s7], $0x8000  }
0x692: {  	[sflag:s7] =	ssyncset.done $0x0  }
0x693: {  	[sflag:s7] =	ssyncadd.s32 $0xFFFF8000  }
0x694: {  	[tilespmem:s10], [sflag:$0x2] =	stream.indirect.gather [hbm4b:s28+s4], $0x40, s15, s4, $0xb8;
	[tilespmem:$0x1E800] =	vst v63  }
0x695: {  	_ =	swait.ge [sflag:s8], $0x8000  }
0x696: {  	s15 =	sld [smem:$0x7C8]  }
0x697: {  	[sflag:s8] =	ssyncset.done $0x0  }
0x698: {  	[sflag:s8] =	ssyncadd.s32 $0xFFFF8000  }
0x699: {  	[hbm4b:s15+s2] =	stream.linear.scatter [tilespmem:s10], [sflag:$0x4], $0x8000, $0x38;
	[tilespmem:$0x1E800] =	vst v63  }
0x69a: {  	_ =	swait.ge [sflag:s5], $0x8000  }
0x69b: {  	[sflag:s5] =	ssyncset.done $0x0  }
0x69c: {  	[sflag:s5] =	ssyncadd.s32 $0xFFFF8000  }
0x69d: {  	[tilespmem:s14], [sflag:$0x2] =	stream.indirect.gather [hbm4b:s28+s4], $0x40, s23, s4, $0xb8;
	[tilespmem:$0x1E800] =	vst v63  }
0x69e: {  	_ =	swait.ge [sflag:s8], $0x8000  }
0x69f: {  	s16 =	sld [smem:$0x7CA]  }
0x6a0: {  	[sflag:s8] =	ssyncset.done $0x0  }
0x6a1: {  	[sflag:s8] =	ssyncadd.s32 $0xFFFF8000  }
0x6a2: {  	[hbm4b:s16+s2] =	stream.linear.scatter [tilespmem:s14], [sflag:$0x5], $0x8000, $0x38;
	[tilespmem:$0x1E800] =	vst v63  }
0x6a3: {  	_ =	swait.ge [sflag:s9], $0x8000  }
0x6a4: {  	[sflag:s9] =	ssyncset.done $0x0  }
0x6a5: {  	[sflag:s9] =	ssyncadd.s32 $0xFFFF8000  }
0x6a6: {  	[tilespmem:s12], [sflag:$0x2] =	stream.indirect.gather [hbm4b:s28+s4], $0x40, s18, s4, $0xb8;
	[tilespmem:$0x1E800] =	vst v63  }
0x6a7: {  	_ =	swait.ge [sflag:s8], $0x8000  }
0x6a8: {  	s17 =	sld [smem:$0x7CC]  }
0x6a9: {  	[sflag:s8] =	ssyncset.done $0x0  }
0x6aa: {  	[sflag:s8] =	ssyncadd.s32 $0xFFFF8000  }
0x6ab: {  	[hbm4b:s17+s2] =	stream.linear.scatter [tilespmem:s12], [sflag:$0x3], $0x8000, $0x38;
	[tilespmem:$0x1E800] =	vst v63  }
0x6ac: {  	_ =	swait.ge [sflag:s7], $0x8000  }
0x6ad: {  	[sflag:s7] =	ssyncset.done $0x0  }
0x6ae: {  	[sflag:s7] =	ssyncadd.s32 $0xFFFF8000  }
0x6af: {  	[tilespmem:s10], [sflag:$0x2] =	stream.indirect.gather [hbm4b:s28+s4], $0x40, s1, s4, $0xb8;
	[tilespmem:$0x1E800] =	vst v63  }
0x6b0: {  	_ =	swait.ge [sflag:s8], $0x8000  }
0x6b1: {  	s18 =	sld [smem:$0x7CE]  }
0x6b2: {  	[sflag:s8] =	ssyncset.done $0x0  }
0x6b3: {  	[sflag:s8] =	ssyncadd.s32 $0xFFFF8000  }
0x6b4: {  	[hbm4b:s18+s2] =	stream.linear.scatter [tilespmem:s10], [sflag:$0x4], $0x8000, $0x38;
	[tilespmem:$0x1E800] =	vst v63  }
0x6b5: {  	_ =	swait.ge [sflag:s5], $0x8000  }
0x6b6: {  	[sflag:s5] =	ssyncset.done $0x0  }
0x6b7: {  	[sflag:s5] =	ssyncadd.s32 $0xFFFF8000  }
0x6b8: {  	[tilespmem:s14], [sflag:$0x2] =	stream.indirect.gather [hbm4b:s28+s4], $0x40, s24, s4, $0xb8;
	[tilespmem:$0x1E800] =	vst v63  }
0x6b9: {  	_ =	swait.ge [sflag:s8], $0x8000  }
0x6ba: {  	s19 =	sld [smem:$0x7D0]  }
0x6bb: {  	[sflag:s8] =	ssyncset.done $0x0  }
0x6bc: {  	[sflag:s8] =	ssyncadd.s32 $0xFFFF8000  }
0x6bd: {  	[hbm4b:s19+s2] =	stream.linear.scatter [tilespmem:s14], [sflag:$0x5], $0x8000, $0x38;
	[tilespmem:$0x1E800] =	vst v63  }
0x6be: {  	_ =	swait.ge [sflag:s9], $0x8000  }
0x6bf: {  	[sflag:s9] =	ssyncset.done $0x0  }
0x6c0: {  	[sflag:s9] =	ssyncadd.s32 $0xFFFF8000  }
0x6c1: {  	[tilespmem:s12], [sflag:$0x2] =	stream.indirect.gather [hbm4b:s28+s4], $0x40, s25, s4, $0xb8;
	[tilespmem:$0x1E800] =	vst v63  }
0x6c2: {  	_ =	swait.ge [sflag:s8], $0x8000  }
0x6c3: {  	s20 =	sld [smem:$0x7D2]  }
0x6c4: {  	[sflag:s8] =	ssyncset.done $0x0  }
0x6c5: {  	[sflag:s8] =	ssyncadd.s32 $0xFFFF8000  }
0x6c6: {  	[hbm4b:s20+s2] =	stream.linear.scatter [tilespmem:s12], [sflag:$0x3], $0x8000, $0x38;
	[tilespmem:$0x1E800] =	vst v63  }
0x6c7: {  	_ =	swait.ge [sflag:s7], $0x8000  }
0x6c8: {  	[sflag:s7] =	ssyncset.done $0x0  }
0x6c9: {  	[sflag:s7] =	ssyncadd.s32 $0xFFFF8000  }
0x6ca: {  	[tilespmem:s10], [sflag:$0x2] =	stream.indirect.gather [hbm4b:s28+s4], $0x40, s26, s4, $0xb8;
	[tilespmem:$0x1E800] =	vst v63  }
0x6cb: {  	_ =	swait.ge [sflag:s8], $0x8000  }
0x6cc: {  	s21 =	sld [smem:$0x7D4]  }
0x6cd: {  	[sflag:s8] =	ssyncset.done $0x0  }
0x6ce: {  	[sflag:s8] =	ssyncadd.s32 $0xFFFF8000  }
0x6cf: {  	[hbm4b:s21+s2] =	stream.linear.scatter [tilespmem:s10], [sflag:$0x4], $0x8000, $0x38;
	[tilespmem:$0x1E800] =	vst v63  }
0x6d0: {  	_ =	swait.ge [sflag:s5], $0x8000  }
0x6d1: {  	[sflag:s5] =	ssyncset.done $0x0  }
0x6d2: {  	[sflag:s5] =	ssyncadd.s32 $0xFFFF8000  }
0x6d3: {  	[tilespmem:s14], [sflag:$0x2] =	stream.indirect.gather [hbm4b:s28+s4], $0x40, s29, s4, $0xb8;
	[tilespmem:$0x1E800] =	vst v63  }
0x6d4: {  	_ =	swait.ge [sflag:s8], $0x8000  }
0x6d5: {  	s23 =	sld [smem:$0x7D6]  }
0x6d6: {  	[sflag:s8] =	ssyncset.done $0x0  }
0x6d7: {  	[sflag:s8] =	ssyncadd.s32 $0xFFFF8000  }
0x6d8: {  	[hbm4b:s23+s2] =	stream.linear.scatter [tilespmem:s14], [sflag:$0x5], $0x8000, $0x38;
	[tilespmem:$0x1E800] =	vst v63  }
0x6d9: {  	_ =	swait.ge [sflag:s9], $0x8000  }
0x6da: {  	[sflag:s9] =	ssyncset.done $0x0  }
0x6db: {  	[sflag:s9] =	ssyncadd.s32 $0xFFFF8000  }
0x6dc: {  	[tilespmem:s12], [sflag:$0x2] =	stream.indirect.gather [hbm4b:s28+s4], $0x40, s30, s4, $0xb8;
	[tilespmem:$0x1E800] =	vst v63  }
0x6dd: {  	_ =	swait.ge [sflag:s8], $0x8000  }
0x6de: {  	s24 =	sld [smem:$0x7D8]  }
0x6df: {  	[sflag:s8] =	ssyncset.done $0x0  }
0x6e0: {  	[sflag:s8] =	ssyncadd.s32 $0xFFFF8000  }
0x6e1: {  	[hbm4b:s24+s2] =	stream.linear.scatter [tilespmem:s12], [sflag:$0x3], $0x8000, $0x38;
	[tilespmem:$0x1E800] =	vst v63  }
0x6e2: {  	_ =	swait.ge [sflag:s7], $0x8000  }
0x6e3: {  	[sflag:s7] =	ssyncset.done $0x0  }
0x6e4: {  	[sflag:s7] =	ssyncadd.s32 $0xFFFF8000  }
0x6e5: {  	[tilespmem:s10], [sflag:$0x2] =	stream.indirect.gather [hbm4b:s28+s4], $0x40, s31, s4, $0xb8;
	[tilespmem:$0x1E800] =	vst v63  }
0x6e6: {  	_ =	swait.ge [sflag:s8], $0x8000  }
0x6e7: {  	s25 =	sld [smem:$0x7DA]  }
0x6e8: {  	[sflag:s8] =	ssyncset.done $0x0  }
0x6e9: {  	[sflag:s8] =	ssyncadd.s32 $0xFFFF8000  }
0x6ea: {  	[hbm4b:s25+s2] =	stream.linear.scatter [tilespmem:s10], [sflag:$0x4], $0x8000, $0x38;
	[tilespmem:$0x1E800] =	vst v63  }
0x6eb: {  	_ =	swait.ge [sflag:s5], $0x8000  }
0x6ec: {  	[sflag:s5] =	ssyncset.done $0x0  }
0x6ed: {  	s26 =	simm.s32 $0x1A00;
	[sflag:s5] =	ssyncadd.s32 $0xFFFF8000  }
0x6ee: {  	[tilespmem:s14], [sflag:$0x2] =	stream.indirect.gather [hbm4b:s28+s4], $0x40, s26, s4, $0xb8;
	[tilespmem:$0x1E800] =	vst v63  }
0x6ef: {  	_ =	swait.ge [sflag:s8], $0x8000  }
0x6f0: {  	s29 =	sld [smem:$0x7DC]  }
0x6f1: {  	[sflag:s8] =	ssyncset.done $0x0  }
0x6f2: {  	[sflag:s8] =	ssyncadd.s32 $0xFFFF8000  }
0x6f3: {  	[hbm4b:s29+s2] =	stream.linear.scatter [tilespmem:s14], [sflag:$0x5], $0x8000, $0x38;
	[tilespmem:$0x1E800] =	vst v63  }
0x6f4: {  	_ =	swait.ge [sflag:s9], $0x8000  }
0x6f5: {  	[sflag:s9] =	ssyncset.done $0x0  }
0x6f6: {  	s30 =	simm.s32 $0x1C00;
	[sflag:s9] =	ssyncadd.s32 $0xFFFF8000  }
0x6f7: {  	[tilespmem:s12], [sflag:$0x2] =	stream.indirect.gather [hbm4b:s28+s4], $0x40, s30, s4, $0xb8;
	[tilespmem:$0x1E800] =	vst v63  }
0x6f8: {  	_ =	swait.ge [sflag:s8], $0x8000  }
0x6f9: {  	s31 =	sld [smem:$0x7DE]  }
0x6fa: {  	[sflag:s8] =	ssyncset.done $0x0  }
0x6fb: {  	[sflag:s8] =	ssyncadd.s32 $0xFFFF8000  }
0x6fc: {  	[hbm4b:s31+s2] =	stream.linear.scatter [tilespmem:s12], [sflag:$0x3], $0x8000, $0x38;
	[tilespmem:$0x1E800] =	vst v63  }
0x6fd: {  	_ =	swait.ge [sflag:s7], $0x8000  }
0x6fe: {  	[sflag:s7] =	ssyncset.done $0x0  }
0x6ff: {  	s1 =	simm.s32 $0x1E00;
	[sflag:s7] =	ssyncadd.s32 $0xFFFF8000  }
0x700: {  	[tilespmem:s10], [sflag:$0x2] =	stream.indirect.gather [hbm4b:s28+s4], $0x40, s1, s4, $0xb8;
	[tilespmem:$0x1E800] =	vst v63  }
0x701: {  	_ =	swait.ge [sflag:s8], $0x8000  }
0x702: {  	s6 =	sld [smem:$0x7E0]  }
0x703: {  	[sflag:s8] =	ssyncset.done $0x0  }
0x704: {  	[sflag:s8] =	ssyncadd.s32 $0xFFFF8000  }
0x705: {  	[hbm4b:s6+s2] =	stream.linear.scatter [tilespmem:s10], [sflag:$0x4], $0x8000, $0x38;
	[tilespmem:$0x1E800] =	vst v63  }
0x706: {  	_ =	swait.ge [sflag:s5], $0x8000  }
0x707: {  	[sflag:s5] =	ssyncset.done $0x0  }
0x708: {  	s11 =	simm.s32 $0x2000;
	[sflag:s5] =	ssyncadd.s32 $0xFFFF8000  }
0x709: {  	[tilespmem:s14], [sflag:$0x2] =	stream.indirect.gather [hbm4b:s28+s4], $0x40, s11, s4, $0xb8;
	[tilespmem:$0x1E800] =	vst v63  }
0x70a: {  	_ =	swait.ge [sflag:s8], $0x8000  }
0x70b: {  	s13 =	sld [smem:$0x7E2]  }
0x70c: {  	[sflag:s8] =	ssyncset.done $0x0  }
0x70d: {  	[sflag:s8] =	ssyncadd.s32 $0xFFFF8000  }
0x70e: {  	[hbm4b:s13+s2] =	stream.linear.scatter [tilespmem:s14], [sflag:$0x5], $0x8000, $0x38;
	[tilespmem:$0x1E800] =	vst v63  }
0x70f: {  	_ =	swait.ge [sflag:s9], $0x8000  }
0x710: {  	[sflag:s9] =	ssyncset.done $0x0  }
0x711: {  	s15 =	simm.s32 $0x2200;
	[sflag:s9] =	ssyncadd.s32 $0xFFFF8000  }
0x712: {  	[tilespmem:s12], [sflag:$0x2] =	stream.indirect.gather [hbm4b:s28+s4], $0x40, s15, s4, $0xb8;
	[tilespmem:$0x1E800] =	vst v63  }
0x713: {  	_ =	swait.ge [sflag:s8], $0x8000  }
0x714: {  	s16 =	sld [smem:$0x7E3]  }
0x715: {  	[sflag:s8] =	ssyncset.done $0x0  }
0x716: {  	[sflag:s8] =	ssyncadd.s32 $0xFFFF8000  }
0x717: {  	[hbm4b:s16+s2] =	stream.linear.scatter [tilespmem:s12], [sflag:$0x3], $0x8000, $0x38;
	[tilespmem:$0x1E800] =	vst v63  }
0x718: {  	_ =	swait.ge [sflag:s7], $0x8000  }
0x719: {  	[sflag:s7] =	ssyncset.done $0x0  }
0x71a: {  	s17 =	simm.s32 $0x2400;
	[sflag:s7] =	ssyncadd.s32 $0xFFFF8000  }
0x71b: {  	[tilespmem:s10], [sflag:$0x2] =	stream.indirect.gather [hbm4b:s28+s4], $0x40, s17, s4, $0xb8;
	[tilespmem:$0x1E800] =	vst v63  }
0x71c: {  	_ =	swait.ge [sflag:s8], $0x8000  }
0x71d: {  	s18 =	sld [smem:$0x7E4]  }
0x71e: {  	[sflag:s8] =	ssyncset.done $0x0  }
0x71f: {  	[sflag:s8] =	ssyncadd.s32 $0xFFFF8000  }
0x720: {  	[hbm4b:s18+s2] =	stream.linear.scatter [tilespmem:s10], [sflag:$0x4], $0x8000, $0x38;
	[tilespmem:$0x1E800] =	vst v63  }
0x721: {  	_ =	swait.ge [sflag:s5], $0x8000  }
0x722: {  	[sflag:s5] =	ssyncset.done $0x0  }
0x723: {  	s19 =	simm.s32 $0x2600;
	[sflag:s5] =	ssyncadd.s32 $0xFFFF8000  }
0x724: {  	[tilespmem:s14], [sflag:$0x2] =	stream.indirect.gather [hbm4b:s28+s4], $0x40, s19, s4, $0xb8;
	[tilespmem:$0x1E800] =	vst v63  }
0x725: {  	_ =	swait.ge [sflag:s8], $0x8000  }
0x726: {  	s20 =	sld [smem:$0x7E5]  }
0x727: {  	[sflag:s8] =	ssyncset.done $0x0  }
0x728: {  	[sflag:s8] =	ssyncadd.s32 $0xFFFF8000  }
0x729: {  	[hbm4b:s20+s2] =	stream.linear.scatter [tilespmem:s14], [sflag:$0x5], $0x8000, $0x38;
	[tilespmem:$0x1E800] =	vst v63  }
0x72a: {  	_ =	swait.ge [sflag:s9], $0x8000  }
0x72b: {  	[sflag:s9] =	ssyncset.done $0x0  }
0x72c: {  	s21 =	simm.s32 $0x2800;
	[sflag:s9] =	ssyncadd.s32 $0xFFFF8000  }
0x72d: {  	[tilespmem:s12], [sflag:$0x2] =	stream.indirect.gather [hbm4b:s28+s4], $0x40, s21, s4, $0xb8;
	[tilespmem:$0x1E800] =	vst v63  }
0x72e: {  	_ =	swait.ge [sflag:s8], $0x8000  }
0x72f: {  	s23 =	sld [smem:$0x7E6]  }
0x730: {  	[sflag:s8] =	ssyncset.done $0x0  }
0x731: {  	[sflag:s8] =	ssyncadd.s32 $0xFFFF8000  }
0x732: {  	[hbm4b:s23+s2] =	stream.linear.scatter [tilespmem:s12], [sflag:$0x3], $0x8000, $0x38;
	[tilespmem:$0x1E800] =	vst v63  }
0x733: {  	_ =	swait.ge [sflag:s7], $0x8000  }
0x734: {  	[sflag:s7] =	ssyncset.done $0x0  }
0x735: {  	s24 =	simm.s32 $0x2A00;
	[sflag:s7] =	ssyncadd.s32 $0xFFFF8000  }
0x736: {  	[tilespmem:s10], [sflag:$0x2] =	stream.indirect.gather [hbm4b:s28+s4], $0x40, s24, s4, $0xb8;
	[tilespmem:$0x1E800] =	vst v63  }
0x737: {  	_ =	swait.ge [sflag:s8], $0x8000  }
0x738: {  	s25 =	sld [smem:$0x7E7]  }
0x739: {  	[sflag:s8] =	ssyncset.done $0x0  }
0x73a: {  	[sflag:s8] =	ssyncadd.s32 $0xFFFF8000  }
0x73b: {  	[hbm4b:s25+s2] =	stream.linear.scatter [tilespmem:s10], [sflag:$0x4], $0x8000, $0x38;
	[tilespmem:$0x1E800] =	vst v63  }
0x73c: {  	_ =	swait.ge [sflag:s5], $0x8000  }
0x73d: {  	[sflag:s5] =	ssyncset.done $0x0  }
0x73e: {  	s26 =	simm.s32 $0x2C00;
	[sflag:s5] =	ssyncadd.s32 $0xFFFF8000  }
0x73f: {  	[tilespmem:s14], [sflag:$0x2] =	stream.indirect.gather [hbm4b:s28+s4], $0x40, s26, s4, $0xb8;
	[tilespmem:$0x1E800] =	vst v63  }
0x740: {  	_ =	swait.ge [sflag:s8], $0x8000  }
0x741: {  	s29 =	sld [smem:$0x7E8]  }
0x742: {  	[sflag:s8] =	ssyncset.done $0x0  }
0x743: {  	[sflag:s8] =	ssyncadd.s32 $0xFFFF8000  }
0x744: {  	[hbm4b:s29+s2] =	stream.linear.scatter [tilespmem:s14], [sflag:$0x5], $0x8000, $0x38;
	[tilespmem:$0x1E800] =	vst v63  }
0x745: {  	_ =	swait.ge [sflag:s9], $0x8000  }
0x746: {  	[sflag:s9] =	ssyncset.done $0x0  }
0x747: {  	s30 =	simm.s32 $0x2E00;
	[sflag:s9] =	ssyncadd.s32 $0xFFFF8000  }
0x748: {  	[tilespmem:s12], [sflag:$0x2] =	stream.indirect.gather [hbm4b:s3+s4], $0x40, s30, s4, $0xb8;
	[tilespmem:$0x1E800] =	vst v63  }
0x749: {  	_ =	swait.ge [sflag:s8], $0x8000  }
0x74a: {  	s31 =	sld [smem:$0x7E9]  }
0x74b: {  	[sflag:s8] =	ssyncset.done $0x0  }
0x74c: {  	[sflag:s8] =	ssyncadd.s32 $0xFFFF8000  }
0x74d: {  	[hbm4b:s31+s2] =	stream.linear.scatter [tilespmem:s12], [sflag:$0x3], $0x8000, $0x38;
	[tilespmem:$0x1E800] =	vst v63  }
0x74e: {  	_ =	swait.ge [sflag:s7], $0x8000  }
0x74f: {  	[sflag:s7] =	ssyncset.done $0x0  }
0x750: {  	s1 =	simm.s32 $0x3000;
	[sflag:s7] =	ssyncadd.s32 $0xFFFF8000  }
0x751: {  	[tilespmem:s10], [sflag:$0x2] =	stream.indirect.gather [hbm4b:s3+s4], $0x40, s1, s4, $0xb8;
	[tilespmem:$0x1E800] =	vst v63  }
0x752: {  	_ =	swait.ge [sflag:s8], $0x8000  }
0x753: {  	s6 =	sld [smem:$0x7EA]  }
0x754: {  	[sflag:s8] =	ssyncset.done $0x0  }
0x755: {  	[sflag:s8] =	ssyncadd.s32 $0xFFFF8000  }
0x756: {  	[hbm4b:s6+s2] =	stream.linear.scatter [tilespmem:s10], [sflag:$0x4], $0x8000, $0x38;
	[tilespmem:$0x1E800] =	vst v63  }
0x757: {  	_ =	swait.ge [sflag:s5], $0x8000  }
0x758: {  	[sflag:s5] =	ssyncset.done $0x0  }
0x759: {  	s11 =	simm.s32 $0x3200;
	[sflag:s5] =	ssyncadd.s32 $0xFFFF8000  }
0x75a: {  	[tilespmem:s14], [sflag:$0x2] =	stream.indirect.gather [hbm4b:s3+s4], $0x40, s11, s4, $0xb8;
	[tilespmem:$0x1E800] =	vst v63  }
0x75b: {  	_ =	swait.ge [sflag:s8], $0x8000  }
0x75c: {  	s13 =	sld [smem:$0x7EB]  }
0x75d: {  	[sflag:s8] =	ssyncset.done $0x0  }
0x75e: {  	[sflag:s8] =	ssyncadd.s32 $0xFFFF8000  }
0x75f: {  	[hbm4b:s13+s2] =	stream.linear.scatter [tilespmem:s14], [sflag:$0x5], $0x8000, $0x38;
	[tilespmem:$0x1E800] =	vst v63  }
0x760: {  	_ =	swait.ge [sflag:s9], $0x8000  }
0x761: {  	[sflag:s9] =	ssyncset.done $0x0  }
0x762: {  	s15 =	simm.s32 $0x3400;
	[sflag:s9] =	ssyncadd.s32 $0xFFFF8000  }
0x763: {  	[tilespmem:s12], [sflag:$0x2] =	stream.indirect.gather [hbm4b:s3+s4], $0x40, s15, s4, $0xb8;
	[tilespmem:$0x1E800] =	vst v63  }
0x764: {  	_ =	swait.ge [sflag:s8], $0x8000  }
0x765: {  	s16 =	sld [smem:$0x7EC]  }
0x766: {  	[sflag:s8] =	ssyncset.done $0x0  }
0x767: {  	[sflag:s8] =	ssyncadd.s32 $0xFFFF8000  }
0x768: {  	[hbm4b:s16+s2] =	stream.linear.scatter [tilespmem:s12], [sflag:$0x3], $0x8000, $0x38;
	[tilespmem:$0x1E800] =	vst v63  }
0x769: {  	_ =	swait.ge [sflag:s7], $0x8000  }
0x76a: {  	[sflag:s7] =	ssyncset.done $0x0  }
0x76b: {  	s17 =	simm.s32 $0x3600;
	[sflag:s7] =	ssyncadd.s32 $0xFFFF8000  }
0x76c: {  	[tilespmem:s10], [sflag:$0x2] =	stream.indirect.gather [hbm4b:s3+s4], $0x40, s17, s4, $0xb8;
	[tilespmem:$0x1E800] =	vst v63  }
0x76d: {  	_ =	swait.ge [sflag:s8], $0x8000  }
0x76e: {  	s18 =	sld [smem:$0x7ED]  }
0x76f: {  	[sflag:s8] =	ssyncset.done $0x0  }
0x770: {  	[sflag:s8] =	ssyncadd.s32 $0xFFFF8000  }
0x771: {  	[hbm4b:s18+s2] =	stream.linear.scatter [tilespmem:s10], [sflag:$0x4], $0x8000, $0x38;
	[tilespmem:$0x1E800] =	vst v63  }
0x772: {  	_ =	swait.ge [sflag:s5], $0x8000  }
0x773: {  	[sflag:s5] =	ssyncset.done $0x0  }
0x774: {  	s19 =	simm.s32 $0x3800;
	[sflag:s5] =	ssyncadd.s32 $0xFFFF8000  }
0x775: {  	[tilespmem:s14], [sflag:$0x2] =	stream.indirect.gather [hbm4b:s3+s4], $0x40, s19, s4, $0xb8;
	[tilespmem:$0x1E800] =	vst v63  }
0x776: {  	_ =	swait.ge [sflag:s8], $0x8000  }
0x777: {  	s20 =	sld [smem:$0x7EE]  }
0x778: {  	[sflag:s8] =	ssyncset.done $0x0  }
0x779: {  	[sflag:s8] =	ssyncadd.s32 $0xFFFF8000  }
0x77a: {  	[hbm4b:s20+s2] =	stream.linear.scatter [tilespmem:s14], [sflag:$0x5], $0x8000, $0x38;
	[tilespmem:$0x1E800] =	vst v63  }
0x77b: {  	_ =	swait.ge [sflag:s9], $0x8000  }
0x77c: {  	[sflag:s9] =	ssyncset.done $0x0  }
0x77d: {  	s21 =	simm.s32 $0x3A00;
	[sflag:s9] =	ssyncadd.s32 $0xFFFF8000  }
0x77e: {  	[tilespmem:s12], [sflag:$0x2] =	stream.indirect.gather [hbm4b:s3+s4], $0x40, s21, s4, $0xb8;
	[tilespmem:$0x1E800] =	vst v63  }
0x77f: {  	_ =	swait.ge [sflag:s8], $0x8000  }
0x780: {  	s23 =	sld [smem:$0x7EF]  }
0x781: {  	[sflag:s8] =	ssyncset.done $0x0  }
0x782: {  	[sflag:s8] =	ssyncadd.s32 $0xFFFF8000  }
0x783: {  	[hbm4b:s23+s2] =	stream.linear.scatter [tilespmem:s12], [sflag:$0x3], $0x8000, $0x38;
	[tilespmem:$0x1E800] =	vst v63  }
0x784: {  	_ =	swait.ge [sflag:s7], $0x8000  }
0x785: {  	[sflag:s7] =	ssyncset.done $0x0  }
0x786: {  	s24 =	simm.s32 $0x3C00;
	[sflag:s7] =	ssyncadd.s32 $0xFFFF8000  }
0x787: {  	[tilespmem:s10], [sflag:$0x2] =	stream.indirect.gather [hbm4b:s3+s4], $0x40, s24, s4, $0xb8;
	[tilespmem:$0x1E800] =	vst v63  }
0x788: {  	_ =	swait.ge [sflag:s8], $0x8000  }
0x789: {  	s25 =	sld [smem:$0x7F0]  }
0x78a: {  	[sflag:s8] =	ssyncset.done $0x0  }
0x78b: {  	[sflag:s8] =	ssyncadd.s32 $0xFFFF8000  }
0x78c: {  	[hbm4b:s25+s2] =	stream.linear.scatter [tilespmem:s10], [sflag:$0x4], $0x8000, $0x38;
	[tilespmem:$0x1E800] =	vst v63  }
0x78d: {  	_ =	swait.ge [sflag:s5], $0x8000  }
0x78e: {  	[sflag:s5] =	ssyncset.done $0x0  }
0x78f: {  	s26 =	simm.s32 $0x3E00;
	[sflag:s5] =	ssyncadd.s32 $0xFFFF8000  }
0x790: {  	[tilespmem:s14], [sflag:$0x2] =	stream.indirect.gather [hbm4b:s3+s4], $0x40, s26, s4, $0xb8;
	[tilespmem:$0x1E800] =	vst v63  }
0x791: {  	_ =	swait.ge [sflag:s8], $0x8000  }
0x792: {  	s28 =	sld [smem:$0x7F1]  }
0x793: {  	[sflag:s8] =	ssyncset.done $0x0  }
0x794: {  	[sflag:s8] =	ssyncadd.s32 $0xFFFF8000  }
0x795: {  	[hbm4b:s28+s2] =	stream.linear.scatter [tilespmem:s14], [sflag:$0x5], $0x8000, $0x38;
	[tilespmem:$0x1E800] =	vst v63  }
0x796: {  	_ =	swait.ge [sflag:s9], $0x8000  }
0x797: {  	[sflag:s9] =	ssyncset.done $0x0  }
0x798: {  	s29 =	simm.s32 $0x4000;
	[sflag:s9] =	ssyncadd.s32 $0xFFFF8000  }
0x799: {  	[tilespmem:s12], [sflag:$0x2] =	stream.indirect.gather [hbm4b:s3+s4], $0x40, s29, s4, $0xb8;
	[tilespmem:$0x1E800] =	vst v63  }
0x79a: {  	_ =	swait.ge [sflag:s8], $0x8000  }
0x79b: {  	s30 =	sld [smem:$0x7F2]  }
0x79c: {  	[sflag:s8] =	ssyncset.done $0x0  }
0x79d: {  	[sflag:s8] =	ssyncadd.s32 $0xFFFF8000  }
0x79e: {  	[hbm4b:s30+s2] =	stream.linear.scatter [tilespmem:s12], [sflag:$0x3], $0x8000, $0x38;
	[tilespmem:$0x1E800] =	vst v63  }
0x79f: {  	_ =	swait.ge [sflag:s7], $0x8000  }
0x7a0: {  	[sflag:s7] =	ssyncset.done $0x0  }
0x7a1: {  	s31 =	simm.s32 $0x4200;
	[sflag:s7] =	ssyncadd.s32 $0xFFFF8000  }
0x7a2: {  	[tilespmem:s10], [sflag:$0x2] =	stream.indirect.gather [hbm4b:s3+s4], $0x40, s31, s4, $0xb8;
	[tilespmem:$0x1E800] =	vst v63  }
0x7a3: {  	_ =	swait.ge [sflag:s8], $0x8000  }
0x7a4: {  	s1 =	sld [smem:$0x7F3]  }
0x7a5: {  	[sflag:s8] =	ssyncset.done $0x0  }
0x7a6: {  	[sflag:s8] =	ssyncadd.s32 $0xFFFF8000  }
0x7a7: {  	[hbm4b:s1+s2] =	stream.linear.scatter [tilespmem:s10], [sflag:$0x4], $0x8000, $0x38;
	[tilespmem:$0x1E800] =	vst v63  }
0x7a8: {  	_ =	swait.ge [sflag:s5], $0x8000  }
0x7a9: {  	[sflag:s5] =	ssyncset.done $0x0  }
0x7aa: {  	s6 =	simm.s32 $0x4400;
	[sflag:s5] =	ssyncadd.s32 $0xFFFF8000  }
0x7ab: {  	[tilespmem:s14], [sflag:$0x2] =	stream.indirect.gather [hbm4b:s3+s4], $0x40, s6, s4, $0xb8;
	[tilespmem:$0x1E800] =	vst v63  }
0x7ac: {  	_ =	swait.ge [sflag:s8], $0x8000  }
0x7ad: {  	s11 =	sld [smem:$0x7F4]  }
0x7ae: {  	[sflag:s8] =	ssyncset.done $0x0  }
0x7af: {  	[sflag:s8] =	ssyncadd.s32 $0xFFFF8000  }
0x7b0: {  	[hbm4b:s11+s2] =	stream.linear.scatter [tilespmem:s14], [sflag:$0x5], $0x8000, $0x38;
	[tilespmem:$0x1E800] =	vst v63  }
0x7b1: {  	_ =	swait.ge [sflag:s9], $0x8000  }
0x7b2: {  	[sflag:s9] =	ssyncset.done $0x0  }
0x7b3: {  	s13 =	simm.s32 $0x4600;
	[sflag:s9] =	ssyncadd.s32 $0xFFFF8000  }
0x7b4: {  	[tilespmem:s12], [sflag:$0x2] =	stream.indirect.gather [hbm4b:s3+s4], $0x40, s13, s4, $0xb8;
	[tilespmem:$0x1E800] =	vst v63  }
0x7b5: {  	_ =	swait.ge [sflag:s8], $0x8000  }
0x7b6: {  	s15 =	sld [smem:$0x7F5]  }
0x7b7: {  	[sflag:s8] =	ssyncset.done $0x0  }
0x7b8: {  	[sflag:s8] =	ssyncadd.s32 $0xFFFF8000  }
0x7b9: {  	[hbm4b:s15+s2] =	stream.linear.scatter [tilespmem:s12], [sflag:$0x3], $0x8000, $0x38;
	[tilespmem:$0x1E800] =	vst v63  }
0x7ba: {  	_ =	swait.ge [sflag:s7], $0x8000  }
0x7bb: {  	[sflag:s7] =	ssyncset.done $0x0  }
0x7bc: {  	s16 =	simm.s32 $0x4800;
	[sflag:s7] =	ssyncadd.s32 $0xFFFF8000  }
0x7bd: {  	[tilespmem:s10], [sflag:$0x2] =	stream.indirect.gather [hbm4b:s3+s4], $0x40, s16, s4, $0xb8;
	[tilespmem:$0x1E800] =	vst v63  }
0x7be: {  	_ =	swait.ge [sflag:s8], $0x8000  }
0x7bf: {  	s17 =	sld [smem:$0x7F6]  }
0x7c0: {  	[sflag:s8] =	ssyncset.done $0x0  }
0x7c1: {  	[sflag:s8] =	ssyncadd.s32 $0xFFFF8000  }
0x7c2: {  	[hbm4b:s17+s2] =	stream.linear.scatter [tilespmem:s10], [sflag:$0x4], $0x8000, $0x38;
	[tilespmem:$0x1E800] =	vst v63  }
0x7c3: {  	_ =	swait.ge [sflag:s5], $0x8000  }
0x7c4: {  	[sflag:s5] =	ssyncset.done $0x0  }
0x7c5: {  	s18 =	simm.s32 $0x4A00;
	[sflag:s5] =	ssyncadd.s32 $0xFFFF8000  }
0x7c6: {  	[tilespmem:s14], [sflag:$0x2] =	stream.indirect.gather [hbm4b:s3+s4], $0x40, s18, s4, $0xb8;
	[tilespmem:$0x1E800] =	vst v63  }
0x7c7: {  	_ =	swait.ge [sflag:s8], $0x8000  }
0x7c8: {  	s19 =	sld [smem:$0x7F7]  }
0x7c9: {  	[sflag:s8] =	ssyncset.done $0x0  }
0x7ca: {  	[sflag:s8] =	ssyncadd.s32 $0xFFFF8000  }
0x7cb: {  	[hbm4b:s19+s2] =	stream.linear.scatter [tilespmem:s14], [sflag:$0x5], $0x8000, $0x38;
	[tilespmem:$0x1E800] =	vst v63  }
0x7cc: {  	_ =	swait.ge [sflag:s9], $0x8000  }
0x7cd: {  	[sflag:s9] =	ssyncset.done $0x0  }
0x7ce: {  	s20 =	simm.s32 $0x4C00;
	[sflag:s9] =	ssyncadd.s32 $0xFFFF8000  }
0x7cf: {  	[tilespmem:s12], [sflag:$0x2] =	stream.indirect.gather [hbm4b:s3+s4], $0x40, s20, s4, $0xb8;
	[tilespmem:$0x1E800] =	vst v63  }
0x7d0: {  	_ =	swait.ge [sflag:s8], $0x8000  }
0x7d1: {  	s21 =	sld [smem:$0x7F8]  }
0x7d2: {  	[sflag:s8] =	ssyncset.done $0x0  }
0x7d3: {  	[sflag:s8] =	ssyncadd.s32 $0xFFFF8000  }
0x7d4: {  	[hbm4b:s21+s2] =	stream.linear.scatter [tilespmem:s12], [sflag:$0x3], $0x8000, $0x38;
	[tilespmem:$0x1E800] =	vst v63  }
0x7d5: {  	_ =	swait.ge [sflag:s7], $0x8000  }
0x7d6: {  	[sflag:s7] =	ssyncset.done $0x0  }
0x7d7: {  	s23 =	simm.s32 $0x4E00;
	[sflag:s7] =	ssyncadd.s32 $0xFFFF8000  }
0x7d8: {  	[tilespmem:s10], [sflag:$0x2] =	stream.indirect.gather [hbm4b:s3+s4], $0x40, s23, s4, $0xb8;
	[tilespmem:$0x1E800] =	vst v63  }
0x7d9: {  	_ =	swait.ge [sflag:s8], $0x8000  }
0x7da: {  	s24 =	sld [smem:$0x7FA]  }
0x7db: {  	[sflag:s8] =	ssyncset.done $0x0  }
0x7dc: {  	[sflag:s8] =	ssyncadd.s32 $0xFFFF8000  }
0x7dd: {  	[hbm4b:s24+s2] =	stream.linear.scatter [tilespmem:s10], [sflag:$0x4], $0x8000, $0x38;
	[tilespmem:$0x1E800] =	vst v63  }
0x7de: {  	_ =	swait.ge [sflag:s5], $0x8000  }
0x7df: {  	[sflag:s5] =	ssyncset.done $0x0  }
0x7e0: {  	s25 =	simm.s32 $0x5000;
	[sflag:s5] =	ssyncadd.s32 $0xFFFF8000  }
0x7e1: {  	[tilespmem:s14], [sflag:$0x2] =	stream.indirect.gather [hbm4b:s3+s4], $0x40, s25, s4, $0xb8;
	[tilespmem:$0x1E800] =	vst v63  }
0x7e2: {  	_ =	swait.ge [sflag:s8], $0x8000  }
0x7e3: {  	s26 =	sld [smem:$0x7FB]  }
0x7e4: {  	[sflag:s8] =	ssyncset.done $0x0  }
0x7e5: {  	[sflag:s8] =	ssyncadd.s32 $0xFFFF8000  }
0x7e6: {  	[hbm4b:s26+s2] =	stream.linear.scatter [tilespmem:s14], [sflag:$0x5], $0x8000, $0x38;
	[tilespmem:$0x1E800] =	vst v63  }
0x7e7: {  	_ =	swait.ge [sflag:s9], $0x8000  }
0x7e8: {  	[sflag:s9] =	ssyncset.done $0x0  }
0x7e9: {  	s28 =	simm.s32 $0x5200;
	[sflag:s9] =	ssyncadd.s32 $0xFFFF8000  }
0x7ea: {  	[tilespmem:s12], [sflag:$0x2] =	stream.indirect.gather [hbm4b:s3+s4], $0x40, s28, s4, $0xb8;
	[tilespmem:$0x1E800] =	vst v63  }
0x7eb: {  	_ =	swait.ge [sflag:s8], $0x8000  }
0x7ec: {  	s29 =	sld [smem:$0x7FC]  }
0x7ed: {  	[sflag:s8] =	ssyncset.done $0x0  }
0x7ee: {  	[sflag:s8] =	ssyncadd.s32 $0xFFFF8000  }
0x7ef: {  	[hbm4b:s29+s2] =	stream.linear.scatter [tilespmem:s12], [sflag:$0x3], $0x8000, $0x38;
	[tilespmem:$0x1E800] =	vst v63  }
0x7f0: {  	_ =	swait.ge [sflag:s7], $0x8000  }
0x7f1: {  	[sflag:s7] =	ssyncset.done $0x0  }
0x7f2: {  	[sflag:s7] =	ssyncadd.s32 $0xFFFF8000  }
0x7f3: {  	[tilespmem:s10], [sflag:$0x2] =	stream.indirect.gather [hbm4b:s3+s4], $0x40, s22, s4, $0xb8;
	[tilespmem:$0x1E800] =	vst v63  }
0x7f4: {  	_ =	swait.ge [sflag:s8], $0x8000  }
0x7f5: {  	s30 =	sld [smem:$0x7FD]  }
0x7f6: {  	[sflag:s8] =	ssyncset.done $0x0  }
0x7f7: {  	[sflag:s8] =	ssyncadd.s32 $0xFFFF8000  }
0x7f8: {  	[hbm4b:s30+s2] =	stream.linear.scatter [tilespmem:s10], [sflag:$0x4], $0x8000, $0x38;
	[tilespmem:$0x1E800] =	vst v63  }
0x7f9: {  	_ =	swait.ge [sflag:s9], $0x8000  }
0x7fa: {  	[sflag:s9] =	ssyncset.done $0x0  }
0x7fb: {  	[sflag:s9] =	ssyncadd.s32 $0xFFFF8000  }
0x7fc: {  	_ =	swait.ge [sflag:s7], $0x8000  }
0x7fd: {  	[sflag:s7] =	ssyncset.done $0x0  }
0x7fe: {  	[sflag:s7] =	ssyncadd.s32 $0xFFFF8000  }
0x7ff: {  	_ =	swait.ge [sflag:s5], $0x8000  }
0x800: {  	[sflag:s5] =	ssyncset.done $0x0  }
0x801: {  	[sflag:s5] =	ssyncadd.s32 $0xFFFF8000  }
0x802: {  	_ =	sfence.sel $0x180000  }
0x803: {  	[bflag:$0x0] =	sbarrier.arrive $0xFFFF  }
0x804: {  	_ =	strace $0x90000047  }
0x805: {  	s31 =	stileid.u32;
	[bflag:$0x2] =	sbarrier.arrive $0xFFFF  }
0x806: {  	p0 =	sne.s32 s31, $0x0;
	s0 =	rddreg [dreg:$0x4]  }
0x807: {  	s0 =	sadd.s32 @!p0 $0x100000, s0  }
0x808: {  	[sflag:s0] =	ssyncadd.tile.s32 @!p0 $0x1;
	_ =	shalt  }
.LBB2_6:
.Ltmp3:
0x809: {  	(pc) =	sbr.rel .LBB2_5-.Ltmp3, $3  }
0x80a: {  	_ =	sdelay $0x1  }
0x80b: {  	s11 =	sld [smem:$0x7AE]  }
0x80c: {  	s17 =	simm.s32 $0x5600;
	s16 =	sld [smem:$0x7AF];
	s6 =	simm.s32 $0x1D800  }
.Lfunc_end2:
_tile_overlayer_lowered:
.L_overlay_start_2:
0x80d: {  	(tag) =	ssettag $0x2  }
0x80e: {  	s0 =	rddreg [dreg:$0x0];
	s2 =	stileid.u32  }
0x80f: {  	s1 =	rddreg [dreg:$0x1];
	p0 =	sne.s32 s2, $0x0  }
0x810: {  	s3 =	rddreg [dreg:$0x2];
	[bflag:$0x3] =	sbarrier.arrive $0xFFFF;
	s2 =	simm.s32 @!p0 $0x1C06  }
0x811: {  	[timem:s3], [sflag:s2] =	dma.local @!p0 [hbm:s0], s1  }
0x812: {  	s0 =	simm.s32 @!p0 $0x6  }
0x813: {  	_ =	swait.ge @!p0 [sflag:s0], s1  }
0x814: {  	s1 =	ssub.s32 @!p0 $0x0, s1;
	[sflag:s0] =	ssyncset.done @!p0 $0x0  }
0x815: {  	[sflag:s0] =	ssyncadd.s32 @!p0 s1  }
0x816: {  	[bflag:$0x3] =	sbarrier.arrive $0xFFFF  }
0x817: {  	_ =	shalt  }

</sc_bundles>
